<compile_context>
chip_gen: v7x
topology: tpu7x:2x2x1
jax: 0.10.2.dev20260603
libtpu: 0.0.44.dev20260713+nightly
codegen_flags: <defaults>
</compile_context>

<pallas_src>
import functools

import jax
import jax.numpy as jnp
from jax import lax
from jax.experimental import pallas as pl
from jax.experimental.pallas import tpu as pltpu
from jax.experimental.pallas import tpu_sc as plsc

N_NODES = 10000
N_EDGES = 320000
D = 128

NC = 2
NS = 16
NW = NC * NS
E_PER_W = N_EDGES // NW
CHUNK = 80
N_CHUNKS = E_PER_W // CHUNK
GCH = 25
NGRP = N_CHUNKS // GCH
ROWS_PER_SUB = 624
TAIL_ROWS = N_NODES - ROWS_PER_SUB * NS


def _sc_aggregate(x, src_idx, dst_idx):
    mesh = plsc.VectorSubcoreMesh(core_axis_name="c", subcore_axis_name="s",
                                  num_cores=NC, num_subcores=NS)

    @functools.partial(
        pl.kernel,
        out_type=(
            jax.ShapeDtypeStruct((NC, N_NODES, D), jnp.float32),
            jax.ShapeDtypeStruct((NC, N_NODES, D), jnp.float32),
        ),
        mesh=mesh,
        scratch_types=[
            pltpu.VMEM((GCH, CHUNK), jnp.int32),
            pltpu.VMEM((GCH, CHUNK), jnp.int32),
            pltpu.VMEM((CHUNK, D), jnp.float32),
            pltpu.VMEM((CHUNK, D), jnp.float32),
            pltpu.VMEM((CHUNK, D), jnp.float32),
            pltpu.VMEM_SHARED((N_NODES, D), jnp.float32),
            pltpu.SemaphoreType.DMA,
            pltpu.SemaphoreType.DMA,
        ],
    )
    def k(x_hbm, src_hbm, dst_hbm, sum_hbm, cnt_hbm,
          src_v, dst_v, rows_v, ga_v, gb_v, sh_acc, sem_a, sem_b):
        cid = lax.axis_index("c")
        sid = lax.axis_index("s")
        w = cid * NS + sid
        base = sid * ROWS_PER_SUB
        zero16 = jnp.zeros((16,), jnp.float32)
        one16 = jnp.ones((16,), jnp.float32)
        n_full = ROWS_PER_SUB // CHUNK
        rem = ROWS_PER_SUB - n_full * CHUNK

        def fill_rows(val16):
            @pl.loop(0, CHUNK)
            def _(r):
                @pl.loop(0, D // 16)
                def _(c):
                    rows_v[r, pl.ds(c * 16, 16)] = val16

        def zero_acc():
            for j in range(n_full):
                pltpu.sync_copy(rows_v,
                                sh_acc.at[pl.ds(base + j * CHUNK, CHUNK)])
            pltpu.sync_copy(rows_v.at[pl.ds(0, rem)],
                            sh_acc.at[pl.ds(base + n_full * CHUNK, rem)])

            @pl.when(sid == NS - 1)
            def _():
                tb = NS * ROWS_PER_SUB
                pltpu.sync_copy(rows_v.at[pl.ds(0, TAIL_ROWS)],
                                sh_acc.at[pl.ds(tb, TAIL_ROWS)])

        def copy_out(out_hbm):
            pltpu.sync_copy(sh_acc.at[pl.ds(base, ROWS_PER_SUB)],
                            out_hbm.at[cid].at[pl.ds(base, ROWS_PER_SUB)])

            @pl.when(sid == NS - 1)
            def _():
                tb = NS * ROWS_PER_SUB
                pltpu.sync_copy(sh_acc.at[pl.ds(tb, TAIL_ROWS)],
                                out_hbm.at[cid].at[pl.ds(tb, TAIL_ROWS)])

        fill_rows(zero16)
        zero_acc()
        fill_rows(one16)
        plsc.subcore_barrier()

        @pl.loop(0, NGRP)
        def _(g):
            pltpu.sync_copy(dst_hbm.at[w * NGRP + g], dst_v)
            cps = [pltpu.async_copy(rows_v, sh_acc.at[dst_v.at[p]],
                                    sem_a, add=True)
                   for p in range(GCH)]
            for cp in cps:
                cp.wait()

        plsc.subcore_barrier()
        copy_out(cnt_hbm)
        plsc.subcore_barrier()

        fill_rows(zero16)
        zero_acc()
        plsc.subcore_barrier()

        bufs = (ga_v, gb_v)
        sems = (sem_a, sem_b)

        @pl.loop(0, NGRP)
        def _(g):
            pltpu.sync_copy(src_hbm.at[w * NGRP + g], src_v)
            pltpu.sync_copy(dst_hbm.at[w * NGRP + g], dst_v)
            pend = pltpu.async_copy(x_hbm.at[src_v.at[0]], ga_v, sem_a)
            for p in range(GCH):
                if p + 1 < GCH:
                    nxt = pltpu.async_copy(x_hbm.at[src_v.at[p + 1]],
                                           bufs[(p + 1) % 2],
                                           sems[(p + 1) % 2])
                pend.wait()
                pltpu.sync_copy(bufs[p % 2], sh_acc.at[dst_v.at[p]],
                                add=True)
                if p + 1 < GCH:
                    pend = nxt

        plsc.subcore_barrier()
        copy_out(sum_hbm)

    return k(x, src_idx, dst_idx)


def _tc_finish_body(sum_ref, cnt_ref, x_ref, wl_ref, bl_ref, wr_ref,
                    g_ref, b_ref, o_ref):
    s = sum_ref[0] + sum_ref[1]
    n = cnt_ref[0, :, 0:1] + cnt_ref[1, :, 0:1]
    mean = s / jnp.maximum(n, 1.0)
    out = (jnp.dot(mean, wl_ref[...], preferred_element_type=jnp.float32)
           + jnp.dot(x_ref[...], wr_ref[...], preferred_element_type=jnp.float32)
           + bl_ref[...])
    mu = jnp.mean(out, axis=-1, keepdims=True)
    var = jnp.mean((out - mu) ** 2, axis=-1, keepdims=True)
    out = (out - mu) * lax.rsqrt(var + 1e-5)
    out = out * g_ref[...] + b_ref[...]
    o_ref[...] = jnp.maximum(out, 0.0)


def _tc_finish(sums, cnts, x, W_l, b_l, W_r, ln_gamma, ln_beta):
    R = 1000
    grid = (N_NODES // R,)
    full = lambda i: (0, 0)
    return pl.pallas_call(
        _tc_finish_body,
        grid=grid,
        in_specs=[
            pl.BlockSpec((NC, R, D), lambda i: (0, i, 0)),
            pl.BlockSpec((NC, R, D), lambda i: (0, i, 0)),
            pl.BlockSpec((R, D), lambda i: (i, 0)),
            pl.BlockSpec((D, D), full),
            pl.BlockSpec((1, D), full),
            pl.BlockSpec((D, D), full),
            pl.BlockSpec((1, D), full),
            pl.BlockSpec((1, D), full),
        ],
        out_specs=pl.BlockSpec((R, D), lambda i: (i, 0)),
        out_shape=jax.ShapeDtypeStruct((N_NODES, D), jnp.float32),
    )(sums, cnts, x, W_l, b_l.reshape(1, D), W_r,
      ln_gamma.reshape(1, D), ln_beta.reshape(1, D))


def kernel(x, edge_index, W_l, b_l, W_r, ln_gamma, ln_beta):
    ei = edge_index.astype(jnp.int32)
    src = ei[0].reshape(NW * NGRP, GCH, CHUNK)
    dst = ei[1].reshape(NW * NGRP, GCH, CHUNK)
    sums, cnts = _sc_aggregate(x, src, dst)
    return _tc_finish(sums, cnts, x, W_l, b_l, W_r, ln_gamma, ln_beta)

# --- scband reference (transcript-rebuilt; emitter-appended) ---
"""Pipeline reference for scband-graph-sagelayer-67233418051656 (READ-ONLY COPY).

The authoritative reference and input builder live on the scoring server;
editing this copy changes nothing except your own understanding.
"""

import jax, jax.numpy as jnp
import numpy as np

N_NODES = 10000
N_EDGES = 320000
D_IN = 128
D_OUT = 128

def setup_inputs(seed: int = 0) -> dict:
    key = jax.random.key(seed)
    k1, k2, k3, k4, k5 = jax.random.split(key, 5)
    x = jax.random.normal(k1, (N_NODES, D_IN), dtype=jnp.float32)
    edge_index = jax.random.randint(k2, (2, N_EDGES), 0, N_NODES, dtype=jnp.int64)
    # SAGEConv params: lin_l applied to aggregated neighbors (with bias), lin_r applied to root
    scale = 1.0 / np.sqrt(D_IN)
    W_l = jax.random.uniform(k3, (D_IN, D_OUT), dtype=jnp.float32, minval=-scale, maxval=scale)
    b_l = jnp.zeros((D_OUT,), dtype=jnp.float32)
    W_r = jax.random.uniform(k4, (D_IN, D_OUT), dtype=jnp.float32, minval=-scale, maxval=scale)
    ln_gamma = jnp.ones((D_OUT,), dtype=jnp.float32)
    ln_beta = jnp.zeros((D_OUT,), dtype=jnp.float32)
    return {"x": x, "edge_index": edge_index, "W_l": W_l, "b_l": b_l, "W_r": W_r, "ln_gamma": ln_gamma, "ln_beta": ln_beta}

def reference(x, edge_index, W_l, b_l, W_r, ln_gamma, ln_beta):
    n = x.shape[0]
    src = edge_index[0]
    dst = edge_index[1]
    # message: gather source features, mean-aggregate at destination
    msgs = jnp.take(x, src, axis=0)
    summed = jax.ops.segment_sum(msgs, dst, num_segments=n)
    counts = jax.ops.segment_sum(jnp.ones((src.shape[0],), dtype=x.dtype), dst, num_segments=n)
    mean_agg = summed / jnp.maximum(counts, 1.0)[:, None]
    # SAGEConv: lin_l(agg) + lin_r(x)
    out = mean_agg @ W_l + b_l + x @ W_r
    # LayerNorm over last dim
    mu = jnp.mean(out, axis=-1, keepdims=True)
    var = jnp.var(out, axis=-1, keepdims=True)
    out = (out - mu) / jnp.sqrt(var + 1e-5)
    out = out * ln_gamma + ln_beta
    # ReLU; dropout(p=0.0) is identity (eval mode)
    out = jax.nn.relu(out)
    return out

if __name__ == "__main__":
    import jax
    _d = setup_inputs()
    print(jax.jit(kernel)(*tuple(_d.values())))

</pallas_src>

<mosaic_0001>
#map = affine_map<(d0, d1) -> (0, 0)>
#map1 = affine_map<(d0, d1) -> (0, 0, 0)>
module attributes {stable_mosaic.version = 14 : i64} {
  func.func @k(%arg0: i32, %arg1: i32, %arg2: memref<10000x128xf32, #tpu.memory_space<hbm>>, %arg3: memref<160x25x80xi32, #tpu.memory_space<hbm>>, %arg4: memref<160x25x80xi32, #tpu.memory_space<hbm>>, %arg5: memref<2x10000x128xf32, #tpu.memory_space<hbm>>, %arg6: memref<2x10000x128xf32, #tpu.memory_space<hbm>>, %arg7: memref<25x80xi32, #tpu.memory_space<vmem>>, %arg8: memref<25x80xi32, #tpu.memory_space<vmem>>, %arg9: memref<80x128xf32, #tpu.memory_space<vmem>>, %arg10: memref<80x128xf32, #tpu.memory_space<vmem>>, %arg11: memref<80x128xf32, #tpu.memory_space<vmem>>, %arg12: memref<10000x128xf32, #tpu.memory_space<vmem_shared>>, %arg13: memref<!tpu.dma_semaphore, #tpu.memory_space<semaphore_mem>>, %arg14: memref<!tpu.dma_semaphore, #tpu.memory_space<semaphore_mem>>) attributes {dimension_semantics = [#tpu.dimension_semantics<core_parallel>, #tpu.dimension_semantics<subcore_parallel>], iteration_bounds = array<i64: 2, 16>, scalar_prefetch = 0 : i64, scratch_operands = 8 : i64, tpu.core_type = #tpu.core_type<sc_vector_subcore>, window_params = [{transform_indices = #map}, {transform_indices = #map1}, {transform_indices = #map1}, {transform_indices = #map1}, {transform_indices = #map1}]} {
    %mul3A = arith.constant 16 : i32
    %mul3A_0 = arith.muli %arg0, %mul3A : i32
    %add3A = arith.addi %mul3A_0, %arg1 : i32
    %mul3A_1 = arith.constant 624 : i32
    %mul3A_2 = arith.muli %arg1, %mul3A_1 : i32
    %broadcast_in_dim3A = arith.constant 0.000000e+00 : f32
    %broadcast_in_dim3A_3 = vector.broadcast %broadcast_in_dim3A : f32 to vector<16xf32>
    %broadcast_in_dim3A_4 = arith.constant 1.000000e+00 : f32
    %broadcast_in_dim3A_5 = vector.broadcast %broadcast_in_dim3A_4 : f32 to vector<16xf32>
    %scan3A = arith.constant 0 : i32
    %scan3A_6 = arith.constant 80 : i32
    %scan3A_7 = arith.addi %scan3A, %scan3A_6 : i32
    %scan3A_8 = arith.constant 1 : i32
    scf.for %scan3A_83 = %scan3A to %scan3A_7 step %scan3A_8  : i32 {
      %mul3A_84 = arith.constant 1 : i32
      %mul3A_85 = arith.muli %scan3A_83, %mul3A_84 : i32
      %add3A_86 = arith.constant 0 : i32
      %add3A_87 = arith.addi %add3A_86, %mul3A_85 : i32
      %scan3A_88 = arith.constant 0 : i32
      %scan3A_89 = arith.constant 8 : i32
      %scan3A_90 = arith.addi %scan3A_88, %scan3A_89 : i32
      %scan3A_91 = arith.constant 1 : i32
      scf.for %scan3A_93 = %scan3A_88 to %scan3A_90 step %scan3A_91  : i32 {
        %mul3A_94 = arith.constant 1 : i32
        %mul3A_95 = arith.muli %scan3A_93, %mul3A_94 : i32
        %add3A_96 = arith.constant 0 : i32
        %add3A_97 = arith.addi %add3A_96, %mul3A_95 : i32
        %mul3A_98 = arith.constant 16 : i32
        %mul3A_99 = arith.muli %add3A_97, %mul3A_98 : i32
        %swap3A = arith.index_cast %add3A_87 : i32 to index
        %swap3A_100 = arith.index_cast %mul3A_99 : i32 to index
        %swap3A_101 = tpu.vector_load %arg9[%swap3A, %swap3A_100] {strides = array<i32>} : memref<80x128xf32, #tpu.memory_space<vmem>>, vector<1x16xf32>,
        %swap3A_102 = vector.shape_cast %swap3A_101 : vector<1x16xf32> to vector<16xf32>
        %swap3A_103 = vector.shape_cast %broadcast_in_dim3A_3 : vector<16xf32> to vector<1x16xf32>
        tpu.vector_store %arg9[%swap3A, %swap3A_100], %swap3A_103 {strides = array<i32>} : memref<80x128xf32, #tpu.memory_space<vmem>>, vector<1x16xf32>,
      }
      %scan3A_92 = arith.constant 8 : i32
    }
    %scan3A_9 = arith.constant 80 : i32
    %add3A_10 = arith.constant 0 : i32
    %add3A_11 = arith.addi %mul3A_2, %add3A_10 : i32
    "tpu.region"() ({
      %run_scoped3A = tpu.sem_alloc : memref<!tpu.dma_semaphore, #tpu.memory_space<semaphore_mem>>
      %dma_start3A = arith.constant 0 : i32
      %dma_start3A_83 = tpu.memref_slice %arg12[%add3A_11, %dma_start3A] : memref<10000x128xf32, #tpu.memory_space<vmem_shared>> -> memref<80x128xf32, #tpu.memory_space<vmem_shared>>
      %dma_start3A_84 = arith.constant 0 : i32
      %dma_start3A_85 = tpu.memref_slice %arg12[%add3A_11, %dma_start3A_84] : memref<10000x128xf32, #tpu.memory_space<vmem_shared>> -> memref<80x128xf32, #tpu.memory_space<vmem_shared>>
      tpu.enqueue_dma source(%arg9 : memref<80x128xf32, #tpu.memory_space<vmem>>) target(%dma_start3A_85 : memref<80x128xf32, #tpu.memory_space<vmem_shared>>) target_semaphore(%run_scoped3A : memref<!tpu.dma_semaphore, #tpu.memory_space<semaphore_mem>>)
      %dma_wait3A = arith.constant 0 : i32
      %dma_wait3A_86 = tpu.memref_slice %arg12[%add3A_11, %dma_wait3A] : memref<10000x128xf32, #tpu.memory_space<vmem_shared>> -> memref<80x128xf32, #tpu.memory_space<vmem_shared>>
      %dma_wait3A_87 = arith.constant 0 : i32
      %dma_wait3A_88 = tpu.memref_slice %arg12[%add3A_11, %dma_wait3A_87] : memref<10000x128xf32, #tpu.memory_space<vmem_shared>> -> memref<80x128xf32, #tpu.memory_space<vmem_shared>>
      tpu.wait_dma2 semaphore(%run_scoped3A : memref<!tpu.dma_semaphore, #tpu.memory_space<semaphore_mem>>) src(%arg9 : memref<80x128xf32, #tpu.memory_space<vmem>>) dst(%dma_wait3A_88 : memref<80x128xf32, #tpu.memory_space<vmem_shared>>)
      tpu.yield
    }) : () -> ()
    %add3A_12 = arith.constant 80 : i32
    %add3A_13 = arith.addi %mul3A_2, %add3A_12 : i32
    "tpu.region"() ({
      %run_scoped3A = tpu.sem_alloc : memref<!tpu.dma_semaphore, #tpu.memory_space<semaphore_mem>>
      %dma_start3A = arith.constant 0 : i32
      %dma_start3A_83 = tpu.memref_slice %arg12[%add3A_13, %dma_start3A] : memref<10000x128xf32, #tpu.memory_space<vmem_shared>> -> memref<80x128xf32, #tpu.memory_space<vmem_shared>>
      %dma_start3A_84 = arith.constant 0 : i32
      %dma_start3A_85 = tpu.memref_slice %arg12[%add3A_13, %dma_start3A_84] : memref<10000x128xf32, #tpu.memory_space<vmem_shared>> -> memref<80x128xf32, #tpu.memory_space<vmem_shared>>
      tpu.enqueue_dma source(%arg9 : memref<80x128xf32, #tpu.memory_space<vmem>>) target(%dma_start3A_85 : memref<80x128xf32, #tpu.memory_space<vmem_shared>>) target_semaphore(%run_scoped3A : memref<!tpu.dma_semaphore, #tpu.memory_space<semaphore_mem>>)
      %dma_wait3A = arith.constant 0 : i32
      %dma_wait3A_86 = tpu.memref_slice %arg12[%add3A_13, %dma_wait3A] : memref<10000x128xf32, #tpu.memory_space<vmem_shared>> -> memref<80x128xf32, #tpu.memory_space<vmem_shared>>
      %dma_wait3A_87 = arith.constant 0 : i32
      %dma_wait3A_88 = tpu.memref_slice %arg12[%add3A_13, %dma_wait3A_87] : memref<10000x128xf32, #tpu.memory_space<vmem_shared>> -> memref<80x128xf32, #tpu.memory_space<vmem_shared>>
      tpu.wait_dma2 semaphore(%run_scoped3A : memref<!tpu.dma_semaphore, #tpu.memory_space<semaphore_mem>>) src(%arg9 : memref<80x128xf32, #tpu.memory_space<vmem>>) dst(%dma_wait3A_88 : memref<80x128xf32, #tpu.memory_space<vmem_shared>>)
      tpu.yield
    }) : () -> ()
    %add3A_14 = arith.constant 160 : i32
    %add3A_15 = arith.addi %mul3A_2, %add3A_14 : i32
    "tpu.region"() ({
      %run_scoped3A = tpu.sem_alloc : memref<!tpu.dma_semaphore, #tpu.memory_space<semaphore_mem>>
      %dma_start3A = arith.constant 0 : i32
      %dma_start3A_83 = tpu.memref_slice %arg12[%add3A_15, %dma_start3A] : memref<10000x128xf32, #tpu.memory_space<vmem_shared>> -> memref<80x128xf32, #tpu.memory_space<vmem_shared>>
      %dma_start3A_84 = arith.constant 0 : i32
      %dma_start3A_85 = tpu.memref_slice %arg12[%add3A_15, %dma_start3A_84] : memref<10000x128xf32, #tpu.memory_space<vmem_shared>> -> memref<80x128xf32, #tpu.memory_space<vmem_shared>>
      tpu.enqueue_dma source(%arg9 : memref<80x128xf32, #tpu.memory_space<vmem>>) target(%dma_start3A_85 : memref<80x128xf32, #tpu.memory_space<vmem_shared>>) target_semaphore(%run_scoped3A : memref<!tpu.dma_semaphore, #tpu.memory_space<semaphore_mem>>)
      %dma_wait3A = arith.constant 0 : i32
      %dma_wait3A_86 = tpu.memref_slice %arg12[%add3A_15, %dma_wait3A] : memref<10000x128xf32, #tpu.memory_space<vmem_shared>> -> memref<80x128xf32, #tpu.memory_space<vmem_shared>>
      %dma_wait3A_87 = arith.constant 0 : i32
      %dma_wait3A_88 = tpu.memref_slice %arg12[%add3A_15, %dma_wait3A_87] : memref<10000x128xf32, #tpu.memory_space<vmem_shared>> -> memref<80x128xf32, #tpu.memory_space<vmem_shared>>
      tpu.wait_dma2 semaphore(%run_scoped3A : memref<!tpu.dma_semaphore, #tpu.memory_space<semaphore_mem>>) src(%arg9 : memref<80x128xf32, #tpu.memory_space<vmem>>) dst(%dma_wait3A_88 : memref<80x128xf32, #tpu.memory_space<vmem_shared>>)
      tpu.yield
    }) : () -> ()
    %add3A_16 = arith.constant 240 : i32
    %add3A_17 = arith.addi %mul3A_2, %add3A_16 : i32
    "tpu.region"() ({
      %run_scoped3A = tpu.sem_alloc : memref<!tpu.dma_semaphore, #tpu.memory_space<semaphore_mem>>
      %dma_start3A = arith.constant 0 : i32
      %dma_start3A_83 = tpu.memref_slice %arg12[%add3A_17, %dma_start3A] : memref<10000x128xf32, #tpu.memory_space<vmem_shared>> -> memref<80x128xf32, #tpu.memory_space<vmem_shared>>
      %dma_start3A_84 = arith.constant 0 : i32
      %dma_start3A_85 = tpu.memref_slice %arg12[%add3A_17, %dma_start3A_84] : memref<10000x128xf32, #tpu.memory_space<vmem_shared>> -> memref<80x128xf32, #tpu.memory_space<vmem_shared>>
      tpu.enqueue_dma source(%arg9 : memref<80x128xf32, #tpu.memory_space<vmem>>) target(%dma_start3A_85 : memref<80x128xf32, #tpu.memory_space<vmem_shared>>) target_semaphore(%run_scoped3A : memref<!tpu.dma_semaphore, #tpu.memory_space<semaphore_mem>>)
      %dma_wait3A = arith.constant 0 : i32
      %dma_wait3A_86 = tpu.memref_slice %arg12[%add3A_17, %dma_wait3A] : memref<10000x128xf32, #tpu.memory_space<vmem_shared>> -> memref<80x128xf32, #tpu.memory_space<vmem_shared>>
      %dma_wait3A_87 = arith.constant 0 : i32
      %dma_wait3A_88 = tpu.memref_slice %arg12[%add3A_17, %dma_wait3A_87] : memref<10000x128xf32, #tpu.memory_space<vmem_shared>> -> memref<80x128xf32, #tpu.memory_space<vmem_shared>>
      tpu.wait_dma2 semaphore(%run_scoped3A : memref<!tpu.dma_semaphore, #tpu.memory_space<semaphore_mem>>) src(%arg9 : memref<80x128xf32, #tpu.memory_space<vmem>>) dst(%dma_wait3A_88 : memref<80x128xf32, #tpu.memory_space<vmem_shared>>)
      tpu.yield
    }) : () -> ()
    %add3A_18 = arith.constant 320 : i32
    %add3A_19 = arith.addi %mul3A_2, %add3A_18 : i32
    "tpu.region"() ({
      %run_scoped3A = tpu.sem_alloc : memref<!tpu.dma_semaphore, #tpu.memory_space<semaphore_mem>>
      %dma_start3A = arith.constant 0 : i32
      %dma_start3A_83 = tpu.memref_slice %arg12[%add3A_19, %dma_start3A] : memref<10000x128xf32, #tpu.memory_space<vmem_shared>> -> memref<80x128xf32, #tpu.memory_space<vmem_shared>>
      %dma_start3A_84 = arith.constant 0 : i32
      %dma_start3A_85 = tpu.memref_slice %arg12[%add3A_19, %dma_start3A_84] : memref<10000x128xf32, #tpu.memory_space<vmem_shared>> -> memref<80x128xf32, #tpu.memory_space<vmem_shared>>
      tpu.enqueue_dma source(%arg9 : memref<80x128xf32, #tpu.memory_space<vmem>>) target(%dma_start3A_85 : memref<80x128xf32, #tpu.memory_space<vmem_shared>>) target_semaphore(%run_scoped3A : memref<!tpu.dma_semaphore, #tpu.memory_space<semaphore_mem>>)
      %dma_wait3A = arith.constant 0 : i32
      %dma_wait3A_86 = tpu.memref_slice %arg12[%add3A_19, %dma_wait3A] : memref<10000x128xf32, #tpu.memory_space<vmem_shared>> -> memref<80x128xf32, #tpu.memory_space<vmem_shared>>
      %dma_wait3A_87 = arith.constant 0 : i32
      %dma_wait3A_88 = tpu.memref_slice %arg12[%add3A_19, %dma_wait3A_87] : memref<10000x128xf32, #tpu.memory_space<vmem_shared>> -> memref<80x128xf32, #tpu.memory_space<vmem_shared>>
      tpu.wait_dma2 semaphore(%run_scoped3A : memref<!tpu.dma_semaphore, #tpu.memory_space<semaphore_mem>>) src(%arg9 : memref<80x128xf32, #tpu.memory_space<vmem>>) dst(%dma_wait3A_88 : memref<80x128xf32, #tpu.memory_space<vmem_shared>>)
      tpu.yield
    }) : () -> ()
    %add3A_20 = arith.constant 400 : i32
    %add3A_21 = arith.addi %mul3A_2, %add3A_20 : i32
    "tpu.region"() ({
      %run_scoped3A = tpu.sem_alloc : memref<!tpu.dma_semaphore, #tpu.memory_space<semaphore_mem>>
      %dma_start3A = arith.constant 0 : i32
      %dma_start3A_83 = tpu.memref_slice %arg12[%add3A_21, %dma_start3A] : memref<10000x128xf32, #tpu.memory_space<vmem_shared>> -> memref<80x128xf32, #tpu.memory_space<vmem_shared>>
      %dma_start3A_84 = arith.constant 0 : i32
      %dma_start3A_85 = tpu.memref_slice %arg12[%add3A_21, %dma_start3A_84] : memref<10000x128xf32, #tpu.memory_space<vmem_shared>> -> memref<80x128xf32, #tpu.memory_space<vmem_shared>>
      tpu.enqueue_dma source(%arg9 : memref<80x128xf32, #tpu.memory_space<vmem>>) target(%dma_start3A_85 : memref<80x128xf32, #tpu.memory_space<vmem_shared>>) target_semaphore(%run_scoped3A : memref<!tpu.dma_semaphore, #tpu.memory_space<semaphore_mem>>)
      %dma_wait3A = arith.constant 0 : i32
      %dma_wait3A_86 = tpu.memref_slice %arg12[%add3A_21, %dma_wait3A] : memref<10000x128xf32, #tpu.memory_space<vmem_shared>> -> memref<80x128xf32, #tpu.memory_space<vmem_shared>>
      %dma_wait3A_87 = arith.constant 0 : i32
      %dma_wait3A_88 = tpu.memref_slice %arg12[%add3A_21, %dma_wait3A_87] : memref<10000x128xf32, #tpu.memory_space<vmem_shared>> -> memref<80x128xf32, #tpu.memory_space<vmem_shared>>
      tpu.wait_dma2 semaphore(%run_scoped3A : memref<!tpu.dma_semaphore, #tpu.memory_space<semaphore_mem>>) src(%arg9 : memref<80x128xf32, #tpu.memory_space<vmem>>) dst(%dma_wait3A_88 : memref<80x128xf32, #tpu.memory_space<vmem_shared>>)
      tpu.yield
    }) : () -> ()
    %add3A_22 = arith.constant 480 : i32
    %add3A_23 = arith.addi %mul3A_2, %add3A_22 : i32
    "tpu.region"() ({
      %run_scoped3A = tpu.sem_alloc : memref<!tpu.dma_semaphore, #tpu.memory_space<semaphore_mem>>
      %dma_start3A = arith.constant 0 : i32
      %dma_start3A_83 = tpu.memref_slice %arg12[%add3A_23, %dma_start3A] : memref<10000x128xf32, #tpu.memory_space<vmem_shared>> -> memref<80x128xf32, #tpu.memory_space<vmem_shared>>
      %dma_start3A_84 = arith.constant 0 : i32
      %dma_start3A_85 = tpu.memref_slice %arg12[%add3A_23, %dma_start3A_84] : memref<10000x128xf32, #tpu.memory_space<vmem_shared>> -> memref<80x128xf32, #tpu.memory_space<vmem_shared>>
      tpu.enqueue_dma source(%arg9 : memref<80x128xf32, #tpu.memory_space<vmem>>) target(%dma_start3A_85 : memref<80x128xf32, #tpu.memory_space<vmem_shared>>) target_semaphore(%run_scoped3A : memref<!tpu.dma_semaphore, #tpu.memory_space<semaphore_mem>>)
      %dma_wait3A = arith.constant 0 : i32
      %dma_wait3A_86 = tpu.memref_slice %arg12[%add3A_23, %dma_wait3A] : memref<10000x128xf32, #tpu.memory_space<vmem_shared>> -> memref<80x128xf32, #tpu.memory_space<vmem_shared>>
      %dma_wait3A_87 = arith.constant 0 : i32
      %dma_wait3A_88 = tpu.memref_slice %arg12[%add3A_23, %dma_wait3A_87] : memref<10000x128xf32, #tpu.memory_space<vmem_shared>> -> memref<80x128xf32, #tpu.memory_space<vmem_shared>>
      tpu.wait_dma2 semaphore(%run_scoped3A : memref<!tpu.dma_semaphore, #tpu.memory_space<semaphore_mem>>) src(%arg9 : memref<80x128xf32, #tpu.memory_space<vmem>>) dst(%dma_wait3A_88 : memref<80x128xf32, #tpu.memory_space<vmem_shared>>)
      tpu.yield
    }) : () -> ()
    %add3A_24 = arith.constant 560 : i32
    %add3A_25 = arith.addi %mul3A_2, %add3A_24 : i32
    "tpu.region"() ({
      %run_scoped3A = tpu.sem_alloc : memref<!tpu.dma_semaphore, #tpu.memory_space<semaphore_mem>>
      %dma_start3A = arith.constant 0 : i32
      %dma_start3A_83 = arith.constant 0 : i32
      %dma_start3A_84 = tpu.memref_slice %arg9[%dma_start3A, %dma_start3A_83] : memref<80x128xf32, #tpu.memory_space<vmem>> -> memref<64x128xf32, #tpu.memory_space<vmem>>
      %dma_start3A_85 = arith.constant 0 : i32
      %dma_start3A_86 = tpu.memref_slice %arg12[%add3A_25, %dma_start3A_85] : memref<10000x128xf32, #tpu.memory_space<vmem_shared>> -> memref<64x128xf32, #tpu.memory_space<vmem_shared>>
      %dma_start3A_87 = arith.constant 0 : i32
      %dma_start3A_88 = tpu.memref_slice %arg12[%add3A_25, %dma_start3A_87] : memref<10000x128xf32, #tpu.memory_space<vmem_shared>> -> memref<64x128xf32, #tpu.memory_space<vmem_shared>>
      %dma_start3A_89 = arith.constant 0 : i32
      %dma_start3A_90 = arith.constant 0 : i32
      %dma_start3A_91 = tpu.memref_slice %arg9[%dma_start3A_89, %dma_start3A_90] : memref<80x128xf32, #tpu.memory_space<vmem>> -> memref<64x128xf32, #tpu.memory_space<vmem>>
      tpu.enqueue_dma source(%dma_start3A_91 : memref<64x128xf32, #tpu.memory_space<vmem>>) target(%dma_start3A_88 : memref<64x128xf32, #tpu.memory_space<vmem_shared>>) target_semaphore(%run_scoped3A : memref<!tpu.dma_semaphore, #tpu.memory_space<semaphore_mem>>)
      %dma_wait3A = arith.constant 0 : i32
      %dma_wait3A_92 = arith.constant 0 : i32
      %dma_wait3A_93 = tpu.memref_slice %arg9[%dma_wait3A, %dma_wait3A_92] : memref<80x128xf32, #tpu.memory_space<vmem>> -> memref<64x128xf32, #tpu.memory_space<vmem>>
      %dma_wait3A_94 = arith.constant 0 : i32
      %dma_wait3A_95 = tpu.memref_slice %arg12[%add3A_25, %dma_wait3A_94] : memref<10000x128xf32, #tpu.memory_space<vmem_shared>> -> memref<64x128xf32, #tpu.memory_space<vmem_shared>>
      %dma_wait3A_96 = arith.constant 0 : i32
      %dma_wait3A_97 = tpu.memref_slice %arg12[%add3A_25, %dma_wait3A_96] : memref<10000x128xf32, #tpu.memory_space<vmem_shared>> -> memref<64x128xf32, #tpu.memory_space<vmem_shared>>
      %dma_wait3A_98 = arith.constant 0 : i32
      %dma_wait3A_99 = arith.constant 0 : i32
      %dma_wait3A_100 = tpu.memref_slice %arg9[%dma_wait3A_98, %dma_wait3A_99] : memref<80x128xf32, #tpu.memory_space<vmem>> -> memref<64x128xf32, #tpu.memory_space<vmem>>
      tpu.wait_dma2 semaphore(%run_scoped3A : memref<!tpu.dma_semaphore, #tpu.memory_space<semaphore_mem>>) src(%dma_wait3A_100 : memref<64x128xf32, #tpu.memory_space<vmem>>) dst(%dma_wait3A_97 : memref<64x128xf32, #tpu.memory_space<vmem_shared>>)
      tpu.yield
    }) : () -> ()
    %eq3A = arith.constant 15 : i32
    %eq3A_26 = arith.cmpi eq, %arg1, %eq3A : i32
    %convert_element_type3A = arith.extui %eq3A_26 : i1 to i32
    %cond3A = arith.constant 0 : i32
    %cond3A_27 = arith.cmpi ne, %convert_element_type3A, %cond3A : i32
    scf.if %cond3A_27 {
      "tpu.region"() ({
        %run_scoped3A = tpu.sem_alloc : memref<!tpu.dma_semaphore, #tpu.memory_space<semaphore_mem>>
        %dma_start3A = arith.constant 0 : i32
        %dma_start3A_83 = arith.constant 0 : i32
        %dma_start3A_84 = tpu.memref_slice %arg9[%dma_start3A, %dma_start3A_83] : memref<80x128xf32, #tpu.memory_space<vmem>> -> memref<16x128xf32, #tpu.memory_space<vmem>>
        %dma_start3A_85 = arith.constant 9984 : i32
        %dma_start3A_86 = arith.constant 0 : i32
        %dma_start3A_87 = tpu.memref_slice %arg12[%dma_start3A_85, %dma_start3A_86] : memref<10000x128xf32, #tpu.memory_space<vmem_shared>> -> memref<16x128xf32, #tpu.memory_space<vmem_shared>>
        %dma_start3A_88 = arith.constant 9984 : i32
        %dma_start3A_89 = arith.constant 0 : i32
        %dma_start3A_90 = tpu.memref_slice %arg12[%dma_start3A_88, %dma_start3A_89] : memref<10000x128xf32, #tpu.memory_space<vmem_shared>> -> memref<16x128xf32, #tpu.memory_space<vmem_shared>>
        %dma_start3A_91 = arith.constant 0 : i32
        %dma_start3A_92 = arith.constant 0 : i32
        %dma_start3A_93 = tpu.memref_slice %arg9[%dma_start3A_91, %dma_start3A_92] : memref<80x128xf32, #tpu.memory_space<vmem>> -> memref<16x128xf32, #tpu.memory_space<vmem>>
        tpu.enqueue_dma source(%dma_start3A_93 : memref<16x128xf32, #tpu.memory_space<vmem>>) target(%dma_start3A_90 : memref<16x128xf32, #tpu.memory_space<vmem_shared>>) target_semaphore(%run_scoped3A : memref<!tpu.dma_semaphore, #tpu.memory_space<semaphore_mem>>)
        %dma_wait3A = arith.constant 0 : i32
        %dma_wait3A_94 = arith.constant 0 : i32
        %dma_wait3A_95 = tpu.memref_slice %arg9[%dma_wait3A, %dma_wait3A_94] : memref<80x128xf32, #tpu.memory_space<vmem>> -> memref<16x128xf32, #tpu.memory_space<vmem>>
        %dma_wait3A_96 = arith.constant 9984 : i32
        %dma_wait3A_97 = arith.constant 0 : i32
        %dma_wait3A_98 = tpu.memref_slice %arg12[%dma_wait3A_96, %dma_wait3A_97] : memref<10000x128xf32, #tpu.memory_space<vmem_shared>> -> memref<16x128xf32, #tpu.memory_space<vmem_shared>>
        %dma_wait3A_99 = arith.constant 9984 : i32
        %dma_wait3A_100 = arith.constant 0 : i32
        %dma_wait3A_101 = tpu.memref_slice %arg12[%dma_wait3A_99, %dma_wait3A_100] : memref<10000x128xf32, #tpu.memory_space<vmem_shared>> -> memref<16x128xf32, #tpu.memory_space<vmem_shared>>
        %dma_wait3A_102 = arith.constant 0 : i32
        %dma_wait3A_103 = arith.constant 0 : i32
        %dma_wait3A_104 = tpu.memref_slice %arg9[%dma_wait3A_102, %dma_wait3A_103] : memref<80x128xf32, #tpu.memory_space<vmem>> -> memref<16x128xf32, #tpu.memory_space<vmem>>
        tpu.wait_dma2 semaphore(%run_scoped3A : memref<!tpu.dma_semaphore, #tpu.memory_space<semaphore_mem>>) src(%dma_wait3A_104 : memref<16x128xf32, #tpu.memory_space<vmem>>) dst(%dma_wait3A_101 : memref<16x128xf32, #tpu.memory_space<vmem_shared>>)
        tpu.yield
      }) : () -> ()
    } else {
    }
    %scan3A_28 = arith.constant 0 : i32
    %scan3A_29 = arith.constant 80 : i32
    %scan3A_30 = arith.addi %scan3A_28, %scan3A_29 : i32
    %scan3A_31 = arith.constant 1 : i32
    scf.for %scan3A_83 = %scan3A_28 to %scan3A_30 step %scan3A_31  : i32 {
      %mul3A_84 = arith.constant 1 : i32
      %mul3A_85 = arith.muli %scan3A_83, %mul3A_84 : i32
      %add3A_86 = arith.constant 0 : i32
      %add3A_87 = arith.addi %add3A_86, %mul3A_85 : i32
      %scan3A_88 = arith.constant 0 : i32
      %scan3A_89 = arith.constant 8 : i32
      %scan3A_90 = arith.addi %scan3A_88, %scan3A_89 : i32
      %scan3A_91 = arith.constant 1 : i32
      scf.for %scan3A_93 = %scan3A_88 to %scan3A_90 step %scan3A_91  : i32 {
        %mul3A_94 = arith.constant 1 : i32
        %mul3A_95 = arith.muli %scan3A_93, %mul3A_94 : i32
        %add3A_96 = arith.constant 0 : i32
        %add3A_97 = arith.addi %add3A_96, %mul3A_95 : i32
        %mul3A_98 = arith.constant 16 : i32
        %mul3A_99 = arith.muli %add3A_97, %mul3A_98 : i32
        %swap3A = arith.index_cast %add3A_87 : i32 to index
        %swap3A_100 = arith.index_cast %mul3A_99 : i32 to index
        %swap3A_101 = tpu.vector_load %arg9[%swap3A, %swap3A_100] {strides = array<i32>} : memref<80x128xf32, #tpu.memory_space<vmem>>, vector<1x16xf32>,
        %swap3A_102 = vector.shape_cast %swap3A_101 : vector<1x16xf32> to vector<16xf32>
        %swap3A_103 = vector.shape_cast %broadcast_in_dim3A_5 : vector<16xf32> to vector<1x16xf32>
        tpu.vector_store %arg9[%swap3A, %swap3A_100], %swap3A_103 {strides = array<i32>} : memref<80x128xf32, #tpu.memory_space<vmem>>, vector<1x16xf32>,
      }
      %scan3A_92 = arith.constant 8 : i32
    }
    %scan3A_32 = arith.constant 80 : i32
    %barrier3A = arith.constant 0 : index
    tpu.barrier barrier_id(%barrier3A)
    %scan3A_33 = arith.constant 0 : i32
    %scan3A_34 = arith.constant 5 : i32
    %scan3A_35 = arith.addi %scan3A_33, %scan3A_34 : i32
    %scan3A_36 = arith.constant 1 : i32
    scf.for %scan3A_83 = %scan3A_33 to %scan3A_35 step %scan3A_36  : i32 {
      %mul3A_84 = arith.constant 1 : i32
      %mul3A_85 = arith.muli %scan3A_83, %mul3A_84 : i32
      %add3A_86 = arith.constant 0 : i32
      %add3A_87 = arith.addi %add3A_86, %mul3A_85 : i32
      %mul3A_88 = arith.constant 5 : i32
      %mul3A_89 = arith.muli %add3A, %mul3A_88 : i32
      %add3A_90 = arith.addi %mul3A_89, %add3A_87 : i32
      "tpu.region"() ({
        %run_scoped3A = tpu.sem_alloc : memref<!tpu.dma_semaphore, #tpu.memory_space<semaphore_mem>>
        %dma_start3A_439 = arith.constant 0 : i32
        %dma_start3A_440 = arith.constant 0 : i32
        %dma_start3A_441 = tpu.memref_slice %arg4[%add3A_90, %dma_start3A_439, %dma_start3A_440] : memref<160x25x80xi32, #tpu.memory_space<hbm>> -> memref<1x25x80xi32, #tpu.memory_space<hbm>>
        %dma_start3A_442 = tpu.memref_squeeze %dma_start3A_441 : memref<1x25x80xi32, #tpu.memory_space<hbm>> -> memref<25x80xi32, #tpu.memory_space<hbm>>
        %dma_start3A_443 = arith.constant 0 : i32
        %dma_start3A_444 = arith.constant 0 : i32
        %dma_start3A_445 = tpu.memref_slice %arg4[%add3A_90, %dma_start3A_443, %dma_start3A_444] : memref<160x25x80xi32, #tpu.memory_space<hbm>> -> memref<1x25x80xi32, #tpu.memory_space<hbm>>
        %dma_start3A_446 = tpu.memref_squeeze %dma_start3A_445 : memref<1x25x80xi32, #tpu.memory_space<hbm>> -> memref<25x80xi32, #tpu.memory_space<hbm>>
        tpu.enqueue_dma source(%dma_start3A_446 : memref<25x80xi32, #tpu.memory_space<hbm>>) target(%arg8 : memref<25x80xi32, #tpu.memory_space<vmem>>) target_semaphore(%run_scoped3A : memref<!tpu.dma_semaphore, #tpu.memory_space<semaphore_mem>>)
        %dma_wait3A_447 = arith.constant 0 : i32
        %dma_wait3A_448 = arith.constant 0 : i32
        %dma_wait3A_449 = tpu.memref_slice %arg4[%add3A_90, %dma_wait3A_447, %dma_wait3A_448] : memref<160x25x80xi32, #tpu.memory_space<hbm>> -> memref<1x25x80xi32, #tpu.memory_space<hbm>>
        %dma_wait3A_450 = tpu.memref_squeeze %dma_wait3A_449 : memref<1x25x80xi32, #tpu.memory_space<hbm>> -> memref<25x80xi32, #tpu.memory_space<hbm>>
        %dma_wait3A_451 = arith.constant 0 : i32
        %dma_wait3A_452 = arith.constant 0 : i32
        %dma_wait3A_453 = tpu.memref_slice %arg4[%add3A_90, %dma_wait3A_451, %dma_wait3A_452] : memref<160x25x80xi32, #tpu.memory_space<hbm>> -> memref<1x25x80xi32, #tpu.memory_space<hbm>>
        %dma_wait3A_454 = tpu.memref_squeeze %dma_wait3A_453 : memref<1x25x80xi32, #tpu.memory_space<hbm>> -> memref<25x80xi32, #tpu.memory_space<hbm>>
        tpu.wait_dma2 semaphore(%run_scoped3A : memref<!tpu.dma_semaphore, #tpu.memory_space<semaphore_mem>>) src(%dma_wait3A_454 : memref<25x80xi32, #tpu.memory_space<hbm>>) dst(%arg8 : memref<25x80xi32, #tpu.memory_space<vmem>>)
        tpu.yield
      }) : () -> ()
      %dma_start3A = arith.constant 0 : i32
      %dma_start3A_91 = arith.constant 0 : i32
      %dma_start3A_92 = tpu.memref_slice %arg8[%dma_start3A, %dma_start3A_91] : memref<25x80xi32, #tpu.memory_space<vmem>> -> memref<1x80xi32, #tpu.memory_space<vmem>>
      %dma_start3A_93 = tpu.memref_squeeze %dma_start3A_92 : memref<1x80xi32, #tpu.memory_space<vmem>> -> memref<80xi32, #tpu.memory_space<vmem>>
      %dma_start3A_94 = arith.constant 0 : i32
      %dma_start3A_95 = arith.constant 0 : i32
      %dma_start3A_96 = tpu.memref_slice %arg12[%dma_start3A_94, %dma_start3A_95] : memref<10000x128xf32, #tpu.memory_space<vmem_shared>> -> memref<10000x128xf32, #tpu.memory_space<vmem_shared>>
      tpu.enqueue_indirect_dma source(%arg9 : memref<80x128xf32, #tpu.memory_space<vmem>>) target(%dma_start3A_96 : memref<10000x128xf32, #tpu.memory_space<vmem_shared>>) offsets(%dma_start3A_93 : memref<80xi32, #tpu.memory_space<vmem>>) semaphore(%arg13 : memref<!tpu.dma_semaphore, #tpu.memory_space<semaphore_mem>>) {add = true}
      %dma_start3A_97 = arith.constant 1 : i32
      %dma_start3A_98 = arith.constant 0 : i32
      %dma_start3A_99 = tpu.memref_slice %arg8[%dma_start3A_97, %dma_start3A_98] : memref<25x80xi32, #tpu.memory_space<vmem>> -> memref<1x80xi32, #tpu.memory_space<vmem>>
      %dma_start3A_100 = tpu.memref_squeeze %dma_start3A_99 : memref<1x80xi32, #tpu.memory_space<vmem>> -> memref<80xi32, #tpu.memory_space<vmem>>
      %dma_start3A_101 = arith.constant 0 : i32
      %dma_start3A_102 = arith.constant 0 : i32
      %dma_start3A_103 = tpu.memref_slice %arg12[%dma_start3A_101, %dma_start3A_102] : memref<10000x128xf32, #tpu.memory_space<vmem_shared>> -> memref<10000x128xf32, #tpu.memory_space<vmem_shared>>
      tpu.enqueue_indirect_dma source(%arg9 : memref<80x128xf32, #tpu.memory_space<vmem>>) target(%dma_start3A_103 : memref<10000x128xf32, #tpu.memory_space<vmem_shared>>) offsets(%dma_start3A_100 : memref<80xi32, #tpu.memory_space<vmem>>) semaphore(%arg13 : memref<!tpu.dma_semaphore, #tpu.memory_space<semaphore_mem>>) {add = true}
      %dma_start3A_104 = arith.constant 2 : i32
      %dma_start3A_105 = arith.constant 0 : i32
      %dma_start3A_106 = tpu.memref_slice %arg8[%dma_start3A_104, %dma_start3A_105] : memref<25x80xi32, #tpu.memory_space<vmem>> -> memref<1x80xi32, #tpu.memory_space<vmem>>
      %dma_start3A_107 = tpu.memref_squeeze %dma_start3A_106 : memref<1x80xi32, #tpu.memory_space<vmem>> -> memref<80xi32, #tpu.memory_space<vmem>>
      %dma_start3A_108 = arith.constant 0 : i32
      %dma_start3A_109 = arith.constant 0 : i32
      %dma_start3A_110 = tpu.memref_slice %arg12[%dma_start3A_108, %dma_start3A_109] : memref<10000x128xf32, #tpu.memory_space<vmem_shared>> -> memref<10000x128xf32, #tpu.memory_space<vmem_shared>>
      tpu.enqueue_indirect_dma source(%arg9 : memref<80x128xf32, #tpu.memory_space<vmem>>) target(%dma_start3A_110 : memref<10000x128xf32, #tpu.memory_space<vmem_shared>>) offsets(%dma_start3A_107 : memref<80xi32, #tpu.memory_space<vmem>>) semaphore(%arg13 : memref<!tpu.dma_semaphore, #tpu.memory_space<semaphore_mem>>) {add = true}
      %dma_start3A_111 = arith.constant 3 : i32
      %dma_start3A_112 = arith.constant 0 : i32
      %dma_start3A_113 = tpu.memref_slice %arg8[%dma_start3A_111, %dma_start3A_112] : memref<25x80xi32, #tpu.memory_space<vmem>> -> memref<1x80xi32, #tpu.memory_space<vmem>>
      %dma_start3A_114 = tpu.memref_squeeze %dma_start3A_113 : memref<1x80xi32, #tpu.memory_space<vmem>> -> memref<80xi32, #tpu.memory_space<vmem>>
      %dma_start3A_115 = arith.constant 0 : i32
      %dma_start3A_116 = arith.constant 0 : i32
      %dma_start3A_117 = tpu.memref_slice %arg12[%dma_start3A_115, %dma_start3A_116] : memref<10000x128xf32, #tpu.memory_space<vmem_shared>> -> memref<10000x128xf32, #tpu.memory_space<vmem_shared>>
      tpu.enqueue_indirect_dma source(%arg9 : memref<80x128xf32, #tpu.memory_space<vmem>>) target(%dma_start3A_117 : memref<10000x128xf32, #tpu.memory_space<vmem_shared>>) offsets(%dma_start3A_114 : memref<80xi32, #tpu.memory_space<vmem>>) semaphore(%arg13 : memref<!tpu.dma_semaphore, #tpu.memory_space<semaphore_mem>>) {add = true}
      %dma_start3A_118 = arith.constant 4 : i32
      %dma_start3A_119 = arith.constant 0 : i32
      %dma_start3A_120 = tpu.memref_slice %arg8[%dma_start3A_118, %dma_start3A_119] : memref<25x80xi32, #tpu.memory_space<vmem>> -> memref<1x80xi32, #tpu.memory_space<vmem>>
      %dma_start3A_121 = tpu.memref_squeeze %dma_start3A_120 : memref<1x80xi32, #tpu.memory_space<vmem>> -> memref<80xi32, #tpu.memory_space<vmem>>
      %dma_start3A_122 = arith.constant 0 : i32
      %dma_start3A_123 = arith.constant 0 : i32
      %dma_start3A_124 = tpu.memref_slice %arg12[%dma_start3A_122, %dma_start3A_123] : memref<10000x128xf32, #tpu.memory_space<vmem_shared>> -> memref<10000x128xf32, #tpu.memory_space<vmem_shared>>
      tpu.enqueue_indirect_dma source(%arg9 : memref<80x128xf32, #tpu.memory_space<vmem>>) target(%dma_start3A_124 : memref<10000x128xf32, #tpu.memory_space<vmem_shared>>) offsets(%dma_start3A_121 : memref<80xi32, #tpu.memory_space<vmem>>) semaphore(%arg13 : memref<!tpu.dma_semaphore, #tpu.memory_space<semaphore_mem>>) {add = true}
      %dma_start3A_125 = arith.constant 5 : i32
      %dma_start3A_126 = arith.constant 0 : i32
      %dma_start3A_127 = tpu.memref_slice %arg8[%dma_start3A_125, %dma_start3A_126] : memref<25x80xi32, #tpu.memory_space<vmem>> -> memref<1x80xi32, #tpu.memory_space<vmem>>
      %dma_start3A_128 = tpu.memref_squeeze %dma_start3A_127 : memref<1x80xi32, #tpu.memory_space<vmem>> -> memref<80xi32, #tpu.memory_space<vmem>>
      %dma_start3A_129 = arith.constant 0 : i32
      %dma_start3A_130 = arith.constant 0 : i32
      %dma_start3A_131 = tpu.memref_slice %arg12[%dma_start3A_129, %dma_start3A_130] : memref<10000x128xf32, #tpu.memory_space<vmem_shared>> -> memref<10000x128xf32, #tpu.memory_space<vmem_shared>>
      tpu.enqueue_indirect_dma source(%arg9 : memref<80x128xf32, #tpu.memory_space<vmem>>) target(%dma_start3A_131 : memref<10000x128xf32, #tpu.memory_space<vmem_shared>>) offsets(%dma_start3A_128 : memref<80xi32, #tpu.memory_space<vmem>>) semaphore(%arg13 : memref<!tpu.dma_semaphore, #tpu.memory_space<semaphore_mem>>) {add = true}
      %dma_start3A_132 = arith.constant 6 : i32
      %dma_start3A_133 = arith.constant 0 : i32
      %dma_start3A_134 = tpu.memref_slice %arg8[%dma_start3A_132, %dma_start3A_133] : memref<25x80xi32, #tpu.memory_space<vmem>> -> memref<1x80xi32, #tpu.memory_space<vmem>>
      %dma_start3A_135 = tpu.memref_squeeze %dma_start3A_134 : memref<1x80xi32, #tpu.memory_space<vmem>> -> memref<80xi32, #tpu.memory_space<vmem>>
      %dma_start3A_136 = arith.constant 0 : i32
      %dma_start3A_137 = arith.constant 0 : i32
      %dma_start3A_138 = tpu.memref_slice %arg12[%dma_start3A_136, %dma_start3A_137] : memref<10000x128xf32, #tpu.memory_space<vmem_shared>> -> memref<10000x128xf32, #tpu.memory_space<vmem_shared>>
      tpu.enqueue_indirect_dma source(%arg9 : memref<80x128xf32, #tpu.memory_space<vmem>>) target(%dma_start3A_138 : memref<10000x128xf32, #tpu.memory_space<vmem_shared>>) offsets(%dma_start3A_135 : memref<80xi32, #tpu.memory_space<vmem>>) semaphore(%arg13 : memref<!tpu.dma_semaphore, #tpu.memory_space<semaphore_mem>>) {add = true}
      %dma_start3A_139 = arith.constant 7 : i32
      %dma_start3A_140 = arith.constant 0 : i32
      %dma_start3A_141 = tpu.memref_slice %arg8[%dma_start3A_139, %dma_start3A_140] : memref<25x80xi32, #tpu.memory_space<vmem>> -> memref<1x80xi32, #tpu.memory_space<vmem>>
      %dma_start3A_142 = tpu.memref_squeeze %dma_start3A_141 : memref<1x80xi32, #tpu.memory_space<vmem>> -> memref<80xi32, #tpu.memory_space<vmem>>
      %dma_start3A_143 = arith.constant 0 : i32
      %dma_start3A_144 = arith.constant 0 : i32
      %dma_start3A_145 = tpu.memref_slice %arg12[%dma_start3A_143, %dma_start3A_144] : memref<10000x128xf32, #tpu.memory_space<vmem_shared>> -> memref<10000x128xf32, #tpu.memory_space<vmem_shared>>
      tpu.enqueue_indirect_dma source(%arg9 : memref<80x128xf32, #tpu.memory_space<vmem>>) target(%dma_start3A_145 : memref<10000x128xf32, #tpu.memory_space<vmem_shared>>) offsets(%dma_start3A_142 : memref<80xi32, #tpu.memory_space<vmem>>) semaphore(%arg13 : memref<!tpu.dma_semaphore, #tpu.memory_space<semaphore_mem>>) {add = true}
      %dma_start3A_146 = arith.constant 8 : i32
      %dma_start3A_147 = arith.constant 0 : i32
      %dma_start3A_148 = tpu.memref_slice %arg8[%dma_start3A_146, %dma_start3A_147] : memref<25x80xi32, #tpu.memory_space<vmem>> -> memref<1x80xi32, #tpu.memory_space<vmem>>
      %dma_start3A_149 = tpu.memref_squeeze %dma_start3A_148 : memref<1x80xi32, #tpu.memory_space<vmem>> -> memref<80xi32, #tpu.memory_space<vmem>>
      %dma_start3A_150 = arith.constant 0 : i32
      %dma_start3A_151 = arith.constant 0 : i32
      %dma_start3A_152 = tpu.memref_slice %arg12[%dma_start3A_150, %dma_start3A_151] : memref<10000x128xf32, #tpu.memory_space<vmem_shared>> -> memref<10000x128xf32, #tpu.memory_space<vmem_shared>>
      tpu.enqueue_indirect_dma source(%arg9 : memref<80x128xf32, #tpu.memory_space<vmem>>) target(%dma_start3A_152 : memref<10000x128xf32, #tpu.memory_space<vmem_shared>>) offsets(%dma_start3A_149 : memref<80xi32, #tpu.memory_space<vmem>>) semaphore(%arg13 : memref<!tpu.dma_semaphore, #tpu.memory_space<semaphore_mem>>) {add = true}
      %dma_start3A_153 = arith.constant 9 : i32
      %dma_start3A_154 = arith.constant 0 : i32
      %dma_start3A_155 = tpu.memref_slice %arg8[%dma_start3A_153, %dma_start3A_154] : memref<25x80xi32, #tpu.memory_space<vmem>> -> memref<1x80xi32, #tpu.memory_space<vmem>>
      %dma_start3A_156 = tpu.memref_squeeze %dma_start3A_155 : memref<1x80xi32, #tpu.memory_space<vmem>> -> memref<80xi32, #tpu.memory_space<vmem>>
      %dma_start3A_157 = arith.constant 0 : i32
      %dma_start3A_158 = arith.constant 0 : i32
      %dma_start3A_159 = tpu.memref_slice %arg12[%dma_start3A_157, %dma_start3A_158] : memref<10000x128xf32, #tpu.memory_space<vmem_shared>> -> memref<10000x128xf32, #tpu.memory_space<vmem_shared>>
      tpu.enqueue_indirect_dma source(%arg9 : memref<80x128xf32, #tpu.memory_space<vmem>>) target(%dma_start3A_159 : memref<10000x128xf32, #tpu.memory_space<vmem_shared>>) offsets(%dma_start3A_156 : memref<80xi32, #tpu.memory_space<vmem>>) semaphore(%arg13 : memref<!tpu.dma_semaphore, #tpu.memory_space<semaphore_mem>>) {add = true}
      %dma_start3A_160 = arith.constant 10 : i32
      %dma_start3A_161 = arith.constant 0 : i32
      %dma_start3A_162 = tpu.memref_slice %arg8[%dma_start3A_160, %dma_start3A_161] : memref<25x80xi32, #tpu.memory_space<vmem>> -> memref<1x80xi32, #tpu.memory_space<vmem>>
      %dma_start3A_163 = tpu.memref_squeeze %dma_start3A_162 : memref<1x80xi32, #tpu.memory_space<vmem>> -> memref<80xi32, #tpu.memory_space<vmem>>
      %dma_start3A_164 = arith.constant 0 : i32
      %dma_start3A_165 = arith.constant 0 : i32
      %dma_start3A_166 = tpu.memref_slice %arg12[%dma_start3A_164, %dma_start3A_165] : memref<10000x128xf32, #tpu.memory_space<vmem_shared>> -> memref<10000x128xf32, #tpu.memory_space<vmem_shared>>
      tpu.enqueue_indirect_dma source(%arg9 : memref<80x128xf32, #tpu.memory_space<vmem>>) target(%dma_start3A_166 : memref<10000x128xf32, #tpu.memory_space<vmem_shared>>) offsets(%dma_start3A_163 : memref<80xi32, #tpu.memory_space<vmem>>) semaphore(%arg13 : memref<!tpu.dma_semaphore, #tpu.memory_space<semaphore_mem>>) {add = true}
      %dma_start3A_167 = arith.constant 11 : i32
      %dma_start3A_168 = arith.constant 0 : i32
      %dma_start3A_169 = tpu.memref_slice %arg8[%dma_start3A_167, %dma_start3A_168] : memref<25x80xi32, #tpu.memory_space<vmem>> -> memref<1x80xi32, #tpu.memory_space<vmem>>
      %dma_start3A_170 = tpu.memref_squeeze %dma_start3A_169 : memref<1x80xi32, #tpu.memory_space<vmem>> -> memref<80xi32, #tpu.memory_space<vmem>>
      %dma_start3A_171 = arith.constant 0 : i32
      %dma_start3A_172 = arith.constant 0 : i32
      %dma_start3A_173 = tpu.memref_slice %arg12[%dma_start3A_171, %dma_start3A_172] : memref<10000x128xf32, #tpu.memory_space<vmem_shared>> -> memref<10000x128xf32, #tpu.memory_space<vmem_shared>>
      tpu.enqueue_indirect_dma source(%arg9 : memref<80x128xf32, #tpu.memory_space<vmem>>) target(%dma_start3A_173 : memref<10000x128xf32, #tpu.memory_space<vmem_shared>>) offsets(%dma_start3A_170 : memref<80xi32, #tpu.memory_space<vmem>>) semaphore(%arg13 : memref<!tpu.dma_semaphore, #tpu.memory_space<semaphore_mem>>) {add = true}
      %dma_start3A_174 = arith.constant 12 : i32
      %dma_start3A_175 = arith.constant 0 : i32
      %dma_start3A_176 = tpu.memref_slice %arg8[%dma_start3A_174, %dma_start3A_175] : memref<25x80xi32, #tpu.memory_space<vmem>> -> memref<1x80xi32, #tpu.memory_space<vmem>>
      %dma_start3A_177 = tpu.memref_squeeze %dma_start3A_176 : memref<1x80xi32, #tpu.memory_space<vmem>> -> memref<80xi32, #tpu.memory_space<vmem>>
      %dma_start3A_178 = arith.constant 0 : i32
      %dma_start3A_179 = arith.constant 0 : i32
      %dma_start3A_180 = tpu.memref_slice %arg12[%dma_start3A_178, %dma_start3A_179] : memref<10000x128xf32, #tpu.memory_space<vmem_shared>> -> memref<10000x128xf32, #tpu.memory_space<vmem_shared>>
      tpu.enqueue_indirect_dma source(%arg9 : memref<80x128xf32, #tpu.memory_space<vmem>>) target(%dma_start3A_180 : memref<10000x128xf32, #tpu.memory_space<vmem_shared>>) offsets(%dma_start3A_177 : memref<80xi32, #tpu.memory_space<vmem>>) semaphore(%arg13 : memref<!tpu.dma_semaphore, #tpu.memory_space<semaphore_mem>>) {add = true}
      %dma_start3A_181 = arith.constant 13 : i32
      %dma_start3A_182 = arith.constant 0 : i32
      %dma_start3A_183 = tpu.memref_slice %arg8[%dma_start3A_181, %dma_start3A_182] : memref<25x80xi32, #tpu.memory_space<vmem>> -> memref<1x80xi32, #tpu.memory_space<vmem>>
      %dma_start3A_184 = tpu.memref_squeeze %dma_start3A_183 : memref<1x80xi32, #tpu.memory_space<vmem>> -> memref<80xi32, #tpu.memory_space<vmem>>
      %dma_start3A_185 = arith.constant 0 : i32
      %dma_start3A_186 = arith.constant 0 : i32
      %dma_start3A_187 = tpu.memref_slice %arg12[%dma_start3A_185, %dma_start3A_186] : memref<10000x128xf32, #tpu.memory_space<vmem_shared>> -> memref<10000x128xf32, #tpu.memory_space<vmem_shared>>
      tpu.enqueue_indirect_dma source(%arg9 : memref<80x128xf32, #tpu.memory_space<vmem>>) target(%dma_start3A_187 : memref<10000x128xf32, #tpu.memory_space<vmem_shared>>) offsets(%dma_start3A_184 : memref<80xi32, #tpu.memory_space<vmem>>) semaphore(%arg13 : memref<!tpu.dma_semaphore, #tpu.memory_space<semaphore_mem>>) {add = true}
      %dma_start3A_188 = arith.constant 14 : i32
      %dma_start3A_189 = arith.constant 0 : i32
      %dma_start3A_190 = tpu.memref_slice %arg8[%dma_start3A_188, %dma_start3A_189] : memref<25x80xi32, #tpu.memory_space<vmem>> -> memref<1x80xi32, #tpu.memory_space<vmem>>
      %dma_start3A_191 = tpu.memref_squeeze %dma_start3A_190 : memref<1x80xi32, #tpu.memory_space<vmem>> -> memref<80xi32, #tpu.memory_space<vmem>>
      %dma_start3A_192 = arith.constant 0 : i32
      %dma_start3A_193 = arith.constant 0 : i32
      %dma_start3A_194 = tpu.memref_slice %arg12[%dma_start3A_192, %dma_start3A_193] : memref<10000x128xf32, #tpu.memory_space<vmem_shared>> -> memref<10000x128xf32, #tpu.memory_space<vmem_shared>>
      tpu.enqueue_indirect_dma source(%arg9 : memref<80x128xf32, #tpu.memory_space<vmem>>) target(%dma_start3A_194 : memref<10000x128xf32, #tpu.memory_space<vmem_shared>>) offsets(%dma_start3A_191 : memref<80xi32, #tpu.memory_space<vmem>>) semaphore(%arg13 : memref<!tpu.dma_semaphore, #tpu.memory_space<semaphore_mem>>) {add = true}
      %dma_start3A_195 = arith.constant 15 : i32
      %dma_start3A_196 = arith.constant 0 : i32
      %dma_start3A_197 = tpu.memref_slice %arg8[%dma_start3A_195, %dma_start3A_196] : memref<25x80xi32, #tpu.memory_space<vmem>> -> memref<1x80xi32, #tpu.memory_space<vmem>>
      %dma_start3A_198 = tpu.memref_squeeze %dma_start3A_197 : memref<1x80xi32, #tpu.memory_space<vmem>> -> memref<80xi32, #tpu.memory_space<vmem>>
      %dma_start3A_199 = arith.constant 0 : i32
      %dma_start3A_200 = arith.constant 0 : i32
      %dma_start3A_201 = tpu.memref_slice %arg12[%dma_start3A_199, %dma_start3A_200] : memref<10000x128xf32, #tpu.memory_space<vmem_shared>> -> memref<10000x128xf32, #tpu.memory_space<vmem_shared>>
      tpu.enqueue_indirect_dma source(%arg9 : memref<80x128xf32, #tpu.memory_space<vmem>>) target(%dma_start3A_201 : memref<10000x128xf32, #tpu.memory_space<vmem_shared>>) offsets(%dma_start3A_198 : memref<80xi32, #tpu.memory_space<vmem>>) semaphore(%arg13 : memref<!tpu.dma_semaphore, #tpu.memory_space<semaphore_mem>>) {add = true}
      %dma_start3A_202 = arith.constant 16 : i32
      %dma_start3A_203 = arith.constant 0 : i32
      %dma_start3A_204 = tpu.memref_slice %arg8[%dma_start3A_202, %dma_start3A_203] : memref<25x80xi32, #tpu.memory_space<vmem>> -> memref<1x80xi32, #tpu.memory_space<vmem>>
      %dma_start3A_205 = tpu.memref_squeeze %dma_start3A_204 : memref<1x80xi32, #tpu.memory_space<vmem>> -> memref<80xi32, #tpu.memory_space<vmem>>
      %dma_start3A_206 = arith.constant 0 : i32
      %dma_start3A_207 = arith.constant 0 : i32
      %dma_start3A_208 = tpu.memref_slice %arg12[%dma_start3A_206, %dma_start3A_207] : memref<10000x128xf32, #tpu.memory_space<vmem_shared>> -> memref<10000x128xf32, #tpu.memory_space<vmem_shared>>
      tpu.enqueue_indirect_dma source(%arg9 : memref<80x128xf32, #tpu.memory_space<vmem>>) target(%dma_start3A_208 : memref<10000x128xf32, #tpu.memory_space<vmem_shared>>) offsets(%dma_start3A_205 : memref<80xi32, #tpu.memory_space<vmem>>) semaphore(%arg13 : memref<!tpu.dma_semaphore, #tpu.memory_space<semaphore_mem>>) {add = true}
      %dma_start3A_209 = arith.constant 17 : i32
      %dma_start3A_210 = arith.constant 0 : i32
      %dma_start3A_211 = tpu.memref_slice %arg8[%dma_start3A_209, %dma_start3A_210] : memref<25x80xi32, #tpu.memory_space<vmem>> -> memref<1x80xi32, #tpu.memory_space<vmem>>
      %dma_start3A_212 = tpu.memref_squeeze %dma_start3A_211 : memref<1x80xi32, #tpu.memory_space<vmem>> -> memref<80xi32, #tpu.memory_space<vmem>>
      %dma_start3A_213 = arith.constant 0 : i32
      %dma_start3A_214 = arith.constant 0 : i32
      %dma_start3A_215 = tpu.memref_slice %arg12[%dma_start3A_213, %dma_start3A_214] : memref<10000x128xf32, #tpu.memory_space<vmem_shared>> -> memref<10000x128xf32, #tpu.memory_space<vmem_shared>>
      tpu.enqueue_indirect_dma source(%arg9 : memref<80x128xf32, #tpu.memory_space<vmem>>) target(%dma_start3A_215 : memref<10000x128xf32, #tpu.memory_space<vmem_shared>>) offsets(%dma_start3A_212 : memref<80xi32, #tpu.memory_space<vmem>>) semaphore(%arg13 : memref<!tpu.dma_semaphore, #tpu.memory_space<semaphore_mem>>) {add = true}
      %dma_start3A_216 = arith.constant 18 : i32
      %dma_start3A_217 = arith.constant 0 : i32
      %dma_start3A_218 = tpu.memref_slice %arg8[%dma_start3A_216, %dma_start3A_217] : memref<25x80xi32, #tpu.memory_space<vmem>> -> memref<1x80xi32, #tpu.memory_space<vmem>>
      %dma_start3A_219 = tpu.memref_squeeze %dma_start3A_218 : memref<1x80xi32, #tpu.memory_space<vmem>> -> memref<80xi32, #tpu.memory_space<vmem>>
      %dma_start3A_220 = arith.constant 0 : i32
      %dma_start3A_221 = arith.constant 0 : i32
      %dma_start3A_222 = tpu.memref_slice %arg12[%dma_start3A_220, %dma_start3A_221] : memref<10000x128xf32, #tpu.memory_space<vmem_shared>> -> memref<10000x128xf32, #tpu.memory_space<vmem_shared>>
      tpu.enqueue_indirect_dma source(%arg9 : memref<80x128xf32, #tpu.memory_space<vmem>>) target(%dma_start3A_222 : memref<10000x128xf32, #tpu.memory_space<vmem_shared>>) offsets(%dma_start3A_219 : memref<80xi32, #tpu.memory_space<vmem>>) semaphore(%arg13 : memref<!tpu.dma_semaphore, #tpu.memory_space<semaphore_mem>>) {add = true}
      %dma_start3A_223 = arith.constant 19 : i32
      %dma_start3A_224 = arith.constant 0 : i32
      %dma_start3A_225 = tpu.memref_slice %arg8[%dma_start3A_223, %dma_start3A_224] : memref<25x80xi32, #tpu.memory_space<vmem>> -> memref<1x80xi32, #tpu.memory_space<vmem>>
      %dma_start3A_226 = tpu.memref_squeeze %dma_start3A_225 : memref<1x80xi32, #tpu.memory_space<vmem>> -> memref<80xi32, #tpu.memory_space<vmem>>
      %dma_start3A_227 = arith.constant 0 : i32
      %dma_start3A_228 = arith.constant 0 : i32
      %dma_start3A_229 = tpu.memref_slice %arg12[%dma_start3A_227, %dma_start3A_228] : memref<10000x128xf32, #tpu.memory_space<vmem_shared>> -> memref<10000x128xf32, #tpu.memory_space<vmem_shared>>
      tpu.enqueue_indirect_dma source(%arg9 : memref<80x128xf32, #tpu.memory_space<vmem>>) target(%dma_start3A_229 : memref<10000x128xf32, #tpu.memory_space<vmem_shared>>) offsets(%dma_start3A_226 : memref<80xi32, #tpu.memory_space<vmem>>) semaphore(%arg13 : memref<!tpu.dma_semaphore, #tpu.memory_space<semaphore_mem>>) {add = true}
      %dma_start3A_230 = arith.constant 20 : i32
      %dma_start3A_231 = arith.constant 0 : i32
      %dma_start3A_232 = tpu.memref_slice %arg8[%dma_start3A_230, %dma_start3A_231] : memref<25x80xi32, #tpu.memory_space<vmem>> -> memref<1x80xi32, #tpu.memory_space<vmem>>
      %dma_start3A_233 = tpu.memref_squeeze %dma_start3A_232 : memref<1x80xi32, #tpu.memory_space<vmem>> -> memref<80xi32, #tpu.memory_space<vmem>>
      %dma_start3A_234 = arith.constant 0 : i32
      %dma_start3A_235 = arith.constant 0 : i32
      %dma_start3A_236 = tpu.memref_slice %arg12[%dma_start3A_234, %dma_start3A_235] : memref<10000x128xf32, #tpu.memory_space<vmem_shared>> -> memref<10000x128xf32, #tpu.memory_space<vmem_shared>>
      tpu.enqueue_indirect_dma source(%arg9 : memref<80x128xf32, #tpu.memory_space<vmem>>) target(%dma_start3A_236 : memref<10000x128xf32, #tpu.memory_space<vmem_shared>>) offsets(%dma_start3A_233 : memref<80xi32, #tpu.memory_space<vmem>>) semaphore(%arg13 : memref<!tpu.dma_semaphore, #tpu.memory_space<semaphore_mem>>) {add = true}
      %dma_start3A_237 = arith.constant 21 : i32
      %dma_start3A_238 = arith.constant 0 : i32
      %dma_start3A_239 = tpu.memref_slice %arg8[%dma_start3A_237, %dma_start3A_238] : memref<25x80xi32, #tpu.memory_space<vmem>> -> memref<1x80xi32, #tpu.memory_space<vmem>>
      %dma_start3A_240 = tpu.memref_squeeze %dma_start3A_239 : memref<1x80xi32, #tpu.memory_space<vmem>> -> memref<80xi32, #tpu.memory_space<vmem>>
      %dma_start3A_241 = arith.constant 0 : i32
      %dma_start3A_242 = arith.constant 0 : i32
      %dma_start3A_243 = tpu.memref_slice %arg12[%dma_start3A_241, %dma_start3A_242] : memref<10000x128xf32, #tpu.memory_space<vmem_shared>> -> memref<10000x128xf32, #tpu.memory_space<vmem_shared>>
      tpu.enqueue_indirect_dma source(%arg9 : memref<80x128xf32, #tpu.memory_space<vmem>>) target(%dma_start3A_243 : memref<10000x128xf32, #tpu.memory_space<vmem_shared>>) offsets(%dma_start3A_240 : memref<80xi32, #tpu.memory_space<vmem>>) semaphore(%arg13 : memref<!tpu.dma_semaphore, #tpu.memory_space<semaphore_mem>>) {add = true}
      %dma_start3A_244 = arith.constant 22 : i32
      %dma_start3A_245 = arith.constant 0 : i32
      %dma_start3A_246 = tpu.memref_slice %arg8[%dma_start3A_244, %dma_start3A_245] : memref<25x80xi32, #tpu.memory_space<vmem>> -> memref<1x80xi32, #tpu.memory_space<vmem>>
      %dma_start3A_247 = tpu.memref_squeeze %dma_start3A_246 : memref<1x80xi32, #tpu.memory_space<vmem>> -> memref<80xi32, #tpu.memory_space<vmem>>
      %dma_start3A_248 = arith.constant 0 : i32
      %dma_start3A_249 = arith.constant 0 : i32
      %dma_start3A_250 = tpu.memref_slice %arg12[%dma_start3A_248, %dma_start3A_249] : memref<10000x128xf32, #tpu.memory_space<vmem_shared>> -> memref<10000x128xf32, #tpu.memory_space<vmem_shared>>
      tpu.enqueue_indirect_dma source(%arg9 : memref<80x128xf32, #tpu.memory_space<vmem>>) target(%dma_start3A_250 : memref<10000x128xf32, #tpu.memory_space<vmem_shared>>) offsets(%dma_start3A_247 : memref<80xi32, #tpu.memory_space<vmem>>) semaphore(%arg13 : memref<!tpu.dma_semaphore, #tpu.memory_space<semaphore_mem>>) {add = true}
      %dma_start3A_251 = arith.constant 23 : i32
      %dma_start3A_252 = arith.constant 0 : i32
      %dma_start3A_253 = tpu.memref_slice %arg8[%dma_start3A_251, %dma_start3A_252] : memref<25x80xi32, #tpu.memory_space<vmem>> -> memref<1x80xi32, #tpu.memory_space<vmem>>
      %dma_start3A_254 = tpu.memref_squeeze %dma_start3A_253 : memref<1x80xi32, #tpu.memory_space<vmem>> -> memref<80xi32, #tpu.memory_space<vmem>>
      %dma_start3A_255 = arith.constant 0 : i32
      %dma_start3A_256 = arith.constant 0 : i32
      %dma_start3A_257 = tpu.memref_slice %arg12[%dma_start3A_255, %dma_start3A_256] : memref<10000x128xf32, #tpu.memory_space<vmem_shared>> -> memref<10000x128xf32, #tpu.memory_space<vmem_shared>>
      tpu.enqueue_indirect_dma source(%arg9 : memref<80x128xf32, #tpu.memory_space<vmem>>) target(%dma_start3A_257 : memref<10000x128xf32, #tpu.memory_space<vmem_shared>>) offsets(%dma_start3A_254 : memref<80xi32, #tpu.memory_space<vmem>>) semaphore(%arg13 : memref<!tpu.dma_semaphore, #tpu.memory_space<semaphore_mem>>) {add = true}
      %dma_start3A_258 = arith.constant 24 : i32
      %dma_start3A_259 = arith.constant 0 : i32
      %dma_start3A_260 = tpu.memref_slice %arg8[%dma_start3A_258, %dma_start3A_259] : memref<25x80xi32, #tpu.memory_space<vmem>> -> memref<1x80xi32, #tpu.memory_space<vmem>>
      %dma_start3A_261 = tpu.memref_squeeze %dma_start3A_260 : memref<1x80xi32, #tpu.memory_space<vmem>> -> memref<80xi32, #tpu.memory_space<vmem>>
      %dma_start3A_262 = arith.constant 0 : i32
      %dma_start3A_263 = arith.constant 0 : i32
      %dma_start3A_264 = tpu.memref_slice %arg12[%dma_start3A_262, %dma_start3A_263] : memref<10000x128xf32, #tpu.memory_space<vmem_shared>> -> memref<10000x128xf32, #tpu.memory_space<vmem_shared>>
      tpu.enqueue_indirect_dma source(%arg9 : memref<80x128xf32, #tpu.memory_space<vmem>>) target(%dma_start3A_264 : memref<10000x128xf32, #tpu.memory_space<vmem_shared>>) offsets(%dma_start3A_261 : memref<80xi32, #tpu.memory_space<vmem>>) semaphore(%arg13 : memref<!tpu.dma_semaphore, #tpu.memory_space<semaphore_mem>>) {add = true}
      %dma_wait3A = arith.constant 0 : i32
      %dma_wait3A_265 = arith.constant 0 : i32
      %dma_wait3A_266 = tpu.memref_slice %arg8[%dma_wait3A, %dma_wait3A_265] : memref<25x80xi32, #tpu.memory_space<vmem>> -> memref<1x80xi32, #tpu.memory_space<vmem>>
      %dma_wait3A_267 = tpu.memref_squeeze %dma_wait3A_266 : memref<1x80xi32, #tpu.memory_space<vmem>> -> memref<80xi32, #tpu.memory_space<vmem>>
      %dma_wait3A_268 = arith.constant 0 : i32
      %dma_wait3A_269 = arith.constant 0 : i32
      %dma_wait3A_270 = tpu.memref_slice %arg12[%dma_wait3A_268, %dma_wait3A_269] : memref<10000x128xf32, #tpu.memory_space<vmem_shared>> -> memref<10000x128xf32, #tpu.memory_space<vmem_shared>>
      tpu.wait_indirect_dma semaphore(%arg13 : memref<!tpu.dma_semaphore, #tpu.memory_space<semaphore_mem>>) src(%arg9 : memref<80x128xf32, #tpu.memory_space<vmem>>) dst(%dma_wait3A_270 : memref<10000x128xf32, #tpu.memory_space<vmem_shared>>)
      %dma_wait3A_271 = arith.constant 1 : i32
      %dma_wait3A_272 = arith.constant 0 : i32
      %dma_wait3A_273 = tpu.memref_slice %arg8[%dma_wait3A_271, %dma_wait3A_272] : memref<25x80xi32, #tpu.memory_space<vmem>> -> memref<1x80xi32, #tpu.memory_space<vmem>>
      %dma_wait3A_274 = tpu.memref_squeeze %dma_wait3A_273 : memref<1x80xi32, #tpu.memory_space<vmem>> -> memref<80xi32, #tpu.memory_space<vmem>>
      %dma_wait3A_275 = arith.constant 0 : i32
      %dma_wait3A_276 = arith.constant 0 : i32
      %dma_wait3A_277 = tpu.memref_slice %arg12[%dma_wait3A_275, %dma_wait3A_276] : memref<10000x128xf32, #tpu.memory_space<vmem_shared>> -> memref<10000x128xf32, #tpu.memory_space<vmem_shared>>
      tpu.wait_indirect_dma semaphore(%arg13 : memref<!tpu.dma_semaphore, #tpu.memory_space<semaphore_mem>>) src(%arg9 : memref<80x128xf32, #tpu.memory_space<vmem>>) dst(%dma_wait3A_277 : memref<10000x128xf32, #tpu.memory_space<vmem_shared>>)
      %dma_wait3A_278 = arith.constant 2 : i32
      %dma_wait3A_279 = arith.constant 0 : i32
      %dma_wait3A_280 = tpu.memref_slice %arg8[%dma_wait3A_278, %dma_wait3A_279] : memref<25x80xi32, #tpu.memory_space<vmem>> -> memref<1x80xi32, #tpu.memory_space<vmem>>
      %dma_wait3A_281 = tpu.memref_squeeze %dma_wait3A_280 : memref<1x80xi32, #tpu.memory_space<vmem>> -> memref<80xi32, #tpu.memory_space<vmem>>
      %dma_wait3A_282 = arith.constant 0 : i32
      %dma_wait3A_283 = arith.constant 0 : i32
      %dma_wait3A_284 = tpu.memref_slice %arg12[%dma_wait3A_282, %dma_wait3A_283] : memref<10000x128xf32, #tpu.memory_space<vmem_shared>> -> memref<10000x128xf32, #tpu.memory_space<vmem_shared>>
      tpu.wait_indirect_dma semaphore(%arg13 : memref<!tpu.dma_semaphore, #tpu.memory_space<semaphore_mem>>) src(%arg9 : memref<80x128xf32, #tpu.memory_space<vmem>>) dst(%dma_wait3A_284 : memref<10000x128xf32, #tpu.memory_space<vmem_shared>>)
      %dma_wait3A_285 = arith.constant 3 : i32
      %dma_wait3A_286 = arith.constant 0 : i32
      %dma_wait3A_287 = tpu.memref_slice %arg8[%dma_wait3A_285, %dma_wait3A_286] : memref<25x80xi32, #tpu.memory_space<vmem>> -> memref<1x80xi32, #tpu.memory_space<vmem>>
      %dma_wait3A_288 = tpu.memref_squeeze %dma_wait3A_287 : memref<1x80xi32, #tpu.memory_space<vmem>> -> memref<80xi32, #tpu.memory_space<vmem>>
      %dma_wait3A_289 = arith.constant 0 : i32
      %dma_wait3A_290 = arith.constant 0 : i32
      %dma_wait3A_291 = tpu.memref_slice %arg12[%dma_wait3A_289, %dma_wait3A_290] : memref<10000x128xf32, #tpu.memory_space<vmem_shared>> -> memref<10000x128xf32, #tpu.memory_space<vmem_shared>>
      tpu.wait_indirect_dma semaphore(%arg13 : memref<!tpu.dma_semaphore, #tpu.memory_space<semaphore_mem>>) src(%arg9 : memref<80x128xf32, #tpu.memory_space<vmem>>) dst(%dma_wait3A_291 : memref<10000x128xf32, #tpu.memory_space<vmem_shared>>)
      %dma_wait3A_292 = arith.constant 4 : i32
      %dma_wait3A_293 = arith.constant 0 : i32
      %dma_wait3A_294 = tpu.memref_slice %arg8[%dma_wait3A_292, %dma_wait3A_293] : memref<25x80xi32, #tpu.memory_space<vmem>> -> memref<1x80xi32, #tpu.memory_space<vmem>>
      %dma_wait3A_295 = tpu.memref_squeeze %dma_wait3A_294 : memref<1x80xi32, #tpu.memory_space<vmem>> -> memref<80xi32, #tpu.memory_space<vmem>>
      %dma_wait3A_296 = arith.constant 0 : i32
      %dma_wait3A_297 = arith.constant 0 : i32
      %dma_wait3A_298 = tpu.memref_slice %arg12[%dma_wait3A_296, %dma_wait3A_297] : memref<10000x128xf32, #tpu.memory_space<vmem_shared>> -> memref<10000x128xf32, #tpu.memory_space<vmem_shared>>
      tpu.wait_indirect_dma semaphore(%arg13 : memref<!tpu.dma_semaphore, #tpu.memory_space<semaphore_mem>>) src(%arg9 : memref<80x128xf32, #tpu.memory_space<vmem>>) dst(%dma_wait3A_298 : memref<10000x128xf32, #tpu.memory_space<vmem_shared>>)
      %dma_wait3A_299 = arith.constant 5 : i32
      %dma_wait3A_300 = arith.constant 0 : i32
      %dma_wait3A_301 = tpu.memref_slice %arg8[%dma_wait3A_299, %dma_wait3A_300] : memref<25x80xi32, #tpu.memory_space<vmem>> -> memref<1x80xi32, #tpu.memory_space<vmem>>
      %dma_wait3A_302 = tpu.memref_squeeze %dma_wait3A_301 : memref<1x80xi32, #tpu.memory_space<vmem>> -> memref<80xi32, #tpu.memory_space<vmem>>
      %dma_wait3A_303 = arith.constant 0 : i32
      %dma_wait3A_304 = arith.constant 0 : i32
      %dma_wait3A_305 = tpu.memref_slice %arg12[%dma_wait3A_303, %dma_wait3A_304] : memref<10000x128xf32, #tpu.memory_space<vmem_shared>> -> memref<10000x128xf32, #tpu.memory_space<vmem_shared>>
      tpu.wait_indirect_dma semaphore(%arg13 : memref<!tpu.dma_semaphore, #tpu.memory_space<semaphore_mem>>) src(%arg9 : memref<80x128xf32, #tpu.memory_space<vmem>>) dst(%dma_wait3A_305 : memref<10000x128xf32, #tpu.memory_space<vmem_shared>>)
      %dma_wait3A_306 = arith.constant 6 : i32
      %dma_wait3A_307 = arith.constant 0 : i32
      %dma_wait3A_308 = tpu.memref_slice %arg8[%dma_wait3A_306, %dma_wait3A_307] : memref<25x80xi32, #tpu.memory_space<vmem>> -> memref<1x80xi32, #tpu.memory_space<vmem>>
      %dma_wait3A_309 = tpu.memref_squeeze %dma_wait3A_308 : memref<1x80xi32, #tpu.memory_space<vmem>> -> memref<80xi32, #tpu.memory_space<vmem>>
      %dma_wait3A_310 = arith.constant 0 : i32
      %dma_wait3A_311 = arith.constant 0 : i32
      %dma_wait3A_312 = tpu.memref_slice %arg12[%dma_wait3A_310, %dma_wait3A_311] : memref<10000x128xf32, #tpu.memory_space<vmem_shared>> -> memref<10000x128xf32, #tpu.memory_space<vmem_shared>>
      tpu.wait_indirect_dma semaphore(%arg13 : memref<!tpu.dma_semaphore, #tpu.memory_space<semaphore_mem>>) src(%arg9 : memref<80x128xf32, #tpu.memory_space<vmem>>) dst(%dma_wait3A_312 : memref<10000x128xf32, #tpu.memory_space<vmem_shared>>)
      %dma_wait3A_313 = arith.constant 7 : i32
      %dma_wait3A_314 = arith.constant 0 : i32
      %dma_wait3A_315 = tpu.memref_slice %arg8[%dma_wait3A_313, %dma_wait3A_314] : memref<25x80xi32, #tpu.memory_space<vmem>> -> memref<1x80xi32, #tpu.memory_space<vmem>>
      %dma_wait3A_316 = tpu.memref_squeeze %dma_wait3A_315 : memref<1x80xi32, #tpu.memory_space<vmem>> -> memref<80xi32, #tpu.memory_space<vmem>>
      %dma_wait3A_317 = arith.constant 0 : i32
      %dma_wait3A_318 = arith.constant 0 : i32
      %dma_wait3A_319 = tpu.memref_slice %arg12[%dma_wait3A_317, %dma_wait3A_318] : memref<10000x128xf32, #tpu.memory_space<vmem_shared>> -> memref<10000x128xf32, #tpu.memory_space<vmem_shared>>
      tpu.wait_indirect_dma semaphore(%arg13 : memref<!tpu.dma_semaphore, #tpu.memory_space<semaphore_mem>>) src(%arg9 : memref<80x128xf32, #tpu.memory_space<vmem>>) dst(%dma_wait3A_319 : memref<10000x128xf32, #tpu.memory_space<vmem_shared>>)
      %dma_wait3A_320 = arith.constant 8 : i32
      %dma_wait3A_321 = arith.constant 0 : i32
      %dma_wait3A_322 = tpu.memref_slice %arg8[%dma_wait3A_320, %dma_wait3A_321] : memref<25x80xi32, #tpu.memory_space<vmem>> -> memref<1x80xi32, #tpu.memory_space<vmem>>
      %dma_wait3A_323 = tpu.memref_squeeze %dma_wait3A_322 : memref<1x80xi32, #tpu.memory_space<vmem>> -> memref<80xi32, #tpu.memory_space<vmem>>
      %dma_wait3A_324 = arith.constant 0 : i32
      %dma_wait3A_325 = arith.constant 0 : i32
      %dma_wait3A_326 = tpu.memref_slice %arg12[%dma_wait3A_324, %dma_wait3A_325] : memref<10000x128xf32, #tpu.memory_space<vmem_shared>> -> memref<10000x128xf32, #tpu.memory_space<vmem_shared>>
      tpu.wait_indirect_dma semaphore(%arg13 : memref<!tpu.dma_semaphore, #tpu.memory_space<semaphore_mem>>) src(%arg9 : memref<80x128xf32, #tpu.memory_space<vmem>>) dst(%dma_wait3A_326 : memref<10000x128xf32, #tpu.memory_space<vmem_shared>>)
      %dma_wait3A_327 = arith.constant 9 : i32
      %dma_wait3A_328 = arith.constant 0 : i32
      %dma_wait3A_329 = tpu.memref_slice %arg8[%dma_wait3A_327, %dma_wait3A_328] : memref<25x80xi32, #tpu.memory_space<vmem>> -> memref<1x80xi32, #tpu.memory_space<vmem>>
      %dma_wait3A_330 = tpu.memref_squeeze %dma_wait3A_329 : memref<1x80xi32, #tpu.memory_space<vmem>> -> memref<80xi32, #tpu.memory_space<vmem>>
      %dma_wait3A_331 = arith.constant 0 : i32
      %dma_wait3A_332 = arith.constant 0 : i32
      %dma_wait3A_333 = tpu.memref_slice %arg12[%dma_wait3A_331, %dma_wait3A_332] : memref<10000x128xf32, #tpu.memory_space<vmem_shared>> -> memref<10000x128xf32, #tpu.memory_space<vmem_shared>>
      tpu.wait_indirect_dma semaphore(%arg13 : memref<!tpu.dma_semaphore, #tpu.memory_space<semaphore_mem>>) src(%arg9 : memref<80x128xf32, #tpu.memory_space<vmem>>) dst(%dma_wait3A_333 : memref<10000x128xf32, #tpu.memory_space<vmem_shared>>)
      %dma_wait3A_334 = arith.constant 10 : i32
      %dma_wait3A_335 = arith.constant 0 : i32
      %dma_wait3A_336 = tpu.memref_slice %arg8[%dma_wait3A_334, %dma_wait3A_335] : memref<25x80xi32, #tpu.memory_space<vmem>> -> memref<1x80xi32, #tpu.memory_space<vmem>>
      %dma_wait3A_337 = tpu.memref_squeeze %dma_wait3A_336 : memref<1x80xi32, #tpu.memory_space<vmem>> -> memref<80xi32, #tpu.memory_space<vmem>>
      %dma_wait3A_338 = arith.constant 0 : i32
      %dma_wait3A_339 = arith.constant 0 : i32
      %dma_wait3A_340 = tpu.memref_slice %arg12[%dma_wait3A_338, %dma_wait3A_339] : memref<10000x128xf32, #tpu.memory_space<vmem_shared>> -> memref<10000x128xf32, #tpu.memory_space<vmem_shared>>
      tpu.wait_indirect_dma semaphore(%arg13 : memref<!tpu.dma_semaphore, #tpu.memory_space<semaphore_mem>>) src(%arg9 : memref<80x128xf32, #tpu.memory_space<vmem>>) dst(%dma_wait3A_340 : memref<10000x128xf32, #tpu.memory_space<vmem_shared>>)
      %dma_wait3A_341 = arith.constant 11 : i32
      %dma_wait3A_342 = arith.constant 0 : i32
      %dma_wait3A_343 = tpu.memref_slice %arg8[%dma_wait3A_341, %dma_wait3A_342] : memref<25x80xi32, #tpu.memory_space<vmem>> -> memref<1x80xi32, #tpu.memory_space<vmem>>
      %dma_wait3A_344 = tpu.memref_squeeze %dma_wait3A_343 : memref<1x80xi32, #tpu.memory_space<vmem>> -> memref<80xi32, #tpu.memory_space<vmem>>
      %dma_wait3A_345 = arith.constant 0 : i32
      %dma_wait3A_346 = arith.constant 0 : i32
      %dma_wait3A_347 = tpu.memref_slice %arg12[%dma_wait3A_345, %dma_wait3A_346] : memref<10000x128xf32, #tpu.memory_space<vmem_shared>> -> memref<10000x128xf32, #tpu.memory_space<vmem_shared>>
      tpu.wait_indirect_dma semaphore(%arg13 : memref<!tpu.dma_semaphore, #tpu.memory_space<semaphore_mem>>) src(%arg9 : memref<80x128xf32, #tpu.memory_space<vmem>>) dst(%dma_wait3A_347 : memref<10000x128xf32, #tpu.memory_space<vmem_shared>>)
      %dma_wait3A_348 = arith.constant 12 : i32
      %dma_wait3A_349 = arith.constant 0 : i32
      %dma_wait3A_350 = tpu.memref_slice %arg8[%dma_wait3A_348, %dma_wait3A_349] : memref<25x80xi32, #tpu.memory_space<vmem>> -> memref<1x80xi32, #tpu.memory_space<vmem>>
      %dma_wait3A_351 = tpu.memref_squeeze %dma_wait3A_350 : memref<1x80xi32, #tpu.memory_space<vmem>> -> memref<80xi32, #tpu.memory_space<vmem>>
      %dma_wait3A_352 = arith.constant 0 : i32
      %dma_wait3A_353 = arith.constant 0 : i32
      %dma_wait3A_354 = tpu.memref_slice %arg12[%dma_wait3A_352, %dma_wait3A_353] : memref<10000x128xf32, #tpu.memory_space<vmem_shared>> -> memref<10000x128xf32, #tpu.memory_space<vmem_shared>>
      tpu.wait_indirect_dma semaphore(%arg13 : memref<!tpu.dma_semaphore, #tpu.memory_space<semaphore_mem>>) src(%arg9 : memref<80x128xf32, #tpu.memory_space<vmem>>) dst(%dma_wait3A_354 : memref<10000x128xf32, #tpu.memory_space<vmem_shared>>)
      %dma_wait3A_355 = arith.constant 13 : i32
      %dma_wait3A_356 = arith.constant 0 : i32
      %dma_wait3A_357 = tpu.memref_slice %arg8[%dma_wait3A_355, %dma_wait3A_356] : memref<25x80xi32, #tpu.memory_space<vmem>> -> memref<1x80xi32, #tpu.memory_space<vmem>>
      %dma_wait3A_358 = tpu.memref_squeeze %dma_wait3A_357 : memref<1x80xi32, #tpu.memory_space<vmem>> -> memref<80xi32, #tpu.memory_space<vmem>>
      %dma_wait3A_359 = arith.constant 0 : i32
      %dma_wait3A_360 = arith.constant 0 : i32
      %dma_wait3A_361 = tpu.memref_slice %arg12[%dma_wait3A_359, %dma_wait3A_360] : memref<10000x128xf32, #tpu.memory_space<vmem_shared>> -> memref<10000x128xf32, #tpu.memory_space<vmem_shared>>
      tpu.wait_indirect_dma semaphore(%arg13 : memref<!tpu.dma_semaphore, #tpu.memory_space<semaphore_mem>>) src(%arg9 : memref<80x128xf32, #tpu.memory_space<vmem>>) dst(%dma_wait3A_361 : memref<10000x128xf32, #tpu.memory_space<vmem_shared>>)
      %dma_wait3A_362 = arith.constant 14 : i32
      %dma_wait3A_363 = arith.constant 0 : i32
      %dma_wait3A_364 = tpu.memref_slice %arg8[%dma_wait3A_362, %dma_wait3A_363] : memref<25x80xi32, #tpu.memory_space<vmem>> -> memref<1x80xi32, #tpu.memory_space<vmem>>
      %dma_wait3A_365 = tpu.memref_squeeze %dma_wait3A_364 : memref<1x80xi32, #tpu.memory_space<vmem>> -> memref<80xi32, #tpu.memory_space<vmem>>
      %dma_wait3A_366 = arith.constant 0 : i32
      %dma_wait3A_367 = arith.constant 0 : i32
      %dma_wait3A_368 = tpu.memref_slice %arg12[%dma_wait3A_366, %dma_wait3A_367] : memref<10000x128xf32, #tpu.memory_space<vmem_shared>> -> memref<10000x128xf32, #tpu.memory_space<vmem_shared>>
      tpu.wait_indirect_dma semaphore(%arg13 : memref<!tpu.dma_semaphore, #tpu.memory_space<semaphore_mem>>) src(%arg9 : memref<80x128xf32, #tpu.memory_space<vmem>>) dst(%dma_wait3A_368 : memref<10000x128xf32, #tpu.memory_space<vmem_shared>>)
      %dma_wait3A_369 = arith.constant 15 : i32
      %dma_wait3A_370 = arith.constant 0 : i32
      %dma_wait3A_371 = tpu.memref_slice %arg8[%dma_wait3A_369, %dma_wait3A_370] : memref<25x80xi32, #tpu.memory_space<vmem>> -> memref<1x80xi32, #tpu.memory_space<vmem>>
      %dma_wait3A_372 = tpu.memref_squeeze %dma_wait3A_371 : memref<1x80xi32, #tpu.memory_space<vmem>> -> memref<80xi32, #tpu.memory_space<vmem>>
      %dma_wait3A_373 = arith.constant 0 : i32
      %dma_wait3A_374 = arith.constant 0 : i32
      %dma_wait3A_375 = tpu.memref_slice %arg12[%dma_wait3A_373, %dma_wait3A_374] : memref<10000x128xf32, #tpu.memory_space<vmem_shared>> -> memref<10000x128xf32, #tpu.memory_space<vmem_shared>>
      tpu.wait_indirect_dma semaphore(%arg13 : memref<!tpu.dma_semaphore, #tpu.memory_space<semaphore_mem>>) src(%arg9 : memref<80x128xf32, #tpu.memory_space<vmem>>) dst(%dma_wait3A_375 : memref<10000x128xf32, #tpu.memory_space<vmem_shared>>)
      %dma_wait3A_376 = arith.constant 16 : i32
      %dma_wait3A_377 = arith.constant 0 : i32
      %dma_wait3A_378 = tpu.memref_slice %arg8[%dma_wait3A_376, %dma_wait3A_377] : memref<25x80xi32, #tpu.memory_space<vmem>> -> memref<1x80xi32, #tpu.memory_space<vmem>>
      %dma_wait3A_379 = tpu.memref_squeeze %dma_wait3A_378 : memref<1x80xi32, #tpu.memory_space<vmem>> -> memref<80xi32, #tpu.memory_space<vmem>>
      %dma_wait3A_380 = arith.constant 0 : i32
      %dma_wait3A_381 = arith.constant 0 : i32
      %dma_wait3A_382 = tpu.memref_slice %arg12[%dma_wait3A_380, %dma_wait3A_381] : memref<10000x128xf32, #tpu.memory_space<vmem_shared>> -> memref<10000x128xf32, #tpu.memory_space<vmem_shared>>
      tpu.wait_indirect_dma semaphore(%arg13 : memref<!tpu.dma_semaphore, #tpu.memory_space<semaphore_mem>>) src(%arg9 : memref<80x128xf32, #tpu.memory_space<vmem>>) dst(%dma_wait3A_382 : memref<10000x128xf32, #tpu.memory_space<vmem_shared>>)
      %dma_wait3A_383 = arith.constant 17 : i32
      %dma_wait3A_384 = arith.constant 0 : i32
      %dma_wait3A_385 = tpu.memref_slice %arg8[%dma_wait3A_383, %dma_wait3A_384] : memref<25x80xi32, #tpu.memory_space<vmem>> -> memref<1x80xi32, #tpu.memory_space<vmem>>
      %dma_wait3A_386 = tpu.memref_squeeze %dma_wait3A_385 : memref<1x80xi32, #tpu.memory_space<vmem>> -> memref<80xi32, #tpu.memory_space<vmem>>
      %dma_wait3A_387 = arith.constant 0 : i32
      %dma_wait3A_388 = arith.constant 0 : i32
      %dma_wait3A_389 = tpu.memref_slice %arg12[%dma_wait3A_387, %dma_wait3A_388] : memref<10000x128xf32, #tpu.memory_space<vmem_shared>> -> memref<10000x128xf32, #tpu.memory_space<vmem_shared>>
      tpu.wait_indirect_dma semaphore(%arg13 : memref<!tpu.dma_semaphore, #tpu.memory_space<semaphore_mem>>) src(%arg9 : memref<80x128xf32, #tpu.memory_space<vmem>>) dst(%dma_wait3A_389 : memref<10000x128xf32, #tpu.memory_space<vmem_shared>>)
      %dma_wait3A_390 = arith.constant 18 : i32
      %dma_wait3A_391 = arith.constant 0 : i32
      %dma_wait3A_392 = tpu.memref_slice %arg8[%dma_wait3A_390, %dma_wait3A_391] : memref<25x80xi32, #tpu.memory_space<vmem>> -> memref<1x80xi32, #tpu.memory_space<vmem>>
      %dma_wait3A_393 = tpu.memref_squeeze %dma_wait3A_392 : memref<1x80xi32, #tpu.memory_space<vmem>> -> memref<80xi32, #tpu.memory_space<vmem>>
      %dma_wait3A_394 = arith.constant 0 : i32
      %dma_wait3A_395 = arith.constant 0 : i32
      %dma_wait3A_396 = tpu.memref_slice %arg12[%dma_wait3A_394, %dma_wait3A_395] : memref<10000x128xf32, #tpu.memory_space<vmem_shared>> -> memref<10000x128xf32, #tpu.memory_space<vmem_shared>>
      tpu.wait_indirect_dma semaphore(%arg13 : memref<!tpu.dma_semaphore, #tpu.memory_space<semaphore_mem>>) src(%arg9 : memref<80x128xf32, #tpu.memory_space<vmem>>) dst(%dma_wait3A_396 : memref<10000x128xf32, #tpu.memory_space<vmem_shared>>)
      %dma_wait3A_397 = arith.constant 19 : i32
      %dma_wait3A_398 = arith.constant 0 : i32
      %dma_wait3A_399 = tpu.memref_slice %arg8[%dma_wait3A_397, %dma_wait3A_398] : memref<25x80xi32, #tpu.memory_space<vmem>> -> memref<1x80xi32, #tpu.memory_space<vmem>>
      %dma_wait3A_400 = tpu.memref_squeeze %dma_wait3A_399 : memref<1x80xi32, #tpu.memory_space<vmem>> -> memref<80xi32, #tpu.memory_space<vmem>>
      %dma_wait3A_401 = arith.constant 0 : i32
      %dma_wait3A_402 = arith.constant 0 : i32
      %dma_wait3A_403 = tpu.memref_slice %arg12[%dma_wait3A_401, %dma_wait3A_402] : memref<10000x128xf32, #tpu.memory_space<vmem_shared>> -> memref<10000x128xf32, #tpu.memory_space<vmem_shared>>
      tpu.wait_indirect_dma semaphore(%arg13 : memref<!tpu.dma_semaphore, #tpu.memory_space<semaphore_mem>>) src(%arg9 : memref<80x128xf32, #tpu.memory_space<vmem>>) dst(%dma_wait3A_403 : memref<10000x128xf32, #tpu.memory_space<vmem_shared>>)
      %dma_wait3A_404 = arith.constant 20 : i32
      %dma_wait3A_405 = arith.constant 0 : i32
      %dma_wait3A_406 = tpu.memref_slice %arg8[%dma_wait3A_404, %dma_wait3A_405] : memref<25x80xi32, #tpu.memory_space<vmem>> -> memref<1x80xi32, #tpu.memory_space<vmem>>
      %dma_wait3A_407 = tpu.memref_squeeze %dma_wait3A_406 : memref<1x80xi32, #tpu.memory_space<vmem>> -> memref<80xi32, #tpu.memory_space<vmem>>
      %dma_wait3A_408 = arith.constant 0 : i32
      %dma_wait3A_409 = arith.constant 0 : i32
      %dma_wait3A_410 = tpu.memref_slice %arg12[%dma_wait3A_408, %dma_wait3A_409] : memref<10000x128xf32, #tpu.memory_space<vmem_shared>> -> memref<10000x128xf32, #tpu.memory_space<vmem_shared>>
      tpu.wait_indirect_dma semaphore(%arg13 : memref<!tpu.dma_semaphore, #tpu.memory_space<semaphore_mem>>) src(%arg9 : memref<80x128xf32, #tpu.memory_space<vmem>>) dst(%dma_wait3A_410 : memref<10000x128xf32, #tpu.memory_space<vmem_shared>>)
      %dma_wait3A_411 = arith.constant 21 : i32
      %dma_wait3A_412 = arith.constant 0 : i32
      %dma_wait3A_413 = tpu.memref_slice %arg8[%dma_wait3A_411, %dma_wait3A_412] : memref<25x80xi32, #tpu.memory_space<vmem>> -> memref<1x80xi32, #tpu.memory_space<vmem>>
      %dma_wait3A_414 = tpu.memref_squeeze %dma_wait3A_413 : memref<1x80xi32, #tpu.memory_space<vmem>> -> memref<80xi32, #tpu.memory_space<vmem>>
      %dma_wait3A_415 = arith.constant 0 : i32
      %dma_wait3A_416 = arith.constant 0 : i32
      %dma_wait3A_417 = tpu.memref_slice %arg12[%dma_wait3A_415, %dma_wait3A_416] : memref<10000x128xf32, #tpu.memory_space<vmem_shared>> -> memref<10000x128xf32, #tpu.memory_space<vmem_shared>>
      tpu.wait_indirect_dma semaphore(%arg13 : memref<!tpu.dma_semaphore, #tpu.memory_space<semaphore_mem>>) src(%arg9 : memref<80x128xf32, #tpu.memory_space<vmem>>) dst(%dma_wait3A_417 : memref<10000x128xf32, #tpu.memory_space<vmem_shared>>)
      %dma_wait3A_418 = arith.constant 22 : i32
      %dma_wait3A_419 = arith.constant 0 : i32
      %dma_wait3A_420 = tpu.memref_slice %arg8[%dma_wait3A_418, %dma_wait3A_419] : memref<25x80xi32, #tpu.memory_space<vmem>> -> memref<1x80xi32, #tpu.memory_space<vmem>>
      %dma_wait3A_421 = tpu.memref_squeeze %dma_wait3A_420 : memref<1x80xi32, #tpu.memory_space<vmem>> -> memref<80xi32, #tpu.memory_space<vmem>>
      %dma_wait3A_422 = arith.constant 0 : i32
      %dma_wait3A_423 = arith.constant 0 : i32
      %dma_wait3A_424 = tpu.memref_slice %arg12[%dma_wait3A_422, %dma_wait3A_423] : memref<10000x128xf32, #tpu.memory_space<vmem_shared>> -> memref<10000x128xf32, #tpu.memory_space<vmem_shared>>
      tpu.wait_indirect_dma semaphore(%arg13 : memref<!tpu.dma_semaphore, #tpu.memory_space<semaphore_mem>>) src(%arg9 : memref<80x128xf32, #tpu.memory_space<vmem>>) dst(%dma_wait3A_424 : memref<10000x128xf32, #tpu.memory_space<vmem_shared>>)
      %dma_wait3A_425 = arith.constant 23 : i32
      %dma_wait3A_426 = arith.constant 0 : i32
      %dma_wait3A_427 = tpu.memref_slice %arg8[%dma_wait3A_425, %dma_wait3A_426] : memref<25x80xi32, #tpu.memory_space<vmem>> -> memref<1x80xi32, #tpu.memory_space<vmem>>
      %dma_wait3A_428 = tpu.memref_squeeze %dma_wait3A_427 : memref<1x80xi32, #tpu.memory_space<vmem>> -> memref<80xi32, #tpu.memory_space<vmem>>
      %dma_wait3A_429 = arith.constant 0 : i32
      %dma_wait3A_430 = arith.constant 0 : i32
      %dma_wait3A_431 = tpu.memref_slice %arg12[%dma_wait3A_429, %dma_wait3A_430] : memref<10000x128xf32, #tpu.memory_space<vmem_shared>> -> memref<10000x128xf32, #tpu.memory_space<vmem_shared>>
      tpu.wait_indirect_dma semaphore(%arg13 : memref<!tpu.dma_semaphore, #tpu.memory_space<semaphore_mem>>) src(%arg9 : memref<80x128xf32, #tpu.memory_space<vmem>>) dst(%dma_wait3A_431 : memref<10000x128xf32, #tpu.memory_space<vmem_shared>>)
      %dma_wait3A_432 = arith.constant 24 : i32
      %dma_wait3A_433 = arith.constant 0 : i32
      %dma_wait3A_434 = tpu.memref_slice %arg8[%dma_wait3A_432, %dma_wait3A_433] : memref<25x80xi32, #tpu.memory_space<vmem>> -> memref<1x80xi32, #tpu.memory_space<vmem>>
      %dma_wait3A_435 = tpu.memref_squeeze %dma_wait3A_434 : memref<1x80xi32, #tpu.memory_space<vmem>> -> memref<80xi32, #tpu.memory_space<vmem>>
      %dma_wait3A_436 = arith.constant 0 : i32
      %dma_wait3A_437 = arith.constant 0 : i32
      %dma_wait3A_438 = tpu.memref_slice %arg12[%dma_wait3A_436, %dma_wait3A_437] : memref<10000x128xf32, #tpu.memory_space<vmem_shared>> -> memref<10000x128xf32, #tpu.memory_space<vmem_shared>>
      tpu.wait_indirect_dma semaphore(%arg13 : memref<!tpu.dma_semaphore, #tpu.memory_space<semaphore_mem>>) src(%arg9 : memref<80x128xf32, #tpu.memory_space<vmem>>) dst(%dma_wait3A_438 : memref<10000x128xf32, #tpu.memory_space<vmem_shared>>)
    }
    %scan3A_37 = arith.constant 5 : i32
    %barrier3A_38 = arith.constant 0 : index
    tpu.barrier barrier_id(%barrier3A_38)
    "tpu.region"() ({
      %run_scoped3A = tpu.sem_alloc : memref<!tpu.dma_semaphore, #tpu.memory_space<semaphore_mem>>
      %dma_start3A = arith.constant 0 : i32
      %dma_start3A_83 = arith.constant 0 : i32
      %dma_start3A_84 = tpu.memref_slice %arg6[%arg0, %dma_start3A, %dma_start3A_83] : memref<2x10000x128xf32, #tpu.memory_space<hbm>> -> memref<1x10000x128xf32, #tpu.memory_space<hbm>>
      %dma_start3A_85 = tpu.memref_squeeze %dma_start3A_84 : memref<1x10000x128xf32, #tpu.memory_space<hbm>> -> memref<10000x128xf32, #tpu.memory_space<hbm>>
      %dma_start3A_86 = arith.constant 0 : i32
      %dma_start3A_87 = tpu.memref_slice %dma_start3A_85[%mul3A_2, %dma_start3A_86] : memref<10000x128xf32, #tpu.memory_space<hbm>> -> memref<624x128xf32, #tpu.memory_space<hbm>>
      %dma_start3A_88 = arith.constant 0 : i32
      %dma_start3A_89 = tpu.memref_slice %arg12[%mul3A_2, %dma_start3A_88] : memref<10000x128xf32, #tpu.memory_space<vmem_shared>> -> memref<624x128xf32, #tpu.memory_space<vmem_shared>>
      tpu.enqueue_dma source(%dma_start3A_89 : memref<624x128xf32, #tpu.memory_space<vmem_shared>>) target(%dma_start3A_87 : memref<624x128xf32, #tpu.memory_space<hbm>>) target_semaphore(%run_scoped3A : memref<!tpu.dma_semaphore, #tpu.memory_space<semaphore_mem>>)
      %dma_wait3A = arith.constant 0 : i32
      %dma_wait3A_90 = arith.constant 0 : i32
      %dma_wait3A_91 = tpu.memref_slice %arg6[%arg0, %dma_wait3A, %dma_wait3A_90] : memref<2x10000x128xf32, #tpu.memory_space<hbm>> -> memref<1x10000x128xf32, #tpu.memory_space<hbm>>
      %dma_wait3A_92 = tpu.memref_squeeze %dma_wait3A_91 : memref<1x10000x128xf32, #tpu.memory_space<hbm>> -> memref<10000x128xf32, #tpu.memory_space<hbm>>
      %dma_wait3A_93 = arith.constant 0 : i32
      %dma_wait3A_94 = tpu.memref_slice %dma_wait3A_92[%mul3A_2, %dma_wait3A_93] : memref<10000x128xf32, #tpu.memory_space<hbm>> -> memref<624x128xf32, #tpu.memory_space<hbm>>
      %dma_wait3A_95 = arith.constant 0 : i32
      %dma_wait3A_96 = tpu.memref_slice %arg12[%mul3A_2, %dma_wait3A_95] : memref<10000x128xf32, #tpu.memory_space<vmem_shared>> -> memref<624x128xf32, #tpu.memory_space<vmem_shared>>
      tpu.wait_dma2 semaphore(%run_scoped3A : memref<!tpu.dma_semaphore, #tpu.memory_space<semaphore_mem>>) src(%dma_wait3A_96 : memref<624x128xf32, #tpu.memory_space<vmem_shared>>) dst(%dma_wait3A_94 : memref<624x128xf32, #tpu.memory_space<hbm>>)
      tpu.yield
    }) : () -> ()
    %eq3A_39 = arith.constant 15 : i32
    %eq3A_40 = arith.cmpi eq, %arg1, %eq3A_39 : i32
    %convert_element_type3A_41 = arith.extui %eq3A_40 : i1 to i32
    %cond3A_42 = arith.constant 0 : i32
    %cond3A_43 = arith.cmpi ne, %convert_element_type3A_41, %cond3A_42 : i32
    scf.if %cond3A_43 {
      "tpu.region"() ({
        %run_scoped3A = tpu.sem_alloc : memref<!tpu.dma_semaphore, #tpu.memory_space<semaphore_mem>>
        %dma_start3A = arith.constant 0 : i32
        %dma_start3A_83 = arith.constant 0 : i32
        %dma_start3A_84 = tpu.memref_slice %arg6[%arg0, %dma_start3A, %dma_start3A_83] : memref<2x10000x128xf32, #tpu.memory_space<hbm>> -> memref<1x10000x128xf32, #tpu.memory_space<hbm>>
        %dma_start3A_85 = tpu.memref_squeeze %dma_start3A_84 : memref<1x10000x128xf32, #tpu.memory_space<hbm>> -> memref<10000x128xf32, #tpu.memory_space<hbm>>
        %dma_start3A_86 = arith.constant 9984 : i32
        %dma_start3A_87 = arith.constant 0 : i32
        %dma_start3A_88 = tpu.memref_slice %dma_start3A_85[%dma_start3A_86, %dma_start3A_87] : memref<10000x128xf32, #tpu.memory_space<hbm>> -> memref<16x128xf32, #tpu.memory_space<hbm>>
        %dma_start3A_89 = arith.constant 9984 : i32
        %dma_start3A_90 = arith.constant 0 : i32
        %dma_start3A_91 = tpu.memref_slice %arg12[%dma_start3A_89, %dma_start3A_90] : memref<10000x128xf32, #tpu.memory_space<vmem_shared>> -> memref<16x128xf32, #tpu.memory_space<vmem_shared>>
        tpu.enqueue_dma source(%dma_start3A_91 : memref<16x128xf32, #tpu.memory_space<vmem_shared>>) target(%dma_start3A_88 : memref<16x128xf32, #tpu.memory_space<hbm>>) target_semaphore(%run_scoped3A : memref<!tpu.dma_semaphore, #tpu.memory_space<semaphore_mem>>)
        %dma_wait3A = arith.constant 0 : i32
        %dma_wait3A_92 = arith.constant 0 : i32
        %dma_wait3A_93 = tpu.memref_slice %arg6[%arg0, %dma_wait3A, %dma_wait3A_92] : memref<2x10000x128xf32, #tpu.memory_space<hbm>> -> memref<1x10000x128xf32, #tpu.memory_space<hbm>>
        %dma_wait3A_94 = tpu.memref_squeeze %dma_wait3A_93 : memref<1x10000x128xf32, #tpu.memory_space<hbm>> -> memref<10000x128xf32, #tpu.memory_space<hbm>>
        %dma_wait3A_95 = arith.constant 9984 : i32
        %dma_wait3A_96 = arith.constant 0 : i32
        %dma_wait3A_97 = tpu.memref_slice %dma_wait3A_94[%dma_wait3A_95, %dma_wait3A_96] : memref<10000x128xf32, #tpu.memory_space<hbm>> -> memref<16x128xf32, #tpu.memory_space<hbm>>
        %dma_wait3A_98 = arith.constant 9984 : i32
        %dma_wait3A_99 = arith.constant 0 : i32
        %dma_wait3A_100 = tpu.memref_slice %arg12[%dma_wait3A_98, %dma_wait3A_99] : memref<10000x128xf32, #tpu.memory_space<vmem_shared>> -> memref<16x128xf32, #tpu.memory_space<vmem_shared>>
        tpu.wait_dma2 semaphore(%run_scoped3A : memref<!tpu.dma_semaphore, #tpu.memory_space<semaphore_mem>>) src(%dma_wait3A_100 : memref<16x128xf32, #tpu.memory_space<vmem_shared>>) dst(%dma_wait3A_97 : memref<16x128xf32, #tpu.memory_space<hbm>>)
        tpu.yield
      }) : () -> ()
    } else {
    }
    %barrier3A_44 = arith.constant 0 : index
    tpu.barrier barrier_id(%barrier3A_44)
    %scan3A_45 = arith.constant 0 : i32
    %scan3A_46 = arith.constant 80 : i32
    %scan3A_47 = arith.addi %scan3A_45, %scan3A_46 : i32
    %scan3A_48 = arith.constant 1 : i32
    scf.for %scan3A_83 = %scan3A_45 to %scan3A_47 step %scan3A_48  : i32 {
      %mul3A_84 = arith.constant 1 : i32
      %mul3A_85 = arith.muli %scan3A_83, %mul3A_84 : i32
      %add3A_86 = arith.constant 0 : i32
      %add3A_87 = arith.addi %add3A_86, %mul3A_85 : i32
      %scan3A_88 = arith.constant 0 : i32
      %scan3A_89 = arith.constant 8 : i32
      %scan3A_90 = arith.addi %scan3A_88, %scan3A_89 : i32
      %scan3A_91 = arith.constant 1 : i32
      scf.for %scan3A_93 = %scan3A_88 to %scan3A_90 step %scan3A_91  : i32 {
        %mul3A_94 = arith.constant 1 : i32
        %mul3A_95 = arith.muli %scan3A_93, %mul3A_94 : i32
        %add3A_96 = arith.constant 0 : i32
        %add3A_97 = arith.addi %add3A_96, %mul3A_95 : i32
        %mul3A_98 = arith.constant 16 : i32
        %mul3A_99 = arith.muli %add3A_97, %mul3A_98 : i32
        %swap3A = arith.index_cast %add3A_87 : i32 to index
        %swap3A_100 = arith.index_cast %mul3A_99 : i32 to index
        %swap3A_101 = tpu.vector_load %arg9[%swap3A, %swap3A_100] {strides = array<i32>} : memref<80x128xf32, #tpu.memory_space<vmem>>, vector<1x16xf32>,
        %swap3A_102 = vector.shape_cast %swap3A_101 : vector<1x16xf32> to vector<16xf32>
        %swap3A_103 = vector.shape_cast %broadcast_in_dim3A_3 : vector<16xf32> to vector<1x16xf32>
        tpu.vector_store %arg9[%swap3A, %swap3A_100], %swap3A_103 {strides = array<i32>} : memref<80x128xf32, #tpu.memory_space<vmem>>, vector<1x16xf32>,
      }
      %scan3A_92 = arith.constant 8 : i32
    }
    %scan3A_49 = arith.constant 80 : i32
    %add3A_50 = arith.constant 0 : i32
    %add3A_51 = arith.addi %mul3A_2, %add3A_50 : i32
    "tpu.region"() ({
      %run_scoped3A = tpu.sem_alloc : memref<!tpu.dma_semaphore, #tpu.memory_space<semaphore_mem>>
      %dma_start3A = arith.constant 0 : i32
      %dma_start3A_83 = tpu.memref_slice %arg12[%add3A_51, %dma_start3A] : memref<10000x128xf32, #tpu.memory_space<vmem_shared>> -> memref<80x128xf32, #tpu.memory_space<vmem_shared>>
      %dma_start3A_84 = arith.constant 0 : i32
      %dma_start3A_85 = tpu.memref_slice %arg12[%add3A_51, %dma_start3A_84] : memref<10000x128xf32, #tpu.memory_space<vmem_shared>> -> memref<80x128xf32, #tpu.memory_space<vmem_shared>>
      tpu.enqueue_dma source(%arg9 : memref<80x128xf32, #tpu.memory_space<vmem>>) target(%dma_start3A_85 : memref<80x128xf32, #tpu.memory_space<vmem_shared>>) target_semaphore(%run_scoped3A : memref<!tpu.dma_semaphore, #tpu.memory_space<semaphore_mem>>)
      %dma_wait3A = arith.constant 0 : i32
      %dma_wait3A_86 = tpu.memref_slice %arg12[%add3A_51, %dma_wait3A] : memref<10000x128xf32, #tpu.memory_space<vmem_shared>> -> memref<80x128xf32, #tpu.memory_space<vmem_shared>>
      %dma_wait3A_87 = arith.constant 0 : i32
      %dma_wait3A_88 = tpu.memref_slice %arg12[%add3A_51, %dma_wait3A_87] : memref<10000x128xf32, #tpu.memory_space<vmem_shared>> -> memref<80x128xf32, #tpu.memory_space<vmem_shared>>
      tpu.wait_dma2 semaphore(%run_scoped3A : memref<!tpu.dma_semaphore, #tpu.memory_space<semaphore_mem>>) src(%arg9 : memref<80x128xf32, #tpu.memory_space<vmem>>) dst(%dma_wait3A_88 : memref<80x128xf32, #tpu.memory_space<vmem_shared>>)
      tpu.yield
    }) : () -> ()
    %add3A_52 = arith.constant 80 : i32
    %add3A_53 = arith.addi %mul3A_2, %add3A_52 : i32
    "tpu.region"() ({
      %run_scoped3A = tpu.sem_alloc : memref<!tpu.dma_semaphore, #tpu.memory_space<semaphore_mem>>
      %dma_start3A = arith.constant 0 : i32
      %dma_start3A_83 = tpu.memref_slice %arg12[%add3A_53, %dma_start3A] : memref<10000x128xf32, #tpu.memory_space<vmem_shared>> -> memref<80x128xf32, #tpu.memory_space<vmem_shared>>
      %dma_start3A_84 = arith.constant 0 : i32
      %dma_start3A_85 = tpu.memref_slice %arg12[%add3A_53, %dma_start3A_84] : memref<10000x128xf32, #tpu.memory_space<vmem_shared>> -> memref<80x128xf32, #tpu.memory_space<vmem_shared>>
      tpu.enqueue_dma source(%arg9 : memref<80x128xf32, #tpu.memory_space<vmem>>) target(%dma_start3A_85 : memref<80x128xf32, #tpu.memory_space<vmem_shared>>) target_semaphore(%run_scoped3A : memref<!tpu.dma_semaphore, #tpu.memory_space<semaphore_mem>>)
      %dma_wait3A = arith.constant 0 : i32
      %dma_wait3A_86 = tpu.memref_slice %arg12[%add3A_53, %dma_wait3A] : memref<10000x128xf32, #tpu.memory_space<vmem_shared>> -> memref<80x128xf32, #tpu.memory_space<vmem_shared>>
      %dma_wait3A_87 = arith.constant 0 : i32
      %dma_wait3A_88 = tpu.memref_slice %arg12[%add3A_53, %dma_wait3A_87] : memref<10000x128xf32, #tpu.memory_space<vmem_shared>> -> memref<80x128xf32, #tpu.memory_space<vmem_shared>>
      tpu.wait_dma2 semaphore(%run_scoped3A : memref<!tpu.dma_semaphore, #tpu.memory_space<semaphore_mem>>) src(%arg9 : memref<80x128xf32, #tpu.memory_space<vmem>>) dst(%dma_wait3A_88 : memref<80x128xf32, #tpu.memory_space<vmem_shared>>)
      tpu.yield
    }) : () -> ()
    %add3A_54 = arith.constant 160 : i32
    %add3A_55 = arith.addi %mul3A_2, %add3A_54 : i32
    "tpu.region"() ({
      %run_scoped3A = tpu.sem_alloc : memref<!tpu.dma_semaphore, #tpu.memory_space<semaphore_mem>>
      %dma_start3A = arith.constant 0 : i32
      %dma_start3A_83 = tpu.memref_slice %arg12[%add3A_55, %dma_start3A] : memref<10000x128xf32, #tpu.memory_space<vmem_shared>> -> memref<80x128xf32, #tpu.memory_space<vmem_shared>>
      %dma_start3A_84 = arith.constant 0 : i32
      %dma_start3A_85 = tpu.memref_slice %arg12[%add3A_55, %dma_start3A_84] : memref<10000x128xf32, #tpu.memory_space<vmem_shared>> -> memref<80x128xf32, #tpu.memory_space<vmem_shared>>
      tpu.enqueue_dma source(%arg9 : memref<80x128xf32, #tpu.memory_space<vmem>>) target(%dma_start3A_85 : memref<80x128xf32, #tpu.memory_space<vmem_shared>>) target_semaphore(%run_scoped3A : memref<!tpu.dma_semaphore, #tpu.memory_space<semaphore_mem>>)
      %dma_wait3A = arith.constant 0 : i32
      %dma_wait3A_86 = tpu.memref_slice %arg12[%add3A_55, %dma_wait3A] : memref<10000x128xf32, #tpu.memory_space<vmem_shared>> -> memref<80x128xf32, #tpu.memory_space<vmem_shared>>
      %dma_wait3A_87 = arith.constant 0 : i32
      %dma_wait3A_88 = tpu.memref_slice %arg12[%add3A_55, %dma_wait3A_87] : memref<10000x128xf32, #tpu.memory_space<vmem_shared>> -> memref<80x128xf32, #tpu.memory_space<vmem_shared>>
      tpu.wait_dma2 semaphore(%run_scoped3A : memref<!tpu.dma_semaphore, #tpu.memory_space<semaphore_mem>>) src(%arg9 : memref<80x128xf32, #tpu.memory_space<vmem>>) dst(%dma_wait3A_88 : memref<80x128xf32, #tpu.memory_space<vmem_shared>>)
      tpu.yield
    }) : () -> ()
    %add3A_56 = arith.constant 240 : i32
    %add3A_57 = arith.addi %mul3A_2, %add3A_56 : i32
    "tpu.region"() ({
      %run_scoped3A = tpu.sem_alloc : memref<!tpu.dma_semaphore, #tpu.memory_space<semaphore_mem>>
      %dma_start3A = arith.constant 0 : i32
      %dma_start3A_83 = tpu.memref_slice %arg12[%add3A_57, %dma_start3A] : memref<10000x128xf32, #tpu.memory_space<vmem_shared>> -> memref<80x128xf32, #tpu.memory_space<vmem_shared>>
      %dma_start3A_84 = arith.constant 0 : i32
      %dma_start3A_85 = tpu.memref_slice %arg12[%add3A_57, %dma_start3A_84] : memref<10000x128xf32, #tpu.memory_space<vmem_shared>> -> memref<80x128xf32, #tpu.memory_space<vmem_shared>>
      tpu.enqueue_dma source(%arg9 : memref<80x128xf32, #tpu.memory_space<vmem>>) target(%dma_start3A_85 : memref<80x128xf32, #tpu.memory_space<vmem_shared>>) target_semaphore(%run_scoped3A : memref<!tpu.dma_semaphore, #tpu.memory_space<semaphore_mem>>)
      %dma_wait3A = arith.constant 0 : i32
      %dma_wait3A_86 = tpu.memref_slice %arg12[%add3A_57, %dma_wait3A] : memref<10000x128xf32, #tpu.memory_space<vmem_shared>> -> memref<80x128xf32, #tpu.memory_space<vmem_shared>>
      %dma_wait3A_87 = arith.constant 0 : i32
      %dma_wait3A_88 = tpu.memref_slice %arg12[%add3A_57, %dma_wait3A_87] : memref<10000x128xf32, #tpu.memory_space<vmem_shared>> -> memref<80x128xf32, #tpu.memory_space<vmem_shared>>
      tpu.wait_dma2 semaphore(%run_scoped3A : memref<!tpu.dma_semaphore, #tpu.memory_space<semaphore_mem>>) src(%arg9 : memref<80x128xf32, #tpu.memory_space<vmem>>) dst(%dma_wait3A_88 : memref<80x128xf32, #tpu.memory_space<vmem_shared>>)
      tpu.yield
    }) : () -> ()
    %add3A_58 = arith.constant 320 : i32
    %add3A_59 = arith.addi %mul3A_2, %add3A_58 : i32
    "tpu.region"() ({
      %run_scoped3A = tpu.sem_alloc : memref<!tpu.dma_semaphore, #tpu.memory_space<semaphore_mem>>
      %dma_start3A = arith.constant 0 : i32
      %dma_start3A_83 = tpu.memref_slice %arg12[%add3A_59, %dma_start3A] : memref<10000x128xf32, #tpu.memory_space<vmem_shared>> -> memref<80x128xf32, #tpu.memory_space<vmem_shared>>
      %dma_start3A_84 = arith.constant 0 : i32
      %dma_start3A_85 = tpu.memref_slice %arg12[%add3A_59, %dma_start3A_84] : memref<10000x128xf32, #tpu.memory_space<vmem_shared>> -> memref<80x128xf32, #tpu.memory_space<vmem_shared>>
      tpu.enqueue_dma source(%arg9 : memref<80x128xf32, #tpu.memory_space<vmem>>) target(%dma_start3A_85 : memref<80x128xf32, #tpu.memory_space<vmem_shared>>) target_semaphore(%run_scoped3A : memref<!tpu.dma_semaphore, #tpu.memory_space<semaphore_mem>>)
      %dma_wait3A = arith.constant 0 : i32
      %dma_wait3A_86 = tpu.memref_slice %arg12[%add3A_59, %dma_wait3A] : memref<10000x128xf32, #tpu.memory_space<vmem_shared>> -> memref<80x128xf32, #tpu.memory_space<vmem_shared>>
      %dma_wait3A_87 = arith.constant 0 : i32
      %dma_wait3A_88 = tpu.memref_slice %arg12[%add3A_59, %dma_wait3A_87] : memref<10000x128xf32, #tpu.memory_space<vmem_shared>> -> memref<80x128xf32, #tpu.memory_space<vmem_shared>>
      tpu.wait_dma2 semaphore(%run_scoped3A : memref<!tpu.dma_semaphore, #tpu.memory_space<semaphore_mem>>) src(%arg9 : memref<80x128xf32, #tpu.memory_space<vmem>>) dst(%dma_wait3A_88 : memref<80x128xf32, #tpu.memory_space<vmem_shared>>)
      tpu.yield
    }) : () -> ()
    %add3A_60 = arith.constant 400 : i32
    %add3A_61 = arith.addi %mul3A_2, %add3A_60 : i32
    "tpu.region"() ({
      %run_scoped3A = tpu.sem_alloc : memref<!tpu.dma_semaphore, #tpu.memory_space<semaphore_mem>>
      %dma_start3A = arith.constant 0 : i32
      %dma_start3A_83 = tpu.memref_slice %arg12[%add3A_61, %dma_start3A] : memref<10000x128xf32, #tpu.memory_space<vmem_shared>> -> memref<80x128xf32, #tpu.memory_space<vmem_shared>>
      %dma_start3A_84 = arith.constant 0 : i32
      %dma_start3A_85 = tpu.memref_slice %arg12[%add3A_61, %dma_start3A_84] : memref<10000x128xf32, #tpu.memory_space<vmem_shared>> -> memref<80x128xf32, #tpu.memory_space<vmem_shared>>
      tpu.enqueue_dma source(%arg9 : memref<80x128xf32, #tpu.memory_space<vmem>>) target(%dma_start3A_85 : memref<80x128xf32, #tpu.memory_space<vmem_shared>>) target_semaphore(%run_scoped3A : memref<!tpu.dma_semaphore, #tpu.memory_space<semaphore_mem>>)
      %dma_wait3A = arith.constant 0 : i32
      %dma_wait3A_86 = tpu.memref_slice %arg12[%add3A_61, %dma_wait3A] : memref<10000x128xf32, #tpu.memory_space<vmem_shared>> -> memref<80x128xf32, #tpu.memory_space<vmem_shared>>
      %dma_wait3A_87 = arith.constant 0 : i32
      %dma_wait3A_88 = tpu.memref_slice %arg12[%add3A_61, %dma_wait3A_87] : memref<10000x128xf32, #tpu.memory_space<vmem_shared>> -> memref<80x128xf32, #tpu.memory_space<vmem_shared>>
      tpu.wait_dma2 semaphore(%run_scoped3A : memref<!tpu.dma_semaphore, #tpu.memory_space<semaphore_mem>>) src(%arg9 : memref<80x128xf32, #tpu.memory_space<vmem>>) dst(%dma_wait3A_88 : memref<80x128xf32, #tpu.memory_space<vmem_shared>>)
      tpu.yield
    }) : () -> ()
    %add3A_62 = arith.constant 480 : i32
    %add3A_63 = arith.addi %mul3A_2, %add3A_62 : i32
    "tpu.region"() ({
      %run_scoped3A = tpu.sem_alloc : memref<!tpu.dma_semaphore, #tpu.memory_space<semaphore_mem>>
      %dma_start3A = arith.constant 0 : i32
      %dma_start3A_83 = tpu.memref_slice %arg12[%add3A_63, %dma_start3A] : memref<10000x128xf32, #tpu.memory_space<vmem_shared>> -> memref<80x128xf32, #tpu.memory_space<vmem_shared>>
      %dma_start3A_84 = arith.constant 0 : i32
      %dma_start3A_85 = tpu.memref_slice %arg12[%add3A_63, %dma_start3A_84] : memref<10000x128xf32, #tpu.memory_space<vmem_shared>> -> memref<80x128xf32, #tpu.memory_space<vmem_shared>>
      tpu.enqueue_dma source(%arg9 : memref<80x128xf32, #tpu.memory_space<vmem>>) target(%dma_start3A_85 : memref<80x128xf32, #tpu.memory_space<vmem_shared>>) target_semaphore(%run_scoped3A : memref<!tpu.dma_semaphore, #tpu.memory_space<semaphore_mem>>)
      %dma_wait3A = arith.constant 0 : i32
      %dma_wait3A_86 = tpu.memref_slice %arg12[%add3A_63, %dma_wait3A] : memref<10000x128xf32, #tpu.memory_space<vmem_shared>> -> memref<80x128xf32, #tpu.memory_space<vmem_shared>>
      %dma_wait3A_87 = arith.constant 0 : i32
      %dma_wait3A_88 = tpu.memref_slice %arg12[%add3A_63, %dma_wait3A_87] : memref<10000x128xf32, #tpu.memory_space<vmem_shared>> -> memref<80x128xf32, #tpu.memory_space<vmem_shared>>
      tpu.wait_dma2 semaphore(%run_scoped3A : memref<!tpu.dma_semaphore, #tpu.memory_space<semaphore_mem>>) src(%arg9 : memref<80x128xf32, #tpu.memory_space<vmem>>) dst(%dma_wait3A_88 : memref<80x128xf32, #tpu.memory_space<vmem_shared>>)
      tpu.yield
    }) : () -> ()
    %add3A_64 = arith.constant 560 : i32
    %add3A_65 = arith.addi %mul3A_2, %add3A_64 : i32
    "tpu.region"() ({
      %run_scoped3A = tpu.sem_alloc : memref<!tpu.dma_semaphore, #tpu.memory_space<semaphore_mem>>
      %dma_start3A = arith.constant 0 : i32
      %dma_start3A_83 = arith.constant 0 : i32
      %dma_start3A_84 = tpu.memref_slice %arg9[%dma_start3A, %dma_start3A_83] : memref<80x128xf32, #tpu.memory_space<vmem>> -> memref<64x128xf32, #tpu.memory_space<vmem>>
      %dma_start3A_85 = arith.constant 0 : i32
      %dma_start3A_86 = tpu.memref_slice %arg12[%add3A_65, %dma_start3A_85] : memref<10000x128xf32, #tpu.memory_space<vmem_shared>> -> memref<64x128xf32, #tpu.memory_space<vmem_shared>>
      %dma_start3A_87 = arith.constant 0 : i32
      %dma_start3A_88 = tpu.memref_slice %arg12[%add3A_65, %dma_start3A_87] : memref<10000x128xf32, #tpu.memory_space<vmem_shared>> -> memref<64x128xf32, #tpu.memory_space<vmem_shared>>
      %dma_start3A_89 = arith.constant 0 : i32
      %dma_start3A_90 = arith.constant 0 : i32
      %dma_start3A_91 = tpu.memref_slice %arg9[%dma_start3A_89, %dma_start3A_90] : memref<80x128xf32, #tpu.memory_space<vmem>> -> memref<64x128xf32, #tpu.memory_space<vmem>>
      tpu.enqueue_dma source(%dma_start3A_91 : memref<64x128xf32, #tpu.memory_space<vmem>>) target(%dma_start3A_88 : memref<64x128xf32, #tpu.memory_space<vmem_shared>>) target_semaphore(%run_scoped3A : memref<!tpu.dma_semaphore, #tpu.memory_space<semaphore_mem>>)
      %dma_wait3A = arith.constant 0 : i32
      %dma_wait3A_92 = arith.constant 0 : i32
      %dma_wait3A_93 = tpu.memref_slice %arg9[%dma_wait3A, %dma_wait3A_92] : memref<80x128xf32, #tpu.memory_space<vmem>> -> memref<64x128xf32, #tpu.memory_space<vmem>>
      %dma_wait3A_94 = arith.constant 0 : i32
      %dma_wait3A_95 = tpu.memref_slice %arg12[%add3A_65, %dma_wait3A_94] : memref<10000x128xf32, #tpu.memory_space<vmem_shared>> -> memref<64x128xf32, #tpu.memory_space<vmem_shared>>
      %dma_wait3A_96 = arith.constant 0 : i32
      %dma_wait3A_97 = tpu.memref_slice %arg12[%add3A_65, %dma_wait3A_96] : memref<10000x128xf32, #tpu.memory_space<vmem_shared>> -> memref<64x128xf32, #tpu.memory_space<vmem_shared>>
      %dma_wait3A_98 = arith.constant 0 : i32
      %dma_wait3A_99 = arith.constant 0 : i32
      %dma_wait3A_100 = tpu.memref_slice %arg9[%dma_wait3A_98, %dma_wait3A_99] : memref<80x128xf32, #tpu.memory_space<vmem>> -> memref<64x128xf32, #tpu.memory_space<vmem>>
      tpu.wait_dma2 semaphore(%run_scoped3A : memref<!tpu.dma_semaphore, #tpu.memory_space<semaphore_mem>>) src(%dma_wait3A_100 : memref<64x128xf32, #tpu.memory_space<vmem>>) dst(%dma_wait3A_97 : memref<64x128xf32, #tpu.memory_space<vmem_shared>>)
      tpu.yield
    }) : () -> ()
    %eq3A_66 = arith.constant 15 : i32
    %eq3A_67 = arith.cmpi eq, %arg1, %eq3A_66 : i32
    %convert_element_type3A_68 = arith.extui %eq3A_67 : i1 to i32
    %cond3A_69 = arith.constant 0 : i32
    %cond3A_70 = arith.cmpi ne, %convert_element_type3A_68, %cond3A_69 : i32
    scf.if %cond3A_70 {
      "tpu.region"() ({
        %run_scoped3A = tpu.sem_alloc : memref<!tpu.dma_semaphore, #tpu.memory_space<semaphore_mem>>
        %dma_start3A = arith.constant 0 : i32
        %dma_start3A_83 = arith.constant 0 : i32
        %dma_start3A_84 = tpu.memref_slice %arg9[%dma_start3A, %dma_start3A_83] : memref<80x128xf32, #tpu.memory_space<vmem>> -> memref<16x128xf32, #tpu.memory_space<vmem>>
        %dma_start3A_85 = arith.constant 9984 : i32
        %dma_start3A_86 = arith.constant 0 : i32
        %dma_start3A_87 = tpu.memref_slice %arg12[%dma_start3A_85, %dma_start3A_86] : memref<10000x128xf32, #tpu.memory_space<vmem_shared>> -> memref<16x128xf32, #tpu.memory_space<vmem_shared>>
        %dma_start3A_88 = arith.constant 9984 : i32
        %dma_start3A_89 = arith.constant 0 : i32
        %dma_start3A_90 = tpu.memref_slice %arg12[%dma_start3A_88, %dma_start3A_89] : memref<10000x128xf32, #tpu.memory_space<vmem_shared>> -> memref<16x128xf32, #tpu.memory_space<vmem_shared>>
        %dma_start3A_91 = arith.constant 0 : i32
        %dma_start3A_92 = arith.constant 0 : i32
        %dma_start3A_93 = tpu.memref_slice %arg9[%dma_start3A_91, %dma_start3A_92] : memref<80x128xf32, #tpu.memory_space<vmem>> -> memref<16x128xf32, #tpu.memory_space<vmem>>
        tpu.enqueue_dma source(%dma_start3A_93 : memref<16x128xf32, #tpu.memory_space<vmem>>) target(%dma_start3A_90 : memref<16x128xf32, #tpu.memory_space<vmem_shared>>) target_semaphore(%run_scoped3A : memref<!tpu.dma_semaphore, #tpu.memory_space<semaphore_mem>>)
        %dma_wait3A = arith.constant 0 : i32
        %dma_wait3A_94 = arith.constant 0 : i32
        %dma_wait3A_95 = tpu.memref_slice %arg9[%dma_wait3A, %dma_wait3A_94] : memref<80x128xf32, #tpu.memory_space<vmem>> -> memref<16x128xf32, #tpu.memory_space<vmem>>
        %dma_wait3A_96 = arith.constant 9984 : i32
        %dma_wait3A_97 = arith.constant 0 : i32
        %dma_wait3A_98 = tpu.memref_slice %arg12[%dma_wait3A_96, %dma_wait3A_97] : memref<10000x128xf32, #tpu.memory_space<vmem_shared>> -> memref<16x128xf32, #tpu.memory_space<vmem_shared>>
        %dma_wait3A_99 = arith.constant 9984 : i32
        %dma_wait3A_100 = arith.constant 0 : i32
        %dma_wait3A_101 = tpu.memref_slice %arg12[%dma_wait3A_99, %dma_wait3A_100] : memref<10000x128xf32, #tpu.memory_space<vmem_shared>> -> memref<16x128xf32, #tpu.memory_space<vmem_shared>>
        %dma_wait3A_102 = arith.constant 0 : i32
        %dma_wait3A_103 = arith.constant 0 : i32
        %dma_wait3A_104 = tpu.memref_slice %arg9[%dma_wait3A_102, %dma_wait3A_103] : memref<80x128xf32, #tpu.memory_space<vmem>> -> memref<16x128xf32, #tpu.memory_space<vmem>>
        tpu.wait_dma2 semaphore(%run_scoped3A : memref<!tpu.dma_semaphore, #tpu.memory_space<semaphore_mem>>) src(%dma_wait3A_104 : memref<16x128xf32, #tpu.memory_space<vmem>>) dst(%dma_wait3A_101 : memref<16x128xf32, #tpu.memory_space<vmem_shared>>)
        tpu.yield
      }) : () -> ()
    } else {
    }
    %barrier3A_71 = arith.constant 0 : index
    tpu.barrier barrier_id(%barrier3A_71)
    %scan3A_72 = arith.constant 0 : i32
    %scan3A_73 = arith.constant 5 : i32
    %scan3A_74 = arith.addi %scan3A_72, %scan3A_73 : i32
    %scan3A_75 = arith.constant 1 : i32
    scf.for %scan3A_83 = %scan3A_72 to %scan3A_74 step %scan3A_75  : i32 {
      %mul3A_84 = arith.constant 1 : i32
      %mul3A_85 = arith.muli %scan3A_83, %mul3A_84 : i32
      %add3A_86 = arith.constant 0 : i32
      %add3A_87 = arith.addi %add3A_86, %mul3A_85 : i32
      %mul3A_88 = arith.constant 5 : i32
      %mul3A_89 = arith.muli %add3A, %mul3A_88 : i32
      %add3A_90 = arith.addi %mul3A_89, %add3A_87 : i32
      "tpu.region"() ({
        %run_scoped3A_466 = tpu.sem_alloc : memref<!tpu.dma_semaphore, #tpu.memory_space<semaphore_mem>>
        %dma_start3A_467 = arith.constant 0 : i32
        %dma_start3A_468 = arith.constant 0 : i32
        %dma_start3A_469 = tpu.memref_slice %arg3[%add3A_90, %dma_start3A_467, %dma_start3A_468] : memref<160x25x80xi32, #tpu.memory_space<hbm>> -> memref<1x25x80xi32, #tpu.memory_space<hbm>>
        %dma_start3A_470 = tpu.memref_squeeze %dma_start3A_469 : memref<1x25x80xi32, #tpu.memory_space<hbm>> -> memref<25x80xi32, #tpu.memory_space<hbm>>
        %dma_start3A_471 = arith.constant 0 : i32
        %dma_start3A_472 = arith.constant 0 : i32
        %dma_start3A_473 = tpu.memref_slice %arg3[%add3A_90, %dma_start3A_471, %dma_start3A_472] : memref<160x25x80xi32, #tpu.memory_space<hbm>> -> memref<1x25x80xi32, #tpu.memory_space<hbm>>
        %dma_start3A_474 = tpu.memref_squeeze %dma_start3A_473 : memref<1x25x80xi32, #tpu.memory_space<hbm>> -> memref<25x80xi32, #tpu.memory_space<hbm>>
        tpu.enqueue_dma source(%dma_start3A_474 : memref<25x80xi32, #tpu.memory_space<hbm>>) target(%arg7 : memref<25x80xi32, #tpu.memory_space<vmem>>) target_semaphore(%run_scoped3A_466 : memref<!tpu.dma_semaphore, #tpu.memory_space<semaphore_mem>>)
        %dma_wait3A_475 = arith.constant 0 : i32
        %dma_wait3A_476 = arith.constant 0 : i32
        %dma_wait3A_477 = tpu.memref_slice %arg3[%add3A_90, %dma_wait3A_475, %dma_wait3A_476] : memref<160x25x80xi32, #tpu.memory_space<hbm>> -> memref<1x25x80xi32, #tpu.memory_space<hbm>>
        %dma_wait3A_478 = tpu.memref_squeeze %dma_wait3A_477 : memref<1x25x80xi32, #tpu.memory_space<hbm>> -> memref<25x80xi32, #tpu.memory_space<hbm>>
        %dma_wait3A_479 = arith.constant 0 : i32
        %dma_wait3A_480 = arith.constant 0 : i32
        %dma_wait3A_481 = tpu.memref_slice %arg3[%add3A_90, %dma_wait3A_479, %dma_wait3A_480] : memref<160x25x80xi32, #tpu.memory_space<hbm>> -> memref<1x25x80xi32, #tpu.memory_space<hbm>>
        %dma_wait3A_482 = tpu.memref_squeeze %dma_wait3A_481 : memref<1x25x80xi32, #tpu.memory_space<hbm>> -> memref<25x80xi32, #tpu.memory_space<hbm>>
        tpu.wait_dma2 semaphore(%run_scoped3A_466 : memref<!tpu.dma_semaphore, #tpu.memory_space<semaphore_mem>>) src(%dma_wait3A_482 : memref<25x80xi32, #tpu.memory_space<hbm>>) dst(%arg7 : memref<25x80xi32, #tpu.memory_space<vmem>>)
        tpu.yield
      }) : () -> ()
      %mul3A_91 = arith.constant 5 : i32
      %mul3A_92 = arith.muli %add3A, %mul3A_91 : i32
      %add3A_93 = arith.addi %mul3A_92, %add3A_87 : i32
      "tpu.region"() ({
        %run_scoped3A_466 = tpu.sem_alloc : memref<!tpu.dma_semaphore, #tpu.memory_space<semaphore_mem>>
        %dma_start3A_467 = arith.constant 0 : i32
        %dma_start3A_468 = arith.constant 0 : i32
        %dma_start3A_469 = tpu.memref_slice %arg4[%add3A_93, %dma_start3A_467, %dma_start3A_468] : memref<160x25x80xi32, #tpu.memory_space<hbm>> -> memref<1x25x80xi32, #tpu.memory_space<hbm>>
        %dma_start3A_470 = tpu.memref_squeeze %dma_start3A_469 : memref<1x25x80xi32, #tpu.memory_space<hbm>> -> memref<25x80xi32, #tpu.memory_space<hbm>>
        %dma_start3A_471 = arith.constant 0 : i32
        %dma_start3A_472 = arith.constant 0 : i32
        %dma_start3A_473 = tpu.memref_slice %arg4[%add3A_93, %dma_start3A_471, %dma_start3A_472] : memref<160x25x80xi32, #tpu.memory_space<hbm>> -> memref<1x25x80xi32, #tpu.memory_space<hbm>>
        %dma_start3A_474 = tpu.memref_squeeze %dma_start3A_473 : memref<1x25x80xi32, #tpu.memory_space<hbm>> -> memref<25x80xi32, #tpu.memory_space<hbm>>
        tpu.enqueue_dma source(%dma_start3A_474 : memref<25x80xi32, #tpu.memory_space<hbm>>) target(%arg8 : memref<25x80xi32, #tpu.memory_space<vmem>>) target_semaphore(%run_scoped3A_466 : memref<!tpu.dma_semaphore, #tpu.memory_space<semaphore_mem>>)
        %dma_wait3A_475 = arith.constant 0 : i32
        %dma_wait3A_476 = arith.constant 0 : i32
        %dma_wait3A_477 = tpu.memref_slice %arg4[%add3A_93, %dma_wait3A_475, %dma_wait3A_476] : memref<160x25x80xi32, #tpu.memory_space<hbm>> -> memref<1x25x80xi32, #tpu.memory_space<hbm>>
        %dma_wait3A_478 = tpu.memref_squeeze %dma_wait3A_477 : memref<1x25x80xi32, #tpu.memory_space<hbm>> -> memref<25x80xi32, #tpu.memory_space<hbm>>
        %dma_wait3A_479 = arith.constant 0 : i32
        %dma_wait3A_480 = arith.constant 0 : i32
        %dma_wait3A_481 = tpu.memref_slice %arg4[%add3A_93, %dma_wait3A_479, %dma_wait3A_480] : memref<160x25x80xi32, #tpu.memory_space<hbm>> -> memref<1x25x80xi32, #tpu.memory_space<hbm>>
        %dma_wait3A_482 = tpu.memref_squeeze %dma_wait3A_481 : memref<1x25x80xi32, #tpu.memory_space<hbm>> -> memref<25x80xi32, #tpu.memory_space<hbm>>
        tpu.wait_dma2 semaphore(%run_scoped3A_466 : memref<!tpu.dma_semaphore, #tpu.memory_space<semaphore_mem>>) src(%dma_wait3A_482 : memref<25x80xi32, #tpu.memory_space<hbm>>) dst(%arg8 : memref<25x80xi32, #tpu.memory_space<vmem>>)
        tpu.yield
      }) : () -> ()
      %dma_start3A = arith.constant 0 : i32
      %dma_start3A_94 = arith.constant 0 : i32
      %dma_start3A_95 = tpu.memref_slice %arg7[%dma_start3A, %dma_start3A_94] : memref<25x80xi32, #tpu.memory_space<vmem>> -> memref<1x80xi32, #tpu.memory_space<vmem>>
      %dma_start3A_96 = tpu.memref_squeeze %dma_start3A_95 : memref<1x80xi32, #tpu.memory_space<vmem>> -> memref<80xi32, #tpu.memory_space<vmem>>
      %dma_start3A_97 = arith.constant 0 : i32
      %dma_start3A_98 = arith.constant 0 : i32
      %dma_start3A_99 = tpu.memref_slice %arg2[%dma_start3A_97, %dma_start3A_98] : memref<10000x128xf32, #tpu.memory_space<hbm>> -> memref<10000x128xf32, #tpu.memory_space<hbm>>
      tpu.enqueue_indirect_dma source(%dma_start3A_99 : memref<10000x128xf32, #tpu.memory_space<hbm>>) target(%arg10 : memref<80x128xf32, #tpu.memory_space<vmem>>) offsets(%dma_start3A_96 : memref<80xi32, #tpu.memory_space<vmem>>) semaphore(%arg13 : memref<!tpu.dma_semaphore, #tpu.memory_space<semaphore_mem>>)
      %dma_start3A_100 = arith.constant 1 : i32
      %dma_start3A_101 = arith.constant 0 : i32
      %dma_start3A_102 = tpu.memref_slice %arg7[%dma_start3A_100, %dma_start3A_101] : memref<25x80xi32, #tpu.memory_space<vmem>> -> memref<1x80xi32, #tpu.memory_space<vmem>>
      %dma_start3A_103 = tpu.memref_squeeze %dma_start3A_102 : memref<1x80xi32, #tpu.memory_space<vmem>> -> memref<80xi32, #tpu.memory_space<vmem>>
      %dma_start3A_104 = arith.constant 0 : i32
      %dma_start3A_105 = arith.constant 0 : i32
      %dma_start3A_106 = tpu.memref_slice %arg2[%dma_start3A_104, %dma_start3A_105] : memref<10000x128xf32, #tpu.memory_space<hbm>> -> memref<10000x128xf32, #tpu.memory_space<hbm>>
      tpu.enqueue_indirect_dma source(%dma_start3A_106 : memref<10000x128xf32, #tpu.memory_space<hbm>>) target(%arg11 : memref<80x128xf32, #tpu.memory_space<vmem>>) offsets(%dma_start3A_103 : memref<80xi32, #tpu.memory_space<vmem>>) semaphore(%arg14 : memref<!tpu.dma_semaphore, #tpu.memory_space<semaphore_mem>>)
      %dma_wait3A = arith.constant 0 : i32
      %dma_wait3A_107 = arith.constant 0 : i32
      %dma_wait3A_108 = tpu.memref_slice %arg7[%dma_wait3A, %dma_wait3A_107] : memref<25x80xi32, #tpu.memory_space<vmem>> -> memref<1x80xi32, #tpu.memory_space<vmem>>
      %dma_wait3A_109 = tpu.memref_squeeze %dma_wait3A_108 : memref<1x80xi32, #tpu.memory_space<vmem>> -> memref<80xi32, #tpu.memory_space<vmem>>
      %dma_wait3A_110 = arith.constant 0 : i32
      %dma_wait3A_111 = arith.constant 0 : i32
      %dma_wait3A_112 = tpu.memref_slice %arg2[%dma_wait3A_110, %dma_wait3A_111] : memref<10000x128xf32, #tpu.memory_space<hbm>> -> memref<10000x128xf32, #tpu.memory_space<hbm>>
      tpu.wait_indirect_dma semaphore(%arg13 : memref<!tpu.dma_semaphore, #tpu.memory_space<semaphore_mem>>) src(%dma_wait3A_112 : memref<10000x128xf32, #tpu.memory_space<hbm>>) dst(%arg10 : memref<80x128xf32, #tpu.memory_space<vmem>>)
      %run_scoped3A = arith.constant 0 : i32
      "tpu.region"() ({
        %run_scoped3A_466 = tpu.sem_alloc : memref<!tpu.dma_semaphore, #tpu.memory_space<semaphore_mem>>
        %dma_start3A_467 = arith.constant 0 : i32
        %dma_start3A_468 = tpu.memref_slice %arg8[%run_scoped3A, %dma_start3A_467] : memref<25x80xi32, #tpu.memory_space<vmem>> -> memref<1x80xi32, #tpu.memory_space<vmem>>
        %dma_start3A_469 = tpu.memref_squeeze %dma_start3A_468 : memref<1x80xi32, #tpu.memory_space<vmem>> -> memref<80xi32, #tpu.memory_space<vmem>>
        %dma_start3A_470 = arith.constant 0 : i32
        %dma_start3A_471 = arith.constant 0 : i32
        %dma_start3A_472 = tpu.memref_slice %arg12[%dma_start3A_470, %dma_start3A_471] : memref<10000x128xf32, #tpu.memory_space<vmem_shared>> -> memref<10000x128xf32, #tpu.memory_space<vmem_shared>>
        tpu.enqueue_indirect_dma source(%arg10 : memref<80x128xf32, #tpu.memory_space<vmem>>) target(%dma_start3A_472 : memref<10000x128xf32, #tpu.memory_space<vmem_shared>>) offsets(%dma_start3A_469 : memref<80xi32, #tpu.memory_space<vmem>>) semaphore(%run_scoped3A_466 : memref<!tpu.dma_semaphore, #tpu.memory_space<semaphore_mem>>) {add = true}
        %dma_wait3A_473 = arith.constant 0 : i32
        %dma_wait3A_474 = tpu.memref_slice %arg8[%run_scoped3A, %dma_wait3A_473] : memref<25x80xi32, #tpu.memory_space<vmem>> -> memref<1x80xi32, #tpu.memory_space<vmem>>
        %dma_wait3A_475 = tpu.memref_squeeze %dma_wait3A_474 : memref<1x80xi32, #tpu.memory_space<vmem>> -> memref<80xi32, #tpu.memory_space<vmem>>
        %dma_wait3A_476 = arith.constant 0 : i32
        %dma_wait3A_477 = arith.constant 0 : i32
        %dma_wait3A_478 = tpu.memref_slice %arg12[%dma_wait3A_476, %dma_wait3A_477] : memref<10000x128xf32, #tpu.memory_space<vmem_shared>> -> memref<10000x128xf32, #tpu.memory_space<vmem_shared>>
        tpu.wait_indirect_dma semaphore(%run_scoped3A_466 : memref<!tpu.dma_semaphore, #tpu.memory_space<semaphore_mem>>) src(%arg10 : memref<80x128xf32, #tpu.memory_space<vmem>>) dst(%dma_wait3A_478 : memref<10000x128xf32, #tpu.memory_space<vmem_shared>>)
        tpu.yield
      }) : () -> ()
      %dma_start3A_113 = arith.constant 2 : i32
      %dma_start3A_114 = arith.constant 0 : i32
      %dma_start3A_115 = tpu.memref_slice %arg7[%dma_start3A_113, %dma_start3A_114] : memref<25x80xi32, #tpu.memory_space<vmem>> -> memref<1x80xi32, #tpu.memory_space<vmem>>
      %dma_start3A_116 = tpu.memref_squeeze %dma_start3A_115 : memref<1x80xi32, #tpu.memory_space<vmem>> -> memref<80xi32, #tpu.memory_space<vmem>>
      %dma_start3A_117 = arith.constant 0 : i32
      %dma_start3A_118 = arith.constant 0 : i32
      %dma_start3A_119 = tpu.memref_slice %arg2[%dma_start3A_117, %dma_start3A_118] : memref<10000x128xf32, #tpu.memory_space<hbm>> -> memref<10000x128xf32, #tpu.memory_space<hbm>>
      tpu.enqueue_indirect_dma source(%dma_start3A_119 : memref<10000x128xf32, #tpu.memory_space<hbm>>) target(%arg10 : memref<80x128xf32, #tpu.memory_space<vmem>>) offsets(%dma_start3A_116 : memref<80xi32, #tpu.memory_space<vmem>>) semaphore(%arg13 : memref<!tpu.dma_semaphore, #tpu.memory_space<semaphore_mem>>)
      %dma_wait3A_120 = arith.constant 1 : i32
      %dma_wait3A_121 = arith.constant 0 : i32
      %dma_wait3A_122 = tpu.memref_slice %arg7[%dma_wait3A_120, %dma_wait3A_121] : memref<25x80xi32, #tpu.memory_space<vmem>> -> memref<1x80xi32, #tpu.memory_space<vmem>>
      %dma_wait3A_123 = tpu.memref_squeeze %dma_wait3A_122 : memref<1x80xi32, #tpu.memory_space<vmem>> -> memref<80xi32, #tpu.memory_space<vmem>>
      %dma_wait3A_124 = arith.constant 0 : i32
      %dma_wait3A_125 = arith.constant 0 : i32
      %dma_wait3A_126 = tpu.memref_slice %arg2[%dma_wait3A_124, %dma_wait3A_125] : memref<10000x128xf32, #tpu.memory_space<hbm>> -> memref<10000x128xf32, #tpu.memory_space<hbm>>
      tpu.wait_indirect_dma semaphore(%arg14 : memref<!tpu.dma_semaphore, #tpu.memory_space<semaphore_mem>>) src(%dma_wait3A_126 : memref<10000x128xf32, #tpu.memory_space<hbm>>) dst(%arg11 : memref<80x128xf32, #tpu.memory_space<vmem>>)
      %run_scoped3A_127 = arith.constant 1 : i32
      "tpu.region"() ({
        %run_scoped3A_466 = tpu.sem_alloc : memref<!tpu.dma_semaphore, #tpu.memory_space<semaphore_mem>>
        %dma_start3A_467 = arith.constant 0 : i32
        %dma_start3A_468 = tpu.memref_slice %arg8[%run_scoped3A_127, %dma_start3A_467] : memref<25x80xi32, #tpu.memory_space<vmem>> -> memref<1x80xi32, #tpu.memory_space<vmem>>
        %dma_start3A_469 = tpu.memref_squeeze %dma_start3A_468 : memref<1x80xi32, #tpu.memory_space<vmem>> -> memref<80xi32, #tpu.memory_space<vmem>>
        %dma_start3A_470 = arith.constant 0 : i32
        %dma_start3A_471 = arith.constant 0 : i32
        %dma_start3A_472 = tpu.memref_slice %arg12[%dma_start3A_470, %dma_start3A_471] : memref<10000x128xf32, #tpu.memory_space<vmem_shared>> -> memref<10000x128xf32, #tpu.memory_space<vmem_shared>>
        tpu.enqueue_indirect_dma source(%arg11 : memref<80x128xf32, #tpu.memory_space<vmem>>) target(%dma_start3A_472 : memref<10000x128xf32, #tpu.memory_space<vmem_shared>>) offsets(%dma_start3A_469 : memref<80xi32, #tpu.memory_space<vmem>>) semaphore(%run_scoped3A_466 : memref<!tpu.dma_semaphore, #tpu.memory_space<semaphore_mem>>) {add = true}
        %dma_wait3A_473 = arith.constant 0 : i32
        %dma_wait3A_474 = tpu.memref_slice %arg8[%run_scoped3A_127, %dma_wait3A_473] : memref<25x80xi32, #tpu.memory_space<vmem>> -> memref<1x80xi32, #tpu.memory_space<vmem>>
        %dma_wait3A_475 = tpu.memref_squeeze %dma_wait3A_474 : memref<1x80xi32, #tpu.memory_space<vmem>> -> memref<80xi32, #tpu.memory_space<vmem>>
        %dma_wait3A_476 = arith.constant 0 : i32
        %dma_wait3A_477 = arith.constant 0 : i32
        %dma_wait3A_478 = tpu.memref_slice %arg12[%dma_wait3A_476, %dma_wait3A_477] : memref<10000x128xf32, #tpu.memory_space<vmem_shared>> -> memref<10000x128xf32, #tpu.memory_space<vmem_shared>>
        tpu.wait_indirect_dma semaphore(%run_scoped3A_466 : memref<!tpu.dma_semaphore, #tpu.memory_space<semaphore_mem>>) src(%arg11 : memref<80x128xf32, #tpu.memory_space<vmem>>) dst(%dma_wait3A_478 : memref<10000x128xf32, #tpu.memory_space<vmem_shared>>)
        tpu.yield
      }) : () -> ()
      %dma_start3A_128 = arith.constant 3 : i32
      %dma_start3A_129 = arith.constant 0 : i32
      %dma_start3A_130 = tpu.memref_slice %arg7[%dma_start3A_128, %dma_start3A_129] : memref<25x80xi32, #tpu.memory_space<vmem>> -> memref<1x80xi32, #tpu.memory_space<vmem>>
      %dma_start3A_131 = tpu.memref_squeeze %dma_start3A_130 : memref<1x80xi32, #tpu.memory_space<vmem>> -> memref<80xi32, #tpu.memory_space<vmem>>
      %dma_start3A_132 = arith.constant 0 : i32
      %dma_start3A_133 = arith.constant 0 : i32
      %dma_start3A_134 = tpu.memref_slice %arg2[%dma_start3A_132, %dma_start3A_133] : memref<10000x128xf32, #tpu.memory_space<hbm>> -> memref<10000x128xf32, #tpu.memory_space<hbm>>
      tpu.enqueue_indirect_dma source(%dma_start3A_134 : memref<10000x128xf32, #tpu.memory_space<hbm>>) target(%arg11 : memref<80x128xf32, #tpu.memory_space<vmem>>) offsets(%dma_start3A_131 : memref<80xi32, #tpu.memory_space<vmem>>) semaphore(%arg14 : memref<!tpu.dma_semaphore, #tpu.memory_space<semaphore_mem>>)
      %dma_wait3A_135 = arith.constant 2 : i32
      %dma_wait3A_136 = arith.constant 0 : i32
      %dma_wait3A_137 = tpu.memref_slice %arg7[%dma_wait3A_135, %dma_wait3A_136] : memref<25x80xi32, #tpu.memory_space<vmem>> -> memref<1x80xi32, #tpu.memory_space<vmem>>
      %dma_wait3A_138 = tpu.memref_squeeze %dma_wait3A_137 : memref<1x80xi32, #tpu.memory_space<vmem>> -> memref<80xi32, #tpu.memory_space<vmem>>
      %dma_wait3A_139 = arith.constant 0 : i32
      %dma_wait3A_140 = arith.constant 0 : i32
      %dma_wait3A_141 = tpu.memref_slice %arg2[%dma_wait3A_139, %dma_wait3A_140] : memref<10000x128xf32, #tpu.memory_space<hbm>> -> memref<10000x128xf32, #tpu.memory_space<hbm>>
      tpu.wait_indirect_dma semaphore(%arg13 : memref<!tpu.dma_semaphore, #tpu.memory_space<semaphore_mem>>) src(%dma_wait3A_141 : memref<10000x128xf32, #tpu.memory_space<hbm>>) dst(%arg10 : memref<80x128xf32, #tpu.memory_space<vmem>>)
      %run_scoped3A_142 = arith.constant 2 : i32
      "tpu.region"() ({
        %run_scoped3A_466 = tpu.sem_alloc : memref<!tpu.dma_semaphore, #tpu.memory_space<semaphore_mem>>
        %dma_start3A_467 = arith.constant 0 : i32
        %dma_start3A_468 = tpu.memref_slice %arg8[%run_scoped3A_142, %dma_start3A_467] : memref<25x80xi32, #tpu.memory_space<vmem>> -> memref<1x80xi32, #tpu.memory_space<vmem>>
        %dma_start3A_469 = tpu.memref_squeeze %dma_start3A_468 : memref<1x80xi32, #tpu.memory_space<vmem>> -> memref<80xi32, #tpu.memory_space<vmem>>
        %dma_start3A_470 = arith.constant 0 : i32
        %dma_start3A_471 = arith.constant 0 : i32
        %dma_start3A_472 = tpu.memref_slice %arg12[%dma_start3A_470, %dma_start3A_471] : memref<10000x128xf32, #tpu.memory_space<vmem_shared>> -> memref<10000x128xf32, #tpu.memory_space<vmem_shared>>
        tpu.enqueue_indirect_dma source(%arg10 : memref<80x128xf32, #tpu.memory_space<vmem>>) target(%dma_start3A_472 : memref<10000x128xf32, #tpu.memory_space<vmem_shared>>) offsets(%dma_start3A_469 : memref<80xi32, #tpu.memory_space<vmem>>) semaphore(%run_scoped3A_466 : memref<!tpu.dma_semaphore, #tpu.memory_space<semaphore_mem>>) {add = true}
        %dma_wait3A_473 = arith.constant 0 : i32
        %dma_wait3A_474 = tpu.memref_slice %arg8[%run_scoped3A_142, %dma_wait3A_473] : memref<25x80xi32, #tpu.memory_space<vmem>> -> memref<1x80xi32, #tpu.memory_space<vmem>>
        %dma_wait3A_475 = tpu.memref_squeeze %dma_wait3A_474 : memref<1x80xi32, #tpu.memory_space<vmem>> -> memref<80xi32, #tpu.memory_space<vmem>>
        %dma_wait3A_476 = arith.constant 0 : i32
        %dma_wait3A_477 = arith.constant 0 : i32
        %dma_wait3A_478 = tpu.memref_slice %arg12[%dma_wait3A_476, %dma_wait3A_477] : memref<10000x128xf32, #tpu.memory_space<vmem_shared>> -> memref<10000x128xf32, #tpu.memory_space<vmem_shared>>
        tpu.wait_indirect_dma semaphore(%run_scoped3A_466 : memref<!tpu.dma_semaphore, #tpu.memory_space<semaphore_mem>>) src(%arg10 : memref<80x128xf32, #tpu.memory_space<vmem>>) dst(%dma_wait3A_478 : memref<10000x128xf32, #tpu.memory_space<vmem_shared>>)
        tpu.yield
      }) : () -> ()
      %dma_start3A_143 = arith.constant 4 : i32
      %dma_start3A_144 = arith.constant 0 : i32
      %dma_start3A_145 = tpu.memref_slice %arg7[%dma_start3A_143, %dma_start3A_144] : memref<25x80xi32, #tpu.memory_space<vmem>> -> memref<1x80xi32, #tpu.memory_space<vmem>>
      %dma_start3A_146 = tpu.memref_squeeze %dma_start3A_145 : memref<1x80xi32, #tpu.memory_space<vmem>> -> memref<80xi32, #tpu.memory_space<vmem>>
      %dma_start3A_147 = arith.constant 0 : i32
      %dma_start3A_148 = arith.constant 0 : i32
      %dma_start3A_149 = tpu.memref_slice %arg2[%dma_start3A_147, %dma_start3A_148] : memref<10000x128xf32, #tpu.memory_space<hbm>> -> memref<10000x128xf32, #tpu.memory_space<hbm>>
      tpu.enqueue_indirect_dma source(%dma_start3A_149 : memref<10000x128xf32, #tpu.memory_space<hbm>>) target(%arg10 : memref<80x128xf32, #tpu.memory_space<vmem>>) offsets(%dma_start3A_146 : memref<80xi32, #tpu.memory_space<vmem>>) semaphore(%arg13 : memref<!tpu.dma_semaphore, #tpu.memory_space<semaphore_mem>>)
      %dma_wait3A_150 = arith.constant 3 : i32
      %dma_wait3A_151 = arith.constant 0 : i32
      %dma_wait3A_152 = tpu.memref_slice %arg7[%dma_wait3A_150, %dma_wait3A_151] : memref<25x80xi32, #tpu.memory_space<vmem>> -> memref<1x80xi32, #tpu.memory_space<vmem>>
      %dma_wait3A_153 = tpu.memref_squeeze %dma_wait3A_152 : memref<1x80xi32, #tpu.memory_space<vmem>> -> memref<80xi32, #tpu.memory_space<vmem>>
      %dma_wait3A_154 = arith.constant 0 : i32
      %dma_wait3A_155 = arith.constant 0 : i32
      %dma_wait3A_156 = tpu.memref_slice %arg2[%dma_wait3A_154, %dma_wait3A_155] : memref<10000x128xf32, #tpu.memory_space<hbm>> -> memref<10000x128xf32, #tpu.memory_space<hbm>>
      tpu.wait_indirect_dma semaphore(%arg14 : memref<!tpu.dma_semaphore, #tpu.memory_space<semaphore_mem>>) src(%dma_wait3A_156 : memref<10000x128xf32, #tpu.memory_space<hbm>>) dst(%arg11 : memref<80x128xf32, #tpu.memory_space<vmem>>)
      %run_scoped3A_157 = arith.constant 3 : i32
      "tpu.region"() ({
        %run_scoped3A_466 = tpu.sem_alloc : memref<!tpu.dma_semaphore, #tpu.memory_space<semaphore_mem>>
        %dma_start3A_467 = arith.constant 0 : i32
        %dma_start3A_468 = tpu.memref_slice %arg8[%run_scoped3A_157, %dma_start3A_467] : memref<25x80xi32, #tpu.memory_space<vmem>> -> memref<1x80xi32, #tpu.memory_space<vmem>>
        %dma_start3A_469 = tpu.memref_squeeze %dma_start3A_468 : memref<1x80xi32, #tpu.memory_space<vmem>> -> memref<80xi32, #tpu.memory_space<vmem>>
        %dma_start3A_470 = arith.constant 0 : i32
        %dma_start3A_471 = arith.constant 0 : i32
        %dma_start3A_472 = tpu.memref_slice %arg12[%dma_start3A_470, %dma_start3A_471] : memref<10000x128xf32, #tpu.memory_space<vmem_shared>> -> memref<10000x128xf32, #tpu.memory_space<vmem_shared>>
        tpu.enqueue_indirect_dma source(%arg11 : memref<80x128xf32, #tpu.memory_space<vmem>>) target(%dma_start3A_472 : memref<10000x128xf32, #tpu.memory_space<vmem_shared>>) offsets(%dma_start3A_469 : memref<80xi32, #tpu.memory_space<vmem>>) semaphore(%run_scoped3A_466 : memref<!tpu.dma_semaphore, #tpu.memory_space<semaphore_mem>>) {add = true}
        %dma_wait3A_473 = arith.constant 0 : i32
        %dma_wait3A_474 = tpu.memref_slice %arg8[%run_scoped3A_157, %dma_wait3A_473] : memref<25x80xi32, #tpu.memory_space<vmem>> -> memref<1x80xi32, #tpu.memory_space<vmem>>
        %dma_wait3A_475 = tpu.memref_squeeze %dma_wait3A_474 : memref<1x80xi32, #tpu.memory_space<vmem>> -> memref<80xi32, #tpu.memory_space<vmem>>
        %dma_wait3A_476 = arith.constant 0 : i32
        %dma_wait3A_477 = arith.constant 0 : i32
        %dma_wait3A_478 = tpu.memref_slice %arg12[%dma_wait3A_476, %dma_wait3A_477] : memref<10000x128xf32, #tpu.memory_space<vmem_shared>> -> memref<10000x128xf32, #tpu.memory_space<vmem_shared>>
        tpu.wait_indirect_dma semaphore(%run_scoped3A_466 : memref<!tpu.dma_semaphore, #tpu.memory_space<semaphore_mem>>) src(%arg11 : memref<80x128xf32, #tpu.memory_space<vmem>>) dst(%dma_wait3A_478 : memref<10000x128xf32, #tpu.memory_space<vmem_shared>>)
        tpu.yield
      }) : () -> ()
      %dma_start3A_158 = arith.constant 5 : i32
      %dma_start3A_159 = arith.constant 0 : i32
      %dma_start3A_160 = tpu.memref_slice %arg7[%dma_start3A_158, %dma_start3A_159] : memref<25x80xi32, #tpu.memory_space<vmem>> -> memref<1x80xi32, #tpu.memory_space<vmem>>
      %dma_start3A_161 = tpu.memref_squeeze %dma_start3A_160 : memref<1x80xi32, #tpu.memory_space<vmem>> -> memref<80xi32, #tpu.memory_space<vmem>>
      %dma_start3A_162 = arith.constant 0 : i32
      %dma_start3A_163 = arith.constant 0 : i32
      %dma_start3A_164 = tpu.memref_slice %arg2[%dma_start3A_162, %dma_start3A_163] : memref<10000x128xf32, #tpu.memory_space<hbm>> -> memref<10000x128xf32, #tpu.memory_space<hbm>>
      tpu.enqueue_indirect_dma source(%dma_start3A_164 : memref<10000x128xf32, #tpu.memory_space<hbm>>) target(%arg11 : memref<80x128xf32, #tpu.memory_space<vmem>>) offsets(%dma_start3A_161 : memref<80xi32, #tpu.memory_space<vmem>>) semaphore(%arg14 : memref<!tpu.dma_semaphore, #tpu.memory_space<semaphore_mem>>)
      %dma_wait3A_165 = arith.constant 4 : i32
      %dma_wait3A_166 = arith.constant 0 : i32
      %dma_wait3A_167 = tpu.memref_slice %arg7[%dma_wait3A_165, %dma_wait3A_166] : memref<25x80xi32, #tpu.memory_space<vmem>> -> memref<1x80xi32, #tpu.memory_space<vmem>>
      %dma_wait3A_168 = tpu.memref_squeeze %dma_wait3A_167 : memref<1x80xi32, #tpu.memory_space<vmem>> -> memref<80xi32, #tpu.memory_space<vmem>>
      %dma_wait3A_169 = arith.constant 0 : i32
      %dma_wait3A_170 = arith.constant 0 : i32
      %dma_wait3A_171 = tpu.memref_slice %arg2[%dma_wait3A_169, %dma_wait3A_170] : memref<10000x128xf32, #tpu.memory_space<hbm>> -> memref<10000x128xf32, #tpu.memory_space<hbm>>
      tpu.wait_indirect_dma semaphore(%arg13 : memref<!tpu.dma_semaphore, #tpu.memory_space<semaphore_mem>>) src(%dma_wait3A_171 : memref<10000x128xf32, #tpu.memory_space<hbm>>) dst(%arg10 : memref<80x128xf32, #tpu.memory_space<vmem>>)
      %run_scoped3A_172 = arith.constant 4 : i32
      "tpu.region"() ({
        %run_scoped3A_466 = tpu.sem_alloc : memref<!tpu.dma_semaphore, #tpu.memory_space<semaphore_mem>>
        %dma_start3A_467 = arith.constant 0 : i32
        %dma_start3A_468 = tpu.memref_slice %arg8[%run_scoped3A_172, %dma_start3A_467] : memref<25x80xi32, #tpu.memory_space<vmem>> -> memref<1x80xi32, #tpu.memory_space<vmem>>
        %dma_start3A_469 = tpu.memref_squeeze %dma_start3A_468 : memref<1x80xi32, #tpu.memory_space<vmem>> -> memref<80xi32, #tpu.memory_space<vmem>>
        %dma_start3A_470 = arith.constant 0 : i32
        %dma_start3A_471 = arith.constant 0 : i32
        %dma_start3A_472 = tpu.memref_slice %arg12[%dma_start3A_470, %dma_start3A_471] : memref<10000x128xf32, #tpu.memory_space<vmem_shared>> -> memref<10000x128xf32, #tpu.memory_space<vmem_shared>>
        tpu.enqueue_indirect_dma source(%arg10 : memref<80x128xf32, #tpu.memory_space<vmem>>) target(%dma_start3A_472 : memref<10000x128xf32, #tpu.memory_space<vmem_shared>>) offsets(%dma_start3A_469 : memref<80xi32, #tpu.memory_space<vmem>>) semaphore(%run_scoped3A_466 : memref<!tpu.dma_semaphore, #tpu.memory_space<semaphore_mem>>) {add = true}
        %dma_wait3A_473 = arith.constant 0 : i32
        %dma_wait3A_474 = tpu.memref_slice %arg8[%run_scoped3A_172, %dma_wait3A_473] : memref<25x80xi32, #tpu.memory_space<vmem>> -> memref<1x80xi32, #tpu.memory_space<vmem>>
        %dma_wait3A_475 = tpu.memref_squeeze %dma_wait3A_474 : memref<1x80xi32, #tpu.memory_space<vmem>> -> memref<80xi32, #tpu.memory_space<vmem>>
        %dma_wait3A_476 = arith.constant 0 : i32
        %dma_wait3A_477 = arith.constant 0 : i32
        %dma_wait3A_478 = tpu.memref_slice %arg12[%dma_wait3A_476, %dma_wait3A_477] : memref<10000x128xf32, #tpu.memory_space<vmem_shared>> -> memref<10000x128xf32, #tpu.memory_space<vmem_shared>>
        tpu.wait_indirect_dma semaphore(%run_scoped3A_466 : memref<!tpu.dma_semaphore, #tpu.memory_space<semaphore_mem>>) src(%arg10 : memref<80x128xf32, #tpu.memory_space<vmem>>) dst(%dma_wait3A_478 : memref<10000x128xf32, #tpu.memory_space<vmem_shared>>)
        tpu.yield
      }) : () -> ()
      %dma_start3A_173 = arith.constant 6 : i32
      %dma_start3A_174 = arith.constant 0 : i32
      %dma_start3A_175 = tpu.memref_slice %arg7[%dma_start3A_173, %dma_start3A_174] : memref<25x80xi32, #tpu.memory_space<vmem>> -> memref<1x80xi32, #tpu.memory_space<vmem>>
      %dma_start3A_176 = tpu.memref_squeeze %dma_start3A_175 : memref<1x80xi32, #tpu.memory_space<vmem>> -> memref<80xi32, #tpu.memory_space<vmem>>
      %dma_start3A_177 = arith.constant 0 : i32
      %dma_start3A_178 = arith.constant 0 : i32
      %dma_start3A_179 = tpu.memref_slice %arg2[%dma_start3A_177, %dma_start3A_178] : memref<10000x128xf32, #tpu.memory_space<hbm>> -> memref<10000x128xf32, #tpu.memory_space<hbm>>
      tpu.enqueue_indirect_dma source(%dma_start3A_179 : memref<10000x128xf32, #tpu.memory_space<hbm>>) target(%arg10 : memref<80x128xf32, #tpu.memory_space<vmem>>) offsets(%dma_start3A_176 : memref<80xi32, #tpu.memory_space<vmem>>) semaphore(%arg13 : memref<!tpu.dma_semaphore, #tpu.memory_space<semaphore_mem>>)
      %dma_wait3A_180 = arith.constant 5 : i32
      %dma_wait3A_181 = arith.constant 0 : i32
      %dma_wait3A_182 = tpu.memref_slice %arg7[%dma_wait3A_180, %dma_wait3A_181] : memref<25x80xi32, #tpu.memory_space<vmem>> -> memref<1x80xi32, #tpu.memory_space<vmem>>
      %dma_wait3A_183 = tpu.memref_squeeze %dma_wait3A_182 : memref<1x80xi32, #tpu.memory_space<vmem>> -> memref<80xi32, #tpu.memory_space<vmem>>
      %dma_wait3A_184 = arith.constant 0 : i32
      %dma_wait3A_185 = arith.constant 0 : i32
      %dma_wait3A_186 = tpu.memref_slice %arg2[%dma_wait3A_184, %dma_wait3A_185] : memref<10000x128xf32, #tpu.memory_space<hbm>> -> memref<10000x128xf32, #tpu.memory_space<hbm>>
      tpu.wait_indirect_dma semaphore(%arg14 : memref<!tpu.dma_semaphore, #tpu.memory_space<semaphore_mem>>) src(%dma_wait3A_186 : memref<10000x128xf32, #tpu.memory_space<hbm>>) dst(%arg11 : memref<80x128xf32, #tpu.memory_space<vmem>>)
      %run_scoped3A_187 = arith.constant 5 : i32
      "tpu.region"() ({
        %run_scoped3A_466 = tpu.sem_alloc : memref<!tpu.dma_semaphore, #tpu.memory_space<semaphore_mem>>
        %dma_start3A_467 = arith.constant 0 : i32
        %dma_start3A_468 = tpu.memref_slice %arg8[%run_scoped3A_187, %dma_start3A_467] : memref<25x80xi32, #tpu.memory_space<vmem>> -> memref<1x80xi32, #tpu.memory_space<vmem>>
        %dma_start3A_469 = tpu.memref_squeeze %dma_start3A_468 : memref<1x80xi32, #tpu.memory_space<vmem>> -> memref<80xi32, #tpu.memory_space<vmem>>
        %dma_start3A_470 = arith.constant 0 : i32
        %dma_start3A_471 = arith.constant 0 : i32
        %dma_start3A_472 = tpu.memref_slice %arg12[%dma_start3A_470, %dma_start3A_471] : memref<10000x128xf32, #tpu.memory_space<vmem_shared>> -> memref<10000x128xf32, #tpu.memory_space<vmem_shared>>
        tpu.enqueue_indirect_dma source(%arg11 : memref<80x128xf32, #tpu.memory_space<vmem>>) target(%dma_start3A_472 : memref<10000x128xf32, #tpu.memory_space<vmem_shared>>) offsets(%dma_start3A_469 : memref<80xi32, #tpu.memory_space<vmem>>) semaphore(%run_scoped3A_466 : memref<!tpu.dma_semaphore, #tpu.memory_space<semaphore_mem>>) {add = true}
        %dma_wait3A_473 = arith.constant 0 : i32
        %dma_wait3A_474 = tpu.memref_slice %arg8[%run_scoped3A_187, %dma_wait3A_473] : memref<25x80xi32, #tpu.memory_space<vmem>> -> memref<1x80xi32, #tpu.memory_space<vmem>>
        %dma_wait3A_475 = tpu.memref_squeeze %dma_wait3A_474 : memref<1x80xi32, #tpu.memory_space<vmem>> -> memref<80xi32, #tpu.memory_space<vmem>>
        %dma_wait3A_476 = arith.constant 0 : i32
        %dma_wait3A_477 = arith.constant 0 : i32
        %dma_wait3A_478 = tpu.memref_slice %arg12[%dma_wait3A_476, %dma_wait3A_477] : memref<10000x128xf32, #tpu.memory_space<vmem_shared>> -> memref<10000x128xf32, #tpu.memory_space<vmem_shared>>
        tpu.wait_indirect_dma semaphore(%run_scoped3A_466 : memref<!tpu.dma_semaphore, #tpu.memory_space<semaphore_mem>>) src(%arg11 : memref<80x128xf32, #tpu.memory_space<vmem>>) dst(%dma_wait3A_478 : memref<10000x128xf32, #tpu.memory_space<vmem_shared>>)
        tpu.yield
      }) : () -> ()
      %dma_start3A_188 = arith.constant 7 : i32
      %dma_start3A_189 = arith.constant 0 : i32
      %dma_start3A_190 = tpu.memref_slice %arg7[%dma_start3A_188, %dma_start3A_189] : memref<25x80xi32, #tpu.memory_space<vmem>> -> memref<1x80xi32, #tpu.memory_space<vmem>>
      %dma_start3A_191 = tpu.memref_squeeze %dma_start3A_190 : memref<1x80xi32, #tpu.memory_space<vmem>> -> memref<80xi32, #tpu.memory_space<vmem>>
      %dma_start3A_192 = arith.constant 0 : i32
      %dma_start3A_193 = arith.constant 0 : i32
      %dma_start3A_194 = tpu.memref_slice %arg2[%dma_start3A_192, %dma_start3A_193] : memref<10000x128xf32, #tpu.memory_space<hbm>> -> memref<10000x128xf32, #tpu.memory_space<hbm>>
      tpu.enqueue_indirect_dma source(%dma_start3A_194 : memref<10000x128xf32, #tpu.memory_space<hbm>>) target(%arg11 : memref<80x128xf32, #tpu.memory_space<vmem>>) offsets(%dma_start3A_191 : memref<80xi32, #tpu.memory_space<vmem>>) semaphore(%arg14 : memref<!tpu.dma_semaphore, #tpu.memory_space<semaphore_mem>>)
      %dma_wait3A_195 = arith.constant 6 : i32
      %dma_wait3A_196 = arith.constant 0 : i32
      %dma_wait3A_197 = tpu.memref_slice %arg7[%dma_wait3A_195, %dma_wait3A_196] : memref<25x80xi32, #tpu.memory_space<vmem>> -> memref<1x80xi32, #tpu.memory_space<vmem>>
      %dma_wait3A_198 = tpu.memref_squeeze %dma_wait3A_197 : memref<1x80xi32, #tpu.memory_space<vmem>> -> memref<80xi32, #tpu.memory_space<vmem>>
      %dma_wait3A_199 = arith.constant 0 : i32
      %dma_wait3A_200 = arith.constant 0 : i32
      %dma_wait3A_201 = tpu.memref_slice %arg2[%dma_wait3A_199, %dma_wait3A_200] : memref<10000x128xf32, #tpu.memory_space<hbm>> -> memref<10000x128xf32, #tpu.memory_space<hbm>>
      tpu.wait_indirect_dma semaphore(%arg13 : memref<!tpu.dma_semaphore, #tpu.memory_space<semaphore_mem>>) src(%dma_wait3A_201 : memref<10000x128xf32, #tpu.memory_space<hbm>>) dst(%arg10 : memref<80x128xf32, #tpu.memory_space<vmem>>)
      %run_scoped3A_202 = arith.constant 6 : i32
      "tpu.region"() ({
        %run_scoped3A_466 = tpu.sem_alloc : memref<!tpu.dma_semaphore, #tpu.memory_space<semaphore_mem>>
        %dma_start3A_467 = arith.constant 0 : i32
        %dma_start3A_468 = tpu.memref_slice %arg8[%run_scoped3A_202, %dma_start3A_467] : memref<25x80xi32, #tpu.memory_space<vmem>> -> memref<1x80xi32, #tpu.memory_space<vmem>>
        %dma_start3A_469 = tpu.memref_squeeze %dma_start3A_468 : memref<1x80xi32, #tpu.memory_space<vmem>> -> memref<80xi32, #tpu.memory_space<vmem>>
        %dma_start3A_470 = arith.constant 0 : i32
        %dma_start3A_471 = arith.constant 0 : i32
        %dma_start3A_472 = tpu.memref_slice %arg12[%dma_start3A_470, %dma_start3A_471] : memref<10000x128xf32, #tpu.memory_space<vmem_shared>> -> memref<10000x128xf32, #tpu.memory_space<vmem_shared>>
        tpu.enqueue_indirect_dma source(%arg10 : memref<80x128xf32, #tpu.memory_space<vmem>>) target(%dma_start3A_472 : memref<10000x128xf32, #tpu.memory_space<vmem_shared>>) offsets(%dma_start3A_469 : memref<80xi32, #tpu.memory_space<vmem>>) semaphore(%run_scoped3A_466 : memref<!tpu.dma_semaphore, #tpu.memory_space<semaphore_mem>>) {add = true}
        %dma_wait3A_473 = arith.constant 0 : i32
        %dma_wait3A_474 = tpu.memref_slice %arg8[%run_scoped3A_202, %dma_wait3A_473] : memref<25x80xi32, #tpu.memory_space<vmem>> -> memref<1x80xi32, #tpu.memory_space<vmem>>
        %dma_wait3A_475 = tpu.memref_squeeze %dma_wait3A_474 : memref<1x80xi32, #tpu.memory_space<vmem>> -> memref<80xi32, #tpu.memory_space<vmem>>
        %dma_wait3A_476 = arith.constant 0 : i32
        %dma_wait3A_477 = arith.constant 0 : i32
        %dma_wait3A_478 = tpu.memref_slice %arg12[%dma_wait3A_476, %dma_wait3A_477] : memref<10000x128xf32, #tpu.memory_space<vmem_shared>> -> memref<10000x128xf32, #tpu.memory_space<vmem_shared>>
        tpu.wait_indirect_dma semaphore(%run_scoped3A_466 : memref<!tpu.dma_semaphore, #tpu.memory_space<semaphore_mem>>) src(%arg10 : memref<80x128xf32, #tpu.memory_space<vmem>>) dst(%dma_wait3A_478 : memref<10000x128xf32, #tpu.memory_space<vmem_shared>>)
        tpu.yield
      }) : () -> ()
      %dma_start3A_203 = arith.constant 8 : i32
      %dma_start3A_204 = arith.constant 0 : i32
      %dma_start3A_205 = tpu.memref_slice %arg7[%dma_start3A_203, %dma_start3A_204] : memref<25x80xi32, #tpu.memory_space<vmem>> -> memref<1x80xi32, #tpu.memory_space<vmem>>
      %dma_start3A_206 = tpu.memref_squeeze %dma_start3A_205 : memref<1x80xi32, #tpu.memory_space<vmem>> -> memref<80xi32, #tpu.memory_space<vmem>>
      %dma_start3A_207 = arith.constant 0 : i32
      %dma_start3A_208 = arith.constant 0 : i32
      %dma_start3A_209 = tpu.memref_slice %arg2[%dma_start3A_207, %dma_start3A_208] : memref<10000x128xf32, #tpu.memory_space<hbm>> -> memref<10000x128xf32, #tpu.memory_space<hbm>>
      tpu.enqueue_indirect_dma source(%dma_start3A_209 : memref<10000x128xf32, #tpu.memory_space<hbm>>) target(%arg10 : memref<80x128xf32, #tpu.memory_space<vmem>>) offsets(%dma_start3A_206 : memref<80xi32, #tpu.memory_space<vmem>>) semaphore(%arg13 : memref<!tpu.dma_semaphore, #tpu.memory_space<semaphore_mem>>)
      %dma_wait3A_210 = arith.constant 7 : i32
      %dma_wait3A_211 = arith.constant 0 : i32
      %dma_wait3A_212 = tpu.memref_slice %arg7[%dma_wait3A_210, %dma_wait3A_211] : memref<25x80xi32, #tpu.memory_space<vmem>> -> memref<1x80xi32, #tpu.memory_space<vmem>>
      %dma_wait3A_213 = tpu.memref_squeeze %dma_wait3A_212 : memref<1x80xi32, #tpu.memory_space<vmem>> -> memref<80xi32, #tpu.memory_space<vmem>>
      %dma_wait3A_214 = arith.constant 0 : i32
      %dma_wait3A_215 = arith.constant 0 : i32
      %dma_wait3A_216 = tpu.memref_slice %arg2[%dma_wait3A_214, %dma_wait3A_215] : memref<10000x128xf32, #tpu.memory_space<hbm>> -> memref<10000x128xf32, #tpu.memory_space<hbm>>
      tpu.wait_indirect_dma semaphore(%arg14 : memref<!tpu.dma_semaphore, #tpu.memory_space<semaphore_mem>>) src(%dma_wait3A_216 : memref<10000x128xf32, #tpu.memory_space<hbm>>) dst(%arg11 : memref<80x128xf32, #tpu.memory_space<vmem>>)
      %run_scoped3A_217 = arith.constant 7 : i32
      "tpu.region"() ({
        %run_scoped3A_466 = tpu.sem_alloc : memref<!tpu.dma_semaphore, #tpu.memory_space<semaphore_mem>>
        %dma_start3A_467 = arith.constant 0 : i32
        %dma_start3A_468 = tpu.memref_slice %arg8[%run_scoped3A_217, %dma_start3A_467] : memref<25x80xi32, #tpu.memory_space<vmem>> -> memref<1x80xi32, #tpu.memory_space<vmem>>
        %dma_start3A_469 = tpu.memref_squeeze %dma_start3A_468 : memref<1x80xi32, #tpu.memory_space<vmem>> -> memref<80xi32, #tpu.memory_space<vmem>>
        %dma_start3A_470 = arith.constant 0 : i32
        %dma_start3A_471 = arith.constant 0 : i32
        %dma_start3A_472 = tpu.memref_slice %arg12[%dma_start3A_470, %dma_start3A_471] : memref<10000x128xf32, #tpu.memory_space<vmem_shared>> -> memref<10000x128xf32, #tpu.memory_space<vmem_shared>>
        tpu.enqueue_indirect_dma source(%arg11 : memref<80x128xf32, #tpu.memory_space<vmem>>) target(%dma_start3A_472 : memref<10000x128xf32, #tpu.memory_space<vmem_shared>>) offsets(%dma_start3A_469 : memref<80xi32, #tpu.memory_space<vmem>>) semaphore(%run_scoped3A_466 : memref<!tpu.dma_semaphore, #tpu.memory_space<semaphore_mem>>) {add = true}
        %dma_wait3A_473 = arith.constant 0 : i32
        %dma_wait3A_474 = tpu.memref_slice %arg8[%run_scoped3A_217, %dma_wait3A_473] : memref<25x80xi32, #tpu.memory_space<vmem>> -> memref<1x80xi32, #tpu.memory_space<vmem>>
        %dma_wait3A_475 = tpu.memref_squeeze %dma_wait3A_474 : memref<1x80xi32, #tpu.memory_space<vmem>> -> memref<80xi32, #tpu.memory_space<vmem>>
        %dma_wait3A_476 = arith.constant 0 : i32
        %dma_wait3A_477 = arith.constant 0 : i32
        %dma_wait3A_478 = tpu.memref_slice %arg12[%dma_wait3A_476, %dma_wait3A_477] : memref<10000x128xf32, #tpu.memory_space<vmem_shared>> -> memref<10000x128xf32, #tpu.memory_space<vmem_shared>>
        tpu.wait_indirect_dma semaphore(%run_scoped3A_466 : memref<!tpu.dma_semaphore, #tpu.memory_space<semaphore_mem>>) src(%arg11 : memref<80x128xf32, #tpu.memory_space<vmem>>) dst(%dma_wait3A_478 : memref<10000x128xf32, #tpu.memory_space<vmem_shared>>)
        tpu.yield
      }) : () -> ()
      %dma_start3A_218 = arith.constant 9 : i32
      %dma_start3A_219 = arith.constant 0 : i32
      %dma_start3A_220 = tpu.memref_slice %arg7[%dma_start3A_218, %dma_start3A_219] : memref<25x80xi32, #tpu.memory_space<vmem>> -> memref<1x80xi32, #tpu.memory_space<vmem>>
      %dma_start3A_221 = tpu.memref_squeeze %dma_start3A_220 : memref<1x80xi32, #tpu.memory_space<vmem>> -> memref<80xi32, #tpu.memory_space<vmem>>
      %dma_start3A_222 = arith.constant 0 : i32
      %dma_start3A_223 = arith.constant 0 : i32
      %dma_start3A_224 = tpu.memref_slice %arg2[%dma_start3A_222, %dma_start3A_223] : memref<10000x128xf32, #tpu.memory_space<hbm>> -> memref<10000x128xf32, #tpu.memory_space<hbm>>
      tpu.enqueue_indirect_dma source(%dma_start3A_224 : memref<10000x128xf32, #tpu.memory_space<hbm>>) target(%arg11 : memref<80x128xf32, #tpu.memory_space<vmem>>) offsets(%dma_start3A_221 : memref<80xi32, #tpu.memory_space<vmem>>) semaphore(%arg14 : memref<!tpu.dma_semaphore, #tpu.memory_space<semaphore_mem>>)
      %dma_wait3A_225 = arith.constant 8 : i32
      %dma_wait3A_226 = arith.constant 0 : i32
      %dma_wait3A_227 = tpu.memref_slice %arg7[%dma_wait3A_225, %dma_wait3A_226] : memref<25x80xi32, #tpu.memory_space<vmem>> -> memref<1x80xi32, #tpu.memory_space<vmem>>
      %dma_wait3A_228 = tpu.memref_squeeze %dma_wait3A_227 : memref<1x80xi32, #tpu.memory_space<vmem>> -> memref<80xi32, #tpu.memory_space<vmem>>
      %dma_wait3A_229 = arith.constant 0 : i32
      %dma_wait3A_230 = arith.constant 0 : i32
      %dma_wait3A_231 = tpu.memref_slice %arg2[%dma_wait3A_229, %dma_wait3A_230] : memref<10000x128xf32, #tpu.memory_space<hbm>> -> memref<10000x128xf32, #tpu.memory_space<hbm>>
      tpu.wait_indirect_dma semaphore(%arg13 : memref<!tpu.dma_semaphore, #tpu.memory_space<semaphore_mem>>) src(%dma_wait3A_231 : memref<10000x128xf32, #tpu.memory_space<hbm>>) dst(%arg10 : memref<80x128xf32, #tpu.memory_space<vmem>>)
      %run_scoped3A_232 = arith.constant 8 : i32
      "tpu.region"() ({
        %run_scoped3A_466 = tpu.sem_alloc : memref<!tpu.dma_semaphore, #tpu.memory_space<semaphore_mem>>
        %dma_start3A_467 = arith.constant 0 : i32
        %dma_start3A_468 = tpu.memref_slice %arg8[%run_scoped3A_232, %dma_start3A_467] : memref<25x80xi32, #tpu.memory_space<vmem>> -> memref<1x80xi32, #tpu.memory_space<vmem>>
        %dma_start3A_469 = tpu.memref_squeeze %dma_start3A_468 : memref<1x80xi32, #tpu.memory_space<vmem>> -> memref<80xi32, #tpu.memory_space<vmem>>
        %dma_start3A_470 = arith.constant 0 : i32
        %dma_start3A_471 = arith.constant 0 : i32
        %dma_start3A_472 = tpu.memref_slice %arg12[%dma_start3A_470, %dma_start3A_471] : memref<10000x128xf32, #tpu.memory_space<vmem_shared>> -> memref<10000x128xf32, #tpu.memory_space<vmem_shared>>
        tpu.enqueue_indirect_dma source(%arg10 : memref<80x128xf32, #tpu.memory_space<vmem>>) target(%dma_start3A_472 : memref<10000x128xf32, #tpu.memory_space<vmem_shared>>) offsets(%dma_start3A_469 : memref<80xi32, #tpu.memory_space<vmem>>) semaphore(%run_scoped3A_466 : memref<!tpu.dma_semaphore, #tpu.memory_space<semaphore_mem>>) {add = true}
        %dma_wait3A_473 = arith.constant 0 : i32
        %dma_wait3A_474 = tpu.memref_slice %arg8[%run_scoped3A_232, %dma_wait3A_473] : memref<25x80xi32, #tpu.memory_space<vmem>> -> memref<1x80xi32, #tpu.memory_space<vmem>>
        %dma_wait3A_475 = tpu.memref_squeeze %dma_wait3A_474 : memref<1x80xi32, #tpu.memory_space<vmem>> -> memref<80xi32, #tpu.memory_space<vmem>>
        %dma_wait3A_476 = arith.constant 0 : i32
        %dma_wait3A_477 = arith.constant 0 : i32
        %dma_wait3A_478 = tpu.memref_slice %arg12[%dma_wait3A_476, %dma_wait3A_477] : memref<10000x128xf32, #tpu.memory_space<vmem_shared>> -> memref<10000x128xf32, #tpu.memory_space<vmem_shared>>
        tpu.wait_indirect_dma semaphore(%run_scoped3A_466 : memref<!tpu.dma_semaphore, #tpu.memory_space<semaphore_mem>>) src(%arg10 : memref<80x128xf32, #tpu.memory_space<vmem>>) dst(%dma_wait3A_478 : memref<10000x128xf32, #tpu.memory_space<vmem_shared>>)
        tpu.yield
      }) : () -> ()
      %dma_start3A_233 = arith.constant 10 : i32
      %dma_start3A_234 = arith.constant 0 : i32
      %dma_start3A_235 = tpu.memref_slice %arg7[%dma_start3A_233, %dma_start3A_234] : memref<25x80xi32, #tpu.memory_space<vmem>> -> memref<1x80xi32, #tpu.memory_space<vmem>>
      %dma_start3A_236 = tpu.memref_squeeze %dma_start3A_235 : memref<1x80xi32, #tpu.memory_space<vmem>> -> memref<80xi32, #tpu.memory_space<vmem>>
      %dma_start3A_237 = arith.constant 0 : i32
      %dma_start3A_238 = arith.constant 0 : i32
      %dma_start3A_239 = tpu.memref_slice %arg2[%dma_start3A_237, %dma_start3A_238] : memref<10000x128xf32, #tpu.memory_space<hbm>> -> memref<10000x128xf32, #tpu.memory_space<hbm>>
      tpu.enqueue_indirect_dma source(%dma_start3A_239 : memref<10000x128xf32, #tpu.memory_space<hbm>>) target(%arg10 : memref<80x128xf32, #tpu.memory_space<vmem>>) offsets(%dma_start3A_236 : memref<80xi32, #tpu.memory_space<vmem>>) semaphore(%arg13 : memref<!tpu.dma_semaphore, #tpu.memory_space<semaphore_mem>>)
      %dma_wait3A_240 = arith.constant 9 : i32
      %dma_wait3A_241 = arith.constant 0 : i32
      %dma_wait3A_242 = tpu.memref_slice %arg7[%dma_wait3A_240, %dma_wait3A_241] : memref<25x80xi32, #tpu.memory_space<vmem>> -> memref<1x80xi32, #tpu.memory_space<vmem>>
      %dma_wait3A_243 = tpu.memref_squeeze %dma_wait3A_242 : memref<1x80xi32, #tpu.memory_space<vmem>> -> memref<80xi32, #tpu.memory_space<vmem>>
      %dma_wait3A_244 = arith.constant 0 : i32
      %dma_wait3A_245 = arith.constant 0 : i32
      %dma_wait3A_246 = tpu.memref_slice %arg2[%dma_wait3A_244, %dma_wait3A_245] : memref<10000x128xf32, #tpu.memory_space<hbm>> -> memref<10000x128xf32, #tpu.memory_space<hbm>>
      tpu.wait_indirect_dma semaphore(%arg14 : memref<!tpu.dma_semaphore, #tpu.memory_space<semaphore_mem>>) src(%dma_wait3A_246 : memref<10000x128xf32, #tpu.memory_space<hbm>>) dst(%arg11 : memref<80x128xf32, #tpu.memory_space<vmem>>)
      %run_scoped3A_247 = arith.constant 9 : i32
      "tpu.region"() ({
        %run_scoped3A_466 = tpu.sem_alloc : memref<!tpu.dma_semaphore, #tpu.memory_space<semaphore_mem>>
        %dma_start3A_467 = arith.constant 0 : i32
        %dma_start3A_468 = tpu.memref_slice %arg8[%run_scoped3A_247, %dma_start3A_467] : memref<25x80xi32, #tpu.memory_space<vmem>> -> memref<1x80xi32, #tpu.memory_space<vmem>>
        %dma_start3A_469 = tpu.memref_squeeze %dma_start3A_468 : memref<1x80xi32, #tpu.memory_space<vmem>> -> memref<80xi32, #tpu.memory_space<vmem>>
        %dma_start3A_470 = arith.constant 0 : i32
        %dma_start3A_471 = arith.constant 0 : i32
        %dma_start3A_472 = tpu.memref_slice %arg12[%dma_start3A_470, %dma_start3A_471] : memref<10000x128xf32, #tpu.memory_space<vmem_shared>> -> memref<10000x128xf32, #tpu.memory_space<vmem_shared>>
        tpu.enqueue_indirect_dma source(%arg11 : memref<80x128xf32, #tpu.memory_space<vmem>>) target(%dma_start3A_472 : memref<10000x128xf32, #tpu.memory_space<vmem_shared>>) offsets(%dma_start3A_469 : memref<80xi32, #tpu.memory_space<vmem>>) semaphore(%run_scoped3A_466 : memref<!tpu.dma_semaphore, #tpu.memory_space<semaphore_mem>>) {add = true}
        %dma_wait3A_473 = arith.constant 0 : i32
        %dma_wait3A_474 = tpu.memref_slice %arg8[%run_scoped3A_247, %dma_wait3A_473] : memref<25x80xi32, #tpu.memory_space<vmem>> -> memref<1x80xi32, #tpu.memory_space<vmem>>
        %dma_wait3A_475 = tpu.memref_squeeze %dma_wait3A_474 : memref<1x80xi32, #tpu.memory_space<vmem>> -> memref<80xi32, #tpu.memory_space<vmem>>
        %dma_wait3A_476 = arith.constant 0 : i32
        %dma_wait3A_477 = arith.constant 0 : i32
        %dma_wait3A_478 = tpu.memref_slice %arg12[%dma_wait3A_476, %dma_wait3A_477] : memref<10000x128xf32, #tpu.memory_space<vmem_shared>> -> memref<10000x128xf32, #tpu.memory_space<vmem_shared>>
        tpu.wait_indirect_dma semaphore(%run_scoped3A_466 : memref<!tpu.dma_semaphore, #tpu.memory_space<semaphore_mem>>) src(%arg11 : memref<80x128xf32, #tpu.memory_space<vmem>>) dst(%dma_wait3A_478 : memref<10000x128xf32, #tpu.memory_space<vmem_shared>>)
        tpu.yield
      }) : () -> ()
      %dma_start3A_248 = arith.constant 11 : i32
      %dma_start3A_249 = arith.constant 0 : i32
      %dma_start3A_250 = tpu.memref_slice %arg7[%dma_start3A_248, %dma_start3A_249] : memref<25x80xi32, #tpu.memory_space<vmem>> -> memref<1x80xi32, #tpu.memory_space<vmem>>
      %dma_start3A_251 = tpu.memref_squeeze %dma_start3A_250 : memref<1x80xi32, #tpu.memory_space<vmem>> -> memref<80xi32, #tpu.memory_space<vmem>>
      %dma_start3A_252 = arith.constant 0 : i32
      %dma_start3A_253 = arith.constant 0 : i32
      %dma_start3A_254 = tpu.memref_slice %arg2[%dma_start3A_252, %dma_start3A_253] : memref<10000x128xf32, #tpu.memory_space<hbm>> -> memref<10000x128xf32, #tpu.memory_space<hbm>>
      tpu.enqueue_indirect_dma source(%dma_start3A_254 : memref<10000x128xf32, #tpu.memory_space<hbm>>) target(%arg11 : memref<80x128xf32, #tpu.memory_space<vmem>>) offsets(%dma_start3A_251 : memref<80xi32, #tpu.memory_space<vmem>>) semaphore(%arg14 : memref<!tpu.dma_semaphore, #tpu.memory_space<semaphore_mem>>)
      %dma_wait3A_255 = arith.constant 10 : i32
      %dma_wait3A_256 = arith.constant 0 : i32
      %dma_wait3A_257 = tpu.memref_slice %arg7[%dma_wait3A_255, %dma_wait3A_256] : memref<25x80xi32, #tpu.memory_space<vmem>> -> memref<1x80xi32, #tpu.memory_space<vmem>>
      %dma_wait3A_258 = tpu.memref_squeeze %dma_wait3A_257 : memref<1x80xi32, #tpu.memory_space<vmem>> -> memref<80xi32, #tpu.memory_space<vmem>>
      %dma_wait3A_259 = arith.constant 0 : i32
      %dma_wait3A_260 = arith.constant 0 : i32
      %dma_wait3A_261 = tpu.memref_slice %arg2[%dma_wait3A_259, %dma_wait3A_260] : memref<10000x128xf32, #tpu.memory_space<hbm>> -> memref<10000x128xf32, #tpu.memory_space<hbm>>
      tpu.wait_indirect_dma semaphore(%arg13 : memref<!tpu.dma_semaphore, #tpu.memory_space<semaphore_mem>>) src(%dma_wait3A_261 : memref<10000x128xf32, #tpu.memory_space<hbm>>) dst(%arg10 : memref<80x128xf32, #tpu.memory_space<vmem>>)
      %run_scoped3A_262 = arith.constant 10 : i32
      "tpu.region"() ({
        %run_scoped3A_466 = tpu.sem_alloc : memref<!tpu.dma_semaphore, #tpu.memory_space<semaphore_mem>>
        %dma_start3A_467 = arith.constant 0 : i32
        %dma_start3A_468 = tpu.memref_slice %arg8[%run_scoped3A_262, %dma_start3A_467] : memref<25x80xi32, #tpu.memory_space<vmem>> -> memref<1x80xi32, #tpu.memory_space<vmem>>
        %dma_start3A_469 = tpu.memref_squeeze %dma_start3A_468 : memref<1x80xi32, #tpu.memory_space<vmem>> -> memref<80xi32, #tpu.memory_space<vmem>>
        %dma_start3A_470 = arith.constant 0 : i32
        %dma_start3A_471 = arith.constant 0 : i32
        %dma_start3A_472 = tpu.memref_slice %arg12[%dma_start3A_470, %dma_start3A_471] : memref<10000x128xf32, #tpu.memory_space<vmem_shared>> -> memref<10000x128xf32, #tpu.memory_space<vmem_shared>>
        tpu.enqueue_indirect_dma source(%arg10 : memref<80x128xf32, #tpu.memory_space<vmem>>) target(%dma_start3A_472 : memref<10000x128xf32, #tpu.memory_space<vmem_shared>>) offsets(%dma_start3A_469 : memref<80xi32, #tpu.memory_space<vmem>>) semaphore(%run_scoped3A_466 : memref<!tpu.dma_semaphore, #tpu.memory_space<semaphore_mem>>) {add = true}
        %dma_wait3A_473 = arith.constant 0 : i32
        %dma_wait3A_474 = tpu.memref_slice %arg8[%run_scoped3A_262, %dma_wait3A_473] : memref<25x80xi32, #tpu.memory_space<vmem>> -> memref<1x80xi32, #tpu.memory_space<vmem>>
        %dma_wait3A_475 = tpu.memref_squeeze %dma_wait3A_474 : memref<1x80xi32, #tpu.memory_space<vmem>> -> memref<80xi32, #tpu.memory_space<vmem>>
        %dma_wait3A_476 = arith.constant 0 : i32
        %dma_wait3A_477 = arith.constant 0 : i32
        %dma_wait3A_478 = tpu.memref_slice %arg12[%dma_wait3A_476, %dma_wait3A_477] : memref<10000x128xf32, #tpu.memory_space<vmem_shared>> -> memref<10000x128xf32, #tpu.memory_space<vmem_shared>>
        tpu.wait_indirect_dma semaphore(%run_scoped3A_466 : memref<!tpu.dma_semaphore, #tpu.memory_space<semaphore_mem>>) src(%arg10 : memref<80x128xf32, #tpu.memory_space<vmem>>) dst(%dma_wait3A_478 : memref<10000x128xf32, #tpu.memory_space<vmem_shared>>)
        tpu.yield
      }) : () -> ()
      %dma_start3A_263 = arith.constant 12 : i32
      %dma_start3A_264 = arith.constant 0 : i32
      %dma_start3A_265 = tpu.memref_slice %arg7[%dma_start3A_263, %dma_start3A_264] : memref<25x80xi32, #tpu.memory_space<vmem>> -> memref<1x80xi32, #tpu.memory_space<vmem>>
      %dma_start3A_266 = tpu.memref_squeeze %dma_start3A_265 : memref<1x80xi32, #tpu.memory_space<vmem>> -> memref<80xi32, #tpu.memory_space<vmem>>
      %dma_start3A_267 = arith.constant 0 : i32
      %dma_start3A_268 = arith.constant 0 : i32
      %dma_start3A_269 = tpu.memref_slice %arg2[%dma_start3A_267, %dma_start3A_268] : memref<10000x128xf32, #tpu.memory_space<hbm>> -> memref<10000x128xf32, #tpu.memory_space<hbm>>
      tpu.enqueue_indirect_dma source(%dma_start3A_269 : memref<10000x128xf32, #tpu.memory_space<hbm>>) target(%arg10 : memref<80x128xf32, #tpu.memory_space<vmem>>) offsets(%dma_start3A_266 : memref<80xi32, #tpu.memory_space<vmem>>) semaphore(%arg13 : memref<!tpu.dma_semaphore, #tpu.memory_space<semaphore_mem>>)
      %dma_wait3A_270 = arith.constant 11 : i32
      %dma_wait3A_271 = arith.constant 0 : i32
      %dma_wait3A_272 = tpu.memref_slice %arg7[%dma_wait3A_270, %dma_wait3A_271] : memref<25x80xi32, #tpu.memory_space<vmem>> -> memref<1x80xi32, #tpu.memory_space<vmem>>
      %dma_wait3A_273 = tpu.memref_squeeze %dma_wait3A_272 : memref<1x80xi32, #tpu.memory_space<vmem>> -> memref<80xi32, #tpu.memory_space<vmem>>
      %dma_wait3A_274 = arith.constant 0 : i32
      %dma_wait3A_275 = arith.constant 0 : i32
      %dma_wait3A_276 = tpu.memref_slice %arg2[%dma_wait3A_274, %dma_wait3A_275] : memref<10000x128xf32, #tpu.memory_space<hbm>> -> memref<10000x128xf32, #tpu.memory_space<hbm>>
      tpu.wait_indirect_dma semaphore(%arg14 : memref<!tpu.dma_semaphore, #tpu.memory_space<semaphore_mem>>) src(%dma_wait3A_276 : memref<10000x128xf32, #tpu.memory_space<hbm>>) dst(%arg11 : memref<80x128xf32, #tpu.memory_space<vmem>>)
      %run_scoped3A_277 = arith.constant 11 : i32
      "tpu.region"() ({
        %run_scoped3A_466 = tpu.sem_alloc : memref<!tpu.dma_semaphore, #tpu.memory_space<semaphore_mem>>
        %dma_start3A_467 = arith.constant 0 : i32
        %dma_start3A_468 = tpu.memref_slice %arg8[%run_scoped3A_277, %dma_start3A_467] : memref<25x80xi32, #tpu.memory_space<vmem>> -> memref<1x80xi32, #tpu.memory_space<vmem>>
        %dma_start3A_469 = tpu.memref_squeeze %dma_start3A_468 : memref<1x80xi32, #tpu.memory_space<vmem>> -> memref<80xi32, #tpu.memory_space<vmem>>
        %dma_start3A_470 = arith.constant 0 : i32
        %dma_start3A_471 = arith.constant 0 : i32
        %dma_start3A_472 = tpu.memref_slice %arg12[%dma_start3A_470, %dma_start3A_471] : memref<10000x128xf32, #tpu.memory_space<vmem_shared>> -> memref<10000x128xf32, #tpu.memory_space<vmem_shared>>
        tpu.enqueue_indirect_dma source(%arg11 : memref<80x128xf32, #tpu.memory_space<vmem>>) target(%dma_start3A_472 : memref<10000x128xf32, #tpu.memory_space<vmem_shared>>) offsets(%dma_start3A_469 : memref<80xi32, #tpu.memory_space<vmem>>) semaphore(%run_scoped3A_466 : memref<!tpu.dma_semaphore, #tpu.memory_space<semaphore_mem>>) {add = true}
        %dma_wait3A_473 = arith.constant 0 : i32
        %dma_wait3A_474 = tpu.memref_slice %arg8[%run_scoped3A_277, %dma_wait3A_473] : memref<25x80xi32, #tpu.memory_space<vmem>> -> memref<1x80xi32, #tpu.memory_space<vmem>>
        %dma_wait3A_475 = tpu.memref_squeeze %dma_wait3A_474 : memref<1x80xi32, #tpu.memory_space<vmem>> -> memref<80xi32, #tpu.memory_space<vmem>>
        %dma_wait3A_476 = arith.constant 0 : i32
        %dma_wait3A_477 = arith.constant 0 : i32
        %dma_wait3A_478 = tpu.memref_slice %arg12[%dma_wait3A_476, %dma_wait3A_477] : memref<10000x128xf32, #tpu.memory_space<vmem_shared>> -> memref<10000x128xf32, #tpu.memory_space<vmem_shared>>
        tpu.wait_indirect_dma semaphore(%run_scoped3A_466 : memref<!tpu.dma_semaphore, #tpu.memory_space<semaphore_mem>>) src(%arg11 : memref<80x128xf32, #tpu.memory_space<vmem>>) dst(%dma_wait3A_478 : memref<10000x128xf32, #tpu.memory_space<vmem_shared>>)
        tpu.yield
      }) : () -> ()
      %dma_start3A_278 = arith.constant 13 : i32
      %dma_start3A_279 = arith.constant 0 : i32
      %dma_start3A_280 = tpu.memref_slice %arg7[%dma_start3A_278, %dma_start3A_279] : memref<25x80xi32, #tpu.memory_space<vmem>> -> memref<1x80xi32, #tpu.memory_space<vmem>>
      %dma_start3A_281 = tpu.memref_squeeze %dma_start3A_280 : memref<1x80xi32, #tpu.memory_space<vmem>> -> memref<80xi32, #tpu.memory_space<vmem>>
      %dma_start3A_282 = arith.constant 0 : i32
      %dma_start3A_283 = arith.constant 0 : i32
      %dma_start3A_284 = tpu.memref_slice %arg2[%dma_start3A_282, %dma_start3A_283] : memref<10000x128xf32, #tpu.memory_space<hbm>> -> memref<10000x128xf32, #tpu.memory_space<hbm>>
      tpu.enqueue_indirect_dma source(%dma_start3A_284 : memref<10000x128xf32, #tpu.memory_space<hbm>>) target(%arg11 : memref<80x128xf32, #tpu.memory_space<vmem>>) offsets(%dma_start3A_281 : memref<80xi32, #tpu.memory_space<vmem>>) semaphore(%arg14 : memref<!tpu.dma_semaphore, #tpu.memory_space<semaphore_mem>>)
      %dma_wait3A_285 = arith.constant 12 : i32
      %dma_wait3A_286 = arith.constant 0 : i32
      %dma_wait3A_287 = tpu.memref_slice %arg7[%dma_wait3A_285, %dma_wait3A_286] : memref<25x80xi32, #tpu.memory_space<vmem>> -> memref<1x80xi32, #tpu.memory_space<vmem>>
      %dma_wait3A_288 = tpu.memref_squeeze %dma_wait3A_287 : memref<1x80xi32, #tpu.memory_space<vmem>> -> memref<80xi32, #tpu.memory_space<vmem>>
      %dma_wait3A_289 = arith.constant 0 : i32
      %dma_wait3A_290 = arith.constant 0 : i32
      %dma_wait3A_291 = tpu.memref_slice %arg2[%dma_wait3A_289, %dma_wait3A_290] : memref<10000x128xf32, #tpu.memory_space<hbm>> -> memref<10000x128xf32, #tpu.memory_space<hbm>>
      tpu.wait_indirect_dma semaphore(%arg13 : memref<!tpu.dma_semaphore, #tpu.memory_space<semaphore_mem>>) src(%dma_wait3A_291 : memref<10000x128xf32, #tpu.memory_space<hbm>>) dst(%arg10 : memref<80x128xf32, #tpu.memory_space<vmem>>)
      %run_scoped3A_292 = arith.constant 12 : i32
      "tpu.region"() ({
        %run_scoped3A_466 = tpu.sem_alloc : memref<!tpu.dma_semaphore, #tpu.memory_space<semaphore_mem>>
        %dma_start3A_467 = arith.constant 0 : i32
        %dma_start3A_468 = tpu.memref_slice %arg8[%run_scoped3A_292, %dma_start3A_467] : memref<25x80xi32, #tpu.memory_space<vmem>> -> memref<1x80xi32, #tpu.memory_space<vmem>>
        %dma_start3A_469 = tpu.memref_squeeze %dma_start3A_468 : memref<1x80xi32, #tpu.memory_space<vmem>> -> memref<80xi32, #tpu.memory_space<vmem>>
        %dma_start3A_470 = arith.constant 0 : i32
        %dma_start3A_471 = arith.constant 0 : i32
        %dma_start3A_472 = tpu.memref_slice %arg12[%dma_start3A_470, %dma_start3A_471] : memref<10000x128xf32, #tpu.memory_space<vmem_shared>> -> memref<10000x128xf32, #tpu.memory_space<vmem_shared>>
        tpu.enqueue_indirect_dma source(%arg10 : memref<80x128xf32, #tpu.memory_space<vmem>>) target(%dma_start3A_472 : memref<10000x128xf32, #tpu.memory_space<vmem_shared>>) offsets(%dma_start3A_469 : memref<80xi32, #tpu.memory_space<vmem>>) semaphore(%run_scoped3A_466 : memref<!tpu.dma_semaphore, #tpu.memory_space<semaphore_mem>>) {add = true}
        %dma_wait3A_473 = arith.constant 0 : i32
        %dma_wait3A_474 = tpu.memref_slice %arg8[%run_scoped3A_292, %dma_wait3A_473] : memref<25x80xi32, #tpu.memory_space<vmem>> -> memref<1x80xi32, #tpu.memory_space<vmem>>
        %dma_wait3A_475 = tpu.memref_squeeze %dma_wait3A_474 : memref<1x80xi32, #tpu.memory_space<vmem>> -> memref<80xi32, #tpu.memory_space<vmem>>
        %dma_wait3A_476 = arith.constant 0 : i32
        %dma_wait3A_477 = arith.constant 0 : i32
        %dma_wait3A_478 = tpu.memref_slice %arg12[%dma_wait3A_476, %dma_wait3A_477] : memref<10000x128xf32, #tpu.memory_space<vmem_shared>> -> memref<10000x128xf32, #tpu.memory_space<vmem_shared>>
        tpu.wait_indirect_dma semaphore(%run_scoped3A_466 : memref<!tpu.dma_semaphore, #tpu.memory_space<semaphore_mem>>) src(%arg10 : memref<80x128xf32, #tpu.memory_space<vmem>>) dst(%dma_wait3A_478 : memref<10000x128xf32, #tpu.memory_space<vmem_shared>>)
        tpu.yield
      }) : () -> ()
      %dma_start3A_293 = arith.constant 14 : i32
      %dma_start3A_294 = arith.constant 0 : i32
      %dma_start3A_295 = tpu.memref_slice %arg7[%dma_start3A_293, %dma_start3A_294] : memref<25x80xi32, #tpu.memory_space<vmem>> -> memref<1x80xi32, #tpu.memory_space<vmem>>
      %dma_start3A_296 = tpu.memref_squeeze %dma_start3A_295 : memref<1x80xi32, #tpu.memory_space<vmem>> -> memref<80xi32, #tpu.memory_space<vmem>>
      %dma_start3A_297 = arith.constant 0 : i32
      %dma_start3A_298 = arith.constant 0 : i32
      %dma_start3A_299 = tpu.memref_slice %arg2[%dma_start3A_297, %dma_start3A_298] : memref<10000x128xf32, #tpu.memory_space<hbm>> -> memref<10000x128xf32, #tpu.memory_space<hbm>>
      tpu.enqueue_indirect_dma source(%dma_start3A_299 : memref<10000x128xf32, #tpu.memory_space<hbm>>) target(%arg10 : memref<80x128xf32, #tpu.memory_space<vmem>>) offsets(%dma_start3A_296 : memref<80xi32, #tpu.memory_space<vmem>>) semaphore(%arg13 : memref<!tpu.dma_semaphore, #tpu.memory_space<semaphore_mem>>)
      %dma_wait3A_300 = arith.constant 13 : i32
      %dma_wait3A_301 = arith.constant 0 : i32
      %dma_wait3A_302 = tpu.memref_slice %arg7[%dma_wait3A_300, %dma_wait3A_301] : memref<25x80xi32, #tpu.memory_space<vmem>> -> memref<1x80xi32, #tpu.memory_space<vmem>>
      %dma_wait3A_303 = tpu.memref_squeeze %dma_wait3A_302 : memref<1x80xi32, #tpu.memory_space<vmem>> -> memref<80xi32, #tpu.memory_space<vmem>>
      %dma_wait3A_304 = arith.constant 0 : i32
      %dma_wait3A_305 = arith.constant 0 : i32
      %dma_wait3A_306 = tpu.memref_slice %arg2[%dma_wait3A_304, %dma_wait3A_305] : memref<10000x128xf32, #tpu.memory_space<hbm>> -> memref<10000x128xf32, #tpu.memory_space<hbm>>
      tpu.wait_indirect_dma semaphore(%arg14 : memref<!tpu.dma_semaphore, #tpu.memory_space<semaphore_mem>>) src(%dma_wait3A_306 : memref<10000x128xf32, #tpu.memory_space<hbm>>) dst(%arg11 : memref<80x128xf32, #tpu.memory_space<vmem>>)
      %run_scoped3A_307 = arith.constant 13 : i32
      "tpu.region"() ({
        %run_scoped3A_466 = tpu.sem_alloc : memref<!tpu.dma_semaphore, #tpu.memory_space<semaphore_mem>>
        %dma_start3A_467 = arith.constant 0 : i32
        %dma_start3A_468 = tpu.memref_slice %arg8[%run_scoped3A_307, %dma_start3A_467] : memref<25x80xi32, #tpu.memory_space<vmem>> -> memref<1x80xi32, #tpu.memory_space<vmem>>
        %dma_start3A_469 = tpu.memref_squeeze %dma_start3A_468 : memref<1x80xi32, #tpu.memory_space<vmem>> -> memref<80xi32, #tpu.memory_space<vmem>>
        %dma_start3A_470 = arith.constant 0 : i32
        %dma_start3A_471 = arith.constant 0 : i32
        %dma_start3A_472 = tpu.memref_slice %arg12[%dma_start3A_470, %dma_start3A_471] : memref<10000x128xf32, #tpu.memory_space<vmem_shared>> -> memref<10000x128xf32, #tpu.memory_space<vmem_shared>>
        tpu.enqueue_indirect_dma source(%arg11 : memref<80x128xf32, #tpu.memory_space<vmem>>) target(%dma_start3A_472 : memref<10000x128xf32, #tpu.memory_space<vmem_shared>>) offsets(%dma_start3A_469 : memref<80xi32, #tpu.memory_space<vmem>>) semaphore(%run_scoped3A_466 : memref<!tpu.dma_semaphore, #tpu.memory_space<semaphore_mem>>) {add = true}
        %dma_wait3A_473 = arith.constant 0 : i32
        %dma_wait3A_474 = tpu.memref_slice %arg8[%run_scoped3A_307, %dma_wait3A_473] : memref<25x80xi32, #tpu.memory_space<vmem>> -> memref<1x80xi32, #tpu.memory_space<vmem>>
        %dma_wait3A_475 = tpu.memref_squeeze %dma_wait3A_474 : memref<1x80xi32, #tpu.memory_space<vmem>> -> memref<80xi32, #tpu.memory_space<vmem>>
        %dma_wait3A_476 = arith.constant 0 : i32
        %dma_wait3A_477 = arith.constant 0 : i32
        %dma_wait3A_478 = tpu.memref_slice %arg12[%dma_wait3A_476, %dma_wait3A_477] : memref<10000x128xf32, #tpu.memory_space<vmem_shared>> -> memref<10000x128xf32, #tpu.memory_space<vmem_shared>>
        tpu.wait_indirect_dma semaphore(%run_scoped3A_466 : memref<!tpu.dma_semaphore, #tpu.memory_space<semaphore_mem>>) src(%arg11 : memref<80x128xf32, #tpu.memory_space<vmem>>) dst(%dma_wait3A_478 : memref<10000x128xf32, #tpu.memory_space<vmem_shared>>)
        tpu.yield
      }) : () -> ()
      %dma_start3A_308 = arith.constant 15 : i32
      %dma_start3A_309 = arith.constant 0 : i32
      %dma_start3A_310 = tpu.memref_slice %arg7[%dma_start3A_308, %dma_start3A_309] : memref<25x80xi32, #tpu.memory_space<vmem>> -> memref<1x80xi32, #tpu.memory_space<vmem>>
      %dma_start3A_311 = tpu.memref_squeeze %dma_start3A_310 : memref<1x80xi32, #tpu.memory_space<vmem>> -> memref<80xi32, #tpu.memory_space<vmem>>
      %dma_start3A_312 = arith.constant 0 : i32
      %dma_start3A_313 = arith.constant 0 : i32
      %dma_start3A_314 = tpu.memref_slice %arg2[%dma_start3A_312, %dma_start3A_313] : memref<10000x128xf32, #tpu.memory_space<hbm>> -> memref<10000x128xf32, #tpu.memory_space<hbm>>
      tpu.enqueue_indirect_dma source(%dma_start3A_314 : memref<10000x128xf32, #tpu.memory_space<hbm>>) target(%arg11 : memref<80x128xf32, #tpu.memory_space<vmem>>) offsets(%dma_start3A_311 : memref<80xi32, #tpu.memory_space<vmem>>) semaphore(%arg14 : memref<!tpu.dma_semaphore, #tpu.memory_space<semaphore_mem>>)
      %dma_wait3A_315 = arith.constant 14 : i32
      %dma_wait3A_316 = arith.constant 0 : i32
      %dma_wait3A_317 = tpu.memref_slice %arg7[%dma_wait3A_315, %dma_wait3A_316] : memref<25x80xi32, #tpu.memory_space<vmem>> -> memref<1x80xi32, #tpu.memory_space<vmem>>
      %dma_wait3A_318 = tpu.memref_squeeze %dma_wait3A_317 : memref<1x80xi32, #tpu.memory_space<vmem>> -> memref<80xi32, #tpu.memory_space<vmem>>
      %dma_wait3A_319 = arith.constant 0 : i32
      %dma_wait3A_320 = arith.constant 0 : i32
      %dma_wait3A_321 = tpu.memref_slice %arg2[%dma_wait3A_319, %dma_wait3A_320] : memref<10000x128xf32, #tpu.memory_space<hbm>> -> memref<10000x128xf32, #tpu.memory_space<hbm>>
      tpu.wait_indirect_dma semaphore(%arg13 : memref<!tpu.dma_semaphore, #tpu.memory_space<semaphore_mem>>) src(%dma_wait3A_321 : memref<10000x128xf32, #tpu.memory_space<hbm>>) dst(%arg10 : memref<80x128xf32, #tpu.memory_space<vmem>>)
      %run_scoped3A_322 = arith.constant 14 : i32
      "tpu.region"() ({
        %run_scoped3A_466 = tpu.sem_alloc : memref<!tpu.dma_semaphore, #tpu.memory_space<semaphore_mem>>
        %dma_start3A_467 = arith.constant 0 : i32
        %dma_start3A_468 = tpu.memref_slice %arg8[%run_scoped3A_322, %dma_start3A_467] : memref<25x80xi32, #tpu.memory_space<vmem>> -> memref<1x80xi32, #tpu.memory_space<vmem>>
        %dma_start3A_469 = tpu.memref_squeeze %dma_start3A_468 : memref<1x80xi32, #tpu.memory_space<vmem>> -> memref<80xi32, #tpu.memory_space<vmem>>
        %dma_start3A_470 = arith.constant 0 : i32
        %dma_start3A_471 = arith.constant 0 : i32
        %dma_start3A_472 = tpu.memref_slice %arg12[%dma_start3A_470, %dma_start3A_471] : memref<10000x128xf32, #tpu.memory_space<vmem_shared>> -> memref<10000x128xf32, #tpu.memory_space<vmem_shared>>
        tpu.enqueue_indirect_dma source(%arg10 : memref<80x128xf32, #tpu.memory_space<vmem>>) target(%dma_start3A_472 : memref<10000x128xf32, #tpu.memory_space<vmem_shared>>) offsets(%dma_start3A_469 : memref<80xi32, #tpu.memory_space<vmem>>) semaphore(%run_scoped3A_466 : memref<!tpu.dma_semaphore, #tpu.memory_space<semaphore_mem>>) {add = true}
        %dma_wait3A_473 = arith.constant 0 : i32
        %dma_wait3A_474 = tpu.memref_slice %arg8[%run_scoped3A_322, %dma_wait3A_473] : memref<25x80xi32, #tpu.memory_space<vmem>> -> memref<1x80xi32, #tpu.memory_space<vmem>>
        %dma_wait3A_475 = tpu.memref_squeeze %dma_wait3A_474 : memref<1x80xi32, #tpu.memory_space<vmem>> -> memref<80xi32, #tpu.memory_space<vmem>>
        %dma_wait3A_476 = arith.constant 0 : i32
        %dma_wait3A_477 = arith.constant 0 : i32
        %dma_wait3A_478 = tpu.memref_slice %arg12[%dma_wait3A_476, %dma_wait3A_477] : memref<10000x128xf32, #tpu.memory_space<vmem_shared>> -> memref<10000x128xf32, #tpu.memory_space<vmem_shared>>
        tpu.wait_indirect_dma semaphore(%run_scoped3A_466 : memref<!tpu.dma_semaphore, #tpu.memory_space<semaphore_mem>>) src(%arg10 : memref<80x128xf32, #tpu.memory_space<vmem>>) dst(%dma_wait3A_478 : memref<10000x128xf32, #tpu.memory_space<vmem_shared>>)
        tpu.yield
      }) : () -> ()
      %dma_start3A_323 = arith.constant 16 : i32
      %dma_start3A_324 = arith.constant 0 : i32
      %dma_start3A_325 = tpu.memref_slice %arg7[%dma_start3A_323, %dma_start3A_324] : memref<25x80xi32, #tpu.memory_space<vmem>> -> memref<1x80xi32, #tpu.memory_space<vmem>>
      %dma_start3A_326 = tpu.memref_squeeze %dma_start3A_325 : memref<1x80xi32, #tpu.memory_space<vmem>> -> memref<80xi32, #tpu.memory_space<vmem>>
      %dma_start3A_327 = arith.constant 0 : i32
      %dma_start3A_328 = arith.constant 0 : i32
      %dma_start3A_329 = tpu.memref_slice %arg2[%dma_start3A_327, %dma_start3A_328] : memref<10000x128xf32, #tpu.memory_space<hbm>> -> memref<10000x128xf32, #tpu.memory_space<hbm>>
      tpu.enqueue_indirect_dma source(%dma_start3A_329 : memref<10000x128xf32, #tpu.memory_space<hbm>>) target(%arg10 : memref<80x128xf32, #tpu.memory_space<vmem>>) offsets(%dma_start3A_326 : memref<80xi32, #tpu.memory_space<vmem>>) semaphore(%arg13 : memref<!tpu.dma_semaphore, #tpu.memory_space<semaphore_mem>>)
      %dma_wait3A_330 = arith.constant 15 : i32
      %dma_wait3A_331 = arith.constant 0 : i32
      %dma_wait3A_332 = tpu.memref_slice %arg7[%dma_wait3A_330, %dma_wait3A_331] : memref<25x80xi32, #tpu.memory_space<vmem>> -> memref<1x80xi32, #tpu.memory_space<vmem>>
      %dma_wait3A_333 = tpu.memref_squeeze %dma_wait3A_332 : memref<1x80xi32, #tpu.memory_space<vmem>> -> memref<80xi32, #tpu.memory_space<vmem>>
      %dma_wait3A_334 = arith.constant 0 : i32
      %dma_wait3A_335 = arith.constant 0 : i32
      %dma_wait3A_336 = tpu.memref_slice %arg2[%dma_wait3A_334, %dma_wait3A_335] : memref<10000x128xf32, #tpu.memory_space<hbm>> -> memref<10000x128xf32, #tpu.memory_space<hbm>>
      tpu.wait_indirect_dma semaphore(%arg14 : memref<!tpu.dma_semaphore, #tpu.memory_space<semaphore_mem>>) src(%dma_wait3A_336 : memref<10000x128xf32, #tpu.memory_space<hbm>>) dst(%arg11 : memref<80x128xf32, #tpu.memory_space<vmem>>)
      %run_scoped3A_337 = arith.constant 15 : i32
      "tpu.region"() ({
        %run_scoped3A_466 = tpu.sem_alloc : memref<!tpu.dma_semaphore, #tpu.memory_space<semaphore_mem>>
        %dma_start3A_467 = arith.constant 0 : i32
        %dma_start3A_468 = tpu.memref_slice %arg8[%run_scoped3A_337, %dma_start3A_467] : memref<25x80xi32, #tpu.memory_space<vmem>> -> memref<1x80xi32, #tpu.memory_space<vmem>>
        %dma_start3A_469 = tpu.memref_squeeze %dma_start3A_468 : memref<1x80xi32, #tpu.memory_space<vmem>> -> memref<80xi32, #tpu.memory_space<vmem>>
        %dma_start3A_470 = arith.constant 0 : i32
        %dma_start3A_471 = arith.constant 0 : i32
        %dma_start3A_472 = tpu.memref_slice %arg12[%dma_start3A_470, %dma_start3A_471] : memref<10000x128xf32, #tpu.memory_space<vmem_shared>> -> memref<10000x128xf32, #tpu.memory_space<vmem_shared>>
        tpu.enqueue_indirect_dma source(%arg11 : memref<80x128xf32, #tpu.memory_space<vmem>>) target(%dma_start3A_472 : memref<10000x128xf32, #tpu.memory_space<vmem_shared>>) offsets(%dma_start3A_469 : memref<80xi32, #tpu.memory_space<vmem>>) semaphore(%run_scoped3A_466 : memref<!tpu.dma_semaphore, #tpu.memory_space<semaphore_mem>>) {add = true}
        %dma_wait3A_473 = arith.constant 0 : i32
        %dma_wait3A_474 = tpu.memref_slice %arg8[%run_scoped3A_337, %dma_wait3A_473] : memref<25x80xi32, #tpu.memory_space<vmem>> -> memref<1x80xi32, #tpu.memory_space<vmem>>
        %dma_wait3A_475 = tpu.memref_squeeze %dma_wait3A_474 : memref<1x80xi32, #tpu.memory_space<vmem>> -> memref<80xi32, #tpu.memory_space<vmem>>
        %dma_wait3A_476 = arith.constant 0 : i32
        %dma_wait3A_477 = arith.constant 0 : i32
        %dma_wait3A_478 = tpu.memref_slice %arg12[%dma_wait3A_476, %dma_wait3A_477] : memref<10000x128xf32, #tpu.memory_space<vmem_shared>> -> memref<10000x128xf32, #tpu.memory_space<vmem_shared>>
        tpu.wait_indirect_dma semaphore(%run_scoped3A_466 : memref<!tpu.dma_semaphore, #tpu.memory_space<semaphore_mem>>) src(%arg11 : memref<80x128xf32, #tpu.memory_space<vmem>>) dst(%dma_wait3A_478 : memref<10000x128xf32, #tpu.memory_space<vmem_shared>>)
        tpu.yield
      }) : () -> ()
      %dma_start3A_338 = arith.constant 17 : i32
      %dma_start3A_339 = arith.constant 0 : i32
      %dma_start3A_340 = tpu.memref_slice %arg7[%dma_start3A_338, %dma_start3A_339] : memref<25x80xi32, #tpu.memory_space<vmem>> -> memref<1x80xi32, #tpu.memory_space<vmem>>
      %dma_start3A_341 = tpu.memref_squeeze %dma_start3A_340 : memref<1x80xi32, #tpu.memory_space<vmem>> -> memref<80xi32, #tpu.memory_space<vmem>>
      %dma_start3A_342 = arith.constant 0 : i32
      %dma_start3A_343 = arith.constant 0 : i32
      %dma_start3A_344 = tpu.memref_slice %arg2[%dma_start3A_342, %dma_start3A_343] : memref<10000x128xf32, #tpu.memory_space<hbm>> -> memref<10000x128xf32, #tpu.memory_space<hbm>>
      tpu.enqueue_indirect_dma source(%dma_start3A_344 : memref<10000x128xf32, #tpu.memory_space<hbm>>) target(%arg11 : memref<80x128xf32, #tpu.memory_space<vmem>>) offsets(%dma_start3A_341 : memref<80xi32, #tpu.memory_space<vmem>>) semaphore(%arg14 : memref<!tpu.dma_semaphore, #tpu.memory_space<semaphore_mem>>)
      %dma_wait3A_345 = arith.constant 16 : i32
      %dma_wait3A_346 = arith.constant 0 : i32
      %dma_wait3A_347 = tpu.memref_slice %arg7[%dma_wait3A_345, %dma_wait3A_346] : memref<25x80xi32, #tpu.memory_space<vmem>> -> memref<1x80xi32, #tpu.memory_space<vmem>>
      %dma_wait3A_348 = tpu.memref_squeeze %dma_wait3A_347 : memref<1x80xi32, #tpu.memory_space<vmem>> -> memref<80xi32, #tpu.memory_space<vmem>>
      %dma_wait3A_349 = arith.constant 0 : i32
      %dma_wait3A_350 = arith.constant 0 : i32
      %dma_wait3A_351 = tpu.memref_slice %arg2[%dma_wait3A_349, %dma_wait3A_350] : memref<10000x128xf32, #tpu.memory_space<hbm>> -> memref<10000x128xf32, #tpu.memory_space<hbm>>
      tpu.wait_indirect_dma semaphore(%arg13 : memref<!tpu.dma_semaphore, #tpu.memory_space<semaphore_mem>>) src(%dma_wait3A_351 : memref<10000x128xf32, #tpu.memory_space<hbm>>) dst(%arg10 : memref<80x128xf32, #tpu.memory_space<vmem>>)
      %run_scoped3A_352 = arith.constant 16 : i32
      "tpu.region"() ({
        %run_scoped3A_466 = tpu.sem_alloc : memref<!tpu.dma_semaphore, #tpu.memory_space<semaphore_mem>>
        %dma_start3A_467 = arith.constant 0 : i32
        %dma_start3A_468 = tpu.memref_slice %arg8[%run_scoped3A_352, %dma_start3A_467] : memref<25x80xi32, #tpu.memory_space<vmem>> -> memref<1x80xi32, #tpu.memory_space<vmem>>
        %dma_start3A_469 = tpu.memref_squeeze %dma_start3A_468 : memref<1x80xi32, #tpu.memory_space<vmem>> -> memref<80xi32, #tpu.memory_space<vmem>>
        %dma_start3A_470 = arith.constant 0 : i32
        %dma_start3A_471 = arith.constant 0 : i32
        %dma_start3A_472 = tpu.memref_slice %arg12[%dma_start3A_470, %dma_start3A_471] : memref<10000x128xf32, #tpu.memory_space<vmem_shared>> -> memref<10000x128xf32, #tpu.memory_space<vmem_shared>>
        tpu.enqueue_indirect_dma source(%arg10 : memref<80x128xf32, #tpu.memory_space<vmem>>) target(%dma_start3A_472 : memref<10000x128xf32, #tpu.memory_space<vmem_shared>>) offsets(%dma_start3A_469 : memref<80xi32, #tpu.memory_space<vmem>>) semaphore(%run_scoped3A_466 : memref<!tpu.dma_semaphore, #tpu.memory_space<semaphore_mem>>) {add = true}
        %dma_wait3A_473 = arith.constant 0 : i32
        %dma_wait3A_474 = tpu.memref_slice %arg8[%run_scoped3A_352, %dma_wait3A_473] : memref<25x80xi32, #tpu.memory_space<vmem>> -> memref<1x80xi32, #tpu.memory_space<vmem>>
        %dma_wait3A_475 = tpu.memref_squeeze %dma_wait3A_474 : memref<1x80xi32, #tpu.memory_space<vmem>> -> memref<80xi32, #tpu.memory_space<vmem>>
        %dma_wait3A_476 = arith.constant 0 : i32
        %dma_wait3A_477 = arith.constant 0 : i32
        %dma_wait3A_478 = tpu.memref_slice %arg12[%dma_wait3A_476, %dma_wait3A_477] : memref<10000x128xf32, #tpu.memory_space<vmem_shared>> -> memref<10000x128xf32, #tpu.memory_space<vmem_shared>>
        tpu.wait_indirect_dma semaphore(%run_scoped3A_466 : memref<!tpu.dma_semaphore, #tpu.memory_space<semaphore_mem>>) src(%arg10 : memref<80x128xf32, #tpu.memory_space<vmem>>) dst(%dma_wait3A_478 : memref<10000x128xf32, #tpu.memory_space<vmem_shared>>)
        tpu.yield
      }) : () -> ()
      %dma_start3A_353 = arith.constant 18 : i32
      %dma_start3A_354 = arith.constant 0 : i32
      %dma_start3A_355 = tpu.memref_slice %arg7[%dma_start3A_353, %dma_start3A_354] : memref<25x80xi32, #tpu.memory_space<vmem>> -> memref<1x80xi32, #tpu.memory_space<vmem>>
      %dma_start3A_356 = tpu.memref_squeeze %dma_start3A_355 : memref<1x80xi32, #tpu.memory_space<vmem>> -> memref<80xi32, #tpu.memory_space<vmem>>
      %dma_start3A_357 = arith.constant 0 : i32
      %dma_start3A_358 = arith.constant 0 : i32
      %dma_start3A_359 = tpu.memref_slice %arg2[%dma_start3A_357, %dma_start3A_358] : memref<10000x128xf32, #tpu.memory_space<hbm>> -> memref<10000x128xf32, #tpu.memory_space<hbm>>
      tpu.enqueue_indirect_dma source(%dma_start3A_359 : memref<10000x128xf32, #tpu.memory_space<hbm>>) target(%arg10 : memref<80x128xf32, #tpu.memory_space<vmem>>) offsets(%dma_start3A_356 : memref<80xi32, #tpu.memory_space<vmem>>) semaphore(%arg13 : memref<!tpu.dma_semaphore, #tpu.memory_space<semaphore_mem>>)
      %dma_wait3A_360 = arith.constant 17 : i32
      %dma_wait3A_361 = arith.constant 0 : i32
      %dma_wait3A_362 = tpu.memref_slice %arg7[%dma_wait3A_360, %dma_wait3A_361] : memref<25x80xi32, #tpu.memory_space<vmem>> -> memref<1x80xi32, #tpu.memory_space<vmem>>
      %dma_wait3A_363 = tpu.memref_squeeze %dma_wait3A_362 : memref<1x80xi32, #tpu.memory_space<vmem>> -> memref<80xi32, #tpu.memory_space<vmem>>
      %dma_wait3A_364 = arith.constant 0 : i32
      %dma_wait3A_365 = arith.constant 0 : i32
      %dma_wait3A_366 = tpu.memref_slice %arg2[%dma_wait3A_364, %dma_wait3A_365] : memref<10000x128xf32, #tpu.memory_space<hbm>> -> memref<10000x128xf32, #tpu.memory_space<hbm>>
      tpu.wait_indirect_dma semaphore(%arg14 : memref<!tpu.dma_semaphore, #tpu.memory_space<semaphore_mem>>) src(%dma_wait3A_366 : memref<10000x128xf32, #tpu.memory_space<hbm>>) dst(%arg11 : memref<80x128xf32, #tpu.memory_space<vmem>>)
      %run_scoped3A_367 = arith.constant 17 : i32
      "tpu.region"() ({
        %run_scoped3A_466 = tpu.sem_alloc : memref<!tpu.dma_semaphore, #tpu.memory_space<semaphore_mem>>
        %dma_start3A_467 = arith.constant 0 : i32
        %dma_start3A_468 = tpu.memref_slice %arg8[%run_scoped3A_367, %dma_start3A_467] : memref<25x80xi32, #tpu.memory_space<vmem>> -> memref<1x80xi32, #tpu.memory_space<vmem>>
        %dma_start3A_469 = tpu.memref_squeeze %dma_start3A_468 : memref<1x80xi32, #tpu.memory_space<vmem>> -> memref<80xi32, #tpu.memory_space<vmem>>
        %dma_start3A_470 = arith.constant 0 : i32
        %dma_start3A_471 = arith.constant 0 : i32
        %dma_start3A_472 = tpu.memref_slice %arg12[%dma_start3A_470, %dma_start3A_471] : memref<10000x128xf32, #tpu.memory_space<vmem_shared>> -> memref<10000x128xf32, #tpu.memory_space<vmem_shared>>
        tpu.enqueue_indirect_dma source(%arg11 : memref<80x128xf32, #tpu.memory_space<vmem>>) target(%dma_start3A_472 : memref<10000x128xf32, #tpu.memory_space<vmem_shared>>) offsets(%dma_start3A_469 : memref<80xi32, #tpu.memory_space<vmem>>) semaphore(%run_scoped3A_466 : memref<!tpu.dma_semaphore, #tpu.memory_space<semaphore_mem>>) {add = true}
        %dma_wait3A_473 = arith.constant 0 : i32
        %dma_wait3A_474 = tpu.memref_slice %arg8[%run_scoped3A_367, %dma_wait3A_473] : memref<25x80xi32, #tpu.memory_space<vmem>> -> memref<1x80xi32, #tpu.memory_space<vmem>>
        %dma_wait3A_475 = tpu.memref_squeeze %dma_wait3A_474 : memref<1x80xi32, #tpu.memory_space<vmem>> -> memref<80xi32, #tpu.memory_space<vmem>>
        %dma_wait3A_476 = arith.constant 0 : i32
        %dma_wait3A_477 = arith.constant 0 : i32
        %dma_wait3A_478 = tpu.memref_slice %arg12[%dma_wait3A_476, %dma_wait3A_477] : memref<10000x128xf32, #tpu.memory_space<vmem_shared>> -> memref<10000x128xf32, #tpu.memory_space<vmem_shared>>
        tpu.wait_indirect_dma semaphore(%run_scoped3A_466 : memref<!tpu.dma_semaphore, #tpu.memory_space<semaphore_mem>>) src(%arg11 : memref<80x128xf32, #tpu.memory_space<vmem>>) dst(%dma_wait3A_478 : memref<10000x128xf32, #tpu.memory_space<vmem_shared>>)
        tpu.yield
      }) : () -> ()
      %dma_start3A_368 = arith.constant 19 : i32
      %dma_start3A_369 = arith.constant 0 : i32
      %dma_start3A_370 = tpu.memref_slice %arg7[%dma_start3A_368, %dma_start3A_369] : memref<25x80xi32, #tpu.memory_space<vmem>> -> memref<1x80xi32, #tpu.memory_space<vmem>>
      %dma_start3A_371 = tpu.memref_squeeze %dma_start3A_370 : memref<1x80xi32, #tpu.memory_space<vmem>> -> memref<80xi32, #tpu.memory_space<vmem>>
      %dma_start3A_372 = arith.constant 0 : i32
      %dma_start3A_373 = arith.constant 0 : i32
      %dma_start3A_374 = tpu.memref_slice %arg2[%dma_start3A_372, %dma_start3A_373] : memref<10000x128xf32, #tpu.memory_space<hbm>> -> memref<10000x128xf32, #tpu.memory_space<hbm>>
      tpu.enqueue_indirect_dma source(%dma_start3A_374 : memref<10000x128xf32, #tpu.memory_space<hbm>>) target(%arg11 : memref<80x128xf32, #tpu.memory_space<vmem>>) offsets(%dma_start3A_371 : memref<80xi32, #tpu.memory_space<vmem>>) semaphore(%arg14 : memref<!tpu.dma_semaphore, #tpu.memory_space<semaphore_mem>>)
      %dma_wait3A_375 = arith.constant 18 : i32
      %dma_wait3A_376 = arith.constant 0 : i32
      %dma_wait3A_377 = tpu.memref_slice %arg7[%dma_wait3A_375, %dma_wait3A_376] : memref<25x80xi32, #tpu.memory_space<vmem>> -> memref<1x80xi32, #tpu.memory_space<vmem>>
      %dma_wait3A_378 = tpu.memref_squeeze %dma_wait3A_377 : memref<1x80xi32, #tpu.memory_space<vmem>> -> memref<80xi32, #tpu.memory_space<vmem>>
      %dma_wait3A_379 = arith.constant 0 : i32
      %dma_wait3A_380 = arith.constant 0 : i32
      %dma_wait3A_381 = tpu.memref_slice %arg2[%dma_wait3A_379, %dma_wait3A_380] : memref<10000x128xf32, #tpu.memory_space<hbm>> -> memref<10000x128xf32, #tpu.memory_space<hbm>>
      tpu.wait_indirect_dma semaphore(%arg13 : memref<!tpu.dma_semaphore, #tpu.memory_space<semaphore_mem>>) src(%dma_wait3A_381 : memref<10000x128xf32, #tpu.memory_space<hbm>>) dst(%arg10 : memref<80x128xf32, #tpu.memory_space<vmem>>)
      %run_scoped3A_382 = arith.constant 18 : i32
      "tpu.region"() ({
        %run_scoped3A_466 = tpu.sem_alloc : memref<!tpu.dma_semaphore, #tpu.memory_space<semaphore_mem>>
        %dma_start3A_467 = arith.constant 0 : i32
        %dma_start3A_468 = tpu.memref_slice %arg8[%run_scoped3A_382, %dma_start3A_467] : memref<25x80xi32, #tpu.memory_space<vmem>> -> memref<1x80xi32, #tpu.memory_space<vmem>>
        %dma_start3A_469 = tpu.memref_squeeze %dma_start3A_468 : memref<1x80xi32, #tpu.memory_space<vmem>> -> memref<80xi32, #tpu.memory_space<vmem>>
        %dma_start3A_470 = arith.constant 0 : i32
        %dma_start3A_471 = arith.constant 0 : i32
        %dma_start3A_472 = tpu.memref_slice %arg12[%dma_start3A_470, %dma_start3A_471] : memref<10000x128xf32, #tpu.memory_space<vmem_shared>> -> memref<10000x128xf32, #tpu.memory_space<vmem_shared>>
        tpu.enqueue_indirect_dma source(%arg10 : memref<80x128xf32, #tpu.memory_space<vmem>>) target(%dma_start3A_472 : memref<10000x128xf32, #tpu.memory_space<vmem_shared>>) offsets(%dma_start3A_469 : memref<80xi32, #tpu.memory_space<vmem>>) semaphore(%run_scoped3A_466 : memref<!tpu.dma_semaphore, #tpu.memory_space<semaphore_mem>>) {add = true}
        %dma_wait3A_473 = arith.constant 0 : i32
        %dma_wait3A_474 = tpu.memref_slice %arg8[%run_scoped3A_382, %dma_wait3A_473] : memref<25x80xi32, #tpu.memory_space<vmem>> -> memref<1x80xi32, #tpu.memory_space<vmem>>
        %dma_wait3A_475 = tpu.memref_squeeze %dma_wait3A_474 : memref<1x80xi32, #tpu.memory_space<vmem>> -> memref<80xi32, #tpu.memory_space<vmem>>
        %dma_wait3A_476 = arith.constant 0 : i32
        %dma_wait3A_477 = arith.constant 0 : i32
        %dma_wait3A_478 = tpu.memref_slice %arg12[%dma_wait3A_476, %dma_wait3A_477] : memref<10000x128xf32, #tpu.memory_space<vmem_shared>> -> memref<10000x128xf32, #tpu.memory_space<vmem_shared>>
        tpu.wait_indirect_dma semaphore(%run_scoped3A_466 : memref<!tpu.dma_semaphore, #tpu.memory_space<semaphore_mem>>) src(%arg10 : memref<80x128xf32, #tpu.memory_space<vmem>>) dst(%dma_wait3A_478 : memref<10000x128xf32, #tpu.memory_space<vmem_shared>>)
        tpu.yield
      }) : () -> ()
      %dma_start3A_383 = arith.constant 20 : i32
      %dma_start3A_384 = arith.constant 0 : i32
      %dma_start3A_385 = tpu.memref_slice %arg7[%dma_start3A_383, %dma_start3A_384] : memref<25x80xi32, #tpu.memory_space<vmem>> -> memref<1x80xi32, #tpu.memory_space<vmem>>
      %dma_start3A_386 = tpu.memref_squeeze %dma_start3A_385 : memref<1x80xi32, #tpu.memory_space<vmem>> -> memref<80xi32, #tpu.memory_space<vmem>>
      %dma_start3A_387 = arith.constant 0 : i32
      %dma_start3A_388 = arith.constant 0 : i32
      %dma_start3A_389 = tpu.memref_slice %arg2[%dma_start3A_387, %dma_start3A_388] : memref<10000x128xf32, #tpu.memory_space<hbm>> -> memref<10000x128xf32, #tpu.memory_space<hbm>>
      tpu.enqueue_indirect_dma source(%dma_start3A_389 : memref<10000x128xf32, #tpu.memory_space<hbm>>) target(%arg10 : memref<80x128xf32, #tpu.memory_space<vmem>>) offsets(%dma_start3A_386 : memref<80xi32, #tpu.memory_space<vmem>>) semaphore(%arg13 : memref<!tpu.dma_semaphore, #tpu.memory_space<semaphore_mem>>)
      %dma_wait3A_390 = arith.constant 19 : i32
      %dma_wait3A_391 = arith.constant 0 : i32
      %dma_wait3A_392 = tpu.memref_slice %arg7[%dma_wait3A_390, %dma_wait3A_391] : memref<25x80xi32, #tpu.memory_space<vmem>> -> memref<1x80xi32, #tpu.memory_space<vmem>>
      %dma_wait3A_393 = tpu.memref_squeeze %dma_wait3A_392 : memref<1x80xi32, #tpu.memory_space<vmem>> -> memref<80xi32, #tpu.memory_space<vmem>>
      %dma_wait3A_394 = arith.constant 0 : i32
      %dma_wait3A_395 = arith.constant 0 : i32
      %dma_wait3A_396 = tpu.memref_slice %arg2[%dma_wait3A_394, %dma_wait3A_395] : memref<10000x128xf32, #tpu.memory_space<hbm>> -> memref<10000x128xf32, #tpu.memory_space<hbm>>
      tpu.wait_indirect_dma semaphore(%arg14 : memref<!tpu.dma_semaphore, #tpu.memory_space<semaphore_mem>>) src(%dma_wait3A_396 : memref<10000x128xf32, #tpu.memory_space<hbm>>) dst(%arg11 : memref<80x128xf32, #tpu.memory_space<vmem>>)
      %run_scoped3A_397 = arith.constant 19 : i32
      "tpu.region"() ({
        %run_scoped3A_466 = tpu.sem_alloc : memref<!tpu.dma_semaphore, #tpu.memory_space<semaphore_mem>>
        %dma_start3A_467 = arith.constant 0 : i32
        %dma_start3A_468 = tpu.memref_slice %arg8[%run_scoped3A_397, %dma_start3A_467] : memref<25x80xi32, #tpu.memory_space<vmem>> -> memref<1x80xi32, #tpu.memory_space<vmem>>
        %dma_start3A_469 = tpu.memref_squeeze %dma_start3A_468 : memref<1x80xi32, #tpu.memory_space<vmem>> -> memref<80xi32, #tpu.memory_space<vmem>>
        %dma_start3A_470 = arith.constant 0 : i32
        %dma_start3A_471 = arith.constant 0 : i32
        %dma_start3A_472 = tpu.memref_slice %arg12[%dma_start3A_470, %dma_start3A_471] : memref<10000x128xf32, #tpu.memory_space<vmem_shared>> -> memref<10000x128xf32, #tpu.memory_space<vmem_shared>>
        tpu.enqueue_indirect_dma source(%arg11 : memref<80x128xf32, #tpu.memory_space<vmem>>) target(%dma_start3A_472 : memref<10000x128xf32, #tpu.memory_space<vmem_shared>>) offsets(%dma_start3A_469 : memref<80xi32, #tpu.memory_space<vmem>>) semaphore(%run_scoped3A_466 : memref<!tpu.dma_semaphore, #tpu.memory_space<semaphore_mem>>) {add = true}
        %dma_wait3A_473 = arith.constant 0 : i32
        %dma_wait3A_474 = tpu.memref_slice %arg8[%run_scoped3A_397, %dma_wait3A_473] : memref<25x80xi32, #tpu.memory_space<vmem>> -> memref<1x80xi32, #tpu.memory_space<vmem>>
        %dma_wait3A_475 = tpu.memref_squeeze %dma_wait3A_474 : memref<1x80xi32, #tpu.memory_space<vmem>> -> memref<80xi32, #tpu.memory_space<vmem>>
        %dma_wait3A_476 = arith.constant 0 : i32
        %dma_wait3A_477 = arith.constant 0 : i32
        %dma_wait3A_478 = tpu.memref_slice %arg12[%dma_wait3A_476, %dma_wait3A_477] : memref<10000x128xf32, #tpu.memory_space<vmem_shared>> -> memref<10000x128xf32, #tpu.memory_space<vmem_shared>>
        tpu.wait_indirect_dma semaphore(%run_scoped3A_466 : memref<!tpu.dma_semaphore, #tpu.memory_space<semaphore_mem>>) src(%arg11 : memref<80x128xf32, #tpu.memory_space<vmem>>) dst(%dma_wait3A_478 : memref<10000x128xf32, #tpu.memory_space<vmem_shared>>)
        tpu.yield
      }) : () -> ()
      %dma_start3A_398 = arith.constant 21 : i32
      %dma_start3A_399 = arith.constant 0 : i32
      %dma_start3A_400 = tpu.memref_slice %arg7[%dma_start3A_398, %dma_start3A_399] : memref<25x80xi32, #tpu.memory_space<vmem>> -> memref<1x80xi32, #tpu.memory_space<vmem>>
      %dma_start3A_401 = tpu.memref_squeeze %dma_start3A_400 : memref<1x80xi32, #tpu.memory_space<vmem>> -> memref<80xi32, #tpu.memory_space<vmem>>
      %dma_start3A_402 = arith.constant 0 : i32
      %dma_start3A_403 = arith.constant 0 : i32
      %dma_start3A_404 = tpu.memref_slice %arg2[%dma_start3A_402, %dma_start3A_403] : memref<10000x128xf32, #tpu.memory_space<hbm>> -> memref<10000x128xf32, #tpu.memory_space<hbm>>
      tpu.enqueue_indirect_dma source(%dma_start3A_404 : memref<10000x128xf32, #tpu.memory_space<hbm>>) target(%arg11 : memref<80x128xf32, #tpu.memory_space<vmem>>) offsets(%dma_start3A_401 : memref<80xi32, #tpu.memory_space<vmem>>) semaphore(%arg14 : memref<!tpu.dma_semaphore, #tpu.memory_space<semaphore_mem>>)
      %dma_wait3A_405 = arith.constant 20 : i32
      %dma_wait3A_406 = arith.constant 0 : i32
      %dma_wait3A_407 = tpu.memref_slice %arg7[%dma_wait3A_405, %dma_wait3A_406] : memref<25x80xi32, #tpu.memory_space<vmem>> -> memref<1x80xi32, #tpu.memory_space<vmem>>
      %dma_wait3A_408 = tpu.memref_squeeze %dma_wait3A_407 : memref<1x80xi32, #tpu.memory_space<vmem>> -> memref<80xi32, #tpu.memory_space<vmem>>
      %dma_wait3A_409 = arith.constant 0 : i32
      %dma_wait3A_410 = arith.constant 0 : i32
      %dma_wait3A_411 = tpu.memref_slice %arg2[%dma_wait3A_409, %dma_wait3A_410] : memref<10000x128xf32, #tpu.memory_space<hbm>> -> memref<10000x128xf32, #tpu.memory_space<hbm>>
      tpu.wait_indirect_dma semaphore(%arg13 : memref<!tpu.dma_semaphore, #tpu.memory_space<semaphore_mem>>) src(%dma_wait3A_411 : memref<10000x128xf32, #tpu.memory_space<hbm>>) dst(%arg10 : memref<80x128xf32, #tpu.memory_space<vmem>>)
      %run_scoped3A_412 = arith.constant 20 : i32
      "tpu.region"() ({
        %run_scoped3A_466 = tpu.sem_alloc : memref<!tpu.dma_semaphore, #tpu.memory_space<semaphore_mem>>
        %dma_start3A_467 = arith.constant 0 : i32
        %dma_start3A_468 = tpu.memref_slice %arg8[%run_scoped3A_412, %dma_start3A_467] : memref<25x80xi32, #tpu.memory_space<vmem>> -> memref<1x80xi32, #tpu.memory_space<vmem>>
        %dma_start3A_469 = tpu.memref_squeeze %dma_start3A_468 : memref<1x80xi32, #tpu.memory_space<vmem>> -> memref<80xi32, #tpu.memory_space<vmem>>
        %dma_start3A_470 = arith.constant 0 : i32
        %dma_start3A_471 = arith.constant 0 : i32
        %dma_start3A_472 = tpu.memref_slice %arg12[%dma_start3A_470, %dma_start3A_471] : memref<10000x128xf32, #tpu.memory_space<vmem_shared>> -> memref<10000x128xf32, #tpu.memory_space<vmem_shared>>
        tpu.enqueue_indirect_dma source(%arg10 : memref<80x128xf32, #tpu.memory_space<vmem>>) target(%dma_start3A_472 : memref<10000x128xf32, #tpu.memory_space<vmem_shared>>) offsets(%dma_start3A_469 : memref<80xi32, #tpu.memory_space<vmem>>) semaphore(%run_scoped3A_466 : memref<!tpu.dma_semaphore, #tpu.memory_space<semaphore_mem>>) {add = true}
        %dma_wait3A_473 = arith.constant 0 : i32
        %dma_wait3A_474 = tpu.memref_slice %arg8[%run_scoped3A_412, %dma_wait3A_473] : memref<25x80xi32, #tpu.memory_space<vmem>> -> memref<1x80xi32, #tpu.memory_space<vmem>>
        %dma_wait3A_475 = tpu.memref_squeeze %dma_wait3A_474 : memref<1x80xi32, #tpu.memory_space<vmem>> -> memref<80xi32, #tpu.memory_space<vmem>>
        %dma_wait3A_476 = arith.constant 0 : i32
        %dma_wait3A_477 = arith.constant 0 : i32
        %dma_wait3A_478 = tpu.memref_slice %arg12[%dma_wait3A_476, %dma_wait3A_477] : memref<10000x128xf32, #tpu.memory_space<vmem_shared>> -> memref<10000x128xf32, #tpu.memory_space<vmem_shared>>
        tpu.wait_indirect_dma semaphore(%run_scoped3A_466 : memref<!tpu.dma_semaphore, #tpu.memory_space<semaphore_mem>>) src(%arg10 : memref<80x128xf32, #tpu.memory_space<vmem>>) dst(%dma_wait3A_478 : memref<10000x128xf32, #tpu.memory_space<vmem_shared>>)
        tpu.yield
      }) : () -> ()
      %dma_start3A_413 = arith.constant 22 : i32
      %dma_start3A_414 = arith.constant 0 : i32
      %dma_start3A_415 = tpu.memref_slice %arg7[%dma_start3A_413, %dma_start3A_414] : memref<25x80xi32, #tpu.memory_space<vmem>> -> memref<1x80xi32, #tpu.memory_space<vmem>>
      %dma_start3A_416 = tpu.memref_squeeze %dma_start3A_415 : memref<1x80xi32, #tpu.memory_space<vmem>> -> memref<80xi32, #tpu.memory_space<vmem>>
      %dma_start3A_417 = arith.constant 0 : i32
      %dma_start3A_418 = arith.constant 0 : i32
      %dma_start3A_419 = tpu.memref_slice %arg2[%dma_start3A_417, %dma_start3A_418] : memref<10000x128xf32, #tpu.memory_space<hbm>> -> memref<10000x128xf32, #tpu.memory_space<hbm>>
      tpu.enqueue_indirect_dma source(%dma_start3A_419 : memref<10000x128xf32, #tpu.memory_space<hbm>>) target(%arg10 : memref<80x128xf32, #tpu.memory_space<vmem>>) offsets(%dma_start3A_416 : memref<80xi32, #tpu.memory_space<vmem>>) semaphore(%arg13 : memref<!tpu.dma_semaphore, #tpu.memory_space<semaphore_mem>>)
      %dma_wait3A_420 = arith.constant 21 : i32
      %dma_wait3A_421 = arith.constant 0 : i32
      %dma_wait3A_422 = tpu.memref_slice %arg7[%dma_wait3A_420, %dma_wait3A_421] : memref<25x80xi32, #tpu.memory_space<vmem>> -> memref<1x80xi32, #tpu.memory_space<vmem>>
      %dma_wait3A_423 = tpu.memref_squeeze %dma_wait3A_422 : memref<1x80xi32, #tpu.memory_space<vmem>> -> memref<80xi32, #tpu.memory_space<vmem>>
      %dma_wait3A_424 = arith.constant 0 : i32
      %dma_wait3A_425 = arith.constant 0 : i32
      %dma_wait3A_426 = tpu.memref_slice %arg2[%dma_wait3A_424, %dma_wait3A_425] : memref<10000x128xf32, #tpu.memory_space<hbm>> -> memref<10000x128xf32, #tpu.memory_space<hbm>>
      tpu.wait_indirect_dma semaphore(%arg14 : memref<!tpu.dma_semaphore, #tpu.memory_space<semaphore_mem>>) src(%dma_wait3A_426 : memref<10000x128xf32, #tpu.memory_space<hbm>>) dst(%arg11 : memref<80x128xf32, #tpu.memory_space<vmem>>)
      %run_scoped3A_427 = arith.constant 21 : i32
      "tpu.region"() ({
        %run_scoped3A_466 = tpu.sem_alloc : memref<!tpu.dma_semaphore, #tpu.memory_space<semaphore_mem>>
        %dma_start3A_467 = arith.constant 0 : i32
        %dma_start3A_468 = tpu.memref_slice %arg8[%run_scoped3A_427, %dma_start3A_467] : memref<25x80xi32, #tpu.memory_space<vmem>> -> memref<1x80xi32, #tpu.memory_space<vmem>>
        %dma_start3A_469 = tpu.memref_squeeze %dma_start3A_468 : memref<1x80xi32, #tpu.memory_space<vmem>> -> memref<80xi32, #tpu.memory_space<vmem>>
        %dma_start3A_470 = arith.constant 0 : i32
        %dma_start3A_471 = arith.constant 0 : i32
        %dma_start3A_472 = tpu.memref_slice %arg12[%dma_start3A_470, %dma_start3A_471] : memref<10000x128xf32, #tpu.memory_space<vmem_shared>> -> memref<10000x128xf32, #tpu.memory_space<vmem_shared>>
        tpu.enqueue_indirect_dma source(%arg11 : memref<80x128xf32, #tpu.memory_space<vmem>>) target(%dma_start3A_472 : memref<10000x128xf32, #tpu.memory_space<vmem_shared>>) offsets(%dma_start3A_469 : memref<80xi32, #tpu.memory_space<vmem>>) semaphore(%run_scoped3A_466 : memref<!tpu.dma_semaphore, #tpu.memory_space<semaphore_mem>>) {add = true}
        %dma_wait3A_473 = arith.constant 0 : i32
        %dma_wait3A_474 = tpu.memref_slice %arg8[%run_scoped3A_427, %dma_wait3A_473] : memref<25x80xi32, #tpu.memory_space<vmem>> -> memref<1x80xi32, #tpu.memory_space<vmem>>
        %dma_wait3A_475 = tpu.memref_squeeze %dma_wait3A_474 : memref<1x80xi32, #tpu.memory_space<vmem>> -> memref<80xi32, #tpu.memory_space<vmem>>
        %dma_wait3A_476 = arith.constant 0 : i32
        %dma_wait3A_477 = arith.constant 0 : i32
        %dma_wait3A_478 = tpu.memref_slice %arg12[%dma_wait3A_476, %dma_wait3A_477] : memref<10000x128xf32, #tpu.memory_space<vmem_shared>> -> memref<10000x128xf32, #tpu.memory_space<vmem_shared>>
        tpu.wait_indirect_dma semaphore(%run_scoped3A_466 : memref<!tpu.dma_semaphore, #tpu.memory_space<semaphore_mem>>) src(%arg11 : memref<80x128xf32, #tpu.memory_space<vmem>>) dst(%dma_wait3A_478 : memref<10000x128xf32, #tpu.memory_space<vmem_shared>>)
        tpu.yield
      }) : () -> ()
      %dma_start3A_428 = arith.constant 23 : i32
      %dma_start3A_429 = arith.constant 0 : i32
      %dma_start3A_430 = tpu.memref_slice %arg7[%dma_start3A_428, %dma_start3A_429] : memref<25x80xi32, #tpu.memory_space<vmem>> -> memref<1x80xi32, #tpu.memory_space<vmem>>
      %dma_start3A_431 = tpu.memref_squeeze %dma_start3A_430 : memref<1x80xi32, #tpu.memory_space<vmem>> -> memref<80xi32, #tpu.memory_space<vmem>>
      %dma_start3A_432 = arith.constant 0 : i32
      %dma_start3A_433 = arith.constant 0 : i32
      %dma_start3A_434 = tpu.memref_slice %arg2[%dma_start3A_432, %dma_start3A_433] : memref<10000x128xf32, #tpu.memory_space<hbm>> -> memref<10000x128xf32, #tpu.memory_space<hbm>>
      tpu.enqueue_indirect_dma source(%dma_start3A_434 : memref<10000x128xf32, #tpu.memory_space<hbm>>) target(%arg11 : memref<80x128xf32, #tpu.memory_space<vmem>>) offsets(%dma_start3A_431 : memref<80xi32, #tpu.memory_space<vmem>>) semaphore(%arg14 : memref<!tpu.dma_semaphore, #tpu.memory_space<semaphore_mem>>)
      %dma_wait3A_435 = arith.constant 22 : i32
      %dma_wait3A_436 = arith.constant 0 : i32
      %dma_wait3A_437 = tpu.memref_slice %arg7[%dma_wait3A_435, %dma_wait3A_436] : memref<25x80xi32, #tpu.memory_space<vmem>> -> memref<1x80xi32, #tpu.memory_space<vmem>>
      %dma_wait3A_438 = tpu.memref_squeeze %dma_wait3A_437 : memref<1x80xi32, #tpu.memory_space<vmem>> -> memref<80xi32, #tpu.memory_space<vmem>>
      %dma_wait3A_439 = arith.constant 0 : i32
      %dma_wait3A_440 = arith.constant 0 : i32
      %dma_wait3A_441 = tpu.memref_slice %arg2[%dma_wait3A_439, %dma_wait3A_440] : memref<10000x128xf32, #tpu.memory_space<hbm>> -> memref<10000x128xf32, #tpu.memory_space<hbm>>
      tpu.wait_indirect_dma semaphore(%arg13 : memref<!tpu.dma_semaphore, #tpu.memory_space<semaphore_mem>>) src(%dma_wait3A_441 : memref<10000x128xf32, #tpu.memory_space<hbm>>) dst(%arg10 : memref<80x128xf32, #tpu.memory_space<vmem>>)
      %run_scoped3A_442 = arith.constant 22 : i32
      "tpu.region"() ({
        %run_scoped3A_466 = tpu.sem_alloc : memref<!tpu.dma_semaphore, #tpu.memory_space<semaphore_mem>>
        %dma_start3A_467 = arith.constant 0 : i32
        %dma_start3A_468 = tpu.memref_slice %arg8[%run_scoped3A_442, %dma_start3A_467] : memref<25x80xi32, #tpu.memory_space<vmem>> -> memref<1x80xi32, #tpu.memory_space<vmem>>
        %dma_start3A_469 = tpu.memref_squeeze %dma_start3A_468 : memref<1x80xi32, #tpu.memory_space<vmem>> -> memref<80xi32, #tpu.memory_space<vmem>>
        %dma_start3A_470 = arith.constant 0 : i32
        %dma_start3A_471 = arith.constant 0 : i32
        %dma_start3A_472 = tpu.memref_slice %arg12[%dma_start3A_470, %dma_start3A_471] : memref<10000x128xf32, #tpu.memory_space<vmem_shared>> -> memref<10000x128xf32, #tpu.memory_space<vmem_shared>>
        tpu.enqueue_indirect_dma source(%arg10 : memref<80x128xf32, #tpu.memory_space<vmem>>) target(%dma_start3A_472 : memref<10000x128xf32, #tpu.memory_space<vmem_shared>>) offsets(%dma_start3A_469 : memref<80xi32, #tpu.memory_space<vmem>>) semaphore(%run_scoped3A_466 : memref<!tpu.dma_semaphore, #tpu.memory_space<semaphore_mem>>) {add = true}
        %dma_wait3A_473 = arith.constant 0 : i32
        %dma_wait3A_474 = tpu.memref_slice %arg8[%run_scoped3A_442, %dma_wait3A_473] : memref<25x80xi32, #tpu.memory_space<vmem>> -> memref<1x80xi32, #tpu.memory_space<vmem>>
        %dma_wait3A_475 = tpu.memref_squeeze %dma_wait3A_474 : memref<1x80xi32, #tpu.memory_space<vmem>> -> memref<80xi32, #tpu.memory_space<vmem>>
        %dma_wait3A_476 = arith.constant 0 : i32
        %dma_wait3A_477 = arith.constant 0 : i32
        %dma_wait3A_478 = tpu.memref_slice %arg12[%dma_wait3A_476, %dma_wait3A_477] : memref<10000x128xf32, #tpu.memory_space<vmem_shared>> -> memref<10000x128xf32, #tpu.memory_space<vmem_shared>>
        tpu.wait_indirect_dma semaphore(%run_scoped3A_466 : memref<!tpu.dma_semaphore, #tpu.memory_space<semaphore_mem>>) src(%arg10 : memref<80x128xf32, #tpu.memory_space<vmem>>) dst(%dma_wait3A_478 : memref<10000x128xf32, #tpu.memory_space<vmem_shared>>)
        tpu.yield
      }) : () -> ()
      %dma_start3A_443 = arith.constant 24 : i32
      %dma_start3A_444 = arith.constant 0 : i32
      %dma_start3A_445 = tpu.memref_slice %arg7[%dma_start3A_443, %dma_start3A_444] : memref<25x80xi32, #tpu.memory_space<vmem>> -> memref<1x80xi32, #tpu.memory_space<vmem>>
      %dma_start3A_446 = tpu.memref_squeeze %dma_start3A_445 : memref<1x80xi32, #tpu.memory_space<vmem>> -> memref<80xi32, #tpu.memory_space<vmem>>
      %dma_start3A_447 = arith.constant 0 : i32
      %dma_start3A_448 = arith.constant 0 : i32
      %dma_start3A_449 = tpu.memref_slice %arg2[%dma_start3A_447, %dma_start3A_448] : memref<10000x128xf32, #tpu.memory_space<hbm>> -> memref<10000x128xf32, #tpu.memory_space<hbm>>
      tpu.enqueue_indirect_dma source(%dma_start3A_449 : memref<10000x128xf32, #tpu.memory_space<hbm>>) target(%arg10 : memref<80x128xf32, #tpu.memory_space<vmem>>) offsets(%dma_start3A_446 : memref<80xi32, #tpu.memory_space<vmem>>) semaphore(%arg13 : memref<!tpu.dma_semaphore, #tpu.memory_space<semaphore_mem>>)
      %dma_wait3A_450 = arith.constant 23 : i32
      %dma_wait3A_451 = arith.constant 0 : i32
      %dma_wait3A_452 = tpu.memref_slice %arg7[%dma_wait3A_450, %dma_wait3A_451] : memref<25x80xi32, #tpu.memory_space<vmem>> -> memref<1x80xi32, #tpu.memory_space<vmem>>
      %dma_wait3A_453 = tpu.memref_squeeze %dma_wait3A_452 : memref<1x80xi32, #tpu.memory_space<vmem>> -> memref<80xi32, #tpu.memory_space<vmem>>
      %dma_wait3A_454 = arith.constant 0 : i32
      %dma_wait3A_455 = arith.constant 0 : i32
      %dma_wait3A_456 = tpu.memref_slice %arg2[%dma_wait3A_454, %dma_wait3A_455] : memref<10000x128xf32, #tpu.memory_space<hbm>> -> memref<10000x128xf32, #tpu.memory_space<hbm>>
      tpu.wait_indirect_dma semaphore(%arg14 : memref<!tpu.dma_semaphore, #tpu.memory_space<semaphore_mem>>) src(%dma_wait3A_456 : memref<10000x128xf32, #tpu.memory_space<hbm>>) dst(%arg11 : memref<80x128xf32, #tpu.memory_space<vmem>>)
      %run_scoped3A_457 = arith.constant 23 : i32
      "tpu.region"() ({
        %run_scoped3A_466 = tpu.sem_alloc : memref<!tpu.dma_semaphore, #tpu.memory_space<semaphore_mem>>
        %dma_start3A_467 = arith.constant 0 : i32
        %dma_start3A_468 = tpu.memref_slice %arg8[%run_scoped3A_457, %dma_start3A_467] : memref<25x80xi32, #tpu.memory_space<vmem>> -> memref<1x80xi32, #tpu.memory_space<vmem>>
        %dma_start3A_469 = tpu.memref_squeeze %dma_start3A_468 : memref<1x80xi32, #tpu.memory_space<vmem>> -> memref<80xi32, #tpu.memory_space<vmem>>
        %dma_start3A_470 = arith.constant 0 : i32
        %dma_start3A_471 = arith.constant 0 : i32
        %dma_start3A_472 = tpu.memref_slice %arg12[%dma_start3A_470, %dma_start3A_471] : memref<10000x128xf32, #tpu.memory_space<vmem_shared>> -> memref<10000x128xf32, #tpu.memory_space<vmem_shared>>
        tpu.enqueue_indirect_dma source(%arg11 : memref<80x128xf32, #tpu.memory_space<vmem>>) target(%dma_start3A_472 : memref<10000x128xf32, #tpu.memory_space<vmem_shared>>) offsets(%dma_start3A_469 : memref<80xi32, #tpu.memory_space<vmem>>) semaphore(%run_scoped3A_466 : memref<!tpu.dma_semaphore, #tpu.memory_space<semaphore_mem>>) {add = true}
        %dma_wait3A_473 = arith.constant 0 : i32
        %dma_wait3A_474 = tpu.memref_slice %arg8[%run_scoped3A_457, %dma_wait3A_473] : memref<25x80xi32, #tpu.memory_space<vmem>> -> memref<1x80xi32, #tpu.memory_space<vmem>>
        %dma_wait3A_475 = tpu.memref_squeeze %dma_wait3A_474 : memref<1x80xi32, #tpu.memory_space<vmem>> -> memref<80xi32, #tpu.memory_space<vmem>>
        %dma_wait3A_476 = arith.constant 0 : i32
        %dma_wait3A_477 = arith.constant 0 : i32
        %dma_wait3A_478 = tpu.memref_slice %arg12[%dma_wait3A_476, %dma_wait3A_477] : memref<10000x128xf32, #tpu.memory_space<vmem_shared>> -> memref<10000x128xf32, #tpu.memory_space<vmem_shared>>
        tpu.wait_indirect_dma semaphore(%run_scoped3A_466 : memref<!tpu.dma_semaphore, #tpu.memory_space<semaphore_mem>>) src(%arg11 : memref<80x128xf32, #tpu.memory_space<vmem>>) dst(%dma_wait3A_478 : memref<10000x128xf32, #tpu.memory_space<vmem_shared>>)
        tpu.yield
      }) : () -> ()
      %dma_wait3A_458 = arith.constant 24 : i32
      %dma_wait3A_459 = arith.constant 0 : i32
      %dma_wait3A_460 = tpu.memref_slice %arg7[%dma_wait3A_458, %dma_wait3A_459] : memref<25x80xi32, #tpu.memory_space<vmem>> -> memref<1x80xi32, #tpu.memory_space<vmem>>
      %dma_wait3A_461 = tpu.memref_squeeze %dma_wait3A_460 : memref<1x80xi32, #tpu.memory_space<vmem>> -> memref<80xi32, #tpu.memory_space<vmem>>
      %dma_wait3A_462 = arith.constant 0 : i32
      %dma_wait3A_463 = arith.constant 0 : i32
      %dma_wait3A_464 = tpu.memref_slice %arg2[%dma_wait3A_462, %dma_wait3A_463] : memref<10000x128xf32, #tpu.memory_space<hbm>> -> memref<10000x128xf32, #tpu.memory_space<hbm>>
      tpu.wait_indirect_dma semaphore(%arg13 : memref<!tpu.dma_semaphore, #tpu.memory_space<semaphore_mem>>) src(%dma_wait3A_464 : memref<10000x128xf32, #tpu.memory_space<hbm>>) dst(%arg10 : memref<80x128xf32, #tpu.memory_space<vmem>>)
      %run_scoped3A_465 = arith.constant 24 : i32
      "tpu.region"() ({
        %run_scoped3A_466 = tpu.sem_alloc : memref<!tpu.dma_semaphore, #tpu.memory_space<semaphore_mem>>
        %dma_start3A_467 = arith.constant 0 : i32
        %dma_start3A_468 = tpu.memref_slice %arg8[%run_scoped3A_465, %dma_start3A_467] : memref<25x80xi32, #tpu.memory_space<vmem>> -> memref<1x80xi32, #tpu.memory_space<vmem>>
        %dma_start3A_469 = tpu.memref_squeeze %dma_start3A_468 : memref<1x80xi32, #tpu.memory_space<vmem>> -> memref<80xi32, #tpu.memory_space<vmem>>
        %dma_start3A_470 = arith.constant 0 : i32
        %dma_start3A_471 = arith.constant 0 : i32
        %dma_start3A_472 = tpu.memref_slice %arg12[%dma_start3A_470, %dma_start3A_471] : memref<10000x128xf32, #tpu.memory_space<vmem_shared>> -> memref<10000x128xf32, #tpu.memory_space<vmem_shared>>
        tpu.enqueue_indirect_dma source(%arg10 : memref<80x128xf32, #tpu.memory_space<vmem>>) target(%dma_start3A_472 : memref<10000x128xf32, #tpu.memory_space<vmem_shared>>) offsets(%dma_start3A_469 : memref<80xi32, #tpu.memory_space<vmem>>) semaphore(%run_scoped3A_466 : memref<!tpu.dma_semaphore, #tpu.memory_space<semaphore_mem>>) {add = true}
        %dma_wait3A_473 = arith.constant 0 : i32
        %dma_wait3A_474 = tpu.memref_slice %arg8[%run_scoped3A_465, %dma_wait3A_473] : memref<25x80xi32, #tpu.memory_space<vmem>> -> memref<1x80xi32, #tpu.memory_space<vmem>>
        %dma_wait3A_475 = tpu.memref_squeeze %dma_wait3A_474 : memref<1x80xi32, #tpu.memory_space<vmem>> -> memref<80xi32, #tpu.memory_space<vmem>>
        %dma_wait3A_476 = arith.constant 0 : i32
        %dma_wait3A_477 = arith.constant 0 : i32
        %dma_wait3A_478 = tpu.memref_slice %arg12[%dma_wait3A_476, %dma_wait3A_477] : memref<10000x128xf32, #tpu.memory_space<vmem_shared>> -> memref<10000x128xf32, #tpu.memory_space<vmem_shared>>
        tpu.wait_indirect_dma semaphore(%run_scoped3A_466 : memref<!tpu.dma_semaphore, #tpu.memory_space<semaphore_mem>>) src(%arg10 : memref<80x128xf32, #tpu.memory_space<vmem>>) dst(%dma_wait3A_478 : memref<10000x128xf32, #tpu.memory_space<vmem_shared>>)
        tpu.yield
      }) : () -> ()
    }
    %scan3A_76 = arith.constant 5 : i32
    %barrier3A_77 = arith.constant 0 : index
    tpu.barrier barrier_id(%barrier3A_77)
    "tpu.region"() ({
      %run_scoped3A = tpu.sem_alloc : memref<!tpu.dma_semaphore, #tpu.memory_space<semaphore_mem>>
      %dma_start3A = arith.constant 0 : i32
      %dma_start3A_83 = arith.constant 0 : i32
      %dma_start3A_84 = tpu.memref_slice %arg5[%arg0, %dma_start3A, %dma_start3A_83] : memref<2x10000x128xf32, #tpu.memory_space<hbm>> -> memref<1x10000x128xf32, #tpu.memory_space<hbm>>
      %dma_start3A_85 = tpu.memref_squeeze %dma_start3A_84 : memref<1x10000x128xf32, #tpu.memory_space<hbm>> -> memref<10000x128xf32, #tpu.memory_space<hbm>>
      %dma_start3A_86 = arith.constant 0 : i32
      %dma_start3A_87 = tpu.memref_slice %dma_start3A_85[%mul3A_2, %dma_start3A_86] : memref<10000x128xf32, #tpu.memory_space<hbm>> -> memref<624x128xf32, #tpu.memory_space<hbm>>
      %dma_start3A_88 = arith.constant 0 : i32
      %dma_start3A_89 = tpu.memref_slice %arg12[%mul3A_2, %dma_start3A_88] : memref<10000x128xf32, #tpu.memory_space<vmem_shared>> -> memref<624x128xf32, #tpu.memory_space<vmem_shared>>
      tpu.enqueue_dma source(%dma_start3A_89 : memref<624x128xf32, #tpu.memory_space<vmem_shared>>) target(%dma_start3A_87 : memref<624x128xf32, #tpu.memory_space<hbm>>) target_semaphore(%run_scoped3A : memref<!tpu.dma_semaphore, #tpu.memory_space<semaphore_mem>>)
      %dma_wait3A = arith.constant 0 : i32
      %dma_wait3A_90 = arith.constant 0 : i32
      %dma_wait3A_91 = tpu.memref_slice %arg5[%arg0, %dma_wait3A, %dma_wait3A_90] : memref<2x10000x128xf32, #tpu.memory_space<hbm>> -> memref<1x10000x128xf32, #tpu.memory_space<hbm>>
      %dma_wait3A_92 = tpu.memref_squeeze %dma_wait3A_91 : memref<1x10000x128xf32, #tpu.memory_space<hbm>> -> memref<10000x128xf32, #tpu.memory_space<hbm>>
      %dma_wait3A_93 = arith.constant 0 : i32
      %dma_wait3A_94 = tpu.memref_slice %dma_wait3A_92[%mul3A_2, %dma_wait3A_93] : memref<10000x128xf32, #tpu.memory_space<hbm>> -> memref<624x128xf32, #tpu.memory_space<hbm>>
      %dma_wait3A_95 = arith.constant 0 : i32
      %dma_wait3A_96 = tpu.memref_slice %arg12[%mul3A_2, %dma_wait3A_95] : memref<10000x128xf32, #tpu.memory_space<vmem_shared>> -> memref<624x128xf32, #tpu.memory_space<vmem_shared>>
      tpu.wait_dma2 semaphore(%run_scoped3A : memref<!tpu.dma_semaphore, #tpu.memory_space<semaphore_mem>>) src(%dma_wait3A_96 : memref<624x128xf32, #tpu.memory_space<vmem_shared>>) dst(%dma_wait3A_94 : memref<624x128xf32, #tpu.memory_space<hbm>>)
      tpu.yield
    }) : () -> ()
    %eq3A_78 = arith.constant 15 : i32
    %eq3A_79 = arith.cmpi eq, %arg1, %eq3A_78 : i32
    %convert_element_type3A_80 = arith.extui %eq3A_79 : i1 to i32
    %cond3A_81 = arith.constant 0 : i32
    %cond3A_82 = arith.cmpi ne, %convert_element_type3A_80, %cond3A_81 : i32
    scf.if %cond3A_82 {
      "tpu.region"() ({
        %run_scoped3A = tpu.sem_alloc : memref<!tpu.dma_semaphore, #tpu.memory_space<semaphore_mem>>
        %dma_start3A = arith.constant 0 : i32
        %dma_start3A_83 = arith.constant 0 : i32
        %dma_start3A_84 = tpu.memref_slice %arg5[%arg0, %dma_start3A, %dma_start3A_83] : memref<2x10000x128xf32, #tpu.memory_space<hbm>> -> memref<1x10000x128xf32, #tpu.memory_space<hbm>>
        %dma_start3A_85 = tpu.memref_squeeze %dma_start3A_84 : memref<1x10000x128xf32, #tpu.memory_space<hbm>> -> memref<10000x128xf32, #tpu.memory_space<hbm>>
        %dma_start3A_86 = arith.constant 9984 : i32
        %dma_start3A_87 = arith.constant 0 : i32
        %dma_start3A_88 = tpu.memref_slice %dma_start3A_85[%dma_start3A_86, %dma_start3A_87] : memref<10000x128xf32, #tpu.memory_space<hbm>> -> memref<16x128xf32, #tpu.memory_space<hbm>>
        %dma_start3A_89 = arith.constant 9984 : i32
        %dma_start3A_90 = arith.constant 0 : i32
        %dma_start3A_91 = tpu.memref_slice %arg12[%dma_start3A_89, %dma_start3A_90] : memref<10000x128xf32, #tpu.memory_space<vmem_shared>> -> memref<16x128xf32, #tpu.memory_space<vmem_shared>>
        tpu.enqueue_dma source(%dma_start3A_91 : memref<16x128xf32, #tpu.memory_space<vmem_shared>>) target(%dma_start3A_88 : memref<16x128xf32, #tpu.memory_space<hbm>>) target_semaphore(%run_scoped3A : memref<!tpu.dma_semaphore, #tpu.memory_space<semaphore_mem>>)
        %dma_wait3A = arith.constant 0 : i32
        %dma_wait3A_92 = arith.constant 0 : i32
        %dma_wait3A_93 = tpu.memref_slice %arg5[%arg0, %dma_wait3A, %dma_wait3A_92] : memref<2x10000x128xf32, #tpu.memory_space<hbm>> -> memref<1x10000x128xf32, #tpu.memory_space<hbm>>
        %dma_wait3A_94 = tpu.memref_squeeze %dma_wait3A_93 : memref<1x10000x128xf32, #tpu.memory_space<hbm>> -> memref<10000x128xf32, #tpu.memory_space<hbm>>
        %dma_wait3A_95 = arith.constant 9984 : i32
        %dma_wait3A_96 = arith.constant 0 : i32
        %dma_wait3A_97 = tpu.memref_slice %dma_wait3A_94[%dma_wait3A_95, %dma_wait3A_96] : memref<10000x128xf32, #tpu.memory_space<hbm>> -> memref<16x128xf32, #tpu.memory_space<hbm>>
        %dma_wait3A_98 = arith.constant 9984 : i32
        %dma_wait3A_99 = arith.constant 0 : i32
        %dma_wait3A_100 = tpu.memref_slice %arg12[%dma_wait3A_98, %dma_wait3A_99] : memref<10000x128xf32, #tpu.memory_space<vmem_shared>> -> memref<16x128xf32, #tpu.memory_space<vmem_shared>>
        tpu.wait_dma2 semaphore(%run_scoped3A : memref<!tpu.dma_semaphore, #tpu.memory_space<semaphore_mem>>) src(%dma_wait3A_100 : memref<16x128xf32, #tpu.memory_space<vmem_shared>>) dst(%dma_wait3A_97 : memref<16x128xf32, #tpu.memory_space<hbm>>)
        tpu.yield
      }) : () -> ()
    } else {
    }
    return
  }
}

module attributes {stable_mosaic.version = 14 : i64} {
  func.func @_tc_finish_body(%arg0: i32, %arg1: memref<2x1000x128xf32, #tpu.memory_space<vmem>>, %arg2: memref<2x1000x128xf32, #tpu.memory_space<vmem>>, %arg3: memref<1000x128xf32, #tpu.memory_space<vmem>>, %arg4: memref<128x128xf32, #tpu.memory_space<vmem>>, %arg5: memref<1x128xf32, #tpu.memory_space<vmem>>, %arg6: memref<128x128xf32, #tpu.memory_space<vmem>>, %arg7: memref<1x128xf32, #tpu.memory_space<vmem>>, %arg8: memref<1x128xf32, #tpu.memory_space<vmem>>, %arg9: memref<1000x128xf32, #tpu.memory_space<vmem>>) attributes {dimension_semantics = [#tpu.dimension_semantics<arbitrary>], iteration_bounds = array<i64: 10>, scalar_prefetch = 0 : i64, scratch_operands = 0 : i64, tpu.core_type = #tpu.core_type<tc>, window_params = [{transform_indices = @transform_0, window_bounds = array<i64: 2, 1000, 128>}, {transform_indices = @transform_1, window_bounds = array<i64: 2, 1000, 128>}, {transform_indices = @transform_2, window_bounds = array<i64: 1000, 128>}, {pipeline_mode = #tpu.pipeline_mode<synchronous>, transform_indices = @transform_3, window_bounds = array<i64: 128, 128>}, {pipeline_mode = #tpu.pipeline_mode<synchronous>, transform_indices = @transform_4, window_bounds = array<i64: 1, 128>}, {pipeline_mode = #tpu.pipeline_mode<synchronous>, transform_indices = @transform_5, window_bounds = array<i64: 128, 128>}, {pipeline_mode = #tpu.pipeline_mode<synchronous>, transform_indices = @transform_6, window_bounds = array<i64: 1, 128>}, {pipeline_mode = #tpu.pipeline_mode<synchronous>, transform_indices = @transform_7, window_bounds = array<i64: 1, 128>}, {transform_indices = @transform_8, window_bounds = array<i64: 1000, 128>}]} {
    %get3A = arith.constant 0 : index
    %get3A_0 = arith.constant 0 : index
    %get3A_1 = arith.constant 0 : index
    %get3A_2 = vector.load %arg1[%get3A, %get3A_0, %get3A_1] : memref<2x1000x128xf32, #tpu.memory_space<vmem>>, vector<1x1000x128xf32>
    %get3A_3 = vector.shape_cast %get3A_2 : vector<1x1000x128xf32> to vector<1000x128xf32>
    %get3A_4 = arith.constant 1 : index
    %get3A_5 = arith.constant 0 : index
    %get3A_6 = arith.constant 0 : index
    %get3A_7 = vector.load %arg1[%get3A_4, %get3A_5, %get3A_6] : memref<2x1000x128xf32, #tpu.memory_space<vmem>>, vector<1x1000x128xf32>
    %get3A_8 = vector.shape_cast %get3A_7 : vector<1x1000x128xf32> to vector<1000x128xf32>
    %add3A = arith.addf %get3A_3, %get3A_8 : vector<1000x128xf32>
    %get3A_9 = arith.constant 0 : index
    %get3A_10 = arith.constant 0 : index
    %get3A_11 = arith.constant 0 : index
    %get3A_12 = vector.load %arg2[%get3A_9, %get3A_10, %get3A_11] : memref<2x1000x128xf32, #tpu.memory_space<vmem>>, vector<1x1000x1xf32>
    %get3A_13 = vector.shape_cast %get3A_12 : vector<1x1000x1xf32> to vector<1000x1xf32>
    %get3A_14 = arith.constant 1 : index
    %get3A_15 = arith.constant 0 : index
    %get3A_16 = arith.constant 0 : index
    %get3A_17 = vector.load %arg2[%get3A_14, %get3A_15, %get3A_16] : memref<2x1000x128xf32, #tpu.memory_space<vmem>>, vector<1x1000x1xf32>
    %get3A_18 = vector.shape_cast %get3A_17 : vector<1x1000x1xf32> to vector<1000x1xf32>
    %add3A_19 = arith.addf %get3A_13, %get3A_18 : vector<1000x1xf32>
    %max3A = arith.constant 1.000000e+00 : f32
    %max3A_20 = vector.broadcast %max3A : f32 to vector<1000x1xf32>
    %max3A_21 = arith.maximumf %add3A_19, %max3A_20 : vector<1000x1xf32>
    %div3A = vector.broadcast %max3A_21 : vector<1000x1xf32> to vector<1000x128xf32>
    %div3A_22 = arith.divf %add3A, %div3A : vector<1000x128xf32>
    %get3A_23 = arith.constant 0 : index
    %get3A_24 = arith.constant 0 : index
    %get3A_25 = vector.load %arg4[%get3A_23, %get3A_24] : memref<128x128xf32, #tpu.memory_space<vmem>>, vector<128x128xf32>
    %dot_general3A = arith.constant dense<0.000000e+00> : vector<1000x128xf32>
    %dot_general3A_26 = tpu.matmul %div3A_22, %get3A_25, %dot_general3A {dimension_numbers = #tpu.dot_dimension_numbers<[1], [0], [0], [1], [0, 0, 1, 1], [], []>, transpose_lhs_hint = false} : vector<1000x128xf32>, vector<128x128xf32>, vector<1000x128xf32> -> vector<1000x128xf32>
    %get3A_27 = arith.constant 0 : index
    %get3A_28 = arith.constant 0 : index
    %get3A_29 = vector.load %arg3[%get3A_27, %get3A_28] : memref<1000x128xf32, #tpu.memory_space<vmem>>, vector<1000x128xf32>
    %get3A_30 = arith.constant 0 : index
    %get3A_31 = arith.constant 0 : index
    %get3A_32 = vector.load %arg6[%get3A_30, %get3A_31] : memref<128x128xf32, #tpu.memory_space<vmem>>, vector<128x128xf32>
    %dot_general3A_33 = arith.constant dense<0.000000e+00> : vector<1000x128xf32>
    %dot_general3A_34 = tpu.matmul %get3A_29, %get3A_32, %dot_general3A_33 {dimension_numbers = #tpu.dot_dimension_numbers<[1], [0], [0], [1], [0, 0, 1, 1], [], []>, transpose_lhs_hint = false} : vector<1000x128xf32>, vector<128x128xf32>, vector<1000x128xf32> -> vector<1000x128xf32>
    %add3A_35 = arith.addf %dot_general3A_26, %dot_general3A_34 : vector<1000x128xf32>
    %get3A_36 = arith.constant 0 : index
    %get3A_37 = arith.constant 0 : index
    %get3A_38 = vector.load %arg5[%get3A_36, %get3A_37] : memref<1x128xf32, #tpu.memory_space<vmem>>, vector<1x128xf32>
    %add3A_39 = vector.broadcast %get3A_38 : vector<1x128xf32> to vector<1000x128xf32>
    %add3A_40 = arith.addf %add3A_35, %add3A_39 : vector<1000x128xf32>
    %reduce_sum3A = arith.constant dense<0.000000e+00> : vector<1000xf32>
    %reduce_sum3A_41 = vector.multi_reduction <add>, %add3A_40, %reduce_sum3A [1] : vector<1000x128xf32> to vector<1000xf32>
    %broadcast_in_dim3A = vector.shape_cast %reduce_sum3A_41 : vector<1000xf32> to vector<1000x1xf32>
    %div3A_42 = arith.constant 1.280000e+02 : f32
    %div3A_43 = vector.broadcast %div3A_42 : f32 to vector<1000x1xf32>
    %div3A_44 = arith.divf %broadcast_in_dim3A, %div3A_43 : vector<1000x1xf32>
    %sub3A = vector.broadcast %div3A_44 : vector<1000x1xf32> to vector<1000x128xf32>
    %sub3A_45 = arith.subf %add3A_40, %sub3A : vector<1000x128xf32>
    %integer_pow3A = arith.mulf %sub3A_45, %sub3A_45 : vector<1000x128xf32>
    %reduce_sum3A_46 = arith.constant dense<0.000000e+00> : vector<1000xf32>
    %reduce_sum3A_47 = vector.multi_reduction <add>, %integer_pow3A, %reduce_sum3A_46 [1] : vector<1000x128xf32> to vector<1000xf32>
    %broadcast_in_dim3A_48 = vector.shape_cast %reduce_sum3A_47 : vector<1000xf32> to vector<1000x1xf32>
    %div3A_49 = arith.constant 1.280000e+02 : f32
    %div3A_50 = vector.broadcast %div3A_49 : f32 to vector<1000x1xf32>
    %div3A_51 = arith.divf %broadcast_in_dim3A_48, %div3A_50 : vector<1000x1xf32>
    %sub3A_52 = vector.broadcast %div3A_44 : vector<1000x1xf32> to vector<1000x128xf32>
    %sub3A_53 = arith.subf %add3A_40, %sub3A_52 : vector<1000x128xf32>
    %add3A_54 = arith.constant 9.99999974E-6 : f32
    %add3A_55 = vector.broadcast %add3A_54 : f32 to vector<1000x1xf32>
    %add3A_56 = arith.addf %div3A_51, %add3A_55 : vector<1000x1xf32>
    %rsqrt3A = math.rsqrt %add3A_56 : vector<1000x1xf32>
    %mul3A = vector.broadcast %rsqrt3A : vector<1000x1xf32> to vector<1000x128xf32>
    %mul3A_57 = arith.mulf %sub3A_53, %mul3A : vector<1000x128xf32>
    %get3A_58 = arith.constant 0 : index
    %get3A_59 = arith.constant 0 : index
    %get3A_60 = vector.load %arg7[%get3A_58, %get3A_59] : memref<1x128xf32, #tpu.memory_space<vmem>>, vector<1x128xf32>
    %mul3A_61 = vector.broadcast %get3A_60 : vector<1x128xf32> to vector<1000x128xf32>
    %mul3A_62 = arith.mulf %mul3A_57, %mul3A_61 : vector<1000x128xf32>
    %get3A_63 = arith.constant 0 : index
    %get3A_64 = arith.constant 0 : index
    %get3A_65 = vector.load %arg8[%get3A_63, %get3A_64] : memref<1x128xf32, #tpu.memory_space<vmem>>, vector<1x128xf32>
    %add3A_66 = vector.broadcast %get3A_65 : vector<1x128xf32> to vector<1000x128xf32>
    %add3A_67 = arith.addf %mul3A_62, %add3A_66 : vector<1000x128xf32>
    %max3A_68 = arith.constant 0.000000e+00 : f32
    %max3A_69 = vector.broadcast %max3A_68 : f32 to vector<1000x128xf32>
    %max3A_70 = arith.maximumf %add3A_67, %max3A_69 : vector<1000x128xf32>
    %swap3A = arith.constant 0 : index
    %swap3A_71 = arith.constant 0 : index
    %swap3A_72 = vector.load %arg9[%swap3A, %swap3A_71] : memref<1000x128xf32, #tpu.memory_space<vmem>>, vector<1000x128xf32>
    tpu.vector_store %arg9[%swap3A, %swap3A_71], %max3A_70 {strides = array<i32>} : memref<1000x128xf32, #tpu.memory_space<vmem>>, vector<1000x128xf32>,
    return
  }
  func.func @transform_0(%arg0: i32) -> (i32, i32, i32) {
    %c0_i32 = arith.constant 0 : i32
    %c0_i32_0 = arith.constant 0 : i32
    %c0_i32_1 = arith.constant 0 : i32
    return %c0_i32, %arg0, %c0_i32_0 : i32, i32, i32
  }
  func.func @transform_1(%arg0: i32) -> (i32, i32, i32) {
    %c0_i32 = arith.constant 0 : i32
    %c0_i32_0 = arith.constant 0 : i32
    %c0_i32_1 = arith.constant 0 : i32
    return %c0_i32, %arg0, %c0_i32_0 : i32, i32, i32
  }
  func.func @transform_2(%arg0: i32) -> (i32, i32) {
    %c0_i32 = arith.constant 0 : i32
    %c0_i32_0 = arith.constant 0 : i32
    return %arg0, %c0_i32 : i32, i32
  }
  func.func @transform_3(%arg0: i32) -> (i32, i32) {
    %c0_i32 = arith.constant 0 : i32
    %c0_i32_0 = arith.constant 0 : i32
    %c0_i32_1 = arith.constant 0 : i32
    return %c0_i32, %c0_i32_0 : i32, i32
  }
  func.func @transform_4(%arg0: i32) -> (i32, i32) {
    %c0_i32 = arith.constant 0 : i32
    %c0_i32_0 = arith.constant 0 : i32
    %c0_i32_1 = arith.constant 0 : i32
    return %c0_i32, %c0_i32_0 : i32, i32
  }
  func.func @transform_5(%arg0: i32) -> (i32, i32) {
    %c0_i32 = arith.constant 0 : i32
    %c0_i32_0 = arith.constant 0 : i32
    %c0_i32_1 = arith.constant 0 : i32
    return %c0_i32, %c0_i32_0 : i32, i32
  }
  func.func @transform_6(%arg0: i32) -> (i32, i32) {
    %c0_i32 = arith.constant 0 : i32
    %c0_i32_0 = arith.constant 0 : i32
    %c0_i32_1 = arith.constant 0 : i32
    return %c0_i32, %c0_i32_0 : i32, i32
  }
  func.func @transform_7(%arg0: i32) -> (i32, i32) {
    %c0_i32 = arith.constant 0 : i32
    %c0_i32_0 = arith.constant 0 : i32
    %c0_i32_1 = arith.constant 0 : i32
    return %c0_i32, %c0_i32_0 : i32, i32
  }
  func.func @transform_8(%arg0: i32) -> (i32, i32) {
    %c0_i32 = arith.constant 0 : i32
    %c0_i32_0 = arith.constant 0 : i32
    return %arg0, %c0_i32 : i32, i32
  }
}

</mosaic_0001>

<sc_bundles>
// kernel: kernel.4.cloned.1.call-start
scs
__scs_entry_jumppad:
0x0: {  	(pc) =	sbr.rel $0x88, $3  }
0x1: {  	(tag) =	ssettag $0x0;
	lr =	simm.s32 $0x1  }
0x2: {  	[smem:$0x3F9A] =	sst lr;
	_ =	strace $0xD0000000  }
0x3: {  	_ = 	snop  }
0x4: {  	_ = 	snop  }
0x5: {  	_ = 	snop  }
0x6: {  	_ = 	snop  }
0x7: {  	_ = 	snop  }
__scs_overlays_trampoline_lowered:
0x8: {  	[smem:$0x3FA9] =	sst s0  }
0x9: {  	[smem:$0x3FAA] =	sst s1  }
0xa: {  	[smem:$0x3FAB] =	sst s2  }
0xb: {  	[smem:$0x3FAC] =	sst s3  }
0xc: {  	[smem:$0x3FAD] =	sst s4  }
0xd: {  	[smem:$0x3FAE] =	sst s5  }
0xe: {  	[smem:$0x3FAF] =	sst s6  }
0xf: {  	[smem:$0x3FB0] =	sst s7  }
0x10: {  	[smem:$0x3FB1] =	sst s8  }
0x11: {  	[smem:$0x3FB2] =	sst s9;
	s0 =	simm.s32 @!p0 $0x0  }
0x12: {  	s1 =	sld [smem:$0x3F98];
	s0 =	simm.s32 @p0 $0x1  }
0x13: {  	[smem:$0x3FB3] =	sst s0;
	s0 =	simm.s32 @!p1 $0x0  }
0x14: {  	s2 =	sld [smem:$0x3F97];
	s0 =	simm.s32 @p1 $0x1  }
0x15: {  	[smem:$0x3FB4] =	sst s0;
	s0 =	simm.s32 @!p2 $0x0  }
0x16: {  	s3 =	sld [smem:$0x3FDB];
	s0 =	simm.s32 @p2 $0x1  }
0x17: {  	s4 =	simm.s32 $0x1BF5;
	[smem:$0x3FB6] =	sst s0  }
0x18: {  	s0 =	sld [smem:$0x3F99];
	_ =	swait.ge [sflag:s4], $0x0  }
0x19: {  	s7 =	sld [smem:$0x3F9A]  }
0x1a: {  	s8 =	sadd.s32 $0xFFFFE003, lr  }
0x1b: {  	s9 =	sadd.s32 $0xFFFFFEF7, lr;
	s5 =	simm.s32 $0xFFFFFFFF;
	p2 =	slt.u32 s8, $0xFFFFF086  }
0x1c: {  	p1 =	slt.u32 s9, $0xF7A;
	s5 =	simm.s32 @!p2 $0x0  }
0x1d: {  	s5 =	simm.s32 @p1 $0x1;
	p0 =	seq.s32 s7, s2  }
0x1e: {  	s7 =	smul.u32 @!p0 $0xF7A, s2;
	p2 =	seq.s32 @!p0 s5, $0x0  }
0x1f: {  	s9 =	smul.u32 $0xF7A, s1;
	s8 =	simm.s32 @!p0 $0x1BF5;
	p2 =	por !p2, p0  }
0x20: {  	[sflag:s8] =	ssyncset.s32 @!p0 $0xFFFFF086;
	s6 =	sadd.s32 @!p0 s3, s7;
	s7 =	simm.s32 @!p0 $0x108  }
0x21: {  	s3 =	sadd.s32 s3, s9;
	s6 =	sadd.s32 @!p0 $0x88, s6;
	s7 =	simm.s32 @p2 $0x1082  }
0x22: {  	[simem:s7], [sflag:s8] =	dma.local @!p0 [hbm:s6], $0xF7A  }
0x23: {  	s9 =	sor.u32 $0xD0000000, s2;
	s6 =	simm.s32 $0x108;
	_ =	swait.ge @!p0 [sflag:s8], $0x0  }
0x24: {  	s3 =	sadd.s32 $0x88, s3;
	s6 =	simm.s32 @!p1 $0x1082;
	[sflag:s4] =	ssyncset.s32 $0xFFFFF086  }
0x25: {  	[simem:s6], [sflag:s4] =	dma.local [hbm:s3], $0xF7A  }
0x26: {  	[smem:$0x3F9A] =	sst s1;
	(tag) =	ssettag s2;
	_ =	strace s9  }
0x27: {  	s1 =	sld [smem:$0x3FAA]  }
0x28: {  	s2 =	sld [smem:$0x3FAB]  }
0x29: {  	s4 =	sld [smem:$0x3FAD]  }
0x2a: {  	p0 =	seq.s32 s5, $0x0;
	s5 =	sld [smem:$0x3FAE]  }
0x2b: {  	s6 =	sld [smem:$0x3FAF]  }
0x2c: {  	s7 =	sld [smem:$0x3FB0]  }
0x2d: {  	s3 =	simm.s32 $0x108;
	s8 =	sld [smem:$0x3FB1]  }
0x2e: {  	s3 =	simm.s32 @!p0 $0x1082;
	s9 =	sld [smem:$0x3FB2]  }
0x2f: {  	lr =	sadd.s32 s0, s3;
	s0 =	sld [smem:$0x3FA9]  }
0x30: {  	s3 =	sld [smem:$0x3FAC]  }
0x31: {  	[smem:$0x3FB5] =	sst s10  }
0x32: {  	s10 =	sld [smem:$0x3FB3];
	_ =	sdelay $0x3  }
0x33: {  	p0 =	seq.s32 s10, $0x1;
	s10 =	sld [smem:$0x3FB5];
	_ =	sdelay $0x3  }
0x34: {  	[smem:$0x3FB5] =	sst s10  }
0x35: {  	s10 =	sld [smem:$0x3FB4];
	_ =	sdelay $0x3  }
0x36: {  	p1 =	seq.s32 s10, $0x1;
	s10 =	sld [smem:$0x3FB5];
	_ =	sdelay $0x3  }
0x37: {  	[smem:$0x3FB5] =	sst s10  }
0x38: {  	s10 =	sld [smem:$0x3FB6]  }
0x39: {  	_ = 	snop;
	(pc) =	sbr.ind lr, $3  }
0x3a: {  	_ = 	snop  }
0x3b: {  	_ = 	snop  }
0x3c: {  	p2 =	seq.s32 s10, $0x1;
	s10 =	sld [smem:$0x3FB5]  }
0x3d: {  	_ =	shalt  }
0x3e: {  	_ =	shalt  }
0x3f: {  	_ =	shalt  }
0x40: {  	_ =	shalt  }
0x41: {  	_ =	shalt  }
0x42: {  	_ =	shalt  }
0x43: {  	_ =	shalt  }
0x44: {  	_ =	shalt  }
0x45: {  	_ =	shalt  }
0x46: {  	_ =	shalt  }
0x47: {  	_ =	shalt  }
0x48: {  	_ =	shalt  }
0x49: {  	_ =	shalt  }
0x4a: {  	_ =	shalt  }
0x4b: {  	_ =	shalt  }
0x4c: {  	_ =	shalt  }
0x4d: {  	_ =	shalt  }
0x4e: {  	_ =	shalt  }
0x4f: {  	_ =	shalt  }
0x50: {  	_ =	shalt  }
0x51: {  	_ =	shalt  }
0x52: {  	_ =	shalt  }
0x53: {  	_ =	shalt  }
0x54: {  	_ =	shalt  }
0x55: {  	_ =	shalt  }
0x56: {  	_ =	shalt  }
0x57: {  	_ =	shalt  }
0x58: {  	_ =	shalt  }
0x59: {  	_ =	shalt  }
0x5a: {  	_ =	shalt  }
0x5b: {  	_ =	shalt  }
0x5c: {  	_ =	shalt  }
0x5d: {  	_ =	shalt  }
0x5e: {  	_ =	shalt  }
0x5f: {  	_ =	shalt  }
0x60: {  	_ =	shalt  }
0x61: {  	_ =	shalt  }
0x62: {  	_ =	shalt  }
0x63: {  	_ =	shalt  }
0x64: {  	_ =	shalt  }
0x65: {  	_ =	shalt  }
0x66: {  	_ =	shalt  }
0x67: {  	_ =	shalt  }
0x68: {  	_ =	shalt  }
0x69: {  	_ =	shalt  }
0x6a: {  	_ =	shalt  }
0x6b: {  	_ =	shalt  }
0x6c: {  	_ =	shalt  }
0x6d: {  	_ =	shalt  }
0x6e: {  	_ =	shalt  }
0x6f: {  	_ =	shalt  }
0x70: {  	_ =	shalt  }
0x71: {  	_ =	shalt  }
0x72: {  	_ =	shalt  }
0x73: {  	_ =	shalt  }
0x74: {  	_ =	shalt  }
0x75: {  	_ =	shalt  }
0x76: {  	_ =	shalt  }
0x77: {  	_ =	shalt  }
0x78: {  	_ =	shalt  }
0x79: {  	_ =	shalt  }
0x7a: {  	_ =	shalt  }
0x7b: {  	_ =	shalt  }
0x7c: {  	_ =	shalt  }
0x7d: {  	_ =	shalt  }
0x7e: {  	_ =	shalt  }
0x7f: {  	_ =	shalt  }
0x80: {  	_ =	shalt  }
0x81: {  	_ =	shalt  }
0x82: {  	_ =	shalt  }
0x83: {  	_ =	shalt  }
0x84: {  	_ =	shalt  }
0x85: {  	_ =	shalt  }
0x86: {  	_ =	shalt  }
0x87: {  	_ =	shalt  }
.Lfunc_end0:
.L_simem_size_0:
called_computation_lowered:
.L_overlay_start_0:
0x88: {  	s2 =	sld [smem:$0x3FD9]  }
0x89: {  	s3 =	sld [smem:$0x3FFE];
	_ =	sdelay $0x1  }
0x8a: {  	s1 =	srdreg.scid  }
0x8b: {  	s0 =	sand.u32 $0x1, s1  }
0x8c: {  	s17 =	sshll.u32 s0, $0xA;
	s2 =	sadd.s32 s3, s2  }
0x8d: {  	s2 =	sadd.s32 s2, s17  }
0x8e: {  	[smem:$0x3FC1] =	sst s2  }
0x8f: {  	_ = 	snop  }
0x90: {  	s2 =	sld [smem:$0x3FC9]  }
0x91: {  	s18 =	sld [smem:$0x3FD0];
	(tm) =	ssettm $0x1  }
0x92: {  	s4 =	sld [smem:$0x3FFB];
	_ =	sdelay $0x3  }
0x93: {  	_ =	strace s4  }
0x94: {  	s4 =	sld [smem:$0x3FFC];
	_ =	sdelay $0x3  }
0x95: {  	_ =	strace s4  }
0x96: {  	s4 =	sld [smem:$0x3FFD];
	_ =	sdelay $0x3  }
0x97: {  	_ =	strace s4  }
0x98: {  	_ =	strace $0x8FFFFFFF  }
0x99: {  	s19 =	sld [smem:$0x3FDB];
	_ =	sdelay $0x1  }
0x9a: {  	s5 =	simm.s32 $_scs_section_size  }
0x9b: {  	s6 =	simm.s32 $_size__tile_overlayer_lowered;
	s7 =	simm.s32 $_tile_overlayer_lowered  }
0x9c: {  	s22 =	simm.s32 $0x1BFF;
	s21 =	sshll.u32 s7, $0x1;
	s4 =	sadd.s32 s5, s19  }
0x9d: {  	s8 =	simm.s32 $0x0;
	s20 =	sshll.u32 s6, $0x1;
	s6 =	sadd.s32 s21, s4  }
0x9e: {  	[timem:s8], [sflag:s22] =	dma.local [hbm:s6], s20  }
0x9f: {  	_ =	swait.ge [sflag:s22], s20  }
0xa0: {  	s5 =	ssub.s32 $0x0, s20;
	[sflag:s22] =	ssyncset.done $0x0  }
0xa1: {  	[sflag:s22] =	ssyncadd.s32 s5;
	_ =	sdelay $0x1  }
0xa2: {  	s23 =	simm.s32 $0x1B8B  }
0xa3: {  	_ =	swait.ge [sflag:s23], $0x1  }
0xa4: {  	[sflag:s23] =	ssyncset.done $0x0  }
0xa5: {  	s25 =	simm.s32 $0x1B8E;
	s24 =	sld [smem:$0x3FFE];
	[sflag:s23] =	ssyncadd.s32 $0xFFFFFFFF  }
0xa6: {  	s26 =	simm.s32 $execute0_lowered;
	[smem:$0x3FD2] =	sst s25  }
0xa7: {  	s6 =	sshll.u32 s26, $0x1;
	_ =	strace $0x80000046;
	[dreg:$0x1] =	wrdreg $0xFFFFFFFF  }
0xa8: {  	s28 =	simm.s32 $_size_execute0_lowered;
	s4 =	sadd.s32 s4, s6;
	[dreg:$0x0] =	wrdreg $0x0  }
0xa9: {  	s6 =	sshll.u32 s28, $0x1;
	[dreg:$0x2] =	wrdreg s4  }
0xaa: {  	[dreg:$0x3] =	wrdreg s6  }
0xab: {  	[dreg:$0x4] =	wrdreg $0xC0  }
0xac: {  	_ =	task [dreg:s8], $0x5FFFF  }
0xad: {  	[dreg:$0x1] =	wrdreg $0xFFFFFFFF  }
0xae: {  	[dreg:$0x0] =	wrdreg $0x60  }
0xaf: {  	[dreg:$0x2] =	wrdreg s2  }
0xb0: {  	[dreg:$0x3] =	wrdreg s18  }
0xb1: {  	[dreg:$0x4] =	wrdreg s24  }
0xb2: {  	[dreg:$0x5] =	wrdreg $0x98000  }
0xb3: {  	[dreg:$0x6] =	wrdreg $0x9  }
0xb4: {  	_ =	task.clear_ibuf [dreg:s8], $0x7FFFF;
	_ =	strace $0x90000046  }
0xb5: {  	s29 =	simm.s32 $0x9;
	_ =	strace $0x80000048  }
0xb6: {  	_ =	swait.ge [sflag:s29], $0x1  }
0xb7: {  	[sflag:s29] =	ssyncadd.s32 $0xFFFFFFFF  }
0xb8: {  	_ =	strace $0x90000048  }
0xb9: {  	_ =	sfence  }
0xba: {  	s30 =	sld [smem:$0x0];
	_ =	sdelay $0x2  }
0xbb: {  	s31 =	sshll.u32 s1, $0xD;
	s1 =	sshrl.u32 s1, $0x2  }
0xbc: {  	s3 =	sand.u32 $0x4000, s31;
	s1 =	sadd.s32 s1, s30  }
0xbd: {  	s0 =	sor.u32 s3, s0;
	s1 =	sshll.u32 s1, $0x11  }
0xbe: {  	s0 =	sor.u32 s1, s0  }
0xbf: {  	s0 =	sadd.s32 $0x8F2B, s0  }
0xc0: {  	[sflag:s0] =	ssyncadd.remote.s32 $0x1  }
0xc1: {  	_ =	sfence.sel $0xFFFF  }
0xc2: {  	[dreg:$0x0] =	wrdreg $0xFFFFFFFF;
	(pc) =	sbr.abs _section_cstart, $3  }
0xc3: {  	[dreg:$0x1] =	wrdreg $0xFFFFFFFF  }
0xc4: {  	_ =	task.clear_ibuf [dreg:s8], $0x2FFFF;
	_ =	strace $0x9FFFFFFF  }
0xc5: {  	(tm) =	ssettm $0x7FFFFFFF  }
tec
execute0_lowered:
.L_overlay_start_1:
0x0: {  	(tag) =	ssettag $0x1  }
0x1: {  	s1 =	rddreg [dreg:$0x0]  }
0x2: {  	s0 =	rddreg [dreg:$0x1]  }
0x3: {  	s3 =	rddreg [dreg:$0x2]  }
0x4: {  	s2 =	rddreg [dreg:$0x3];
	s9 =	simm.s32 $0x0  }
0x5: {  	s12 =	simm.s32 $0x80;
	[smem:$0x7FF] =	sst s9  }
0x6: {  	s14 =	simm.s32 $0x100;
	_ =	strace $0x80000047;
	[dreg:$0x6] =	wrdreg s12  }
0x7: {  	s15 =	simm.s32 $0x180;
	[dreg:$0x7] =	wrdreg s14  }
0x8: {  	s17 =	simm.s32 $0x200;
	[dreg:$0x8] =	wrdreg s15  }
0x9: {  	s18 =	simm.s32 $0x280;
	[dreg:$0x9] =	wrdreg s17  }
0xa: {  	s20 =	simm.s32 $0x300;
	[dreg:$0xa] =	wrdreg s18  }
0xb: {  	s22 =	simm.s32 $0x380;
	[dreg:$0xb] =	wrdreg s20  }
0xc: {  	s4 =	srdreg.scid;
	s24 =	simm.s32 $0x400;
	[dreg:$0xc] =	wrdreg s22  }
0xd: {  	s10 =	stileid.u32;
	s26 =	simm.s32 $0x480;
	[dreg:$0xd] =	wrdreg s24  }
0xe: {  	s30 =	simm.s32 $0x500;
	s31 =	simm.s32 $0x1880;
	[dreg:$0xe] =	wrdreg s26  }
0xf: {  	s28 =	simm.s32 $0x2;
	[dreg:$0xf] =	wrdreg s30;
	s12 =	sadd.s32 $0x138000, s2  }
0x10: {  	s5 =	sand.u32 $0x1, s4;
	s15 =	simm.s32 $0x700;
	[smem:$0x7F9] =	sst s12  }
0x11: {  	s8 =	smul.u32 $0xA00, s10;
	s17 =	simm.s32 $0x780;
	[dreg:$0x13] =	wrdreg s15  }
0x12: {  	s13 =	smul.u32 $0x4E000, s10;
	s18 =	simm.s32 $0x800;
	[dreg:$0x14] =	wrdreg s17  }
0x13: {  	s6 =	smul.u32 $0xA000, s5;
	s20 =	simm.s32 $0x880;
	[dreg:$0x15] =	wrdreg s18  }
0x14: {  	s7 =	smul.u32 $0x27100, s5;
	s22 =	simm.s32 $0x900;
	[dreg:$0x16] =	wrdreg s20  }
0x15: {  	s5 =	ssub.s32 $0x2, s5;
	s24 =	simm.s32 $0xA00;
	[dreg:$0x17] =	wrdreg s22  }
0x16: {  	s26 =	simm.s32 $0xB00;
	s30 =	simm.s32 $0xC00;
	[dreg:$0x19] =	wrdreg s24  }
0x17: {  	s11 =	sshrl.u32 s5, $0x1;
	s16 =	sshrl.u32 s13, $0x2;
	[dreg:$0x1b] =	wrdreg s26  }
0x18: {  	s13 =	simm.s32 $0x680;
	[dreg:$0x1d] =	wrdreg s30;
	s9 =	sadd.s32 s6, s3  }
0x19: {  	s0 =	sadd.s32 s6, s0;
	s6 =	sadd.s32 s16, s2;
	[dreg:$0x12] =	wrdreg s13  }
0x1a: {  	s3 =	sadd.s32 s7, s3;
	s7 =	simm.s32 $0x580;
	[dreg:$0x1e] =	wrdreg s6  }
0x1b: {  	s5 =	ssub.s32 s5, s11;
	s11 =	simm.s32 $0x600;
	[dreg:$0x10] =	wrdreg s7  }
0x1c: {  	p0 =	sne.s32 s10, $0xF;
	s0 =	sadd.s32 s8, s0;
	[dreg:$0x11] =	wrdreg s11  }
0x1d: {  	s20 =	simm.s32 $0x3;
	s19 =	sadd.s32 $0x2800, s6;
	[dreg:$0x5] =	wrdreg s0  }
0x1e: {  	s22 =	simm.s32 $0x50;
	s21 =	sadd.s32 $0x5000, s6;
	[dreg:$0x1f] =	wrdreg s19  }
0x1f: {  	s17 =	simm.s32 $0x1100;
	s23 =	sadd.s32 $0x7800, s6;
	[smem:$0x7F3] =	sst s21  }
0x20: {  	s12 =	simm.s32 $0x1480;
	s25 =	sadd.s32 $0xA000, s6;
	[smem:$0x7F4] =	sst s23  }
0x21: {  	s15 =	simm.s32 $0x1580;
	s29 =	sadd.s32 $0xC800, s6;
	[smem:$0x7F5] =	sst s25  }
0x22: {  	s24 =	simm.s32 $0x1;
	s4 =	sadd.s32 $0xF000, s6;
	[smem:$0x7F6] =	sst s29  }
0x23: {  	s26 =	simm.s32 $0x7000;
	s6 =	sadd.s32 $0x11800, s6;
	[smem:$0x7F7] =	sst s4  }
0x24: {  	s16 =	smul.u32 $0x2700, s10;
	s14 =	sadd.s32 $0x63600, s3;
	[smem:$0x7F8] =	sst s6  }
0x25: {  	s10 =	simm.s32 $0x1380;
	s13 =	simm.s32 $0x1680;
	[smem:$0x7FA] =	sst s14  }
0x26: {  	s3 =	sadd.s32 $0x15400, s3;
	s7 =	simm.s32 $0x1200;
	[smem:$0x7FB] =	sst s16  }
0x27: {  	s11 =	simm.s32 $0x1400;
	[smem:$0x7FC] =	sst s3;
	s19 =	smax.u32 s5, $0x1  }
0x28: {  	s21 =	sadd.s32 s8, s9;
	s23 =	simm.s32 $0x980;
	s25 =	simm.s32 $0xA80  }
0x29: {  	s29 =	simm.s32 $0xB80;
	s3 =	simm.s32 $0x1080;
	s6 =	simm.s32 $0x1180  }
0x2a: {  	s8 =	simm.s32 $0x1280;
	s9 =	simm.s32 $0x1300;
	[smem:$0x7FD] =	sst s19  }
0x2b: {  	s14 =	simm.s32 $0x1500;
	s16 =	simm.s32 $0x1600;
	[dreg:$0x18] =	wrdreg s23  }
0x2c: {  	s5 =	simm.s32 $0x1700;
	s4 =	simm.s32 $0x1800;
	[dreg:$0x1a] =	wrdreg s25  }
0x2d: {  	s18 =	sadd.s32 $0x1400, s21;
	s19 =	simm.s32 $0x2000;
	[dreg:$0x1c] =	wrdreg s29  }
0x2e: {  	v0 =	vimm.f32 $0.0e+00;
	v1 =	vimm.f32 $1.000000000e+00;
	s23 =	simm.s32 $0x1780;
	s25 =	simm.s32 $0x4800;
	s21 =	simm.s32 $0x0  }
.LBB2_1:
0x2f: {  	s29 =	simm.s32 $0x70;
	s30 =	simm.s32 $0x3C0  }
.LBB2_2:
0x30: {  	p1 =	sne.s32 s30, $0x9FC0;
	[tilespmem:s29+$0x2000] =	vst v0  }
0x31: {  	[tilespmem:s29+$0x1F90] =	vst v0  }
0x32: {  	[tilespmem:s29+$0x1FA0] =	vst v0  }
.Ltmp0:
0x33: {  	[tilespmem:s29+$0x1FB0] =	vst v0;
	(pc) =	sbr.rel @p1 .LBB2_2-.Ltmp0, $4  }
0x34: {  	[tilespmem:s29+$0x1FC0] =	vst v0  }
0x35: {  	[tilespmem:s29+$0x1FD0] =	vst v0  }
0x36: {  	[tilespmem:s29+$0x1FE0] =	vst v0  }
0x37: {  	[tilespmem:s29+$0x1FF0] =	vst v0;
	s29 =	sshra.s32 s30, $0x2;
	s30 =	sadd.s32 $0x200, s30  }
0x38: {  	[tilespmem:s29+$0x2000] =	vst v0  }
0x39: {  	[tilespmem:s29+$0x1F90] =	vst v0  }
0x3a: {  	[tilespmem:s29+$0x1FA0] =	vst v0  }
0x3b: {  	[tilespmem:s29+$0x1FB0] =	vst v0  }
0x3c: {  	[tilespmem:s29+$0x1FC0] =	vst v0  }
0x3d: {  	[tilespmem:s29+$0x1FD0] =	vst v0  }
0x3e: {  	[smem:$0x7F2] =	sst s21;
	[tilespmem:s29+$0x1FE0] =	vst v0  }
0x3f: {  	[tilespmem:s29+$0x1FF0] =	vst v0;
	s0 =	rddreg [dreg:$0x1e]  }
0x40: {  	[spmem:s0] =	stream.linear.scatter [tilespmem:s19], [sflag:$0x3], $0x2800, $0x38;
	[tilespmem:$0x1D080] =	vst v63  }
0x41: {  	_ =	swait.ge [sflag:s20], $0x2800  }
0x42: {  	[sflag:s20] =	ssyncset.done $0x0  }
0x43: {  	s21 =	rddreg [dreg:$0x1f];
	[sflag:s20] =	ssyncadd.s32 $0xFFFFD800  }
0x44: {  	[spmem:s21] =	stream.linear.scatter [tilespmem:s19], [sflag:$0x3], $0x2800, $0x38;
	[tilespmem:$0x1D080] =	vst v63  }
0x45: {  	_ =	swait.ge [sflag:s20], $0x2800  }
0x46: {  	s21 =	sld [smem:$0x7F3]  }
0x47: {  	[sflag:s20] =	ssyncset.done $0x0  }
0x48: {  	[sflag:s20] =	ssyncadd.s32 $0xFFFFD800  }
0x49: {  	[spmem:s21] =	stream.linear.scatter [tilespmem:s19], [sflag:$0x3], $0x2800, $0x38;
	[tilespmem:$0x1D080] =	vst v63  }
0x4a: {  	_ =	swait.ge [sflag:s20], $0x2800  }
0x4b: {  	s21 =	sld [smem:$0x7F4]  }
0x4c: {  	[sflag:s20] =	ssyncset.done $0x0  }
0x4d: {  	[sflag:s20] =	ssyncadd.s32 $0xFFFFD800  }
0x4e: {  	[spmem:s21] =	stream.linear.scatter [tilespmem:s19], [sflag:$0x3], $0x2800, $0x38;
	[tilespmem:$0x1D080] =	vst v63  }
0x4f: {  	_ =	swait.ge [sflag:s20], $0x2800  }
0x50: {  	s21 =	sld [smem:$0x7F5]  }
0x51: {  	[sflag:s20] =	ssyncset.done $0x0  }
0x52: {  	[sflag:s20] =	ssyncadd.s32 $0xFFFFD800  }
0x53: {  	[spmem:s21] =	stream.linear.scatter [tilespmem:s19], [sflag:$0x3], $0x2800, $0x38;
	[tilespmem:$0x1D080] =	vst v63  }
0x54: {  	_ =	swait.ge [sflag:s20], $0x2800  }
0x55: {  	s21 =	sld [smem:$0x7F6]  }
0x56: {  	[sflag:s20] =	ssyncset.done $0x0  }
0x57: {  	[sflag:s20] =	ssyncadd.s32 $0xFFFFD800  }
0x58: {  	[spmem:s21] =	stream.linear.scatter [tilespmem:s19], [sflag:$0x3], $0x2800, $0x38;
	[tilespmem:$0x1D080] =	vst v63  }
0x59: {  	_ =	swait.ge [sflag:s20], $0x2800  }
0x5a: {  	s21 =	sld [smem:$0x7F7]  }
0x5b: {  	[sflag:s20] =	ssyncset.done $0x0  }
0x5c: {  	[sflag:s20] =	ssyncadd.s32 $0xFFFFD800  }
0x5d: {  	[spmem:s21] =	stream.linear.scatter [tilespmem:s19], [sflag:$0x3], $0x2800, $0x38;
	[tilespmem:$0x1D080] =	vst v63  }
0x5e: {  	_ =	swait.ge [sflag:s20], $0x2800  }
0x5f: {  	s21 =	sld [smem:$0x7F8]  }
0x60: {  	[sflag:s20] =	ssyncset.done $0x0  }
0x61: {  	[sflag:s20] =	ssyncadd.s32 $0xFFFFD800  }
0x62: {  	[spmem:s21] =	stream.linear.scatter [tilespmem:s19], [sflag:$0x3], $0x2000, $0x38;
	[tilespmem:$0x1D080] =	vst v63  }
0x63: {  	_ =	swait.ge [sflag:s20], $0x2000  }
0x64: {  	s0 =	sld [smem:$0x7F9]  }
0x65: {  	[sflag:s20] =	ssyncset.done $0x0  }
0x66: {  	s29 =	simm.s32 @!p0 $0x2000;
	[sflag:s20] =	ssyncadd.s32 $0xFFFFE000  }
0x67: {  	[spmem:s0] =	stream.linear.scatter @!p0 [tilespmem:s29], [sflag:$0x3], $0x800, $0x38;
	[tilespmem:$0x1D080] =	vst v63  }
0x68: {  	s29 =	simm.s32 @!p0 $0x3  }
0x69: {  	_ =	swait.ge @!p0 [sflag:s29], $0x800  }
0x6a: {  	[sflag:s29] =	ssyncset.done @!p0 $0x0  }
0x6b: {  	s30 =	simm.s32 $0x3C0;
	[sflag:s29] =	ssyncadd.s32 @!p0 $0xFFFFF800;
	s29 =	simm.s32 $0x70  }
.LBB2_4:
0x6c: {  	p1 =	sne.s32 s30, $0x9FC0;
	[tilespmem:s29+$0x2000] =	vst v1  }
0x6d: {  	[tilespmem:s29+$0x1F90] =	vst v1  }
0x6e: {  	[tilespmem:s29+$0x1FA0] =	vst v1  }
.Ltmp1:
0x6f: {  	[tilespmem:s29+$0x1FB0] =	vst v1;
	(pc) =	sbr.rel @p1 .LBB2_4-.Ltmp1, $4  }
0x70: {  	[tilespmem:s29+$0x1FC0] =	vst v1  }
0x71: {  	[tilespmem:s29+$0x1FD0] =	vst v1  }
0x72: {  	[tilespmem:s29+$0x1FE0] =	vst v1  }
0x73: {  	[tilespmem:s29+$0x1FF0] =	vst v1;
	s29 =	sshra.s32 s30, $0x2;
	s30 =	sadd.s32 $0x200, s30  }
0x74: {  	[tilespmem:s29+$0x2000] =	vst v1  }
0x75: {  	[tilespmem:s29+$0x1F90] =	vst v1  }
0x76: {  	[tilespmem:s29+$0x1FA0] =	vst v1  }
0x77: {  	[tilespmem:s29+$0x1FB0] =	vst v1  }
0x78: {  	[tilespmem:s29+$0x1FC0] =	vst v1  }
0x79: {  	[tilespmem:s29+$0x1FD0] =	vst v1  }
0x7a: {  	[tilespmem:s29+$0x1FE0] =	vst v1  }
0x7b: {  	[tilespmem:s29+$0x1FF0] =	vst v1;
	s29 =	sadd.s32 $0x0, s18  }
0x7c: {  	s0 =	simm.s32 $0x0;
	s21 =	simm.s32 $0x1000;
	[bflag:$0x0] =	sbarrier.arrive $0xFFFF  }
0x7d: {  	[tilespmem:s21], [sflag:$0x3] =	stream.linear.gather [hbm4b:s29+s0], $0xC80, $0x38;
	[tilespmem:$0x1D080] =	vst v63  }
0x7e: {  	_ =	swait.ge [sflag:s20], $0xC80  }
0x7f: {  	[sflag:s20] =	ssyncset.done $0x0  }
0x80: {  	[sflag:s20] =	ssyncadd.s32 $0xFFFFF380  }
0x81: {  	[spmem:s2] =	stream.indirect.scatter.add.f32 [tilespmem:s19], [sflag:$0x1], $0x80, s21, s22, $0xb8;
	[tilespmem:$0x1D080] =	vst v63  }
0x82: {  	_ = 	snop  }
0x83: {  	[spmem:s2] =	stream.indirect.scatter.add.f32 [tilespmem:s19], [sflag:$0x1], $0x80, s3, s22, $0xb8;
	[tilespmem:$0x1D080] =	vst v63  }
0x84: {  	_ = 	snop  }
0x85: {  	[spmem:s2] =	stream.indirect.scatter.add.f32 [tilespmem:s19], [sflag:$0x1], $0x80, s17, s22, $0xb8;
	[tilespmem:$0x1D080] =	vst v63  }
0x86: {  	_ = 	snop  }
0x87: {  	[spmem:s2] =	stream.indirect.scatter.add.f32 [tilespmem:s19], [sflag:$0x1], $0x80, s6, s22, $0xb8;
	[tilespmem:$0x1D080] =	vst v63  }
0x88: {  	_ = 	snop  }
0x89: {  	[spmem:s2] =	stream.indirect.scatter.add.f32 [tilespmem:s19], [sflag:$0x1], $0x80, s7, s22, $0xb8;
	[tilespmem:$0x1D080] =	vst v63  }
0x8a: {  	_ = 	snop  }
0x8b: {  	[spmem:s2] =	stream.indirect.scatter.add.f32 [tilespmem:s19], [sflag:$0x1], $0x80, s8, s22, $0xb8;
	[tilespmem:$0x1D080] =	vst v63  }
0x8c: {  	_ = 	snop  }
0x8d: {  	[spmem:s2] =	stream.indirect.scatter.add.f32 [tilespmem:s19], [sflag:$0x1], $0x80, s9, s22, $0xb8;
	[tilespmem:$0x1D080] =	vst v63  }
0x8e: {  	_ = 	snop  }
0x8f: {  	[spmem:s2] =	stream.indirect.scatter.add.f32 [tilespmem:s19], [sflag:$0x1], $0x80, s10, s22, $0xb8;
	[tilespmem:$0x1D080] =	vst v63  }
0x90: {  	_ = 	snop  }
0x91: {  	[spmem:s2] =	stream.indirect.scatter.add.f32 [tilespmem:s19], [sflag:$0x1], $0x80, s11, s22, $0xb8;
	[tilespmem:$0x1D080] =	vst v63  }
0x92: {  	_ = 	snop  }
0x93: {  	[spmem:s2] =	stream.indirect.scatter.add.f32 [tilespmem:s19], [sflag:$0x1], $0x80, s12, s22, $0xb8;
	[tilespmem:$0x1D080] =	vst v63  }
0x94: {  	_ = 	snop  }
0x95: {  	[spmem:s2] =	stream.indirect.scatter.add.f32 [tilespmem:s19], [sflag:$0x1], $0x80, s14, s22, $0xb8;
	[tilespmem:$0x1D080] =	vst v63  }
0x96: {  	_ = 	snop  }
0x97: {  	[spmem:s2] =	stream.indirect.scatter.add.f32 [tilespmem:s19], [sflag:$0x1], $0x80, s15, s22, $0xb8;
	[tilespmem:$0x1D080] =	vst v63  }
0x98: {  	_ = 	snop  }
0x99: {  	[spmem:s2] =	stream.indirect.scatter.add.f32 [tilespmem:s19], [sflag:$0x1], $0x80, s16, s22, $0xb8;
	[tilespmem:$0x1D080] =	vst v63  }
0x9a: {  	_ = 	snop  }
0x9b: {  	[spmem:s2] =	stream.indirect.scatter.add.f32 [tilespmem:s19], [sflag:$0x1], $0x80, s13, s22, $0xb8;
	[tilespmem:$0x1D080] =	vst v63  }
0x9c: {  	_ = 	snop  }
0x9d: {  	[spmem:s2] =	stream.indirect.scatter.add.f32 [tilespmem:s19], [sflag:$0x1], $0x80, s5, s22, $0xb8;
	[tilespmem:$0x1D080] =	vst v63  }
0x9e: {  	_ = 	snop  }
0x9f: {  	[spmem:s2] =	stream.indirect.scatter.add.f32 [tilespmem:s19], [sflag:$0x1], $0x80, s23, s22, $0xb8;
	[tilespmem:$0x1D080] =	vst v63  }
0xa0: {  	_ = 	snop  }
0xa1: {  	[spmem:s2] =	stream.indirect.scatter.add.f32 [tilespmem:s19], [sflag:$0x1], $0x80, s4, s22, $0xb8;
	[tilespmem:$0x1D080] =	vst v63  }
0xa2: {  	_ = 	snop  }
0xa3: {  	[spmem:s2] =	stream.indirect.scatter.add.f32 [tilespmem:s19], [sflag:$0x1], $0x80, s31, s22, $0xb8;
	[tilespmem:$0x1D080] =	vst v63  }
0xa4: {  	s13 =	simm.s32 $0x1900  }
0xa5: {  	[spmem:s2] =	stream.indirect.scatter.add.f32 [tilespmem:s19], [sflag:$0x1], $0x80, s13, s22, $0xb8;
	[tilespmem:$0x1D080] =	vst v63  }
0xa6: {  	s14 =	simm.s32 $0x1980  }
0xa7: {  	[spmem:s2] =	stream.indirect.scatter.add.f32 [tilespmem:s19], [sflag:$0x1], $0x80, s14, s22, $0xb8;
	[tilespmem:$0x1D080] =	vst v63  }
0xa8: {  	s15 =	simm.s32 $0x1A00  }
0xa9: {  	[spmem:s2] =	stream.indirect.scatter.add.f32 [tilespmem:s19], [sflag:$0x1], $0x80, s15, s22, $0xb8;
	[tilespmem:$0x1D080] =	vst v63  }
0xaa: {  	s16 =	simm.s32 $0x1A80  }
0xab: {  	[spmem:s2] =	stream.indirect.scatter.add.f32 [tilespmem:s19], [sflag:$0x1], $0x80, s16, s22, $0xb8;
	[tilespmem:$0x1D080] =	vst v63  }
0xac: {  	s17 =	simm.s32 $0x1B00  }
0xad: {  	[spmem:s2] =	stream.indirect.scatter.add.f32 [tilespmem:s19], [sflag:$0x1], $0x80, s17, s22, $0xb8;
	[tilespmem:$0x1D080] =	vst v63  }
0xae: {  	s23 =	simm.s32 $0x1B80  }
0xaf: {  	[spmem:s2] =	stream.indirect.scatter.add.f32 [tilespmem:s19], [sflag:$0x1], $0x80, s23, s22, $0xb8;
	[tilespmem:$0x1D080] =	vst v63  }
0xb0: {  	s30 =	simm.s32 $0x1C00  }
0xb1: {  	[spmem:s2] =	stream.indirect.scatter.add.f32 [tilespmem:s19], [sflag:$0x1], $0x80, s30, s22, $0xb8;
	[tilespmem:$0x1D080] =	vst v63  }
0xb2: {  	_ =	swait.ge [sflag:s24], $0x2800  }
0xb3: {  	[sflag:s24] =	ssyncset.done $0x0  }
0xb4: {  	[sflag:s24] =	ssyncadd.s32 $0xFFFFD800  }
0xb5: {  	_ =	swait.ge [sflag:s24], $0x2800  }
0xb6: {  	[sflag:s24] =	ssyncset.done $0x0  }
0xb7: {  	[sflag:s24] =	ssyncadd.s32 $0xFFFFD800  }
0xb8: {  	_ =	swait.ge [sflag:s24], $0x2800  }
0xb9: {  	[sflag:s24] =	ssyncset.done $0x0  }
0xba: {  	[sflag:s24] =	ssyncadd.s32 $0xFFFFD800  }
0xbb: {  	_ =	swait.ge [sflag:s24], $0x2800  }
0xbc: {  	[sflag:s24] =	ssyncset.done $0x0  }
0xbd: {  	[sflag:s24] =	ssyncadd.s32 $0xFFFFD800  }
0xbe: {  	_ =	swait.ge [sflag:s24], $0x2800  }
0xbf: {  	[sflag:s24] =	ssyncset.done $0x0  }
0xc0: {  	[sflag:s24] =	ssyncadd.s32 $0xFFFFD800  }
0xc1: {  	_ =	swait.ge [sflag:s24], $0x2800  }
0xc2: {  	[sflag:s24] =	ssyncset.done $0x0  }
0xc3: {  	[sflag:s24] =	ssyncadd.s32 $0xFFFFD800  }
0xc4: {  	_ =	swait.ge [sflag:s24], $0x2800  }
0xc5: {  	[sflag:s24] =	ssyncset.done $0x0  }
0xc6: {  	[sflag:s24] =	ssyncadd.s32 $0xFFFFD800  }
0xc7: {  	_ =	swait.ge [sflag:s24], $0x2800  }
0xc8: {  	[sflag:s24] =	ssyncset.done $0x0  }
0xc9: {  	[sflag:s24] =	ssyncadd.s32 $0xFFFFD800  }
0xca: {  	_ =	swait.ge [sflag:s24], $0x2800  }
0xcb: {  	[sflag:s24] =	ssyncset.done $0x0  }
0xcc: {  	[sflag:s24] =	ssyncadd.s32 $0xFFFFD800  }
0xcd: {  	_ =	swait.ge [sflag:s24], $0x2800  }
0xce: {  	[sflag:s24] =	ssyncset.done $0x0  }
0xcf: {  	[sflag:s24] =	ssyncadd.s32 $0xFFFFD800  }
0xd0: {  	_ =	swait.ge [sflag:s24], $0x2800  }
0xd1: {  	[sflag:s24] =	ssyncset.done $0x0  }
0xd2: {  	[sflag:s24] =	ssyncadd.s32 $0xFFFFD800  }
0xd3: {  	_ =	swait.ge [sflag:s24], $0x2800  }
0xd4: {  	[sflag:s24] =	ssyncset.done $0x0  }
0xd5: {  	[sflag:s24] =	ssyncadd.s32 $0xFFFFD800  }
0xd6: {  	_ =	swait.ge [sflag:s24], $0x2800  }
0xd7: {  	[sflag:s24] =	ssyncset.done $0x0  }
0xd8: {  	[sflag:s24] =	ssyncadd.s32 $0xFFFFD800  }
0xd9: {  	_ =	swait.ge [sflag:s24], $0x2800  }
0xda: {  	[sflag:s24] =	ssyncset.done $0x0  }
0xdb: {  	[sflag:s24] =	ssyncadd.s32 $0xFFFFD800  }
0xdc: {  	_ =	swait.ge [sflag:s24], $0x2800  }
0xdd: {  	[sflag:s24] =	ssyncset.done $0x0  }
0xde: {  	[sflag:s24] =	ssyncadd.s32 $0xFFFFD800  }
0xdf: {  	_ =	swait.ge [sflag:s24], $0x2800  }
0xe0: {  	[sflag:s24] =	ssyncset.done $0x0  }
0xe1: {  	[sflag:s24] =	ssyncadd.s32 $0xFFFFD800  }
0xe2: {  	_ =	swait.ge [sflag:s24], $0x2800  }
0xe3: {  	[sflag:s24] =	ssyncset.done $0x0  }
0xe4: {  	[sflag:s24] =	ssyncadd.s32 $0xFFFFD800  }
0xe5: {  	_ =	swait.ge [sflag:s24], $0x2800  }
0xe6: {  	[sflag:s24] =	ssyncset.done $0x0  }
0xe7: {  	[sflag:s24] =	ssyncadd.s32 $0xFFFFD800  }
0xe8: {  	_ =	swait.ge [sflag:s24], $0x2800  }
0xe9: {  	[sflag:s24] =	ssyncset.done $0x0  }
0xea: {  	[sflag:s24] =	ssyncadd.s32 $0xFFFFD800  }
0xeb: {  	_ =	swait.ge [sflag:s24], $0x2800  }
0xec: {  	[sflag:s24] =	ssyncset.done $0x0  }
0xed: {  	[sflag:s24] =	ssyncadd.s32 $0xFFFFD800  }
0xee: {  	_ =	swait.ge [sflag:s24], $0x2800  }
0xef: {  	[sflag:s24] =	ssyncset.done $0x0  }
0xf0: {  	[sflag:s24] =	ssyncadd.s32 $0xFFFFD800  }
0xf1: {  	_ =	swait.ge [sflag:s24], $0x2800  }
0xf2: {  	[sflag:s24] =	ssyncset.done $0x0  }
0xf3: {  	s29 =	simm.s32 $0x200;
	[sflag:s24] =	ssyncadd.s32 $0xFFFFD800  }
0xf4: {  	s3 =	simm.s32 $0x1080;
	s6 =	simm.s32 $0x1180;
	_ =	swait.ge [sflag:s24], $0x2800  }
0xf5: {  	s7 =	simm.s32 $0x1200;
	s8 =	simm.s32 $0x1280;
	[sflag:s24] =	ssyncset.done $0x0  }
0xf6: {  	s9 =	simm.s32 $0x1300;
	s10 =	simm.s32 $0x1380;
	[sflag:s24] =	ssyncadd.s32 $0xFFFFD800  }
0xf7: {  	s11 =	simm.s32 $0x1400;
	s12 =	simm.s32 $0x1480;
	_ =	swait.ge [sflag:s24], $0x2800  }
0xf8: {  	s5 =	simm.s32 $0x1700;
	s31 =	simm.s32 $0x400;
	[sflag:s24] =	ssyncset.done $0x0  }
0xf9: {  	s13 =	simm.s32 $0x1680;
	s14 =	simm.s32 $0x1500;
	[sflag:s24] =	ssyncadd.s32 $0xFFFFD800  }
0xfa: {  	s15 =	simm.s32 $0x1580;
	s16 =	simm.s32 $0x1600;
	_ =	swait.ge [sflag:s24], $0x2800  }
0xfb: {  	s17 =	simm.s32 $0x1100;
	s23 =	simm.s32 $0x1780;
	[sflag:s24] =	ssyncset.done $0x0  }
.LBB2_6:
0xfc: {  	s0 =	sadd.s32 s29, s18;
	[sflag:s24] =	ssyncadd.s32 $0xFFFFD800  }
0xfd: {  	s29 =	smov.u32 s31;
	s30 =	sadd.s32 $0x200, s31;
	s4 =	simm.s32 $0x0  }
0xfe: {  	[tilespmem:s21], [sflag:$0x3] =	stream.linear.gather [hbm4b:s0+s4], $0xC80, $0x38;
	[tilespmem:$0x1D080] =	vst v63  }
0xff: {  	p1 =	sne.s32 s31, $0x800;
	_ =	swait.ge [sflag:s20], $0xC80  }
0x100: {  	[sflag:s20] =	ssyncset.done $0x0  }
0x101: {  	[sflag:s20] =	ssyncadd.s32 $0xFFFFF380  }
0x102: {  	[spmem:s2] =	stream.indirect.scatter.add.f32 [tilespmem:s19], [sflag:$0x1], $0x80, s21, s22, $0xb8;
	[tilespmem:$0x1D080] =	vst v63  }
0x103: {  	_ = 	snop  }
0x104: {  	[spmem:s2] =	stream.indirect.scatter.add.f32 [tilespmem:s19], [sflag:$0x1], $0x80, s3, s22, $0xb8;
	[tilespmem:$0x1D080] =	vst v63  }
0x105: {  	_ = 	snop  }
0x106: {  	[spmem:s2] =	stream.indirect.scatter.add.f32 [tilespmem:s19], [sflag:$0x1], $0x80, s17, s22, $0xb8;
	[tilespmem:$0x1D080] =	vst v63  }
0x107: {  	_ = 	snop  }
0x108: {  	[spmem:s2] =	stream.indirect.scatter.add.f32 [tilespmem:s19], [sflag:$0x1], $0x80, s6, s22, $0xb8;
	[tilespmem:$0x1D080] =	vst v63  }
0x109: {  	_ = 	snop  }
0x10a: {  	[spmem:s2] =	stream.indirect.scatter.add.f32 [tilespmem:s19], [sflag:$0x1], $0x80, s7, s22, $0xb8;
	[tilespmem:$0x1D080] =	vst v63  }
0x10b: {  	_ = 	snop  }
0x10c: {  	[spmem:s2] =	stream.indirect.scatter.add.f32 [tilespmem:s19], [sflag:$0x1], $0x80, s8, s22, $0xb8;
	[tilespmem:$0x1D080] =	vst v63  }
0x10d: {  	_ = 	snop  }
0x10e: {  	[spmem:s2] =	stream.indirect.scatter.add.f32 [tilespmem:s19], [sflag:$0x1], $0x80, s9, s22, $0xb8;
	[tilespmem:$0x1D080] =	vst v63  }
0x10f: {  	_ = 	snop  }
0x110: {  	[spmem:s2] =	stream.indirect.scatter.add.f32 [tilespmem:s19], [sflag:$0x1], $0x80, s10, s22, $0xb8;
	[tilespmem:$0x1D080] =	vst v63  }
0x111: {  	_ = 	snop  }
0x112: {  	[spmem:s2] =	stream.indirect.scatter.add.f32 [tilespmem:s19], [sflag:$0x1], $0x80, s11, s22, $0xb8;
	[tilespmem:$0x1D080] =	vst v63  }
0x113: {  	_ = 	snop  }
0x114: {  	[spmem:s2] =	stream.indirect.scatter.add.f32 [tilespmem:s19], [sflag:$0x1], $0x80, s12, s22, $0xb8;
	[tilespmem:$0x1D080] =	vst v63  }
0x115: {  	_ = 	snop  }
0x116: {  	[spmem:s2] =	stream.indirect.scatter.add.f32 [tilespmem:s19], [sflag:$0x1], $0x80, s14, s22, $0xb8;
	[tilespmem:$0x1D080] =	vst v63  }
0x117: {  	_ = 	snop  }
0x118: {  	[spmem:s2] =	stream.indirect.scatter.add.f32 [tilespmem:s19], [sflag:$0x1], $0x80, s15, s22, $0xb8;
	[tilespmem:$0x1D080] =	vst v63  }
0x119: {  	_ = 	snop  }
0x11a: {  	[spmem:s2] =	stream.indirect.scatter.add.f32 [tilespmem:s19], [sflag:$0x1], $0x80, s16, s22, $0xb8;
	[tilespmem:$0x1D080] =	vst v63  }
0x11b: {  	_ = 	snop  }
0x11c: {  	[spmem:s2] =	stream.indirect.scatter.add.f32 [tilespmem:s19], [sflag:$0x1], $0x80, s13, s22, $0xb8;
	[tilespmem:$0x1D080] =	vst v63  }
0x11d: {  	_ = 	snop  }
0x11e: {  	[spmem:s2] =	stream.indirect.scatter.add.f32 [tilespmem:s19], [sflag:$0x1], $0x80, s5, s22, $0xb8;
	[tilespmem:$0x1D080] =	vst v63  }
0x11f: {  	_ = 	snop  }
0x120: {  	[spmem:s2] =	stream.indirect.scatter.add.f32 [tilespmem:s19], [sflag:$0x1], $0x80, s23, s22, $0xb8;
	[tilespmem:$0x1D080] =	vst v63  }
0x121: {  	s0 =	simm.s32 $0x1800  }
0x122: {  	[spmem:s2] =	stream.indirect.scatter.add.f32 [tilespmem:s19], [sflag:$0x1], $0x80, s0, s22, $0xb8;
	[tilespmem:$0x1D080] =	vst v63  }
0x123: {  	s0 =	simm.s32 $0x1880  }
0x124: {  	[spmem:s2] =	stream.indirect.scatter.add.f32 [tilespmem:s19], [sflag:$0x1], $0x80, s0, s22, $0xb8;
	[tilespmem:$0x1D080] =	vst v63  }
0x125: {  	s0 =	simm.s32 $0x1900  }
0x126: {  	[spmem:s2] =	stream.indirect.scatter.add.f32 [tilespmem:s19], [sflag:$0x1], $0x80, s0, s22, $0xb8;
	[tilespmem:$0x1D080] =	vst v63  }
0x127: {  	s0 =	simm.s32 $0x1980  }
0x128: {  	[spmem:s2] =	stream.indirect.scatter.add.f32 [tilespmem:s19], [sflag:$0x1], $0x80, s0, s22, $0xb8;
	[tilespmem:$0x1D080] =	vst v63  }
0x129: {  	s0 =	simm.s32 $0x1A00  }
0x12a: {  	[spmem:s2] =	stream.indirect.scatter.add.f32 [tilespmem:s19], [sflag:$0x1], $0x80, s0, s22, $0xb8;
	[tilespmem:$0x1D080] =	vst v63  }
0x12b: {  	s0 =	simm.s32 $0x1A80  }
0x12c: {  	[spmem:s2] =	stream.indirect.scatter.add.f32 [tilespmem:s19], [sflag:$0x1], $0x80, s0, s22, $0xb8;
	[tilespmem:$0x1D080] =	vst v63  }
0x12d: {  	s0 =	simm.s32 $0x1B00  }
0x12e: {  	[spmem:s2] =	stream.indirect.scatter.add.f32 [tilespmem:s19], [sflag:$0x1], $0x80, s0, s22, $0xb8;
	[tilespmem:$0x1D080] =	vst v63  }
0x12f: {  	s0 =	simm.s32 $0x1B80  }
0x130: {  	[spmem:s2] =	stream.indirect.scatter.add.f32 [tilespmem:s19], [sflag:$0x1], $0x80, s0, s22, $0xb8;
	[tilespmem:$0x1D080] =	vst v63  }
0x131: {  	s0 =	simm.s32 $0x1C00  }
0x132: {  	[spmem:s2] =	stream.indirect.scatter.add.f32 [tilespmem:s19], [sflag:$0x1], $0x80, s0, s22, $0xb8;
	[tilespmem:$0x1D080] =	vst v63  }
0x133: {  	_ =	swait.ge [sflag:s24], $0x2800  }
0x134: {  	[sflag:s24] =	ssyncset.done $0x0  }
0x135: {  	[sflag:s24] =	ssyncadd.s32 $0xFFFFD800  }
0x136: {  	_ =	swait.ge [sflag:s24], $0x2800  }
0x137: {  	[sflag:s24] =	ssyncset.done $0x0  }
0x138: {  	[sflag:s24] =	ssyncadd.s32 $0xFFFFD800  }
0x139: {  	_ =	swait.ge [sflag:s24], $0x2800  }
0x13a: {  	[sflag:s24] =	ssyncset.done $0x0  }
0x13b: {  	[sflag:s24] =	ssyncadd.s32 $0xFFFFD800  }
0x13c: {  	_ =	swait.ge [sflag:s24], $0x2800  }
0x13d: {  	[sflag:s24] =	ssyncset.done $0x0  }
0x13e: {  	[sflag:s24] =	ssyncadd.s32 $0xFFFFD800  }
0x13f: {  	_ =	swait.ge [sflag:s24], $0x2800  }
0x140: {  	[sflag:s24] =	ssyncset.done $0x0  }
0x141: {  	[sflag:s24] =	ssyncadd.s32 $0xFFFFD800  }
0x142: {  	_ =	swait.ge [sflag:s24], $0x2800  }
0x143: {  	[sflag:s24] =	ssyncset.done $0x0  }
0x144: {  	[sflag:s24] =	ssyncadd.s32 $0xFFFFD800  }
0x145: {  	_ =	swait.ge [sflag:s24], $0x2800  }
0x146: {  	[sflag:s24] =	ssyncset.done $0x0  }
0x147: {  	[sflag:s24] =	ssyncadd.s32 $0xFFFFD800  }
0x148: {  	_ =	swait.ge [sflag:s24], $0x2800  }
0x149: {  	[sflag:s24] =	ssyncset.done $0x0  }
0x14a: {  	[sflag:s24] =	ssyncadd.s32 $0xFFFFD800  }
0x14b: {  	_ =	swait.ge [sflag:s24], $0x2800  }
0x14c: {  	[sflag:s24] =	ssyncset.done $0x0  }
0x14d: {  	[sflag:s24] =	ssyncadd.s32 $0xFFFFD800  }
0x14e: {  	_ =	swait.ge [sflag:s24], $0x2800  }
0x14f: {  	[sflag:s24] =	ssyncset.done $0x0  }
0x150: {  	[sflag:s24] =	ssyncadd.s32 $0xFFFFD800  }
0x151: {  	_ =	swait.ge [sflag:s24], $0x2800  }
0x152: {  	[sflag:s24] =	ssyncset.done $0x0  }
0x153: {  	[sflag:s24] =	ssyncadd.s32 $0xFFFFD800  }
0x154: {  	_ =	swait.ge [sflag:s24], $0x2800  }
0x155: {  	[sflag:s24] =	ssyncset.done $0x0  }
0x156: {  	[sflag:s24] =	ssyncadd.s32 $0xFFFFD800  }
0x157: {  	_ =	swait.ge [sflag:s24], $0x2800  }
0x158: {  	[sflag:s24] =	ssyncset.done $0x0  }
0x159: {  	[sflag:s24] =	ssyncadd.s32 $0xFFFFD800  }
0x15a: {  	_ =	swait.ge [sflag:s24], $0x2800  }
0x15b: {  	[sflag:s24] =	ssyncset.done $0x0  }
0x15c: {  	[sflag:s24] =	ssyncadd.s32 $0xFFFFD800  }
0x15d: {  	_ =	swait.ge [sflag:s24], $0x2800  }
0x15e: {  	[sflag:s24] =	ssyncset.done $0x0  }
0x15f: {  	[sflag:s24] =	ssyncadd.s32 $0xFFFFD800  }
0x160: {  	_ =	swait.ge [sflag:s24], $0x2800  }
0x161: {  	[sflag:s24] =	ssyncset.done $0x0  }
0x162: {  	[sflag:s24] =	ssyncadd.s32 $0xFFFFD800  }
0x163: {  	_ =	swait.ge [sflag:s24], $0x2800  }
0x164: {  	[sflag:s24] =	ssyncset.done $0x0  }
0x165: {  	[sflag:s24] =	ssyncadd.s32 $0xFFFFD800  }
0x166: {  	_ =	swait.ge [sflag:s24], $0x2800  }
0x167: {  	[sflag:s24] =	ssyncset.done $0x0  }
0x168: {  	[sflag:s24] =	ssyncadd.s32 $0xFFFFD800  }
0x169: {  	_ =	swait.ge [sflag:s24], $0x2800  }
0x16a: {  	[sflag:s24] =	ssyncset.done $0x0  }
0x16b: {  	[sflag:s24] =	ssyncadd.s32 $0xFFFFD800  }
0x16c: {  	_ =	swait.ge [sflag:s24], $0x2800  }
0x16d: {  	[sflag:s24] =	ssyncset.done $0x0  }
0x16e: {  	[sflag:s24] =	ssyncadd.s32 $0xFFFFD800  }
0x16f: {  	_ =	swait.ge [sflag:s24], $0x2800  }
0x170: {  	[sflag:s24] =	ssyncset.done $0x0  }
0x171: {  	[sflag:s24] =	ssyncadd.s32 $0xFFFFD800  }
0x172: {  	_ =	swait.ge [sflag:s24], $0x2800  }
0x173: {  	[sflag:s24] =	ssyncset.done $0x0  }
0x174: {  	[sflag:s24] =	ssyncadd.s32 $0xFFFFD800  }
0x175: {  	_ =	swait.ge [sflag:s24], $0x2800  }
0x176: {  	[sflag:s24] =	ssyncset.done $0x0  }
0x177: {  	[sflag:s24] =	ssyncadd.s32 $0xFFFFD800  }
.Ltmp2:
0x178: {  	_ =	swait.ge [sflag:s24], $0x2800;
	(pc) =	sbr.rel @p1 .LBB2_6-.Ltmp2, $4  }
0x179: {  	[sflag:s24] =	ssyncset.done $0x0  }
0x17a: {  	[sflag:s24] =	ssyncadd.s32 $0xFFFFD800  }
0x17b: {  	_ =	swait.ge [sflag:s24], $0x2800  }
0x17c: {  	s31 =	smov.u32 s30;
	[sflag:s24] =	ssyncset.done $0x0  }
0x17d: {  	s0 =	sadd.s32 s29, s18;
	[sflag:s24] =	ssyncadd.s32 $0xFFFFD800;
	s4 =	simm.s32 $0x0  }
0x17e: {  	[tilespmem:s21], [sflag:$0x3] =	stream.linear.gather [hbm4b:s0+s4], $0xC80, $0x38;
	[tilespmem:$0x1D080] =	vst v63  }
0x17f: {  	_ =	swait.ge [sflag:s20], $0xC80  }
0x180: {  	[sflag:s20] =	ssyncset.done $0x0  }
0x181: {  	[sflag:s20] =	ssyncadd.s32 $0xFFFFF380  }
0x182: {  	[spmem:s2] =	stream.indirect.scatter.add.f32 [tilespmem:s19], [sflag:$0x1], $0x80, s21, s22, $0xb8;
	[tilespmem:$0x1D080] =	vst v63  }
0x183: {  	_ = 	snop  }
0x184: {  	[spmem:s2] =	stream.indirect.scatter.add.f32 [tilespmem:s19], [sflag:$0x1], $0x80, s3, s22, $0xb8;
	[tilespmem:$0x1D080] =	vst v63  }
0x185: {  	_ = 	snop  }
0x186: {  	[spmem:s2] =	stream.indirect.scatter.add.f32 [tilespmem:s19], [sflag:$0x1], $0x80, s17, s22, $0xb8;
	[tilespmem:$0x1D080] =	vst v63  }
0x187: {  	_ = 	snop  }
0x188: {  	[spmem:s2] =	stream.indirect.scatter.add.f32 [tilespmem:s19], [sflag:$0x1], $0x80, s6, s22, $0xb8;
	[tilespmem:$0x1D080] =	vst v63  }
0x189: {  	_ = 	snop  }
0x18a: {  	[spmem:s2] =	stream.indirect.scatter.add.f32 [tilespmem:s19], [sflag:$0x1], $0x80, s7, s22, $0xb8;
	[tilespmem:$0x1D080] =	vst v63  }
0x18b: {  	_ = 	snop  }
0x18c: {  	[spmem:s2] =	stream.indirect.scatter.add.f32 [tilespmem:s19], [sflag:$0x1], $0x80, s8, s22, $0xb8;
	[tilespmem:$0x1D080] =	vst v63  }
0x18d: {  	_ = 	snop  }
0x18e: {  	[spmem:s2] =	stream.indirect.scatter.add.f32 [tilespmem:s19], [sflag:$0x1], $0x80, s9, s22, $0xb8;
	[tilespmem:$0x1D080] =	vst v63  }
0x18f: {  	_ = 	snop  }
0x190: {  	[spmem:s2] =	stream.indirect.scatter.add.f32 [tilespmem:s19], [sflag:$0x1], $0x80, s10, s22, $0xb8;
	[tilespmem:$0x1D080] =	vst v63  }
0x191: {  	_ = 	snop  }
0x192: {  	[spmem:s2] =	stream.indirect.scatter.add.f32 [tilespmem:s19], [sflag:$0x1], $0x80, s11, s22, $0xb8;
	[tilespmem:$0x1D080] =	vst v63  }
0x193: {  	_ = 	snop  }
0x194: {  	[spmem:s2] =	stream.indirect.scatter.add.f32 [tilespmem:s19], [sflag:$0x1], $0x80, s12, s22, $0xb8;
	[tilespmem:$0x1D080] =	vst v63  }
0x195: {  	_ = 	snop  }
0x196: {  	[spmem:s2] =	stream.indirect.scatter.add.f32 [tilespmem:s19], [sflag:$0x1], $0x80, s14, s22, $0xb8;
	[tilespmem:$0x1D080] =	vst v63  }
0x197: {  	_ = 	snop  }
0x198: {  	[spmem:s2] =	stream.indirect.scatter.add.f32 [tilespmem:s19], [sflag:$0x1], $0x80, s15, s22, $0xb8;
	[tilespmem:$0x1D080] =	vst v63  }
0x199: {  	_ = 	snop  }
0x19a: {  	[spmem:s2] =	stream.indirect.scatter.add.f32 [tilespmem:s19], [sflag:$0x1], $0x80, s16, s22, $0xb8;
	[tilespmem:$0x1D080] =	vst v63  }
0x19b: {  	_ = 	snop  }
0x19c: {  	[spmem:s2] =	stream.indirect.scatter.add.f32 [tilespmem:s19], [sflag:$0x1], $0x80, s13, s22, $0xb8;
	[tilespmem:$0x1D080] =	vst v63  }
0x19d: {  	_ = 	snop  }
0x19e: {  	[spmem:s2] =	stream.indirect.scatter.add.f32 [tilespmem:s19], [sflag:$0x1], $0x80, s5, s22, $0xb8;
	[tilespmem:$0x1D080] =	vst v63  }
0x19f: {  	_ = 	snop  }
0x1a0: {  	[spmem:s2] =	stream.indirect.scatter.add.f32 [tilespmem:s19], [sflag:$0x1], $0x80, s23, s22, $0xb8;
	[tilespmem:$0x1D080] =	vst v63  }
0x1a1: {  	s10 =	simm.s32 $0x1800  }
0x1a2: {  	[spmem:s2] =	stream.indirect.scatter.add.f32 [tilespmem:s19], [sflag:$0x1], $0x80, s10, s22, $0xb8;
	[tilespmem:$0x1D080] =	vst v63  }
0x1a3: {  	s11 =	simm.s32 $0x1880  }
0x1a4: {  	[spmem:s2] =	stream.indirect.scatter.add.f32 [tilespmem:s19], [sflag:$0x1], $0x80, s11, s22, $0xb8;
	[tilespmem:$0x1D080] =	vst v63  }
0x1a5: {  	s12 =	simm.s32 $0x1900  }
0x1a6: {  	[spmem:s2] =	stream.indirect.scatter.add.f32 [tilespmem:s19], [sflag:$0x1], $0x80, s12, s22, $0xb8;
	[tilespmem:$0x1D080] =	vst v63  }
0x1a7: {  	s13 =	simm.s32 $0x1980  }
0x1a8: {  	[spmem:s2] =	stream.indirect.scatter.add.f32 [tilespmem:s19], [sflag:$0x1], $0x80, s13, s22, $0xb8;
	[tilespmem:$0x1D080] =	vst v63  }
0x1a9: {  	s14 =	simm.s32 $0x1A00  }
0x1aa: {  	[spmem:s2] =	stream.indirect.scatter.add.f32 [tilespmem:s19], [sflag:$0x1], $0x80, s14, s22, $0xb8;
	[tilespmem:$0x1D080] =	vst v63  }
0x1ab: {  	s15 =	simm.s32 $0x1A80  }
0x1ac: {  	[spmem:s2] =	stream.indirect.scatter.add.f32 [tilespmem:s19], [sflag:$0x1], $0x80, s15, s22, $0xb8;
	[tilespmem:$0x1D080] =	vst v63  }
0x1ad: {  	s16 =	simm.s32 $0x1B00  }
0x1ae: {  	[spmem:s2] =	stream.indirect.scatter.add.f32 [tilespmem:s19], [sflag:$0x1], $0x80, s16, s22, $0xb8;
	[tilespmem:$0x1D080] =	vst v63  }
0x1af: {  	s17 =	simm.s32 $0x1B80  }
0x1b0: {  	[spmem:s2] =	stream.indirect.scatter.add.f32 [tilespmem:s19], [sflag:$0x1], $0x80, s17, s22, $0xb8;
	[tilespmem:$0x1D080] =	vst v63  }
0x1b1: {  	s31 =	smov.u32 s18;
	s18 =	simm.s32 $0x1C00  }
0x1b2: {  	[spmem:s2] =	stream.indirect.scatter.add.f32 [tilespmem:s19], [sflag:$0x1], $0x80, s18, s22, $0xb8;
	[tilespmem:$0x1D080] =	vst v63  }
0x1b3: {  	_ =	swait.ge [sflag:s24], $0x2800  }
0x1b4: {  	[sflag:s24] =	ssyncset.done $0x0  }
0x1b5: {  	[sflag:s24] =	ssyncadd.s32 $0xFFFFD800  }
0x1b6: {  	_ =	swait.ge [sflag:s24], $0x2800  }
0x1b7: {  	[sflag:s24] =	ssyncset.done $0x0  }
0x1b8: {  	[sflag:s24] =	ssyncadd.s32 $0xFFFFD800  }
0x1b9: {  	_ =	swait.ge [sflag:s24], $0x2800  }
0x1ba: {  	[sflag:s24] =	ssyncset.done $0x0  }
0x1bb: {  	[sflag:s24] =	ssyncadd.s32 $0xFFFFD800  }
0x1bc: {  	_ =	swait.ge [sflag:s24], $0x2800  }
0x1bd: {  	[sflag:s24] =	ssyncset.done $0x0  }
0x1be: {  	[sflag:s24] =	ssyncadd.s32 $0xFFFFD800  }
0x1bf: {  	_ =	swait.ge [sflag:s24], $0x2800  }
0x1c0: {  	[sflag:s24] =	ssyncset.done $0x0  }
0x1c1: {  	[sflag:s24] =	ssyncadd.s32 $0xFFFFD800  }
0x1c2: {  	_ =	swait.ge [sflag:s24], $0x2800  }
0x1c3: {  	[sflag:s24] =	ssyncset.done $0x0  }
0x1c4: {  	[sflag:s24] =	ssyncadd.s32 $0xFFFFD800  }
0x1c5: {  	_ =	swait.ge [sflag:s24], $0x2800  }
0x1c6: {  	[sflag:s24] =	ssyncset.done $0x0  }
0x1c7: {  	[sflag:s24] =	ssyncadd.s32 $0xFFFFD800  }
0x1c8: {  	_ =	swait.ge [sflag:s24], $0x2800  }
0x1c9: {  	[sflag:s24] =	ssyncset.done $0x0  }
0x1ca: {  	[sflag:s24] =	ssyncadd.s32 $0xFFFFD800  }
0x1cb: {  	_ =	swait.ge [sflag:s24], $0x2800  }
0x1cc: {  	[sflag:s24] =	ssyncset.done $0x0  }
0x1cd: {  	[sflag:s24] =	ssyncadd.s32 $0xFFFFD800  }
0x1ce: {  	_ =	swait.ge [sflag:s24], $0x2800  }
0x1cf: {  	[sflag:s24] =	ssyncset.done $0x0  }
0x1d0: {  	[sflag:s24] =	ssyncadd.s32 $0xFFFFD800  }
0x1d1: {  	_ =	swait.ge [sflag:s24], $0x2800  }
0x1d2: {  	[sflag:s24] =	ssyncset.done $0x0  }
0x1d3: {  	[sflag:s24] =	ssyncadd.s32 $0xFFFFD800  }
0x1d4: {  	_ =	swait.ge [sflag:s24], $0x2800  }
0x1d5: {  	[sflag:s24] =	ssyncset.done $0x0  }
0x1d6: {  	[sflag:s24] =	ssyncadd.s32 $0xFFFFD800  }
0x1d7: {  	_ =	swait.ge [sflag:s24], $0x2800  }
0x1d8: {  	[sflag:s24] =	ssyncset.done $0x0  }
0x1d9: {  	[sflag:s24] =	ssyncadd.s32 $0xFFFFD800  }
0x1da: {  	_ =	swait.ge [sflag:s24], $0x2800  }
0x1db: {  	[sflag:s24] =	ssyncset.done $0x0  }
0x1dc: {  	[sflag:s24] =	ssyncadd.s32 $0xFFFFD800  }
0x1dd: {  	_ =	swait.ge [sflag:s24], $0x2800  }
0x1de: {  	[sflag:s24] =	ssyncset.done $0x0  }
0x1df: {  	[sflag:s24] =	ssyncadd.s32 $0xFFFFD800  }
0x1e0: {  	_ =	swait.ge [sflag:s24], $0x2800  }
0x1e1: {  	[sflag:s24] =	ssyncset.done $0x0  }
0x1e2: {  	[sflag:s24] =	ssyncadd.s32 $0xFFFFD800  }
0x1e3: {  	_ =	swait.ge [sflag:s24], $0x2800  }
0x1e4: {  	[sflag:s24] =	ssyncset.done $0x0  }
0x1e5: {  	[sflag:s24] =	ssyncadd.s32 $0xFFFFD800  }
0x1e6: {  	_ =	swait.ge [sflag:s24], $0x2800  }
0x1e7: {  	[sflag:s24] =	ssyncset.done $0x0  }
0x1e8: {  	[sflag:s24] =	ssyncadd.s32 $0xFFFFD800  }
0x1e9: {  	_ =	swait.ge [sflag:s24], $0x2800  }
0x1ea: {  	[sflag:s24] =	ssyncset.done $0x0  }
0x1eb: {  	[sflag:s24] =	ssyncadd.s32 $0xFFFFD800  }
0x1ec: {  	_ =	swait.ge [sflag:s24], $0x2800  }
0x1ed: {  	[sflag:s24] =	ssyncset.done $0x0  }
0x1ee: {  	[sflag:s24] =	ssyncadd.s32 $0xFFFFD800  }
0x1ef: {  	_ =	swait.ge [sflag:s24], $0x2800  }
0x1f0: {  	[sflag:s24] =	ssyncset.done $0x0  }
0x1f1: {  	[sflag:s24] =	ssyncadd.s32 $0xFFFFD800  }
0x1f2: {  	_ =	swait.ge [sflag:s24], $0x2800  }
0x1f3: {  	[sflag:s24] =	ssyncset.done $0x0  }
0x1f4: {  	[sflag:s24] =	ssyncadd.s32 $0xFFFFD800  }
0x1f5: {  	_ =	swait.ge [sflag:s24], $0x2800  }
0x1f6: {  	[sflag:s24] =	ssyncset.done $0x0  }
0x1f7: {  	[sflag:s24] =	ssyncadd.s32 $0xFFFFD800  }
0x1f8: {  	_ =	swait.ge [sflag:s24], $0x2800  }
0x1f9: {  	[sflag:s24] =	ssyncset.done $0x0  }
0x1fa: {  	[sflag:s24] =	ssyncadd.s32 $0xFFFFD800  }
0x1fb: {  	_ =	swait.ge [sflag:s24], $0x2800  }
0x1fc: {  	[sflag:s24] =	ssyncset.done $0x0  }
0x1fd: {  	[sflag:s24] =	ssyncadd.s32 $0xFFFFD800  }
0x1fe: {  	[bflag:$0x0] =	sbarrier.arrive $0xFFFF  }
0x1ff: {  	s30 =	sld [smem:$0x7FA]  }
0x200: {  	s21 =	stileid.u32;
	s29 =	sld [smem:$0x7FB]  }
0x201: {  	s0 =	sshll.u32 s21, $0x6;
	s23 =	rddreg [dreg:$0x1e]  }
0x202: {  	s3 =	sor.u32 $0x1C03, s0;
	s0 =	sshrl.u32 s23, $0x3  }
0x203: {  	[smem:$0x7EF] =	sst s0;
	s29 =	sadd.s32 s29, s30  }
0x204: {  	[hbm:s29], [sflag:s3] =	dma.local [spmem:s0], $0x2700  }
0x205: {  	s21 =	simm.s32 $0x1000;
	_ =	swait.ge [sflag:s20], $0x2700  }
0x206: {  	s6 =	simm.s32 $0x1180;
	s7 =	simm.s32 $0x1200;
	s29 =	sld [smem:$0x7F9]  }
0x207: {  	s8 =	simm.s32 $0x1280;
	s9 =	simm.s32 $0x1300;
	s5 =	simm.s32 $0x1700  }
0x208: {  	s10 =	simm.s32 $0x1380;
	s11 =	simm.s32 $0x1400;
	s12 =	simm.s32 $0x1480  }
0x209: {  	[sflag:s20] =	ssyncset.done $0x0;
	[smem:$0x7F0] =	sst s3;
	s4 =	sshrl.u32 @!p0 s29, $0x3  }
0x20a: {  	s0 =	sadd.s32 @!p0 $0x27000, s30;
	[sflag:s20] =	ssyncadd.s32 $0xFFFFD900;
	[smem:$0x7F1] =	sst s4  }
0x20b: {  	[hbm:s0], [sflag:s3] =	dma.local @!p0 [spmem:s4], $0x100  }
0x20c: {  	s13 =	simm.s32 $0x1680;
	s14 =	simm.s32 $0x1500;
	s0 =	simm.s32 @!p0 $0x3  }
0x20d: {  	s15 =	simm.s32 $0x1580;
	s16 =	simm.s32 $0x1600;
	_ =	swait.ge @!p0 [sflag:s0], $0x100  }
0x20e: {  	s17 =	simm.s32 $0x1100;
	s23 =	simm.s32 $0x1780;
	[sflag:s0] =	ssyncset.done @!p0 $0x0  }
0x20f: {  	s30 =	simm.s32 $0x3C0;
	s29 =	simm.s32 $0x70;
	[sflag:s0] =	ssyncadd.s32 @!p0 $0xFFFFFF00  }
0x210: {  	s3 =	simm.s32 $0x1080;
	s4 =	simm.s32 $0x1800;
	[bflag:$0x0] =	sbarrier.arrive $0xFFFF  }
.LBB2_8:
0x211: {  	p1 =	sne.s32 s30, $0x9FC0;
	[tilespmem:s29+$0x2000] =	vst v0  }
0x212: {  	[tilespmem:s29+$0x1F90] =	vst v0  }
0x213: {  	[tilespmem:s29+$0x1FA0] =	vst v0  }
.Ltmp3:
0x214: {  	[tilespmem:s29+$0x1FB0] =	vst v0;
	(pc) =	sbr.rel @p1 .LBB2_8-.Ltmp3, $4  }
0x215: {  	[tilespmem:s29+$0x1FC0] =	vst v0  }
0x216: {  	[tilespmem:s29+$0x1FD0] =	vst v0  }
0x217: {  	[tilespmem:s29+$0x1FE0] =	vst v0  }
0x218: {  	[tilespmem:s29+$0x1FF0] =	vst v0;
	s29 =	sshra.s32 s30, $0x2;
	s30 =	sadd.s32 $0x200, s30  }
0x219: {  	[tilespmem:s29+$0x2000] =	vst v0  }
0x21a: {  	[tilespmem:s29+$0x1F90] =	vst v0  }
0x21b: {  	[tilespmem:s29+$0x1FA0] =	vst v0  }
0x21c: {  	[tilespmem:s29+$0x1FB0] =	vst v0  }
0x21d: {  	[tilespmem:s29+$0x1FC0] =	vst v0  }
0x21e: {  	[tilespmem:s29+$0x1FD0] =	vst v0  }
0x21f: {  	[tilespmem:s29+$0x1FE0] =	vst v0  }
0x220: {  	[tilespmem:s29+$0x1FF0] =	vst v0;
	s0 =	rddreg [dreg:$0x1e]  }
0x221: {  	[spmem:s0] =	stream.linear.scatter [tilespmem:s19], [sflag:$0x3], $0x2800, $0x38;
	[tilespmem:$0x1D080] =	vst v63  }
0x222: {  	_ =	swait.ge [sflag:s20], $0x2800  }
0x223: {  	[sflag:s20] =	ssyncset.done $0x0  }
0x224: {  	s18 =	rddreg [dreg:$0x1f];
	[sflag:s20] =	ssyncadd.s32 $0xFFFFD800  }
0x225: {  	[spmem:s18] =	stream.linear.scatter [tilespmem:s19], [sflag:$0x3], $0x2800, $0x38;
	[tilespmem:$0x1D080] =	vst v63  }
0x226: {  	_ =	swait.ge [sflag:s20], $0x2800  }
0x227: {  	s18 =	sld [smem:$0x7F3]  }
0x228: {  	[sflag:s20] =	ssyncset.done $0x0  }
0x229: {  	[sflag:s20] =	ssyncadd.s32 $0xFFFFD800  }
0x22a: {  	[spmem:s18] =	stream.linear.scatter [tilespmem:s19], [sflag:$0x3], $0x2800, $0x38;
	[tilespmem:$0x1D080] =	vst v63  }
0x22b: {  	_ =	swait.ge [sflag:s20], $0x2800  }
0x22c: {  	s18 =	sld [smem:$0x7F4]  }
0x22d: {  	[sflag:s20] =	ssyncset.done $0x0  }
0x22e: {  	[sflag:s20] =	ssyncadd.s32 $0xFFFFD800  }
0x22f: {  	[spmem:s18] =	stream.linear.scatter [tilespmem:s19], [sflag:$0x3], $0x2800, $0x38;
	[tilespmem:$0x1D080] =	vst v63  }
0x230: {  	_ =	swait.ge [sflag:s20], $0x2800  }
0x231: {  	s18 =	sld [smem:$0x7F5]  }
0x232: {  	[sflag:s20] =	ssyncset.done $0x0  }
0x233: {  	[sflag:s20] =	ssyncadd.s32 $0xFFFFD800  }
0x234: {  	[spmem:s18] =	stream.linear.scatter [tilespmem:s19], [sflag:$0x3], $0x2800, $0x38;
	[tilespmem:$0x1D080] =	vst v63  }
0x235: {  	_ =	swait.ge [sflag:s20], $0x2800  }
0x236: {  	s18 =	sld [smem:$0x7F6]  }
0x237: {  	[sflag:s20] =	ssyncset.done $0x0  }
0x238: {  	[sflag:s20] =	ssyncadd.s32 $0xFFFFD800  }
0x239: {  	[spmem:s18] =	stream.linear.scatter [tilespmem:s19], [sflag:$0x3], $0x2800, $0x38;
	[tilespmem:$0x1D080] =	vst v63  }
0x23a: {  	_ =	swait.ge [sflag:s20], $0x2800  }
0x23b: {  	s18 =	sld [smem:$0x7F7]  }
0x23c: {  	[sflag:s20] =	ssyncset.done $0x0  }
0x23d: {  	[sflag:s20] =	ssyncadd.s32 $0xFFFFD800  }
0x23e: {  	[spmem:s18] =	stream.linear.scatter [tilespmem:s19], [sflag:$0x3], $0x2800, $0x38;
	[tilespmem:$0x1D080] =	vst v63  }
0x23f: {  	_ =	swait.ge [sflag:s20], $0x2800  }
0x240: {  	s18 =	sld [smem:$0x7F8]  }
0x241: {  	[sflag:s20] =	ssyncset.done $0x0  }
0x242: {  	[sflag:s20] =	ssyncadd.s32 $0xFFFFD800  }
0x243: {  	[spmem:s18] =	stream.linear.scatter [tilespmem:s19], [sflag:$0x3], $0x2000, $0x38;
	[tilespmem:$0x1D080] =	vst v63  }
0x244: {  	_ =	swait.ge [sflag:s20], $0x2000  }
0x245: {  	s29 =	sld [smem:$0x7F9]  }
0x246: {  	[sflag:s20] =	ssyncset.done $0x0  }
0x247: {  	s0 =	simm.s32 @!p0 $0x2000;
	[sflag:s20] =	ssyncadd.s32 $0xFFFFE000  }
0x248: {  	[spmem:s29] =	stream.linear.scatter @!p0 [tilespmem:s0], [sflag:$0x3], $0x800, $0x38;
	[tilespmem:$0x1D080] =	vst v63  }
0x249: {  	s0 =	simm.s32 @!p0 $0x3  }
0x24a: {  	_ =	swait.ge @!p0 [sflag:s0], $0x800  }
0x24b: {  	[sflag:s0] =	ssyncset.done @!p0 $0x0  }
0x24c: {  	[sflag:s0] =	ssyncadd.s32 @!p0 $0xFFFFF800  }
0x24d: {  	[bflag:$0x0] =	sbarrier.arrive $0xFFFF  }
0x24e: {  	s18 =	rddreg [dreg:$0x5]  }
0x24f: {  	s0 =	sadd.s32 $0x0, s18;
	s18 =	simm.s32 $0x0  }
0x250: {  	[tilespmem:s18], [sflag:$0x3] =	stream.linear.gather [hbm4b:s0+s18], $0xC80, $0x38;
	[tilespmem:$0x1D080] =	vst v63  }
0x251: {  	_ =	swait.ge [sflag:s20], $0xC80  }
0x252: {  	[sflag:s20] =	ssyncset.done $0x0  }
0x253: {  	s0 =	sadd.s32 $0x0, s31;
	[sflag:s20] =	ssyncadd.s32 $0xFFFFF380  }
0x254: {  	[tilespmem:s21], [sflag:$0x3] =	stream.linear.gather [hbm4b:s0+s18], $0xC80, $0x38;
	[tilespmem:$0x1D080] =	vst v63  }
0x255: {  	_ =	swait.ge [sflag:s20], $0xC80  }
0x256: {  	[sflag:s20] =	ssyncset.done $0x0  }
0x257: {  	[sflag:s20] =	ssyncadd.s32 $0xFFFFF380  }
0x258: {  	[tilespmem:s25], [sflag:$0x1] =	stream.indirect.gather [hbm4b:s1+s22], $0x80, s18, s22, $0xb8;
	[tilespmem:$0x1D080] =	vst v63  }
0x259: {  	s0 =	rddreg [dreg:$0x6]  }
0x25a: {  	[tilespmem:s26], [sflag:$0x2] =	stream.indirect.gather [hbm4b:s1+s22], $0x80, s0, s22, $0xb8;
	[tilespmem:$0x1D080] =	vst v63  }
0x25b: {  	_ =	swait.ge [sflag:s24], $0x2800  }
0x25c: {  	[sflag:s24] =	ssyncset.done $0x0  }
0x25d: {  	[sflag:s24] =	ssyncadd.s32 $0xFFFFD800  }
0x25e: {  	[spmem:s2] =	stream.indirect.scatter.add.f32 [tilespmem:s25], [sflag:$0x3], $0x80, s21, s22, $0xb8;
	[tilespmem:$0x1D080] =	vst v63  }
0x25f: {  	_ =	swait.ge [sflag:s20], $0x2800  }
0x260: {  	[sflag:s20] =	ssyncset.done $0x0  }
0x261: {  	s0 =	rddreg [dreg:$0x7];
	[sflag:s20] =	ssyncadd.s32 $0xFFFFD800  }
0x262: {  	[tilespmem:s25], [sflag:$0x1] =	stream.indirect.gather [hbm4b:s1+s22], $0x80, s0, s22, $0xb8;
	[tilespmem:$0x1D080] =	vst v63  }
0x263: {  	_ =	swait.ge [sflag:s28], $0x2800  }
0x264: {  	[sflag:s28] =	ssyncset.done $0x0  }
0x265: {  	[sflag:s28] =	ssyncadd.s32 $0xFFFFD800  }
0x266: {  	[spmem:s2] =	stream.indirect.scatter.add.f32 [tilespmem:s26], [sflag:$0x3], $0x80, s3, s22, $0xb8;
	[tilespmem:$0x1D080] =	vst v63  }
0x267: {  	_ =	swait.ge [sflag:s20], $0x2800  }
0x268: {  	[sflag:s20] =	ssyncset.done $0x0  }
0x269: {  	s3 =	rddreg [dreg:$0x8];
	[sflag:s20] =	ssyncadd.s32 $0xFFFFD800  }
0x26a: {  	[tilespmem:s26], [sflag:$0x2] =	stream.indirect.gather [hbm4b:s1+s22], $0x80, s3, s22, $0xb8;
	[tilespmem:$0x1D080] =	vst v63  }
0x26b: {  	_ =	swait.ge [sflag:s24], $0x2800  }
0x26c: {  	[sflag:s24] =	ssyncset.done $0x0  }
0x26d: {  	[sflag:s24] =	ssyncadd.s32 $0xFFFFD800  }
0x26e: {  	[spmem:s2] =	stream.indirect.scatter.add.f32 [tilespmem:s25], [sflag:$0x3], $0x80, s17, s22, $0xb8;
	[tilespmem:$0x1D080] =	vst v63  }
0x26f: {  	_ =	swait.ge [sflag:s20], $0x2800  }
0x270: {  	[sflag:s20] =	ssyncset.done $0x0  }
0x271: {  	s17 =	rddreg [dreg:$0x9];
	[sflag:s20] =	ssyncadd.s32 $0xFFFFD800  }
0x272: {  	[tilespmem:s25], [sflag:$0x1] =	stream.indirect.gather [hbm4b:s1+s22], $0x80, s17, s22, $0xb8;
	[tilespmem:$0x1D080] =	vst v63  }
0x273: {  	_ =	swait.ge [sflag:s28], $0x2800  }
0x274: {  	[sflag:s28] =	ssyncset.done $0x0  }
0x275: {  	[sflag:s28] =	ssyncadd.s32 $0xFFFFD800  }
0x276: {  	[spmem:s2] =	stream.indirect.scatter.add.f32 [tilespmem:s26], [sflag:$0x3], $0x80, s6, s22, $0xb8;
	[tilespmem:$0x1D080] =	vst v63  }
0x277: {  	_ =	swait.ge [sflag:s20], $0x2800  }
0x278: {  	[sflag:s20] =	ssyncset.done $0x0  }
0x279: {  	s3 =	rddreg [dreg:$0xa];
	[sflag:s20] =	ssyncadd.s32 $0xFFFFD800  }
0x27a: {  	[tilespmem:s26], [sflag:$0x2] =	stream.indirect.gather [hbm4b:s1+s22], $0x80, s3, s22, $0xb8;
	[tilespmem:$0x1D080] =	vst v63  }
0x27b: {  	_ =	swait.ge [sflag:s24], $0x2800  }
0x27c: {  	[sflag:s24] =	ssyncset.done $0x0  }
0x27d: {  	[sflag:s24] =	ssyncadd.s32 $0xFFFFD800  }
0x27e: {  	[spmem:s2] =	stream.indirect.scatter.add.f32 [tilespmem:s25], [sflag:$0x3], $0x80, s7, s22, $0xb8;
	[tilespmem:$0x1D080] =	vst v63  }
0x27f: {  	_ =	swait.ge [sflag:s20], $0x2800  }
0x280: {  	[sflag:s20] =	ssyncset.done $0x0  }
0x281: {  	s6 =	rddreg [dreg:$0xb];
	[sflag:s20] =	ssyncadd.s32 $0xFFFFD800  }
0x282: {  	[tilespmem:s25], [sflag:$0x1] =	stream.indirect.gather [hbm4b:s1+s22], $0x80, s6, s22, $0xb8;
	[tilespmem:$0x1D080] =	vst v63  }
0x283: {  	_ =	swait.ge [sflag:s28], $0x2800  }
0x284: {  	[sflag:s28] =	ssyncset.done $0x0  }
0x285: {  	[sflag:s28] =	ssyncadd.s32 $0xFFFFD800  }
0x286: {  	[spmem:s2] =	stream.indirect.scatter.add.f32 [tilespmem:s26], [sflag:$0x3], $0x80, s8, s22, $0xb8;
	[tilespmem:$0x1D080] =	vst v63  }
0x287: {  	_ =	swait.ge [sflag:s20], $0x2800  }
0x288: {  	[sflag:s20] =	ssyncset.done $0x0  }
0x289: {  	s7 =	rddreg [dreg:$0xc];
	[sflag:s20] =	ssyncadd.s32 $0xFFFFD800  }
0x28a: {  	[tilespmem:s26], [sflag:$0x2] =	stream.indirect.gather [hbm4b:s1+s22], $0x80, s7, s22, $0xb8;
	[tilespmem:$0x1D080] =	vst v63  }
0x28b: {  	_ =	swait.ge [sflag:s24], $0x2800  }
0x28c: {  	[sflag:s24] =	ssyncset.done $0x0  }
0x28d: {  	[sflag:s24] =	ssyncadd.s32 $0xFFFFD800  }
0x28e: {  	[spmem:s2] =	stream.indirect.scatter.add.f32 [tilespmem:s25], [sflag:$0x3], $0x80, s9, s22, $0xb8;
	[tilespmem:$0x1D080] =	vst v63  }
0x28f: {  	_ =	swait.ge [sflag:s20], $0x2800  }
0x290: {  	[sflag:s20] =	ssyncset.done $0x0  }
0x291: {  	s8 =	rddreg [dreg:$0xd];
	[sflag:s20] =	ssyncadd.s32 $0xFFFFD800  }
0x292: {  	[tilespmem:s25], [sflag:$0x1] =	stream.indirect.gather [hbm4b:s1+s22], $0x80, s8, s22, $0xb8;
	[tilespmem:$0x1D080] =	vst v63  }
0x293: {  	_ =	swait.ge [sflag:s28], $0x2800  }
0x294: {  	[sflag:s28] =	ssyncset.done $0x0  }
0x295: {  	[sflag:s28] =	ssyncadd.s32 $0xFFFFD800  }
0x296: {  	[spmem:s2] =	stream.indirect.scatter.add.f32 [tilespmem:s26], [sflag:$0x3], $0x80, s10, s22, $0xb8;
	[tilespmem:$0x1D080] =	vst v63  }
0x297: {  	_ =	swait.ge [sflag:s20], $0x2800  }
0x298: {  	[sflag:s20] =	ssyncset.done $0x0  }
0x299: {  	s9 =	rddreg [dreg:$0xe];
	[sflag:s20] =	ssyncadd.s32 $0xFFFFD800  }
0x29a: {  	[tilespmem:s26], [sflag:$0x2] =	stream.indirect.gather [hbm4b:s1+s22], $0x80, s9, s22, $0xb8;
	[tilespmem:$0x1D080] =	vst v63  }
0x29b: {  	_ =	swait.ge [sflag:s24], $0x2800  }
0x29c: {  	[sflag:s24] =	ssyncset.done $0x0  }
0x29d: {  	[sflag:s24] =	ssyncadd.s32 $0xFFFFD800  }
0x29e: {  	[spmem:s2] =	stream.indirect.scatter.add.f32 [tilespmem:s25], [sflag:$0x3], $0x80, s11, s22, $0xb8;
	[tilespmem:$0x1D080] =	vst v63  }
0x29f: {  	_ =	swait.ge [sflag:s20], $0x2800  }
0x2a0: {  	[sflag:s20] =	ssyncset.done $0x0  }
0x2a1: {  	s10 =	rddreg [dreg:$0xf];
	[sflag:s20] =	ssyncadd.s32 $0xFFFFD800  }
0x2a2: {  	[tilespmem:s25], [sflag:$0x1] =	stream.indirect.gather [hbm4b:s1+s22], $0x80, s10, s22, $0xb8;
	[tilespmem:$0x1D080] =	vst v63  }
0x2a3: {  	_ =	swait.ge [sflag:s28], $0x2800  }
0x2a4: {  	[sflag:s28] =	ssyncset.done $0x0  }
0x2a5: {  	[sflag:s28] =	ssyncadd.s32 $0xFFFFD800  }
0x2a6: {  	[spmem:s2] =	stream.indirect.scatter.add.f32 [tilespmem:s26], [sflag:$0x3], $0x80, s12, s22, $0xb8;
	[tilespmem:$0x1D080] =	vst v63  }
0x2a7: {  	_ =	swait.ge [sflag:s20], $0x2800  }
0x2a8: {  	[sflag:s20] =	ssyncset.done $0x0  }
0x2a9: {  	s11 =	rddreg [dreg:$0x10];
	[sflag:s20] =	ssyncadd.s32 $0xFFFFD800  }
0x2aa: {  	[tilespmem:s26], [sflag:$0x2] =	stream.indirect.gather [hbm4b:s1+s22], $0x80, s11, s22, $0xb8;
	[tilespmem:$0x1D080] =	vst v63  }
0x2ab: {  	_ =	swait.ge [sflag:s24], $0x2800  }
0x2ac: {  	[sflag:s24] =	ssyncset.done $0x0  }
0x2ad: {  	[sflag:s24] =	ssyncadd.s32 $0xFFFFD800  }
0x2ae: {  	[spmem:s2] =	stream.indirect.scatter.add.f32 [tilespmem:s25], [sflag:$0x3], $0x80, s14, s22, $0xb8;
	[tilespmem:$0x1D080] =	vst v63  }
0x2af: {  	_ =	swait.ge [sflag:s20], $0x2800  }
0x2b0: {  	[sflag:s20] =	ssyncset.done $0x0  }
0x2b1: {  	s12 =	rddreg [dreg:$0x11];
	[sflag:s20] =	ssyncadd.s32 $0xFFFFD800  }
0x2b2: {  	[tilespmem:s25], [sflag:$0x1] =	stream.indirect.gather [hbm4b:s1+s22], $0x80, s12, s22, $0xb8;
	[tilespmem:$0x1D080] =	vst v63  }
0x2b3: {  	_ =	swait.ge [sflag:s28], $0x2800  }
0x2b4: {  	[sflag:s28] =	ssyncset.done $0x0  }
0x2b5: {  	[sflag:s28] =	ssyncadd.s32 $0xFFFFD800  }
0x2b6: {  	[spmem:s2] =	stream.indirect.scatter.add.f32 [tilespmem:s26], [sflag:$0x3], $0x80, s15, s22, $0xb8;
	[tilespmem:$0x1D080] =	vst v63  }
0x2b7: {  	_ =	swait.ge [sflag:s20], $0x2800  }
0x2b8: {  	[sflag:s20] =	ssyncset.done $0x0  }
0x2b9: {  	s14 =	rddreg [dreg:$0x12];
	[sflag:s20] =	ssyncadd.s32 $0xFFFFD800  }
0x2ba: {  	[tilespmem:s26], [sflag:$0x2] =	stream.indirect.gather [hbm4b:s1+s22], $0x80, s14, s22, $0xb8;
	[tilespmem:$0x1D080] =	vst v63  }
0x2bb: {  	_ =	swait.ge [sflag:s24], $0x2800  }
0x2bc: {  	[sflag:s24] =	ssyncset.done $0x0  }
0x2bd: {  	[sflag:s24] =	ssyncadd.s32 $0xFFFFD800  }
0x2be: {  	[spmem:s2] =	stream.indirect.scatter.add.f32 [tilespmem:s25], [sflag:$0x3], $0x80, s16, s22, $0xb8;
	[tilespmem:$0x1D080] =	vst v63  }
0x2bf: {  	_ =	swait.ge [sflag:s20], $0x2800  }
0x2c0: {  	[sflag:s20] =	ssyncset.done $0x0  }
0x2c1: {  	s15 =	rddreg [dreg:$0x13];
	[sflag:s20] =	ssyncadd.s32 $0xFFFFD800  }
0x2c2: {  	[tilespmem:s25], [sflag:$0x1] =	stream.indirect.gather [hbm4b:s1+s22], $0x80, s15, s22, $0xb8;
	[tilespmem:$0x1D080] =	vst v63  }
0x2c3: {  	_ =	swait.ge [sflag:s28], $0x2800  }
0x2c4: {  	[sflag:s28] =	ssyncset.done $0x0  }
0x2c5: {  	[sflag:s28] =	ssyncadd.s32 $0xFFFFD800  }
0x2c6: {  	[spmem:s2] =	stream.indirect.scatter.add.f32 [tilespmem:s26], [sflag:$0x3], $0x80, s13, s22, $0xb8;
	[tilespmem:$0x1D080] =	vst v63  }
0x2c7: {  	_ =	swait.ge [sflag:s20], $0x2800  }
0x2c8: {  	[sflag:s20] =	ssyncset.done $0x0  }
0x2c9: {  	s16 =	rddreg [dreg:$0x14];
	[sflag:s20] =	ssyncadd.s32 $0xFFFFD800  }
0x2ca: {  	[tilespmem:s26], [sflag:$0x2] =	stream.indirect.gather [hbm4b:s1+s22], $0x80, s16, s22, $0xb8;
	[tilespmem:$0x1D080] =	vst v63  }
0x2cb: {  	_ =	swait.ge [sflag:s24], $0x2800  }
0x2cc: {  	[sflag:s24] =	ssyncset.done $0x0  }
0x2cd: {  	[sflag:s24] =	ssyncadd.s32 $0xFFFFD800  }
0x2ce: {  	[spmem:s2] =	stream.indirect.scatter.add.f32 [tilespmem:s25], [sflag:$0x3], $0x80, s5, s22, $0xb8;
	[tilespmem:$0x1D080] =	vst v63  }
0x2cf: {  	_ =	swait.ge [sflag:s20], $0x2800  }
0x2d0: {  	[sflag:s20] =	ssyncset.done $0x0  }
0x2d1: {  	s17 =	rddreg [dreg:$0x15];
	[sflag:s20] =	ssyncadd.s32 $0xFFFFD800  }
0x2d2: {  	[tilespmem:s25], [sflag:$0x1] =	stream.indirect.gather [hbm4b:s1+s22], $0x80, s17, s22, $0xb8;
	[tilespmem:$0x1D080] =	vst v63  }
0x2d3: {  	_ =	swait.ge [sflag:s28], $0x2800  }
0x2d4: {  	[sflag:s28] =	ssyncset.done $0x0  }
0x2d5: {  	[sflag:s28] =	ssyncadd.s32 $0xFFFFD800  }
0x2d6: {  	[spmem:s2] =	stream.indirect.scatter.add.f32 [tilespmem:s26], [sflag:$0x3], $0x80, s23, s22, $0xb8;
	[tilespmem:$0x1D080] =	vst v63  }
0x2d7: {  	_ =	swait.ge [sflag:s20], $0x2800  }
0x2d8: {  	[sflag:s20] =	ssyncset.done $0x0  }
0x2d9: {  	s23 =	rddreg [dreg:$0x16];
	[sflag:s20] =	ssyncadd.s32 $0xFFFFD800  }
0x2da: {  	[tilespmem:s26], [sflag:$0x2] =	stream.indirect.gather [hbm4b:s1+s22], $0x80, s23, s22, $0xb8;
	[tilespmem:$0x1D080] =	vst v63  }
0x2db: {  	_ =	swait.ge [sflag:s24], $0x2800  }
0x2dc: {  	[sflag:s24] =	ssyncset.done $0x0  }
0x2dd: {  	[sflag:s24] =	ssyncadd.s32 $0xFFFFD800  }
0x2de: {  	[spmem:s2] =	stream.indirect.scatter.add.f32 [tilespmem:s25], [sflag:$0x3], $0x80, s4, s22, $0xb8;
	[tilespmem:$0x1D080] =	vst v63  }
0x2df: {  	_ =	swait.ge [sflag:s20], $0x2800  }
0x2e0: {  	[sflag:s20] =	ssyncset.done $0x0  }
0x2e1: {  	s3 =	rddreg [dreg:$0x17];
	[sflag:s20] =	ssyncadd.s32 $0xFFFFD800  }
0x2e2: {  	[tilespmem:s25], [sflag:$0x1] =	stream.indirect.gather [hbm4b:s1+s22], $0x80, s3, s22, $0xb8;
	[tilespmem:$0x1D080] =	vst v63  }
0x2e3: {  	_ =	swait.ge [sflag:s28], $0x2800  }
0x2e4: {  	[sflag:s28] =	ssyncset.done $0x0  }
0x2e5: {  	s5 =	simm.s32 $0x1880;
	[sflag:s28] =	ssyncadd.s32 $0xFFFFD800  }
0x2e6: {  	[spmem:s2] =	stream.indirect.scatter.add.f32 [tilespmem:s26], [sflag:$0x3], $0x80, s5, s22, $0xb8;
	[tilespmem:$0x1D080] =	vst v63  }
0x2e7: {  	_ =	swait.ge [sflag:s20], $0x2800  }
0x2e8: {  	[sflag:s20] =	ssyncset.done $0x0  }
0x2e9: {  	s6 =	rddreg [dreg:$0x18];
	[sflag:s20] =	ssyncadd.s32 $0xFFFFD800  }
0x2ea: {  	[tilespmem:s26], [sflag:$0x2] =	stream.indirect.gather [hbm4b:s1+s22], $0x80, s6, s22, $0xb8;
	[tilespmem:$0x1D080] =	vst v63  }
0x2eb: {  	_ =	swait.ge [sflag:s24], $0x2800  }
0x2ec: {  	[sflag:s24] =	ssyncset.done $0x0  }
0x2ed: {  	s7 =	simm.s32 $0x1900;
	[sflag:s24] =	ssyncadd.s32 $0xFFFFD800  }
0x2ee: {  	[spmem:s2] =	stream.indirect.scatter.add.f32 [tilespmem:s25], [sflag:$0x3], $0x80, s7, s22, $0xb8;
	[tilespmem:$0x1D080] =	vst v63  }
0x2ef: {  	_ =	swait.ge [sflag:s20], $0x2800  }
0x2f0: {  	[sflag:s20] =	ssyncset.done $0x0  }
0x2f1: {  	s8 =	rddreg [dreg:$0x19];
	[sflag:s20] =	ssyncadd.s32 $0xFFFFD800  }
0x2f2: {  	[tilespmem:s25], [sflag:$0x1] =	stream.indirect.gather [hbm4b:s1+s22], $0x80, s8, s22, $0xb8;
	[tilespmem:$0x1D080] =	vst v63  }
0x2f3: {  	_ =	swait.ge [sflag:s28], $0x2800  }
0x2f4: {  	[sflag:s28] =	ssyncset.done $0x0  }
0x2f5: {  	s9 =	simm.s32 $0x1980;
	[sflag:s28] =	ssyncadd.s32 $0xFFFFD800  }
0x2f6: {  	[spmem:s2] =	stream.indirect.scatter.add.f32 [tilespmem:s26], [sflag:$0x3], $0x80, s9, s22, $0xb8;
	[tilespmem:$0x1D080] =	vst v63  }
0x2f7: {  	_ =	swait.ge [sflag:s20], $0x2800  }
0x2f8: {  	[sflag:s20] =	ssyncset.done $0x0  }
0x2f9: {  	s10 =	rddreg [dreg:$0x1a];
	[sflag:s20] =	ssyncadd.s32 $0xFFFFD800  }
0x2fa: {  	[tilespmem:s26], [sflag:$0x2] =	stream.indirect.gather [hbm4b:s1+s22], $0x80, s10, s22, $0xb8;
	[tilespmem:$0x1D080] =	vst v63  }
0x2fb: {  	_ =	swait.ge [sflag:s24], $0x2800  }
0x2fc: {  	[sflag:s24] =	ssyncset.done $0x0  }
0x2fd: {  	s11 =	simm.s32 $0x1A00;
	[sflag:s24] =	ssyncadd.s32 $0xFFFFD800  }
0x2fe: {  	[spmem:s2] =	stream.indirect.scatter.add.f32 [tilespmem:s25], [sflag:$0x3], $0x80, s11, s22, $0xb8;
	[tilespmem:$0x1D080] =	vst v63  }
0x2ff: {  	_ =	swait.ge [sflag:s20], $0x2800  }
0x300: {  	[sflag:s20] =	ssyncset.done $0x0  }
0x301: {  	s12 =	rddreg [dreg:$0x1b];
	[sflag:s20] =	ssyncadd.s32 $0xFFFFD800  }
0x302: {  	[tilespmem:s25], [sflag:$0x1] =	stream.indirect.gather [hbm4b:s1+s22], $0x80, s12, s22, $0xb8;
	[tilespmem:$0x1D080] =	vst v63  }
0x303: {  	_ =	swait.ge [sflag:s28], $0x2800  }
0x304: {  	[sflag:s28] =	ssyncset.done $0x0  }
0x305: {  	s13 =	simm.s32 $0x1A80;
	[sflag:s28] =	ssyncadd.s32 $0xFFFFD800  }
0x306: {  	[spmem:s2] =	stream.indirect.scatter.add.f32 [tilespmem:s26], [sflag:$0x3], $0x80, s13, s22, $0xb8;
	[tilespmem:$0x1D080] =	vst v63  }
0x307: {  	_ =	swait.ge [sflag:s20], $0x2800  }
0x308: {  	[sflag:s20] =	ssyncset.done $0x0  }
0x309: {  	s14 =	rddreg [dreg:$0x1c];
	[sflag:s20] =	ssyncadd.s32 $0xFFFFD800  }
0x30a: {  	[tilespmem:s26], [sflag:$0x2] =	stream.indirect.gather [hbm4b:s1+s22], $0x80, s14, s22, $0xb8;
	[tilespmem:$0x1D080] =	vst v63  }
0x30b: {  	_ =	swait.ge [sflag:s24], $0x2800  }
0x30c: {  	[sflag:s24] =	ssyncset.done $0x0  }
0x30d: {  	s15 =	simm.s32 $0x1B00;
	[sflag:s24] =	ssyncadd.s32 $0xFFFFD800  }
0x30e: {  	[spmem:s2] =	stream.indirect.scatter.add.f32 [tilespmem:s25], [sflag:$0x3], $0x80, s15, s22, $0xb8;
	[tilespmem:$0x1D080] =	vst v63  }
0x30f: {  	_ =	swait.ge [sflag:s20], $0x2800  }
0x310: {  	[sflag:s20] =	ssyncset.done $0x0  }
0x311: {  	s16 =	rddreg [dreg:$0x1d];
	[sflag:s20] =	ssyncadd.s32 $0xFFFFD800  }
0x312: {  	[tilespmem:s25], [sflag:$0x1] =	stream.indirect.gather [hbm4b:s1+s22], $0x80, s16, s22, $0xb8;
	[tilespmem:$0x1D080] =	vst v63  }
0x313: {  	s30 =	simm.s32 $0x400;
	s29 =	simm.s32 $0x200;
	_ =	swait.ge [sflag:s28], $0x2800  }
0x314: {  	s18 =	smov.u32 s31;
	s17 =	simm.s32 $0x1B80;
	[sflag:s28] =	ssyncset.done $0x0  }
0x315: {  	s23 =	simm.s32 $0x1C00;
	s4 =	simm.s32 $0x0;
	[sflag:s28] =	ssyncadd.s32 $0xFFFFD800  }
0x316: {  	[spmem:s2] =	stream.indirect.scatter.add.f32 [tilespmem:s26], [sflag:$0x3], $0x80, s17, s22, $0xb8;
	[tilespmem:$0x1D080] =	vst v63  }
0x317: {  	s3 =	simm.s32 $0x1080;
	s5 =	simm.s32 $0x1700;
	_ =	swait.ge [sflag:s20], $0x2800  }
0x318: {  	s6 =	simm.s32 $0x1180;
	s7 =	simm.s32 $0x1200;
	[sflag:s20] =	ssyncset.done $0x0  }
0x319: {  	s8 =	simm.s32 $0x1280;
	s9 =	simm.s32 $0x1300;
	[sflag:s20] =	ssyncadd.s32 $0xFFFFD800  }
0x31a: {  	s10 =	simm.s32 $0x1380;
	s11 =	simm.s32 $0x1400;
	_ =	swait.ge [sflag:s24], $0x2800  }
0x31b: {  	s12 =	simm.s32 $0x1480;
	s13 =	simm.s32 $0x1680;
	[sflag:s24] =	ssyncset.done $0x0  }
0x31c: {  	s14 =	simm.s32 $0x1500;
	s15 =	simm.s32 $0x1580;
	[sflag:s24] =	ssyncadd.s32 $0xFFFFD800  }
0x31d: {  	[spmem:s2] =	stream.indirect.scatter.add.f32 [tilespmem:s25], [sflag:$0x3], $0x80, s23, s22, $0xb8;
	[tilespmem:$0x1D080] =	vst v63  }
0x31e: {  	s16 =	simm.s32 $0x1600;
	s17 =	simm.s32 $0x1100;
	_ =	swait.ge [sflag:s20], $0x2800  }
0x31f: {  	s23 =	simm.s32 $0x1780;
	s31 =	rddreg [dreg:$0x5];
	[sflag:s20] =	ssyncset.done $0x0  }
.LBB2_10:
0x320: {  	[sflag:s20] =	ssyncadd.s32 $0xFFFFD800;
	s31 =	sadd.s32 s29, s31  }
0x321: {  	[tilespmem:s4], [sflag:$0x3] =	stream.linear.gather [hbm4b:s31+s4], $0xC80, $0x38;
	[tilespmem:$0x1D080] =	vst v63  }
0x322: {  	_ =	swait.ge [sflag:s20], $0xC80  }
0x323: {  	[sflag:s20] =	ssyncset.done $0x0  }
0x324: {  	s31 =	sadd.s32 s29, s18;
	[sflag:s20] =	ssyncadd.s32 $0xFFFFF380  }
0x325: {  	[tilespmem:s21], [sflag:$0x3] =	stream.linear.gather [hbm4b:s31+s4], $0xC80, $0x38;
	[tilespmem:$0x1D080] =	vst v63  }
0x326: {  	_ =	swait.ge [sflag:s20], $0xC80  }
0x327: {  	[sflag:s20] =	ssyncset.done $0x0  }
0x328: {  	s0 =	smov.u32 s30;
	[sflag:s20] =	ssyncadd.s32 $0xFFFFF380  }
0x329: {  	[tilespmem:s25], [sflag:$0x1] =	stream.indirect.gather [hbm4b:s1+s22], $0x80, s4, s22, $0xb8;
	[tilespmem:$0x1D080] =	vst v63  }
0x32a: {  	s29 =	smov.u32 s0;
	s0 =	rddreg [dreg:$0x6]  }
0x32b: {  	[tilespmem:s26], [sflag:$0x2] =	stream.indirect.gather [hbm4b:s1+s22], $0x80, s0, s22, $0xb8;
	[tilespmem:$0x1D080] =	vst v63  }
0x32c: {  	_ =	swait.ge [sflag:s24], $0x2800  }
0x32d: {  	[sflag:s24] =	ssyncset.done $0x0  }
0x32e: {  	[sflag:s24] =	ssyncadd.s32 $0xFFFFD800  }
0x32f: {  	[spmem:s2] =	stream.indirect.scatter.add.f32 [tilespmem:s25], [sflag:$0x3], $0x80, s21, s22, $0xb8;
	[tilespmem:$0x1D080] =	vst v63  }
0x330: {  	_ =	swait.ge [sflag:s20], $0x2800  }
0x331: {  	[sflag:s20] =	ssyncset.done $0x0  }
0x332: {  	s0 =	rddreg [dreg:$0x7];
	[sflag:s20] =	ssyncadd.s32 $0xFFFFD800  }
0x333: {  	[tilespmem:s25], [sflag:$0x1] =	stream.indirect.gather [hbm4b:s1+s22], $0x80, s0, s22, $0xb8;
	[tilespmem:$0x1D080] =	vst v63  }
0x334: {  	_ =	swait.ge [sflag:s28], $0x2800  }
0x335: {  	[sflag:s28] =	ssyncset.done $0x0  }
0x336: {  	[sflag:s28] =	ssyncadd.s32 $0xFFFFD800  }
0x337: {  	[spmem:s2] =	stream.indirect.scatter.add.f32 [tilespmem:s26], [sflag:$0x3], $0x80, s3, s22, $0xb8;
	[tilespmem:$0x1D080] =	vst v63  }
0x338: {  	_ =	swait.ge [sflag:s20], $0x2800  }
0x339: {  	[sflag:s20] =	ssyncset.done $0x0  }
0x33a: {  	s0 =	rddreg [dreg:$0x8];
	[sflag:s20] =	ssyncadd.s32 $0xFFFFD800  }
0x33b: {  	[tilespmem:s26], [sflag:$0x2] =	stream.indirect.gather [hbm4b:s1+s22], $0x80, s0, s22, $0xb8;
	[tilespmem:$0x1D080] =	vst v63  }
0x33c: {  	_ =	swait.ge [sflag:s24], $0x2800  }
0x33d: {  	[sflag:s24] =	ssyncset.done $0x0  }
0x33e: {  	[sflag:s24] =	ssyncadd.s32 $0xFFFFD800  }
0x33f: {  	[spmem:s2] =	stream.indirect.scatter.add.f32 [tilespmem:s25], [sflag:$0x3], $0x80, s17, s22, $0xb8;
	[tilespmem:$0x1D080] =	vst v63  }
0x340: {  	_ =	swait.ge [sflag:s20], $0x2800  }
0x341: {  	[sflag:s20] =	ssyncset.done $0x0  }
0x342: {  	s0 =	rddreg [dreg:$0x9];
	[sflag:s20] =	ssyncadd.s32 $0xFFFFD800  }
0x343: {  	[tilespmem:s25], [sflag:$0x1] =	stream.indirect.gather [hbm4b:s1+s22], $0x80, s0, s22, $0xb8;
	[tilespmem:$0x1D080] =	vst v63  }
0x344: {  	_ =	swait.ge [sflag:s28], $0x2800  }
0x345: {  	[sflag:s28] =	ssyncset.done $0x0  }
0x346: {  	[sflag:s28] =	ssyncadd.s32 $0xFFFFD800  }
0x347: {  	[spmem:s2] =	stream.indirect.scatter.add.f32 [tilespmem:s26], [sflag:$0x3], $0x80, s6, s22, $0xb8;
	[tilespmem:$0x1D080] =	vst v63  }
0x348: {  	_ =	swait.ge [sflag:s20], $0x2800  }
0x349: {  	[sflag:s20] =	ssyncset.done $0x0  }
0x34a: {  	s0 =	rddreg [dreg:$0xa];
	[sflag:s20] =	ssyncadd.s32 $0xFFFFD800  }
0x34b: {  	[tilespmem:s26], [sflag:$0x2] =	stream.indirect.gather [hbm4b:s1+s22], $0x80, s0, s22, $0xb8;
	[tilespmem:$0x1D080] =	vst v63  }
0x34c: {  	_ =	swait.ge [sflag:s24], $0x2800  }
0x34d: {  	[sflag:s24] =	ssyncset.done $0x0  }
0x34e: {  	[sflag:s24] =	ssyncadd.s32 $0xFFFFD800  }
0x34f: {  	[spmem:s2] =	stream.indirect.scatter.add.f32 [tilespmem:s25], [sflag:$0x3], $0x80, s7, s22, $0xb8;
	[tilespmem:$0x1D080] =	vst v63  }
0x350: {  	_ =	swait.ge [sflag:s20], $0x2800  }
0x351: {  	[sflag:s20] =	ssyncset.done $0x0  }
0x352: {  	s0 =	rddreg [dreg:$0xb];
	[sflag:s20] =	ssyncadd.s32 $0xFFFFD800  }
0x353: {  	[tilespmem:s25], [sflag:$0x1] =	stream.indirect.gather [hbm4b:s1+s22], $0x80, s0, s22, $0xb8;
	[tilespmem:$0x1D080] =	vst v63  }
0x354: {  	_ =	swait.ge [sflag:s28], $0x2800  }
0x355: {  	[sflag:s28] =	ssyncset.done $0x0  }
0x356: {  	[sflag:s28] =	ssyncadd.s32 $0xFFFFD800  }
0x357: {  	[spmem:s2] =	stream.indirect.scatter.add.f32 [tilespmem:s26], [sflag:$0x3], $0x80, s8, s22, $0xb8;
	[tilespmem:$0x1D080] =	vst v63  }
0x358: {  	_ =	swait.ge [sflag:s20], $0x2800  }
0x359: {  	[sflag:s20] =	ssyncset.done $0x0  }
0x35a: {  	s0 =	rddreg [dreg:$0xc];
	[sflag:s20] =	ssyncadd.s32 $0xFFFFD800  }
0x35b: {  	[tilespmem:s26], [sflag:$0x2] =	stream.indirect.gather [hbm4b:s1+s22], $0x80, s0, s22, $0xb8;
	[tilespmem:$0x1D080] =	vst v63  }
0x35c: {  	_ =	swait.ge [sflag:s24], $0x2800  }
0x35d: {  	[sflag:s24] =	ssyncset.done $0x0  }
0x35e: {  	[sflag:s24] =	ssyncadd.s32 $0xFFFFD800  }
0x35f: {  	[spmem:s2] =	stream.indirect.scatter.add.f32 [tilespmem:s25], [sflag:$0x3], $0x80, s9, s22, $0xb8;
	[tilespmem:$0x1D080] =	vst v63  }
0x360: {  	_ =	swait.ge [sflag:s20], $0x2800  }
0x361: {  	[sflag:s20] =	ssyncset.done $0x0  }
0x362: {  	s0 =	rddreg [dreg:$0xd];
	[sflag:s20] =	ssyncadd.s32 $0xFFFFD800  }
0x363: {  	[tilespmem:s25], [sflag:$0x1] =	stream.indirect.gather [hbm4b:s1+s22], $0x80, s0, s22, $0xb8;
	[tilespmem:$0x1D080] =	vst v63  }
0x364: {  	_ =	swait.ge [sflag:s28], $0x2800  }
0x365: {  	[sflag:s28] =	ssyncset.done $0x0  }
0x366: {  	[sflag:s28] =	ssyncadd.s32 $0xFFFFD800  }
0x367: {  	[spmem:s2] =	stream.indirect.scatter.add.f32 [tilespmem:s26], [sflag:$0x3], $0x80, s10, s22, $0xb8;
	[tilespmem:$0x1D080] =	vst v63  }
0x368: {  	_ =	swait.ge [sflag:s20], $0x2800  }
0x369: {  	[sflag:s20] =	ssyncset.done $0x0  }
0x36a: {  	s0 =	rddreg [dreg:$0xe];
	[sflag:s20] =	ssyncadd.s32 $0xFFFFD800  }
0x36b: {  	[tilespmem:s26], [sflag:$0x2] =	stream.indirect.gather [hbm4b:s1+s22], $0x80, s0, s22, $0xb8;
	[tilespmem:$0x1D080] =	vst v63  }
0x36c: {  	_ =	swait.ge [sflag:s24], $0x2800  }
0x36d: {  	[sflag:s24] =	ssyncset.done $0x0  }
0x36e: {  	[sflag:s24] =	ssyncadd.s32 $0xFFFFD800  }
0x36f: {  	[spmem:s2] =	stream.indirect.scatter.add.f32 [tilespmem:s25], [sflag:$0x3], $0x80, s11, s22, $0xb8;
	[tilespmem:$0x1D080] =	vst v63  }
0x370: {  	_ =	swait.ge [sflag:s20], $0x2800  }
0x371: {  	[sflag:s20] =	ssyncset.done $0x0  }
0x372: {  	s0 =	rddreg [dreg:$0xf];
	[sflag:s20] =	ssyncadd.s32 $0xFFFFD800  }
0x373: {  	[tilespmem:s25], [sflag:$0x1] =	stream.indirect.gather [hbm4b:s1+s22], $0x80, s0, s22, $0xb8;
	[tilespmem:$0x1D080] =	vst v63  }
0x374: {  	_ =	swait.ge [sflag:s28], $0x2800  }
0x375: {  	[sflag:s28] =	ssyncset.done $0x0  }
0x376: {  	[sflag:s28] =	ssyncadd.s32 $0xFFFFD800  }
0x377: {  	[spmem:s2] =	stream.indirect.scatter.add.f32 [tilespmem:s26], [sflag:$0x3], $0x80, s12, s22, $0xb8;
	[tilespmem:$0x1D080] =	vst v63  }
0x378: {  	_ =	swait.ge [sflag:s20], $0x2800  }
0x379: {  	[sflag:s20] =	ssyncset.done $0x0  }
0x37a: {  	s0 =	rddreg [dreg:$0x10];
	[sflag:s20] =	ssyncadd.s32 $0xFFFFD800  }
0x37b: {  	[tilespmem:s26], [sflag:$0x2] =	stream.indirect.gather [hbm4b:s1+s22], $0x80, s0, s22, $0xb8;
	[tilespmem:$0x1D080] =	vst v63  }
0x37c: {  	_ =	swait.ge [sflag:s24], $0x2800  }
0x37d: {  	[sflag:s24] =	ssyncset.done $0x0  }
0x37e: {  	[sflag:s24] =	ssyncadd.s32 $0xFFFFD800  }
0x37f: {  	[spmem:s2] =	stream.indirect.scatter.add.f32 [tilespmem:s25], [sflag:$0x3], $0x80, s14, s22, $0xb8;
	[tilespmem:$0x1D080] =	vst v63  }
0x380: {  	_ =	swait.ge [sflag:s20], $0x2800  }
0x381: {  	[sflag:s20] =	ssyncset.done $0x0  }
0x382: {  	s0 =	rddreg [dreg:$0x11];
	[sflag:s20] =	ssyncadd.s32 $0xFFFFD800  }
0x383: {  	[tilespmem:s25], [sflag:$0x1] =	stream.indirect.gather [hbm4b:s1+s22], $0x80, s0, s22, $0xb8;
	[tilespmem:$0x1D080] =	vst v63  }
0x384: {  	_ =	swait.ge [sflag:s28], $0x2800  }
0x385: {  	[sflag:s28] =	ssyncset.done $0x0  }
0x386: {  	[sflag:s28] =	ssyncadd.s32 $0xFFFFD800  }
0x387: {  	[spmem:s2] =	stream.indirect.scatter.add.f32 [tilespmem:s26], [sflag:$0x3], $0x80, s15, s22, $0xb8;
	[tilespmem:$0x1D080] =	vst v63  }
0x388: {  	_ =	swait.ge [sflag:s20], $0x2800  }
0x389: {  	[sflag:s20] =	ssyncset.done $0x0  }
0x38a: {  	s0 =	rddreg [dreg:$0x12];
	[sflag:s20] =	ssyncadd.s32 $0xFFFFD800  }
0x38b: {  	[tilespmem:s26], [sflag:$0x2] =	stream.indirect.gather [hbm4b:s1+s22], $0x80, s0, s22, $0xb8;
	[tilespmem:$0x1D080] =	vst v63  }
0x38c: {  	_ =	swait.ge [sflag:s24], $0x2800  }
0x38d: {  	[sflag:s24] =	ssyncset.done $0x0  }
0x38e: {  	[sflag:s24] =	ssyncadd.s32 $0xFFFFD800  }
0x38f: {  	[spmem:s2] =	stream.indirect.scatter.add.f32 [tilespmem:s25], [sflag:$0x3], $0x80, s16, s22, $0xb8;
	[tilespmem:$0x1D080] =	vst v63  }
0x390: {  	_ =	swait.ge [sflag:s20], $0x2800  }
0x391: {  	[sflag:s20] =	ssyncset.done $0x0  }
0x392: {  	s0 =	rddreg [dreg:$0x13];
	[sflag:s20] =	ssyncadd.s32 $0xFFFFD800  }
0x393: {  	[tilespmem:s25], [sflag:$0x1] =	stream.indirect.gather [hbm4b:s1+s22], $0x80, s0, s22, $0xb8;
	[tilespmem:$0x1D080] =	vst v63  }
0x394: {  	_ =	swait.ge [sflag:s28], $0x2800  }
0x395: {  	[sflag:s28] =	ssyncset.done $0x0  }
0x396: {  	[sflag:s28] =	ssyncadd.s32 $0xFFFFD800  }
0x397: {  	[spmem:s2] =	stream.indirect.scatter.add.f32 [tilespmem:s26], [sflag:$0x3], $0x80, s13, s22, $0xb8;
	[tilespmem:$0x1D080] =	vst v63  }
0x398: {  	_ =	swait.ge [sflag:s20], $0x2800  }
0x399: {  	[sflag:s20] =	ssyncset.done $0x0  }
0x39a: {  	s0 =	rddreg [dreg:$0x14];
	[sflag:s20] =	ssyncadd.s32 $0xFFFFD800  }
0x39b: {  	[tilespmem:s26], [sflag:$0x2] =	stream.indirect.gather [hbm4b:s1+s22], $0x80, s0, s22, $0xb8;
	[tilespmem:$0x1D080] =	vst v63  }
0x39c: {  	_ =	swait.ge [sflag:s24], $0x2800  }
0x39d: {  	[sflag:s24] =	ssyncset.done $0x0  }
0x39e: {  	[sflag:s24] =	ssyncadd.s32 $0xFFFFD800  }
0x39f: {  	[spmem:s2] =	stream.indirect.scatter.add.f32 [tilespmem:s25], [sflag:$0x3], $0x80, s5, s22, $0xb8;
	[tilespmem:$0x1D080] =	vst v63  }
0x3a0: {  	_ =	swait.ge [sflag:s20], $0x2800  }
0x3a1: {  	[sflag:s20] =	ssyncset.done $0x0  }
0x3a2: {  	s0 =	rddreg [dreg:$0x15];
	[sflag:s20] =	ssyncadd.s32 $0xFFFFD800  }
0x3a3: {  	[tilespmem:s25], [sflag:$0x1] =	stream.indirect.gather [hbm4b:s1+s22], $0x80, s0, s22, $0xb8;
	[tilespmem:$0x1D080] =	vst v63  }
0x3a4: {  	_ =	swait.ge [sflag:s28], $0x2800  }
0x3a5: {  	[sflag:s28] =	ssyncset.done $0x0  }
0x3a6: {  	[sflag:s28] =	ssyncadd.s32 $0xFFFFD800  }
0x3a7: {  	[spmem:s2] =	stream.indirect.scatter.add.f32 [tilespmem:s26], [sflag:$0x3], $0x80, s23, s22, $0xb8;
	[tilespmem:$0x1D080] =	vst v63  }
0x3a8: {  	_ =	swait.ge [sflag:s20], $0x2800  }
0x3a9: {  	[sflag:s20] =	ssyncset.done $0x0  }
0x3aa: {  	s0 =	rddreg [dreg:$0x16];
	[sflag:s20] =	ssyncadd.s32 $0xFFFFD800  }
0x3ab: {  	[tilespmem:s26], [sflag:$0x2] =	stream.indirect.gather [hbm4b:s1+s22], $0x80, s0, s22, $0xb8;
	[tilespmem:$0x1D080] =	vst v63  }
0x3ac: {  	_ =	swait.ge [sflag:s24], $0x2800  }
0x3ad: {  	[sflag:s24] =	ssyncset.done $0x0  }
0x3ae: {  	s0 =	simm.s32 $0x1800;
	[sflag:s24] =	ssyncadd.s32 $0xFFFFD800  }
0x3af: {  	[spmem:s2] =	stream.indirect.scatter.add.f32 [tilespmem:s25], [sflag:$0x3], $0x80, s0, s22, $0xb8;
	[tilespmem:$0x1D080] =	vst v63  }
0x3b0: {  	_ =	swait.ge [sflag:s20], $0x2800  }
0x3b1: {  	[sflag:s20] =	ssyncset.done $0x0  }
0x3b2: {  	s0 =	rddreg [dreg:$0x17];
	[sflag:s20] =	ssyncadd.s32 $0xFFFFD800  }
0x3b3: {  	[tilespmem:s25], [sflag:$0x1] =	stream.indirect.gather [hbm4b:s1+s22], $0x80, s0, s22, $0xb8;
	[tilespmem:$0x1D080] =	vst v63  }
0x3b4: {  	_ =	swait.ge [sflag:s28], $0x2800  }
0x3b5: {  	[sflag:s28] =	ssyncset.done $0x0  }
0x3b6: {  	s0 =	simm.s32 $0x1880;
	[sflag:s28] =	ssyncadd.s32 $0xFFFFD800  }
0x3b7: {  	[spmem:s2] =	stream.indirect.scatter.add.f32 [tilespmem:s26], [sflag:$0x3], $0x80, s0, s22, $0xb8;
	[tilespmem:$0x1D080] =	vst v63  }
0x3b8: {  	_ =	swait.ge [sflag:s20], $0x2800  }
0x3b9: {  	[sflag:s20] =	ssyncset.done $0x0  }
0x3ba: {  	s0 =	rddreg [dreg:$0x18];
	[sflag:s20] =	ssyncadd.s32 $0xFFFFD800  }
0x3bb: {  	[tilespmem:s26], [sflag:$0x2] =	stream.indirect.gather [hbm4b:s1+s22], $0x80, s0, s22, $0xb8;
	[tilespmem:$0x1D080] =	vst v63  }
0x3bc: {  	_ =	swait.ge [sflag:s24], $0x2800  }
0x3bd: {  	[sflag:s24] =	ssyncset.done $0x0  }
0x3be: {  	s0 =	simm.s32 $0x1900;
	[sflag:s24] =	ssyncadd.s32 $0xFFFFD800  }
0x3bf: {  	[spmem:s2] =	stream.indirect.scatter.add.f32 [tilespmem:s25], [sflag:$0x3], $0x80, s0, s22, $0xb8;
	[tilespmem:$0x1D080] =	vst v63  }
0x3c0: {  	_ =	swait.ge [sflag:s20], $0x2800  }
0x3c1: {  	[sflag:s20] =	ssyncset.done $0x0  }
0x3c2: {  	s0 =	rddreg [dreg:$0x19];
	[sflag:s20] =	ssyncadd.s32 $0xFFFFD800  }
0x3c3: {  	[tilespmem:s25], [sflag:$0x1] =	stream.indirect.gather [hbm4b:s1+s22], $0x80, s0, s22, $0xb8;
	[tilespmem:$0x1D080] =	vst v63  }
0x3c4: {  	_ =	swait.ge [sflag:s28], $0x2800  }
0x3c5: {  	[sflag:s28] =	ssyncset.done $0x0  }
0x3c6: {  	s0 =	simm.s32 $0x1980;
	[sflag:s28] =	ssyncadd.s32 $0xFFFFD800  }
0x3c7: {  	[spmem:s2] =	stream.indirect.scatter.add.f32 [tilespmem:s26], [sflag:$0x3], $0x80, s0, s22, $0xb8;
	[tilespmem:$0x1D080] =	vst v63  }
0x3c8: {  	_ =	swait.ge [sflag:s20], $0x2800  }
0x3c9: {  	[sflag:s20] =	ssyncset.done $0x0  }
0x3ca: {  	s0 =	rddreg [dreg:$0x1a];
	[sflag:s20] =	ssyncadd.s32 $0xFFFFD800  }
0x3cb: {  	[tilespmem:s26], [sflag:$0x2] =	stream.indirect.gather [hbm4b:s1+s22], $0x80, s0, s22, $0xb8;
	[tilespmem:$0x1D080] =	vst v63  }
0x3cc: {  	_ =	swait.ge [sflag:s24], $0x2800  }
0x3cd: {  	[sflag:s24] =	ssyncset.done $0x0  }
0x3ce: {  	s0 =	simm.s32 $0x1A00;
	[sflag:s24] =	ssyncadd.s32 $0xFFFFD800  }
0x3cf: {  	[spmem:s2] =	stream.indirect.scatter.add.f32 [tilespmem:s25], [sflag:$0x3], $0x80, s0, s22, $0xb8;
	[tilespmem:$0x1D080] =	vst v63  }
0x3d0: {  	_ =	swait.ge [sflag:s20], $0x2800  }
0x3d1: {  	[sflag:s20] =	ssyncset.done $0x0  }
0x3d2: {  	s0 =	rddreg [dreg:$0x1b];
	[sflag:s20] =	ssyncadd.s32 $0xFFFFD800  }
0x3d3: {  	[tilespmem:s25], [sflag:$0x1] =	stream.indirect.gather [hbm4b:s1+s22], $0x80, s0, s22, $0xb8;
	[tilespmem:$0x1D080] =	vst v63  }
0x3d4: {  	_ =	swait.ge [sflag:s28], $0x2800  }
0x3d5: {  	[sflag:s28] =	ssyncset.done $0x0  }
0x3d6: {  	s0 =	simm.s32 $0x1A80;
	[sflag:s28] =	ssyncadd.s32 $0xFFFFD800  }
0x3d7: {  	[spmem:s2] =	stream.indirect.scatter.add.f32 [tilespmem:s26], [sflag:$0x3], $0x80, s0, s22, $0xb8;
	[tilespmem:$0x1D080] =	vst v63  }
0x3d8: {  	_ =	swait.ge [sflag:s20], $0x2800  }
0x3d9: {  	[sflag:s20] =	ssyncset.done $0x0  }
0x3da: {  	s0 =	rddreg [dreg:$0x1c];
	[sflag:s20] =	ssyncadd.s32 $0xFFFFD800  }
0x3db: {  	[tilespmem:s26], [sflag:$0x2] =	stream.indirect.gather [hbm4b:s1+s22], $0x80, s0, s22, $0xb8;
	[tilespmem:$0x1D080] =	vst v63  }
0x3dc: {  	_ =	swait.ge [sflag:s24], $0x2800  }
0x3dd: {  	[sflag:s24] =	ssyncset.done $0x0  }
0x3de: {  	s0 =	simm.s32 $0x1B00;
	[sflag:s24] =	ssyncadd.s32 $0xFFFFD800  }
0x3df: {  	[spmem:s2] =	stream.indirect.scatter.add.f32 [tilespmem:s25], [sflag:$0x3], $0x80, s0, s22, $0xb8;
	[tilespmem:$0x1D080] =	vst v63  }
0x3e0: {  	_ =	swait.ge [sflag:s20], $0x2800  }
0x3e1: {  	[sflag:s20] =	ssyncset.done $0x0  }
0x3e2: {  	s0 =	rddreg [dreg:$0x1d];
	[sflag:s20] =	ssyncadd.s32 $0xFFFFD800  }
0x3e3: {  	[tilespmem:s25], [sflag:$0x1] =	stream.indirect.gather [hbm4b:s1+s22], $0x80, s0, s22, $0xb8;
	[tilespmem:$0x1D080] =	vst v63  }
0x3e4: {  	_ =	swait.ge [sflag:s28], $0x2800  }
0x3e5: {  	[sflag:s28] =	ssyncset.done $0x0  }
0x3e6: {  	s0 =	simm.s32 $0x1B80;
	[sflag:s28] =	ssyncadd.s32 $0xFFFFD800  }
0x3e7: {  	[spmem:s2] =	stream.indirect.scatter.add.f32 [tilespmem:s26], [sflag:$0x3], $0x80, s0, s22, $0xb8;
	[tilespmem:$0x1D080] =	vst v63  }
0x3e8: {  	_ =	swait.ge [sflag:s20], $0x2800  }
0x3e9: {  	[sflag:s20] =	ssyncset.done $0x0  }
0x3ea: {  	[sflag:s20] =	ssyncadd.s32 $0xFFFFD800  }
0x3eb: {  	p1 =	sne.s32 s30, $0x800;
	_ =	swait.ge [sflag:s24], $0x2800  }
.Ltmp4:
0x3ec: {  	[sflag:s24] =	ssyncset.done $0x0;
	(pc) =	sbr.rel @p1 .LBB2_10-.Ltmp4, $4  }
0x3ed: {  	s0 =	simm.s32 $0x1C00;
	[sflag:s24] =	ssyncadd.s32 $0xFFFFD800  }
0x3ee: {  	[spmem:s2] =	stream.indirect.scatter.add.f32 [tilespmem:s25], [sflag:$0x3], $0x80, s0, s22, $0xb8;
	[tilespmem:$0x1D080] =	vst v63  }
0x3ef: {  	_ =	swait.ge [sflag:s20], $0x2800  }
0x3f0: {  	s30 =	sadd.s32 $0x200, s30;
	s31 =	rddreg [dreg:$0x5];
	[sflag:s20] =	ssyncset.done $0x0  }
0x3f1: {  	[sflag:s20] =	ssyncadd.s32 $0xFFFFD800;
	s0 =	sadd.s32 s29, s31  }
0x3f2: {  	[tilespmem:s4], [sflag:$0x3] =	stream.linear.gather [hbm4b:s0+s4], $0xC80, $0x38;
	[tilespmem:$0x1D080] =	vst v63  }
0x3f3: {  	_ =	swait.ge [sflag:s20], $0xC80  }
0x3f4: {  	[sflag:s20] =	ssyncset.done $0x0  }
0x3f5: {  	s30 =	sadd.s32 s29, s18;
	[sflag:s20] =	ssyncadd.s32 $0xFFFFF380  }
0x3f6: {  	[tilespmem:s21], [sflag:$0x3] =	stream.linear.gather [hbm4b:s30+s4], $0xC80, $0x38;
	[tilespmem:$0x1D080] =	vst v63  }
0x3f7: {  	_ =	swait.ge [sflag:s20], $0xC80  }
0x3f8: {  	[sflag:s20] =	ssyncset.done $0x0  }
0x3f9: {  	[sflag:s20] =	ssyncadd.s32 $0xFFFFF380  }
0x3fa: {  	[tilespmem:s25], [sflag:$0x1] =	stream.indirect.gather [hbm4b:s1+s22], $0x80, s4, s22, $0xb8;
	[tilespmem:$0x1D080] =	vst v63  }
0x3fb: {  	s29 =	rddreg [dreg:$0x6]  }
0x3fc: {  	[tilespmem:s26], [sflag:$0x2] =	stream.indirect.gather [hbm4b:s1+s22], $0x80, s29, s22, $0xb8;
	[tilespmem:$0x1D080] =	vst v63  }
0x3fd: {  	_ =	swait.ge [sflag:s24], $0x2800  }
0x3fe: {  	[sflag:s24] =	ssyncset.done $0x0  }
0x3ff: {  	[sflag:s24] =	ssyncadd.s32 $0xFFFFD800  }
0x400: {  	[spmem:s2] =	stream.indirect.scatter.add.f32 [tilespmem:s25], [sflag:$0x3], $0x80, s21, s22, $0xb8;
	[tilespmem:$0x1D080] =	vst v63  }
0x401: {  	_ =	swait.ge [sflag:s20], $0x2800  }
0x402: {  	[sflag:s20] =	ssyncset.done $0x0  }
0x403: {  	s30 =	rddreg [dreg:$0x7];
	[sflag:s20] =	ssyncadd.s32 $0xFFFFD800  }
0x404: {  	[tilespmem:s25], [sflag:$0x1] =	stream.indirect.gather [hbm4b:s1+s22], $0x80, s30, s22, $0xb8;
	[tilespmem:$0x1D080] =	vst v63  }
0x405: {  	_ =	swait.ge [sflag:s28], $0x2800  }
0x406: {  	[sflag:s28] =	ssyncset.done $0x0  }
0x407: {  	[sflag:s28] =	ssyncadd.s32 $0xFFFFD800  }
0x408: {  	[spmem:s2] =	stream.indirect.scatter.add.f32 [tilespmem:s26], [sflag:$0x3], $0x80, s3, s22, $0xb8;
	[tilespmem:$0x1D080] =	vst v63  }
0x409: {  	_ =	swait.ge [sflag:s20], $0x2800  }
0x40a: {  	[sflag:s20] =	ssyncset.done $0x0  }
0x40b: {  	s3 =	rddreg [dreg:$0x8];
	[sflag:s20] =	ssyncadd.s32 $0xFFFFD800  }
0x40c: {  	[tilespmem:s26], [sflag:$0x2] =	stream.indirect.gather [hbm4b:s1+s22], $0x80, s3, s22, $0xb8;
	[tilespmem:$0x1D080] =	vst v63  }
0x40d: {  	_ =	swait.ge [sflag:s24], $0x2800  }
0x40e: {  	[sflag:s24] =	ssyncset.done $0x0  }
0x40f: {  	[sflag:s24] =	ssyncadd.s32 $0xFFFFD800  }
0x410: {  	[spmem:s2] =	stream.indirect.scatter.add.f32 [tilespmem:s25], [sflag:$0x3], $0x80, s17, s22, $0xb8;
	[tilespmem:$0x1D080] =	vst v63  }
0x411: {  	_ =	swait.ge [sflag:s20], $0x2800  }
0x412: {  	[sflag:s20] =	ssyncset.done $0x0  }
0x413: {  	s4 =	rddreg [dreg:$0x9];
	[sflag:s20] =	ssyncadd.s32 $0xFFFFD800  }
0x414: {  	[tilespmem:s25], [sflag:$0x1] =	stream.indirect.gather [hbm4b:s1+s22], $0x80, s4, s22, $0xb8;
	[tilespmem:$0x1D080] =	vst v63  }
0x415: {  	_ =	swait.ge [sflag:s28], $0x2800  }
0x416: {  	[sflag:s28] =	ssyncset.done $0x0  }
0x417: {  	[sflag:s28] =	ssyncadd.s32 $0xFFFFD800  }
0x418: {  	[spmem:s2] =	stream.indirect.scatter.add.f32 [tilespmem:s26], [sflag:$0x3], $0x80, s6, s22, $0xb8;
	[tilespmem:$0x1D080] =	vst v63  }
0x419: {  	_ =	swait.ge [sflag:s20], $0x2800  }
0x41a: {  	[sflag:s20] =	ssyncset.done $0x0  }
0x41b: {  	s6 =	rddreg [dreg:$0xa];
	[sflag:s20] =	ssyncadd.s32 $0xFFFFD800  }
0x41c: {  	[tilespmem:s26], [sflag:$0x2] =	stream.indirect.gather [hbm4b:s1+s22], $0x80, s6, s22, $0xb8;
	[tilespmem:$0x1D080] =	vst v63  }
0x41d: {  	_ =	swait.ge [sflag:s24], $0x2800  }
0x41e: {  	[sflag:s24] =	ssyncset.done $0x0  }
0x41f: {  	[sflag:s24] =	ssyncadd.s32 $0xFFFFD800  }
0x420: {  	[spmem:s2] =	stream.indirect.scatter.add.f32 [tilespmem:s25], [sflag:$0x3], $0x80, s7, s22, $0xb8;
	[tilespmem:$0x1D080] =	vst v63  }
0x421: {  	_ =	swait.ge [sflag:s20], $0x2800  }
0x422: {  	[sflag:s20] =	ssyncset.done $0x0  }
0x423: {  	s7 =	rddreg [dreg:$0xb];
	[sflag:s20] =	ssyncadd.s32 $0xFFFFD800  }
0x424: {  	[tilespmem:s25], [sflag:$0x1] =	stream.indirect.gather [hbm4b:s1+s22], $0x80, s7, s22, $0xb8;
	[tilespmem:$0x1D080] =	vst v63  }
0x425: {  	_ =	swait.ge [sflag:s28], $0x2800  }
0x426: {  	[sflag:s28] =	ssyncset.done $0x0  }
0x427: {  	[sflag:s28] =	ssyncadd.s32 $0xFFFFD800  }
0x428: {  	[spmem:s2] =	stream.indirect.scatter.add.f32 [tilespmem:s26], [sflag:$0x3], $0x80, s8, s22, $0xb8;
	[tilespmem:$0x1D080] =	vst v63  }
0x429: {  	_ =	swait.ge [sflag:s20], $0x2800  }
0x42a: {  	[sflag:s20] =	ssyncset.done $0x0  }
0x42b: {  	s8 =	rddreg [dreg:$0xc];
	[sflag:s20] =	ssyncadd.s32 $0xFFFFD800  }
0x42c: {  	[tilespmem:s26], [sflag:$0x2] =	stream.indirect.gather [hbm4b:s1+s22], $0x80, s8, s22, $0xb8;
	[tilespmem:$0x1D080] =	vst v63  }
0x42d: {  	_ =	swait.ge [sflag:s24], $0x2800  }
0x42e: {  	[sflag:s24] =	ssyncset.done $0x0  }
0x42f: {  	[sflag:s24] =	ssyncadd.s32 $0xFFFFD800  }
0x430: {  	[spmem:s2] =	stream.indirect.scatter.add.f32 [tilespmem:s25], [sflag:$0x3], $0x80, s9, s22, $0xb8;
	[tilespmem:$0x1D080] =	vst v63  }
0x431: {  	_ =	swait.ge [sflag:s20], $0x2800  }
0x432: {  	[sflag:s20] =	ssyncset.done $0x0  }
0x433: {  	s9 =	rddreg [dreg:$0xd];
	[sflag:s20] =	ssyncadd.s32 $0xFFFFD800  }
0x434: {  	[tilespmem:s25], [sflag:$0x1] =	stream.indirect.gather [hbm4b:s1+s22], $0x80, s9, s22, $0xb8;
	[tilespmem:$0x1D080] =	vst v63  }
0x435: {  	_ =	swait.ge [sflag:s28], $0x2800  }
0x436: {  	[sflag:s28] =	ssyncset.done $0x0  }
0x437: {  	[sflag:s28] =	ssyncadd.s32 $0xFFFFD800  }
0x438: {  	[spmem:s2] =	stream.indirect.scatter.add.f32 [tilespmem:s26], [sflag:$0x3], $0x80, s10, s22, $0xb8;
	[tilespmem:$0x1D080] =	vst v63  }
0x439: {  	_ =	swait.ge [sflag:s20], $0x2800  }
0x43a: {  	[sflag:s20] =	ssyncset.done $0x0  }
0x43b: {  	s10 =	rddreg [dreg:$0xe];
	[sflag:s20] =	ssyncadd.s32 $0xFFFFD800  }
0x43c: {  	[tilespmem:s26], [sflag:$0x2] =	stream.indirect.gather [hbm4b:s1+s22], $0x80, s10, s22, $0xb8;
	[tilespmem:$0x1D080] =	vst v63  }
0x43d: {  	_ =	swait.ge [sflag:s24], $0x2800  }
0x43e: {  	[sflag:s24] =	ssyncset.done $0x0  }
0x43f: {  	[sflag:s24] =	ssyncadd.s32 $0xFFFFD800  }
0x440: {  	[spmem:s2] =	stream.indirect.scatter.add.f32 [tilespmem:s25], [sflag:$0x3], $0x80, s11, s22, $0xb8;
	[tilespmem:$0x1D080] =	vst v63  }
0x441: {  	_ =	swait.ge [sflag:s20], $0x2800  }
0x442: {  	[sflag:s20] =	ssyncset.done $0x0  }
0x443: {  	s11 =	rddreg [dreg:$0xf];
	[sflag:s20] =	ssyncadd.s32 $0xFFFFD800  }
0x444: {  	[tilespmem:s25], [sflag:$0x1] =	stream.indirect.gather [hbm4b:s1+s22], $0x80, s11, s22, $0xb8;
	[tilespmem:$0x1D080] =	vst v63  }
0x445: {  	_ =	swait.ge [sflag:s28], $0x2800  }
0x446: {  	[sflag:s28] =	ssyncset.done $0x0  }
0x447: {  	[sflag:s28] =	ssyncadd.s32 $0xFFFFD800  }
0x448: {  	[spmem:s2] =	stream.indirect.scatter.add.f32 [tilespmem:s26], [sflag:$0x3], $0x80, s12, s22, $0xb8;
	[tilespmem:$0x1D080] =	vst v63  }
0x449: {  	_ =	swait.ge [sflag:s20], $0x2800  }
0x44a: {  	[sflag:s20] =	ssyncset.done $0x0  }
0x44b: {  	s12 =	rddreg [dreg:$0x10];
	[sflag:s20] =	ssyncadd.s32 $0xFFFFD800  }
0x44c: {  	[tilespmem:s26], [sflag:$0x2] =	stream.indirect.gather [hbm4b:s1+s22], $0x80, s12, s22, $0xb8;
	[tilespmem:$0x1D080] =	vst v63  }
0x44d: {  	_ =	swait.ge [sflag:s24], $0x2800  }
0x44e: {  	[sflag:s24] =	ssyncset.done $0x0  }
0x44f: {  	[sflag:s24] =	ssyncadd.s32 $0xFFFFD800  }
0x450: {  	[spmem:s2] =	stream.indirect.scatter.add.f32 [tilespmem:s25], [sflag:$0x3], $0x80, s14, s22, $0xb8;
	[tilespmem:$0x1D080] =	vst v63  }
0x451: {  	_ =	swait.ge [sflag:s20], $0x2800  }
0x452: {  	[sflag:s20] =	ssyncset.done $0x0  }
0x453: {  	s14 =	rddreg [dreg:$0x11];
	[sflag:s20] =	ssyncadd.s32 $0xFFFFD800  }
0x454: {  	[tilespmem:s25], [sflag:$0x1] =	stream.indirect.gather [hbm4b:s1+s22], $0x80, s14, s22, $0xb8;
	[tilespmem:$0x1D080] =	vst v63  }
0x455: {  	_ =	swait.ge [sflag:s28], $0x2800  }
0x456: {  	[sflag:s28] =	ssyncset.done $0x0  }
0x457: {  	[sflag:s28] =	ssyncadd.s32 $0xFFFFD800  }
0x458: {  	[spmem:s2] =	stream.indirect.scatter.add.f32 [tilespmem:s26], [sflag:$0x3], $0x80, s15, s22, $0xb8;
	[tilespmem:$0x1D080] =	vst v63  }
0x459: {  	_ =	swait.ge [sflag:s20], $0x2800  }
0x45a: {  	[sflag:s20] =	ssyncset.done $0x0  }
0x45b: {  	s15 =	rddreg [dreg:$0x12];
	[sflag:s20] =	ssyncadd.s32 $0xFFFFD800  }
0x45c: {  	[tilespmem:s26], [sflag:$0x2] =	stream.indirect.gather [hbm4b:s1+s22], $0x80, s15, s22, $0xb8;
	[tilespmem:$0x1D080] =	vst v63  }
0x45d: {  	_ =	swait.ge [sflag:s24], $0x2800  }
0x45e: {  	[sflag:s24] =	ssyncset.done $0x0  }
0x45f: {  	[sflag:s24] =	ssyncadd.s32 $0xFFFFD800  }
0x460: {  	[spmem:s2] =	stream.indirect.scatter.add.f32 [tilespmem:s25], [sflag:$0x3], $0x80, s16, s22, $0xb8;
	[tilespmem:$0x1D080] =	vst v63  }
0x461: {  	_ =	swait.ge [sflag:s20], $0x2800  }
0x462: {  	[sflag:s20] =	ssyncset.done $0x0  }
0x463: {  	s16 =	rddreg [dreg:$0x13];
	[sflag:s20] =	ssyncadd.s32 $0xFFFFD800  }
0x464: {  	[tilespmem:s25], [sflag:$0x1] =	stream.indirect.gather [hbm4b:s1+s22], $0x80, s16, s22, $0xb8;
	[tilespmem:$0x1D080] =	vst v63  }
0x465: {  	_ =	swait.ge [sflag:s28], $0x2800  }
0x466: {  	[sflag:s28] =	ssyncset.done $0x0  }
0x467: {  	[sflag:s28] =	ssyncadd.s32 $0xFFFFD800  }
0x468: {  	[spmem:s2] =	stream.indirect.scatter.add.f32 [tilespmem:s26], [sflag:$0x3], $0x80, s13, s22, $0xb8;
	[tilespmem:$0x1D080] =	vst v63  }
0x469: {  	_ =	swait.ge [sflag:s20], $0x2800  }
0x46a: {  	[sflag:s20] =	ssyncset.done $0x0  }
0x46b: {  	s17 =	rddreg [dreg:$0x14];
	[sflag:s20] =	ssyncadd.s32 $0xFFFFD800  }
0x46c: {  	[tilespmem:s26], [sflag:$0x2] =	stream.indirect.gather [hbm4b:s1+s22], $0x80, s17, s22, $0xb8;
	[tilespmem:$0x1D080] =	vst v63  }
0x46d: {  	_ =	swait.ge [sflag:s24], $0x2800  }
0x46e: {  	[sflag:s24] =	ssyncset.done $0x0  }
0x46f: {  	[sflag:s24] =	ssyncadd.s32 $0xFFFFD800  }
0x470: {  	[spmem:s2] =	stream.indirect.scatter.add.f32 [tilespmem:s25], [sflag:$0x3], $0x80, s5, s22, $0xb8;
	[tilespmem:$0x1D080] =	vst v63  }
0x471: {  	_ =	swait.ge [sflag:s20], $0x2800  }
0x472: {  	[sflag:s20] =	ssyncset.done $0x0  }
0x473: {  	s21 =	rddreg [dreg:$0x15];
	[sflag:s20] =	ssyncadd.s32 $0xFFFFD800  }
0x474: {  	[tilespmem:s25], [sflag:$0x1] =	stream.indirect.gather [hbm4b:s1+s22], $0x80, s21, s22, $0xb8;
	[tilespmem:$0x1D080] =	vst v63  }
0x475: {  	_ =	swait.ge [sflag:s28], $0x2800  }
0x476: {  	[sflag:s28] =	ssyncset.done $0x0  }
0x477: {  	[sflag:s28] =	ssyncadd.s32 $0xFFFFD800  }
0x478: {  	[spmem:s2] =	stream.indirect.scatter.add.f32 [tilespmem:s26], [sflag:$0x3], $0x80, s23, s22, $0xb8;
	[tilespmem:$0x1D080] =	vst v63  }
0x479: {  	_ =	swait.ge [sflag:s20], $0x2800  }
0x47a: {  	[sflag:s20] =	ssyncset.done $0x0  }
0x47b: {  	s29 =	rddreg [dreg:$0x16];
	[sflag:s20] =	ssyncadd.s32 $0xFFFFD800  }
0x47c: {  	[tilespmem:s26], [sflag:$0x2] =	stream.indirect.gather [hbm4b:s1+s22], $0x80, s29, s22, $0xb8;
	[tilespmem:$0x1D080] =	vst v63  }
0x47d: {  	_ =	swait.ge [sflag:s24], $0x2800  }
0x47e: {  	[sflag:s24] =	ssyncset.done $0x0  }
0x47f: {  	s30 =	simm.s32 $0x1800;
	[sflag:s24] =	ssyncadd.s32 $0xFFFFD800  }
0x480: {  	[spmem:s2] =	stream.indirect.scatter.add.f32 [tilespmem:s25], [sflag:$0x3], $0x80, s30, s22, $0xb8;
	[tilespmem:$0x1D080] =	vst v63  }
0x481: {  	_ =	swait.ge [sflag:s20], $0x2800  }
0x482: {  	[sflag:s20] =	ssyncset.done $0x0  }
0x483: {  	s3 =	rddreg [dreg:$0x17];
	[sflag:s20] =	ssyncadd.s32 $0xFFFFD800  }
0x484: {  	[tilespmem:s25], [sflag:$0x1] =	stream.indirect.gather [hbm4b:s1+s22], $0x80, s3, s22, $0xb8;
	[tilespmem:$0x1D080] =	vst v63  }
0x485: {  	_ =	swait.ge [sflag:s28], $0x2800  }
0x486: {  	[sflag:s28] =	ssyncset.done $0x0  }
0x487: {  	s4 =	simm.s32 $0x1880;
	[sflag:s28] =	ssyncadd.s32 $0xFFFFD800  }
0x488: {  	[spmem:s2] =	stream.indirect.scatter.add.f32 [tilespmem:s26], [sflag:$0x3], $0x80, s4, s22, $0xb8;
	[tilespmem:$0x1D080] =	vst v63  }
0x489: {  	_ =	swait.ge [sflag:s20], $0x2800  }
0x48a: {  	[sflag:s20] =	ssyncset.done $0x0  }
0x48b: {  	s5 =	rddreg [dreg:$0x18];
	[sflag:s20] =	ssyncadd.s32 $0xFFFFD800  }
0x48c: {  	[tilespmem:s26], [sflag:$0x2] =	stream.indirect.gather [hbm4b:s1+s22], $0x80, s5, s22, $0xb8;
	[tilespmem:$0x1D080] =	vst v63  }
0x48d: {  	_ =	swait.ge [sflag:s24], $0x2800  }
0x48e: {  	[sflag:s24] =	ssyncset.done $0x0  }
0x48f: {  	s6 =	simm.s32 $0x1900;
	[sflag:s24] =	ssyncadd.s32 $0xFFFFD800  }
0x490: {  	[spmem:s2] =	stream.indirect.scatter.add.f32 [tilespmem:s25], [sflag:$0x3], $0x80, s6, s22, $0xb8;
	[tilespmem:$0x1D080] =	vst v63  }
0x491: {  	_ =	swait.ge [sflag:s20], $0x2800  }
0x492: {  	[sflag:s20] =	ssyncset.done $0x0  }
0x493: {  	s7 =	rddreg [dreg:$0x19];
	[sflag:s20] =	ssyncadd.s32 $0xFFFFD800  }
0x494: {  	[tilespmem:s25], [sflag:$0x1] =	stream.indirect.gather [hbm4b:s1+s22], $0x80, s7, s22, $0xb8;
	[tilespmem:$0x1D080] =	vst v63  }
0x495: {  	_ =	swait.ge [sflag:s28], $0x2800  }
0x496: {  	[sflag:s28] =	ssyncset.done $0x0  }
0x497: {  	s8 =	simm.s32 $0x1980;
	[sflag:s28] =	ssyncadd.s32 $0xFFFFD800  }
0x498: {  	[spmem:s2] =	stream.indirect.scatter.add.f32 [tilespmem:s26], [sflag:$0x3], $0x80, s8, s22, $0xb8;
	[tilespmem:$0x1D080] =	vst v63  }
0x499: {  	_ =	swait.ge [sflag:s20], $0x2800  }
0x49a: {  	[sflag:s20] =	ssyncset.done $0x0  }
0x49b: {  	s9 =	rddreg [dreg:$0x1a];
	[sflag:s20] =	ssyncadd.s32 $0xFFFFD800  }
0x49c: {  	[tilespmem:s26], [sflag:$0x2] =	stream.indirect.gather [hbm4b:s1+s22], $0x80, s9, s22, $0xb8;
	[tilespmem:$0x1D080] =	vst v63  }
0x49d: {  	_ =	swait.ge [sflag:s24], $0x2800  }
0x49e: {  	[sflag:s24] =	ssyncset.done $0x0  }
0x49f: {  	s10 =	simm.s32 $0x1A00;
	[sflag:s24] =	ssyncadd.s32 $0xFFFFD800  }
0x4a0: {  	[spmem:s2] =	stream.indirect.scatter.add.f32 [tilespmem:s25], [sflag:$0x3], $0x80, s10, s22, $0xb8;
	[tilespmem:$0x1D080] =	vst v63  }
0x4a1: {  	_ =	swait.ge [sflag:s20], $0x2800  }
0x4a2: {  	[sflag:s20] =	ssyncset.done $0x0  }
0x4a3: {  	s11 =	rddreg [dreg:$0x1b];
	[sflag:s20] =	ssyncadd.s32 $0xFFFFD800  }
0x4a4: {  	[tilespmem:s25], [sflag:$0x1] =	stream.indirect.gather [hbm4b:s1+s22], $0x80, s11, s22, $0xb8;
	[tilespmem:$0x1D080] =	vst v63  }
0x4a5: {  	_ =	swait.ge [sflag:s28], $0x2800  }
0x4a6: {  	[sflag:s28] =	ssyncset.done $0x0  }
0x4a7: {  	s12 =	simm.s32 $0x1A80;
	[sflag:s28] =	ssyncadd.s32 $0xFFFFD800  }
0x4a8: {  	[spmem:s2] =	stream.indirect.scatter.add.f32 [tilespmem:s26], [sflag:$0x3], $0x80, s12, s22, $0xb8;
	[tilespmem:$0x1D080] =	vst v63  }
0x4a9: {  	_ =	swait.ge [sflag:s20], $0x2800  }
0x4aa: {  	[sflag:s20] =	ssyncset.done $0x0  }
0x4ab: {  	s13 =	rddreg [dreg:$0x1c];
	[sflag:s20] =	ssyncadd.s32 $0xFFFFD800  }
0x4ac: {  	[tilespmem:s26], [sflag:$0x2] =	stream.indirect.gather [hbm4b:s1+s22], $0x80, s13, s22, $0xb8;
	[tilespmem:$0x1D080] =	vst v63  }
0x4ad: {  	_ =	swait.ge [sflag:s24], $0x2800  }
0x4ae: {  	[sflag:s24] =	ssyncset.done $0x0  }
0x4af: {  	s14 =	simm.s32 $0x1B00;
	[sflag:s24] =	ssyncadd.s32 $0xFFFFD800  }
0x4b0: {  	[spmem:s2] =	stream.indirect.scatter.add.f32 [tilespmem:s25], [sflag:$0x3], $0x80, s14, s22, $0xb8;
	[tilespmem:$0x1D080] =	vst v63  }
0x4b1: {  	_ =	swait.ge [sflag:s20], $0x2800  }
0x4b2: {  	[sflag:s20] =	ssyncset.done $0x0  }
0x4b3: {  	s15 =	rddreg [dreg:$0x1d];
	[sflag:s20] =	ssyncadd.s32 $0xFFFFD800  }
0x4b4: {  	[tilespmem:s25], [sflag:$0x1] =	stream.indirect.gather [hbm4b:s1+s22], $0x80, s15, s22, $0xb8;
	[tilespmem:$0x1D080] =	vst v63  }
0x4b5: {  	_ =	swait.ge [sflag:s28], $0x2800  }
0x4b6: {  	[sflag:s28] =	ssyncset.done $0x0  }
0x4b7: {  	s16 =	simm.s32 $0x1B80;
	[sflag:s28] =	ssyncadd.s32 $0xFFFFD800  }
0x4b8: {  	[spmem:s2] =	stream.indirect.scatter.add.f32 [tilespmem:s26], [sflag:$0x3], $0x80, s16, s22, $0xb8;
	[tilespmem:$0x1D080] =	vst v63  }
0x4b9: {  	_ =	swait.ge [sflag:s20], $0x2800  }
0x4ba: {  	[sflag:s20] =	ssyncset.done $0x0  }
0x4bb: {  	[sflag:s20] =	ssyncadd.s32 $0xFFFFD800  }
0x4bc: {  	_ =	swait.ge [sflag:s24], $0x2800  }
0x4bd: {  	[sflag:s24] =	ssyncset.done $0x0  }
0x4be: {  	s17 =	simm.s32 $0x1C00;
	[sflag:s24] =	ssyncadd.s32 $0xFFFFD800  }
0x4bf: {  	[spmem:s2] =	stream.indirect.scatter.add.f32 [tilespmem:s25], [sflag:$0x3], $0x80, s17, s22, $0xb8;
	[tilespmem:$0x1D080] =	vst v63  }
0x4c0: {  	_ =	swait.ge [sflag:s20], $0x2800  }
0x4c1: {  	[sflag:s20] =	ssyncset.done $0x0  }
0x4c2: {  	[sflag:s20] =	ssyncadd.s32 $0xFFFFD800  }
0x4c3: {  	[bflag:$0x0] =	sbarrier.arrive $0xFFFF  }
0x4c4: {  	s21 =	sld [smem:$0x7FB]  }
0x4c5: {  	s29 =	sld [smem:$0x7FC]  }
0x4c6: {  	s3 =	sld [smem:$0x7F0]  }
0x4c7: {  	s23 =	sld [smem:$0x7EF];
	_ =	sdelay $0x1  }
0x4c8: {  	s0 =	sadd.s32 s21, s29  }
0x4c9: {  	[hbm:s0], [sflag:s3] =	dma.local [spmem:s23], $0x2700  }
0x4ca: {  	_ =	swait.ge [sflag:s20], $0x2700  }
0x4cb: {  	s4 =	sld [smem:$0x7F1]  }
0x4cc: {  	[sflag:s20] =	ssyncset.done $0x0  }
0x4cd: {  	s0 =	sadd.s32 @!p0 $0x27000, s29;
	[sflag:s20] =	ssyncadd.s32 $0xFFFFD900  }
0x4ce: {  	[hbm:s0], [sflag:s3] =	dma.local @!p0 [spmem:s4], $0x100  }
0x4cf: {  	s0 =	simm.s32 @!p0 $0x3  }
0x4d0: {  	_ =	swait.ge @!p0 [sflag:s0], $0x100  }
0x4d1: {  	s29 =	sld [smem:$0x7F2]  }
0x4d2: {  	s30 =	sld [smem:$0x7FD]  }
0x4d3: {  	s31 =	simm.s32 $0x1880  }
0x4d4: {  	s5 =	simm.s32 $0x1700;
	s6 =	simm.s32 $0x1180;
	s21 =	sadd.s32 $0x1, s29  }
0x4d5: {  	s7 =	simm.s32 $0x1200;
	s8 =	simm.s32 $0x1280;
	p1 =	sne.s32 s21, s30  }
.Ltmp5:
0x4d6: {  	s9 =	simm.s32 $0x1300;
	s10 =	simm.s32 $0x1380;
	(pc) =	sbr.rel @p1 .LBB2_1-.Ltmp5, $4  }
0x4d7: {  	s11 =	simm.s32 $0x1400;
	s12 =	simm.s32 $0x1480;
	s13 =	simm.s32 $0x1680  }
0x4d8: {  	s14 =	simm.s32 $0x1500;
	s15 =	simm.s32 $0x1580;
	s16 =	simm.s32 $0x1600  }
0x4d9: {  	s17 =	simm.s32 $0x1100;
	s23 =	simm.s32 $0x1780;
	[sflag:s0] =	ssyncset.done @!p0 $0x0  }
0x4da: {  	s3 =	simm.s32 $0x1080;
	s4 =	simm.s32 $0x1800;
	[sflag:s0] =	ssyncadd.s32 @!p0 $0xFFFFFF00  }
0x4db: {  	_ =	sfence.sel $0x180000  }
0x4dc: {  	[bflag:$0x0] =	sbarrier.arrive $0xFFFF  }
0x4dd: {  	_ =	strace $0x90000047  }
0x4de: {  	s0 =	stileid.u32;
	[bflag:$0x2] =	sbarrier.arrive $0xFFFF  }
0x4df: {  	p0 =	sne.s32 s0, $0x0;
	s0 =	rddreg [dreg:$0x4]  }
0x4e0: {  	s0 =	sadd.s32 @!p0 $0x100000, s0  }
0x4e1: {  	[sflag:s0] =	ssyncadd.tile.s32 @!p0 $0x1;
	_ =	shalt  }
.Lfunc_end2:
_tile_overlayer_lowered:
.L_overlay_start_2:
0x4e2: {  	(tag) =	ssettag $0x2  }
0x4e3: {  	s0 =	rddreg [dreg:$0x0];
	s2 =	stileid.u32  }
0x4e4: {  	s1 =	rddreg [dreg:$0x1];
	p0 =	sne.s32 s2, $0x0  }
0x4e5: {  	s3 =	rddreg [dreg:$0x2];
	[bflag:$0x3] =	sbarrier.arrive $0xFFFF;
	s2 =	simm.s32 @!p0 $0x1C03  }
0x4e6: {  	[timem:s3], [sflag:s2] =	dma.local @!p0 [hbm:s0], s1  }
0x4e7: {  	s0 =	simm.s32 @!p0 $0x3  }
0x4e8: {  	_ =	swait.ge @!p0 [sflag:s0], s1  }
0x4e9: {  	s1 =	ssub.s32 @!p0 $0x0, s1;
	[sflag:s0] =	ssyncset.done @!p0 $0x0  }
0x4ea: {  	[sflag:s0] =	ssyncadd.s32 @!p0 s1  }
0x4eb: {  	[bflag:$0x3] =	sbarrier.arrive $0xFFFF  }
0x4ec: {  	_ =	shalt  }

</sc_bundles>
